<compile_context>
chip_gen: v7x
topology: tpu7x:2x2x1
jax: 0.10.2.dev20260603
libtpu: 0.0.44.dev20260713+nightly
codegen_flags: <defaults>
</compile_context>

<pallas_src>
import functools

import jax
import jax.numpy as jnp
import numpy as np
from jax import lax
from jax.experimental import pallas as pl
from jax.experimental.pallas import tpu as pltpu
from jax.experimental.pallas import tpu_sc as plsc

N = 4096
K = 64
B = 64
H = 128
G = 50
T = 6
CUTOFF = 10.0
GRID = 8192
INV = (GRID - 1) / CUTOFF

NC = 2
NS = 16
NW = NC * NS
NODES_PER_W = N // NW
GROUP = 2
EG = GROUP * K
NGRP = NODES_PER_W // GROUP


def _ssp(x):
    return jax.nn.softplus(x) - jnp.log(2.0)


def _tab_kernel(w1_ref, b1_ref, w2_ref, b2_ref, out_ref):
    dg = (jax.lax.broadcasted_iota(jnp.int32, (GRID, G), 0).astype(jnp.float32)
          * (CUTOFF / (GRID - 1)))
    off = (jax.lax.broadcasted_iota(jnp.int32, (GRID, G), 1).astype(jnp.float32)
           * (CUTOFF / (G - 1)))
    coeff = -0.5 / (CUTOFF / (G - 1)) ** 2
    ea = jnp.exp(coeff * (dg - off) ** 2)
    w1 = w1_ref[...].reshape(G, H)
    w2 = w2_ref[...].reshape(H, H)
    f = _ssp(jnp.dot(ea, w1, preferred_element_type=jnp.float32)
             + b1_ref[...].reshape(1, H))
    m = (jnp.dot(f, w2, preferred_element_type=jnp.float32)
         + b2_ref[...].reshape(1, H))
    dcol = (jax.lax.broadcasted_iota(jnp.int32, (GRID, 1), 0).astype(jnp.float32)
            * (CUTOFF / (GRID - 1)))
    c = 0.5 * (jnp.cos(dcol * (np.pi / CUTOFF)) + 1.0)
    out_ref[...] = (m * c).reshape(1, GRID, H)


def _build_tables(mlp_w1, mlp_b1, mlp_w2, mlp_b2):
    return pl.pallas_call(
        _tab_kernel,
        grid=(T,),
        in_specs=[
            pl.BlockSpec((1, G, H), lambda t: (t, 0, 0)),
            pl.BlockSpec((1, 1, H), lambda t: (t, 0, 0)),
            pl.BlockSpec((1, H, H), lambda t: (t, 0, 0)),
            pl.BlockSpec((1, 1, H), lambda t: (t, 0, 0)),
        ],
        out_specs=pl.BlockSpec((1, GRID, H), lambda t: (t, 0, 0)),
        out_shape=jax.ShapeDtypeStruct((T, GRID, H), jnp.float32),
    )(mlp_w1, mlp_b1.reshape(T, 1, H), mlp_w2, mlp_b2.reshape(T, 1, H))


def _pre_kernel(z_ref, emb_ref, l1_ref, h_ref, xq_ref):
    z = z_ref[...]
    oh = (z == jax.lax.broadcasted_iota(jnp.int32, (N, 100), 1)).astype(jnp.float32)
    h = jnp.dot(oh, emb_ref[...], preferred_element_type=jnp.float32)
    h_ref[...] = h
    xq_ref[...] = jnp.dot(h, l1_ref[...].reshape(H, H),
                          preferred_element_type=jnp.float32)


def _pre(z2d, emb, lin1_w):
    return pl.pallas_call(
        _pre_kernel,
        in_specs=[
            pl.BlockSpec((N, 1), lambda: (0, 0)),
            pl.BlockSpec((100, H), lambda: (0, 0)),
            pl.BlockSpec((1, H, H), lambda: (0, 0, 0)),
        ],
        out_specs=[
            pl.BlockSpec((N, H), lambda: (0, 0)),
            pl.BlockSpec((N, H), lambda: (0, 0)),
        ],
        out_shape=[
            jax.ShapeDtypeStruct((N, H), jnp.float32),
            jax.ShapeDtypeStruct((N, H), jnp.float32),
        ],
    )(z2d, emb, lin1_w[0:1])


def _node_kernel(agg_ref, h_ref, l2_ref, b2_ref, il_ref, ib_ref, l1n_ref,
                 hn_ref, xqn_ref):
    agg = agg_ref[...]
    xo = _ssp(jnp.dot(agg, l2_ref[...].reshape(H, H),
                      preferred_element_type=jnp.float32)
              + b2_ref[...].reshape(1, H))
    xo = (jnp.dot(xo, il_ref[...].reshape(H, H),
                  preferred_element_type=jnp.float32)
          + ib_ref[...].reshape(1, H))
    hn = h_ref[...] + xo
    hn_ref[...] = hn
    xqn_ref[...] = jnp.dot(hn, l1n_ref[...].reshape(H, H),
                           preferred_element_type=jnp.float32)


def _node(agg, h, l2, b2, il, ib, l1n):
    return pl.pallas_call(
        _node_kernel,
        in_specs=[
            pl.BlockSpec((N, H), lambda: (0, 0)),
            pl.BlockSpec((N, H), lambda: (0, 0)),
            pl.BlockSpec((1, H, H), lambda: (0, 0, 0)),
            pl.BlockSpec((1, 1, H), lambda: (0, 0, 0)),
            pl.BlockSpec((1, H, H), lambda: (0, 0, 0)),
            pl.BlockSpec((1, 1, H), lambda: (0, 0, 0)),
            pl.BlockSpec((1, H, H), lambda: (0, 0, 0)),
        ],
        out_specs=[
            pl.BlockSpec((N, H), lambda: (0, 0)),
            pl.BlockSpec((N, H), lambda: (0, 0)),
        ],
        out_shape=[
            jax.ShapeDtypeStruct((N, H), jnp.float32),
            jax.ShapeDtypeStruct((N, H), jnp.float32),
        ],
    )(agg, h, l2, b2, il, ib, l1n)


def _pool_kernel(batch_ref, h_ref, pw_ref, pb_ref, out_ref):
    bm = (jax.lax.broadcasted_iota(jnp.int32, (B, N), 0)
          == batch_ref[...]).astype(jnp.float32)
    sums = jnp.dot(bm, h_ref[...], preferred_element_type=jnp.float32)
    counts = jnp.sum(bm, axis=1, keepdims=True)
    pooled = jnp.where(counts > 0, sums / jnp.maximum(counts, 1.0), 0.0)
    out_ref[...] = jnp.dot(pooled, pw_ref[...],
                           preferred_element_type=jnp.float32) + pb_ref[...]


def _pool(batch_row, h, proj_w, proj_b2d):
    return pl.pallas_call(
        _pool_kernel,
        in_specs=[
            pl.BlockSpec((1, N), lambda: (0, 0)),
            pl.BlockSpec((N, H), lambda: (0, 0)),
            pl.BlockSpec((H, H), lambda: (0, 0)),
            pl.BlockSpec((1, H), lambda: (0, 0)),
        ],
        out_specs=pl.BlockSpec((B, H), lambda: (0, 0)),
        out_shape=jax.ShapeDtypeStruct((B, H), jnp.float32),
    )(batch_row, h, proj_w, proj_b2d)


_SPLAT_DNUMS = lax.GatherDimensionNumbers(
    offset_dims=(), collapsed_slice_dims=(0,), start_index_map=(0,))



def _agg_body(xq_hbm, nbr_hbm, ew_hbm, tab_hbm, out_hbm,
              nbr_v, g_v, al_v, xrows, trows, aggv, sem_e, sem_x):
    wid = lax.axis_index("s") * NC + lax.axis_index("c")
    base_e = wid * NODES_PER_W * K

    def issue_edges(grp):
        p = grp % 2
        e0 = base_e + (grp % NGRP) * EG
        pltpu.async_copy(nbr_hbm.at[pl.ds(e0, EG)],
                         nbr_v.at[pl.ds(p * EG, EG)], sem_e)
        pltpu.async_copy(ew_hbm.at[pl.ds(e0, EG)],
                         al_v.at[pl.ds(p * EG, EG)], sem_e)

    def drain_edges(grp):
        p = grp % 2
        pltpu.make_async_copy(nbr_hbm.at[pl.ds(0, EG)],
                              nbr_v.at[pl.ds(p * EG, EG)], sem_e).wait()
        pltpu.make_async_copy(ew_hbm.at[pl.ds(0, EG)],
                              al_v.at[pl.ds(p * EG, EG)], sem_e).wait()

    def quant_and_issue(grp):
        p = grp % 2
        boff = p * EG
        for ci in range(EG // 16):
            t = al_v[pl.ds(boff + ci * 16, 16)] * INV + 0.5
            g_v[pl.ds(boff + ci * 16, 16)] = t.astype(jnp.int32)
        pltpu.async_copy(xq_hbm.at[nbr_v.at[pl.ds(boff, EG)]],
                         xrows.at[pl.ds(boff, EG), :], sem_x)
        pltpu.async_copy(tab_hbm.at[g_v.at[pl.ds(boff, EG)]],
                         trows.at[pl.ds(boff, EG), :], sem_x)

    def compute(grp):
        p = grp % 2
        boff = p * EG
        pltpu.make_async_copy(xq_hbm.at[nbr_v.at[pl.ds(0, EG)]],
                              xrows.at[pl.ds(0, EG), :], sem_x).wait()
        pltpu.make_async_copy(tab_hbm.at[g_v.at[pl.ds(0, EG)]],
                              trows.at[pl.ds(0, EG), :], sem_x).wait()
        for ni in range(GROUP):
            def edge_body(k, acc):
                e = boff + ni * K + k
                new = []
                for s8 in range(8):
                    v = trows[e, pl.ds(s8 * 16, 16)]
                    x = xrows[e, pl.ds(s8 * 16, 16)]
                    new.append(acc[s8] + v * x)
                return tuple(new)

            acc0 = tuple(jnp.zeros((16,), jnp.float32) for _ in range(8))
            acc = lax.fori_loop(0, K, edge_body, acc0, unroll=8)
            for s8 in range(8):
                aggv[ni, pl.ds(s8 * 16, 16)] = acc[s8]
        node0 = wid * NODES_PER_W + grp * GROUP
        pltpu.sync_copy(aggv, out_hbm.at[pl.ds(node0, GROUP), :])

    issue_edges(0)
    drain_edges(0)
    quant_and_issue(0)
    issue_edges(1)

    def grp_body(g, _):
        drain_edges(g + 1)
        quant_and_issue(g + 1)
        compute(g)
        issue_edges(g + 2)
        return 0

    lax.fori_loop(0, NGRP - 1, grp_body, 0)
    compute(NGRP - 1)
    drain_edges(NGRP)


@functools.partial(jax.jit, static_argnums=())
def _agg(xq, nbr_flat, ew_flat, tab):
    mesh = plsc.VectorSubcoreMesh(core_axis_name="c", subcore_axis_name="s")
    body = functools.partial(
        pl.kernel,
        out_type=jax.ShapeDtypeStruct((N, H), jnp.float32),
        mesh=mesh,
        scratch_types=[
            pltpu.VMEM((2 * EG,), jnp.int32),
            pltpu.VMEM((2 * EG,), jnp.int32),
            pltpu.VMEM((2 * EG,), jnp.float32),
            pltpu.VMEM((2 * EG, H), jnp.float32),
            pltpu.VMEM((2 * EG, H), jnp.float32),
            pltpu.VMEM((GROUP, H), jnp.float32),
            pltpu.SemaphoreType.DMA,
            pltpu.SemaphoreType.DMA,
        ],
    )(_agg_body)
    return body(xq, nbr_flat, ew_flat, tab)


def kernel(z, pos, batch, emb, mlp_w1, mlp_b1, mlp_w2, mlp_b2,
           lin1_w, lin2_w, lin2_b, ilin_w, ilin_b, proj_w, proj_b):
    d2 = jnp.sum((pos[:, None, :] - pos[None, :, :]) ** 2, axis=-1)
    dist = jnp.sqrt(jnp.maximum(d2, 1e-12))
    same = batch[:, None] == batch[None, :]
    valid = same & (~jnp.eye(N, dtype=bool)) & (dist < CUTOFF)
    scores = jnp.where(valid, -dist, -1e9)
    vals, nbr = jax.lax.top_k(scores, K)
    mask = vals > -1e8
    ew_flat = jnp.where(mask, -vals, CUTOFF).reshape(-1)
    nbr_flat = nbr.reshape(-1).astype(jnp.int32)

    tab = _build_tables(mlp_w1, mlp_b1, mlp_w2, mlp_b2)
    h, xq = _pre(z.reshape(N, 1).astype(jnp.int32), emb, lin1_w)
    for t in range(T):
        agg = _agg(xq, nbr_flat, ew_flat, tab[t])
        l1n = lin1_w[t + 1:t + 2] if t + 1 < T else lin1_w[0:1]
        h, xq = _node(agg, h, lin2_w[t:t + 1], lin2_b[t:t + 1].reshape(1, 1, H),
                      ilin_w[t:t + 1], ilin_b[t:t + 1].reshape(1, 1, H), l1n)
    return _pool(batch.reshape(1, N).astype(jnp.int32), h, proj_w,
                 proj_b.reshape(1, H))

# --- scband reference (transcript-rebuilt; emitter-appended) ---
"""Pipeline reference for scband-node-sch-net-wrapper-12180527252068 (READ-ONLY COPY).

The authoritative reference and input builder live on the scoring server;
editing this copy changes nothing except your own understanding.
"""

import jax, jax.numpy as jnp
import numpy as np

N = 4096; K = 64; B = 64; H = 128; G = 50; T = 6
CUTOFF = 10.0


def ssp(x):
    return jax.nn.softplus(x) - jnp.log(2.0)


def setup_inputs(seed: int = 0):
    key = jax.random.key(seed)
    ks = jax.random.split(key, 16)
    z = jax.random.randint(ks[0], (N,), 0, 100)
    pos = jax.random.normal(ks[1], (N, 3), dtype=jnp.float32)
    batch = jnp.sort(jax.random.randint(ks[2], (N,), 0, B))

    def w(k, shape, fan_in):
        return (jax.random.normal(k, shape, dtype=jnp.float32) / np.sqrt(fan_in)).astype(jnp.float32)

    emb = w(ks[3], (100, H), 1.0)
    mlp_w1 = w(ks[4], (T, G, H), G)
    mlp_b1 = jnp.zeros((T, H), jnp.float32)
    mlp_w2 = w(ks[5], (T, H, H), H)
    mlp_b2 = jnp.zeros((T, H), jnp.float32)
    lin1_w = w(ks[6], (T, H, H), H)
    lin2_w = w(ks[7], (T, H, H), H)
    lin2_b = jnp.zeros((T, H), jnp.float32)
    ilin_w = w(ks[8], (T, H, H), H)
    ilin_b = jnp.zeros((T, H), jnp.float32)
    proj_w = w(ks[9], (H, H), H)
    proj_b = jnp.zeros((H,), jnp.float32)
    return {"z": z, "pos": pos, "batch": batch, "emb": emb,
            "mlp_w1": mlp_w1, "mlp_b1": mlp_b1, "mlp_w2": mlp_w2, "mlp_b2": mlp_b2,
            "lin1_w": lin1_w, "lin2_w": lin2_w, "lin2_b": lin2_b,
            "ilin_w": ilin_w, "ilin_b": ilin_b, "proj_w": proj_w, "proj_b": proj_b}


def reference(z, pos, batch, emb, mlp_w1, mlp_b1, mlp_w2, mlp_b2,
              lin1_w, lin2_w, lin2_b, ilin_w, ilin_b, proj_w, proj_b):
    # radius_graph: batched, no self loops, capped at K nearest neighbors within cutoff
    d2 = jnp.sum((pos[:, None, :] - pos[None, :, :]) ** 2, axis=-1)
    dist = jnp.sqrt(jnp.maximum(d2, 1e-12))
    same = batch[:, None] == batch[None, :]
    valid = same & (~jnp.eye(N, dtype=bool)) & (dist < CUTOFF)
    scores = jnp.where(valid, -dist, -1e9)
    vals, nbr = jax.lax.top_k(scores, K)
    mask = vals > -1e8
    src = nbr.reshape(-1)                      # source/neighbor nodes j
    dst = jnp.repeat(jnp.arange(N), K)         # center nodes i (aggregation targets)
    ew = jnp.where(mask, -vals, CUTOFF).reshape(-1)  # edge weights (distances)
    emask = mask.reshape(-1).astype(jnp.float32)
    # GaussianSmearing
    offset = jnp.linspace(0.0, CUTOFF, G)
    coeff = -0.5 / (offset[1] - offset[0]) ** 2
    ea = jnp.exp(coeff * (ew[:, None] - offset[None, :]) ** 2)
    # cosine cutoff used inside CFConv
    C = 0.5 * (jnp.cos(ew * jnp.pi / CUTOFF) + 1.0) * emask
    h = emb[z]
    for t in range(T):
        # filter network: Linear -> ShiftedSoftplus -> Linear, times cosine cutoff
        Wf = (ssp(ea @ mlp_w1[t] + mlp_b1[t]) @ mlp_w2[t] + mlp_b2[t]) * C[:, None]
        xq = h @ lin1_w[t]                    # CFConv lin1 (no bias)
        msg = xq[src] * Wf                    # message = x_j * W
        agg = jax.ops.segment_sum(msg, dst, num_segments=N)
        xo = ssp(agg @ lin2_w[t] + lin2_b[t]) # CFConv lin2 then interaction act
        xo = xo @ ilin_w[t] + ilin_b[t]       # interaction final lin
        h = h + xo                            # residual
    # wrapper: per-graph mean pooling of node embeddings, then pool_proj
    counts = jax.ops.segment_sum(jnp.ones((N,), jnp.float32), batch, num_segments=B)
    sums = jax.ops.segment_sum(h, batch, num_segments=B)
    pooled = jnp.where(counts[:, None] > 0, sums / jnp.maximum(counts, 1.0)[:, None], 0.0)
    return pooled @ proj_w + proj_b

if __name__ == "__main__":
    import jax
    _d = setup_inputs()
    print(jax.jit(kernel)(*tuple(_d.values())))

</pallas_src>

<mosaic_0001>
#map = affine_map<(d0, d1) -> (0, 0)>
#map1 = affine_map<(d0, d1) -> (0)>
module attributes {stable_mosaic.version = 14 : i64} {
  func.func @_agg_body(%arg0: i32, %arg1: i32, %arg2: memref<4096x128xf32, #tpu.memory_space<hbm>>, %arg3: memref<262144xi32, #tpu.memory_space<hbm>>, %arg4: memref<262144xf32, #tpu.memory_space<hbm>>, %arg5: memref<8192x128xf32, #tpu.memory_space<hbm>>, %arg6: memref<4096x128xf32, #tpu.memory_space<hbm>>, %arg7: memref<256xi32, #tpu.memory_space<vmem>>, %arg8: memref<256xi32, #tpu.memory_space<vmem>>, %arg9: memref<256xf32, #tpu.memory_space<vmem>>, %arg10: memref<256x128xf32, #tpu.memory_space<vmem>>, %arg11: memref<256x128xf32, #tpu.memory_space<vmem>>, %arg12: memref<2x128xf32, #tpu.memory_space<vmem>>, %arg13: memref<!tpu.dma_semaphore, #tpu.memory_space<semaphore_mem>>, %arg14: memref<!tpu.dma_semaphore, #tpu.memory_space<semaphore_mem>>) attributes {dimension_semantics = [#tpu.dimension_semantics<core_parallel>, #tpu.dimension_semantics<subcore_parallel>], iteration_bounds = array<i64: 2, 16>, scalar_prefetch = 0 : i64, scratch_operands = 8 : i64, tpu.core_type = #tpu.core_type<sc_vector_subcore>, window_params = [{transform_indices = #map}, {transform_indices = #map1}, {transform_indices = #map1}, {transform_indices = #map}, {transform_indices = #map}]} {
    %mul3A = arith.constant 2 : i32
    %mul3A_0 = arith.muli %arg1, %mul3A : i32
    %add3A = arith.addi %mul3A_0, %arg0 : i32
    %mul3A_1 = arith.constant 128 : i32
    %mul3A_2 = arith.muli %add3A, %mul3A_1 : i32
    %mul3A_3 = arith.constant 64 : i32
    %mul3A_4 = arith.muli %mul3A_2, %mul3A_3 : i32
    %add3A_5 = arith.constant 0 : i32
    %add3A_6 = arith.addi %mul3A_4, %add3A_5 : i32
    %dma_start3A = arith.constant 0 : i32
    %dma_start3A_7 = tpu.memref_slice %arg7[%dma_start3A] : memref<256xi32, #tpu.memory_space<vmem>> -> memref<128xi32, #tpu.memory_space<vmem>>
    %dma_start3A_8 = tpu.memref_slice %arg3[%add3A_6] : memref<262144xi32, #tpu.memory_space<hbm>> -> memref<128xi32, #tpu.memory_space<hbm>>
    %dma_start3A_9 = arith.constant 0 : i32
    %dma_start3A_10 = tpu.memref_slice %arg7[%dma_start3A_9] : memref<256xi32, #tpu.memory_space<vmem>> -> memref<128xi32, #tpu.memory_space<vmem>>
    %dma_start3A_11 = tpu.memref_slice %arg3[%add3A_6] : memref<262144xi32, #tpu.memory_space<hbm>> -> memref<128xi32, #tpu.memory_space<hbm>>
    tpu.enqueue_dma source(%dma_start3A_11 : memref<128xi32, #tpu.memory_space<hbm>>) target(%dma_start3A_10 : memref<128xi32, #tpu.memory_space<vmem>>) target_semaphore(%arg13 : memref<!tpu.dma_semaphore, #tpu.memory_space<semaphore_mem>>)
    %dma_start3A_12 = arith.constant 0 : i32
    %dma_start3A_13 = tpu.memref_slice %arg9[%dma_start3A_12] : memref<256xf32, #tpu.memory_space<vmem>> -> memref<128xf32, #tpu.memory_space<vmem>>
    %dma_start3A_14 = tpu.memref_slice %arg4[%add3A_6] : memref<262144xf32, #tpu.memory_space<hbm>> -> memref<128xf32, #tpu.memory_space<hbm>>
    %dma_start3A_15 = arith.constant 0 : i32
    %dma_start3A_16 = tpu.memref_slice %arg9[%dma_start3A_15] : memref<256xf32, #tpu.memory_space<vmem>> -> memref<128xf32, #tpu.memory_space<vmem>>
    %dma_start3A_17 = tpu.memref_slice %arg4[%add3A_6] : memref<262144xf32, #tpu.memory_space<hbm>> -> memref<128xf32, #tpu.memory_space<hbm>>
    tpu.enqueue_dma source(%dma_start3A_17 : memref<128xf32, #tpu.memory_space<hbm>>) target(%dma_start3A_16 : memref<128xf32, #tpu.memory_space<vmem>>) target_semaphore(%arg13 : memref<!tpu.dma_semaphore, #tpu.memory_space<semaphore_mem>>)
    %dma_wait3A = arith.constant 0 : i32
    %dma_wait3A_18 = tpu.memref_slice %arg7[%dma_wait3A] : memref<256xi32, #tpu.memory_space<vmem>> -> memref<128xi32, #tpu.memory_space<vmem>>
    %dma_wait3A_19 = arith.constant 0 : i32
    %dma_wait3A_20 = tpu.memref_slice %arg3[%dma_wait3A_19] : memref<262144xi32, #tpu.memory_space<hbm>> -> memref<128xi32, #tpu.memory_space<hbm>>
    %dma_wait3A_21 = arith.constant 0 : i32
    %dma_wait3A_22 = tpu.memref_slice %arg7[%dma_wait3A_21] : memref<256xi32, #tpu.memory_space<vmem>> -> memref<128xi32, #tpu.memory_space<vmem>>
    %dma_wait3A_23 = arith.constant 0 : i32
    %dma_wait3A_24 = tpu.memref_slice %arg3[%dma_wait3A_23] : memref<262144xi32, #tpu.memory_space<hbm>> -> memref<128xi32, #tpu.memory_space<hbm>>
    tpu.wait_dma2 semaphore(%arg13 : memref<!tpu.dma_semaphore, #tpu.memory_space<semaphore_mem>>) src(%dma_wait3A_24 : memref<128xi32, #tpu.memory_space<hbm>>) dst(%dma_wait3A_22 : memref<128xi32, #tpu.memory_space<vmem>>)
    %dma_wait3A_25 = arith.constant 0 : i32
    %dma_wait3A_26 = tpu.memref_slice %arg9[%dma_wait3A_25] : memref<256xf32, #tpu.memory_space<vmem>> -> memref<128xf32, #tpu.memory_space<vmem>>
    %dma_wait3A_27 = arith.constant 0 : i32
    %dma_wait3A_28 = tpu.memref_slice %arg4[%dma_wait3A_27] : memref<262144xf32, #tpu.memory_space<hbm>> -> memref<128xf32, #tpu.memory_space<hbm>>
    %dma_wait3A_29 = arith.constant 0 : i32
    %dma_wait3A_30 = tpu.memref_slice %arg9[%dma_wait3A_29] : memref<256xf32, #tpu.memory_space<vmem>> -> memref<128xf32, #tpu.memory_space<vmem>>
    %dma_wait3A_31 = arith.constant 0 : i32
    %dma_wait3A_32 = tpu.memref_slice %arg4[%dma_wait3A_31] : memref<262144xf32, #tpu.memory_space<hbm>> -> memref<128xf32, #tpu.memory_space<hbm>>
    tpu.wait_dma2 semaphore(%arg13 : memref<!tpu.dma_semaphore, #tpu.memory_space<semaphore_mem>>) src(%dma_wait3A_32 : memref<128xf32, #tpu.memory_space<hbm>>) dst(%dma_wait3A_30 : memref<128xf32, #tpu.memory_space<vmem>>)
    %get3A = arith.constant 0 : index
    %get3A_33 = tpu.vector_load %arg9[%get3A] {strides = array<i32>} : memref<256xf32, #tpu.memory_space<vmem>>, vector<16xf32>,
    %get3A_34 = vector.shape_cast %get3A_33 : vector<16xf32> to vector<16xf32>
    %mul3A_35 = arith.constant 8.191000e+02 : f32
    %mul3A_36 = vector.broadcast %mul3A_35 : f32 to vector<16xf32>
    %mul3A_37 = arith.mulf %get3A_34, %mul3A_36 : vector<16xf32>
    %add3A_38 = arith.constant 5.000000e-01 : f32
    %add3A_39 = vector.broadcast %add3A_38 : f32 to vector<16xf32>
    %add3A_40 = arith.addf %mul3A_37, %add3A_39 : vector<16xf32>
    %convert_element_type3A = arith.fptosi %add3A_40 : vector<16xf32> to vector<16xi32>
    %swap3A = arith.constant 0 : index
    %swap3A_41 = tpu.vector_load %arg8[%swap3A] {strides = array<i32>} : memref<256xi32, #tpu.memory_space<vmem>>, vector<16xi32>,
    %swap3A_42 = vector.shape_cast %swap3A_41 : vector<16xi32> to vector<16xi32>
    %swap3A_43 = vector.shape_cast %convert_element_type3A : vector<16xi32> to vector<16xi32>
    tpu.vector_store %arg8[%swap3A], %swap3A_43 {strides = array<i32>} : memref<256xi32, #tpu.memory_space<vmem>>, vector<16xi32>,
    %get3A_44 = arith.constant 16 : index
    %get3A_45 = tpu.vector_load %arg9[%get3A_44] {strides = array<i32>} : memref<256xf32, #tpu.memory_space<vmem>>, vector<16xf32>,
    %get3A_46 = vector.shape_cast %get3A_45 : vector<16xf32> to vector<16xf32>
    %mul3A_47 = arith.constant 8.191000e+02 : f32
    %mul3A_48 = vector.broadcast %mul3A_47 : f32 to vector<16xf32>
    %mul3A_49 = arith.mulf %get3A_46, %mul3A_48 : vector<16xf32>
    %add3A_50 = arith.constant 5.000000e-01 : f32
    %add3A_51 = vector.broadcast %add3A_50 : f32 to vector<16xf32>
    %add3A_52 = arith.addf %mul3A_49, %add3A_51 : vector<16xf32>
    %convert_element_type3A_53 = arith.fptosi %add3A_52 : vector<16xf32> to vector<16xi32>
    %swap3A_54 = arith.constant 16 : index
    %swap3A_55 = tpu.vector_load %arg8[%swap3A_54] {strides = array<i32>} : memref<256xi32, #tpu.memory_space<vmem>>, vector<16xi32>,
    %swap3A_56 = vector.shape_cast %swap3A_55 : vector<16xi32> to vector<16xi32>
    %swap3A_57 = vector.shape_cast %convert_element_type3A_53 : vector<16xi32> to vector<16xi32>
    tpu.vector_store %arg8[%swap3A_54], %swap3A_57 {strides = array<i32>} : memref<256xi32, #tpu.memory_space<vmem>>, vector<16xi32>,
    %get3A_58 = arith.constant 32 : index
    %get3A_59 = tpu.vector_load %arg9[%get3A_58] {strides = array<i32>} : memref<256xf32, #tpu.memory_space<vmem>>, vector<16xf32>,
    %get3A_60 = vector.shape_cast %get3A_59 : vector<16xf32> to vector<16xf32>
    %mul3A_61 = arith.constant 8.191000e+02 : f32
    %mul3A_62 = vector.broadcast %mul3A_61 : f32 to vector<16xf32>
    %mul3A_63 = arith.mulf %get3A_60, %mul3A_62 : vector<16xf32>
    %add3A_64 = arith.constant 5.000000e-01 : f32
    %add3A_65 = vector.broadcast %add3A_64 : f32 to vector<16xf32>
    %add3A_66 = arith.addf %mul3A_63, %add3A_65 : vector<16xf32>
    %convert_element_type3A_67 = arith.fptosi %add3A_66 : vector<16xf32> to vector<16xi32>
    %swap3A_68 = arith.constant 32 : index
    %swap3A_69 = tpu.vector_load %arg8[%swap3A_68] {strides = array<i32>} : memref<256xi32, #tpu.memory_space<vmem>>, vector<16xi32>,
    %swap3A_70 = vector.shape_cast %swap3A_69 : vector<16xi32> to vector<16xi32>
    %swap3A_71 = vector.shape_cast %convert_element_type3A_67 : vector<16xi32> to vector<16xi32>
    tpu.vector_store %arg8[%swap3A_68], %swap3A_71 {strides = array<i32>} : memref<256xi32, #tpu.memory_space<vmem>>, vector<16xi32>,
    %get3A_72 = arith.constant 48 : index
    %get3A_73 = tpu.vector_load %arg9[%get3A_72] {strides = array<i32>} : memref<256xf32, #tpu.memory_space<vmem>>, vector<16xf32>,
    %get3A_74 = vector.shape_cast %get3A_73 : vector<16xf32> to vector<16xf32>
    %mul3A_75 = arith.constant 8.191000e+02 : f32
    %mul3A_76 = vector.broadcast %mul3A_75 : f32 to vector<16xf32>
    %mul3A_77 = arith.mulf %get3A_74, %mul3A_76 : vector<16xf32>
    %add3A_78 = arith.constant 5.000000e-01 : f32
    %add3A_79 = vector.broadcast %add3A_78 : f32 to vector<16xf32>
    %add3A_80 = arith.addf %mul3A_77, %add3A_79 : vector<16xf32>
    %convert_element_type3A_81 = arith.fptosi %add3A_80 : vector<16xf32> to vector<16xi32>
    %swap3A_82 = arith.constant 48 : index
    %swap3A_83 = tpu.vector_load %arg8[%swap3A_82] {strides = array<i32>} : memref<256xi32, #tpu.memory_space<vmem>>, vector<16xi32>,
    %swap3A_84 = vector.shape_cast %swap3A_83 : vector<16xi32> to vector<16xi32>
    %swap3A_85 = vector.shape_cast %convert_element_type3A_81 : vector<16xi32> to vector<16xi32>
    tpu.vector_store %arg8[%swap3A_82], %swap3A_85 {strides = array<i32>} : memref<256xi32, #tpu.memory_space<vmem>>, vector<16xi32>,
    %get3A_86 = arith.constant 64 : index
    %get3A_87 = tpu.vector_load %arg9[%get3A_86] {strides = array<i32>} : memref<256xf32, #tpu.memory_space<vmem>>, vector<16xf32>,
    %get3A_88 = vector.shape_cast %get3A_87 : vector<16xf32> to vector<16xf32>
    %mul3A_89 = arith.constant 8.191000e+02 : f32
    %mul3A_90 = vector.broadcast %mul3A_89 : f32 to vector<16xf32>
    %mul3A_91 = arith.mulf %get3A_88, %mul3A_90 : vector<16xf32>
    %add3A_92 = arith.constant 5.000000e-01 : f32
    %add3A_93 = vector.broadcast %add3A_92 : f32 to vector<16xf32>
    %add3A_94 = arith.addf %mul3A_91, %add3A_93 : vector<16xf32>
    %convert_element_type3A_95 = arith.fptosi %add3A_94 : vector<16xf32> to vector<16xi32>
    %swap3A_96 = arith.constant 64 : index
    %swap3A_97 = tpu.vector_load %arg8[%swap3A_96] {strides = array<i32>} : memref<256xi32, #tpu.memory_space<vmem>>, vector<16xi32>,
    %swap3A_98 = vector.shape_cast %swap3A_97 : vector<16xi32> to vector<16xi32>
    %swap3A_99 = vector.shape_cast %convert_element_type3A_95 : vector<16xi32> to vector<16xi32>
    tpu.vector_store %arg8[%swap3A_96], %swap3A_99 {strides = array<i32>} : memref<256xi32, #tpu.memory_space<vmem>>, vector<16xi32>,
    %get3A_100 = arith.constant 80 : index
    %get3A_101 = tpu.vector_load %arg9[%get3A_100] {strides = array<i32>} : memref<256xf32, #tpu.memory_space<vmem>>, vector<16xf32>,
    %get3A_102 = vector.shape_cast %get3A_101 : vector<16xf32> to vector<16xf32>
    %mul3A_103 = arith.constant 8.191000e+02 : f32
    %mul3A_104 = vector.broadcast %mul3A_103 : f32 to vector<16xf32>
    %mul3A_105 = arith.mulf %get3A_102, %mul3A_104 : vector<16xf32>
    %add3A_106 = arith.constant 5.000000e-01 : f32
    %add3A_107 = vector.broadcast %add3A_106 : f32 to vector<16xf32>
    %add3A_108 = arith.addf %mul3A_105, %add3A_107 : vector<16xf32>
    %convert_element_type3A_109 = arith.fptosi %add3A_108 : vector<16xf32> to vector<16xi32>
    %swap3A_110 = arith.constant 80 : index
    %swap3A_111 = tpu.vector_load %arg8[%swap3A_110] {strides = array<i32>} : memref<256xi32, #tpu.memory_space<vmem>>, vector<16xi32>,
    %swap3A_112 = vector.shape_cast %swap3A_111 : vector<16xi32> to vector<16xi32>
    %swap3A_113 = vector.shape_cast %convert_element_type3A_109 : vector<16xi32> to vector<16xi32>
    tpu.vector_store %arg8[%swap3A_110], %swap3A_113 {strides = array<i32>} : memref<256xi32, #tpu.memory_space<vmem>>, vector<16xi32>,
    %get3A_114 = arith.constant 96 : index
    %get3A_115 = tpu.vector_load %arg9[%get3A_114] {strides = array<i32>} : memref<256xf32, #tpu.memory_space<vmem>>, vector<16xf32>,
    %get3A_116 = vector.shape_cast %get3A_115 : vector<16xf32> to vector<16xf32>
    %mul3A_117 = arith.constant 8.191000e+02 : f32
    %mul3A_118 = vector.broadcast %mul3A_117 : f32 to vector<16xf32>
    %mul3A_119 = arith.mulf %get3A_116, %mul3A_118 : vector<16xf32>
    %add3A_120 = arith.constant 5.000000e-01 : f32
    %add3A_121 = vector.broadcast %add3A_120 : f32 to vector<16xf32>
    %add3A_122 = arith.addf %mul3A_119, %add3A_121 : vector<16xf32>
    %convert_element_type3A_123 = arith.fptosi %add3A_122 : vector<16xf32> to vector<16xi32>
    %swap3A_124 = arith.constant 96 : index
    %swap3A_125 = tpu.vector_load %arg8[%swap3A_124] {strides = array<i32>} : memref<256xi32, #tpu.memory_space<vmem>>, vector<16xi32>,
    %swap3A_126 = vector.shape_cast %swap3A_125 : vector<16xi32> to vector<16xi32>
    %swap3A_127 = vector.shape_cast %convert_element_type3A_123 : vector<16xi32> to vector<16xi32>
    tpu.vector_store %arg8[%swap3A_124], %swap3A_127 {strides = array<i32>} : memref<256xi32, #tpu.memory_space<vmem>>, vector<16xi32>,
    %get3A_128 = arith.constant 112 : index
    %get3A_129 = tpu.vector_load %arg9[%get3A_128] {strides = array<i32>} : memref<256xf32, #tpu.memory_space<vmem>>, vector<16xf32>,
    %get3A_130 = vector.shape_cast %get3A_129 : vector<16xf32> to vector<16xf32>
    %mul3A_131 = arith.constant 8.191000e+02 : f32
    %mul3A_132 = vector.broadcast %mul3A_131 : f32 to vector<16xf32>
    %mul3A_133 = arith.mulf %get3A_130, %mul3A_132 : vector<16xf32>
    %add3A_134 = arith.constant 5.000000e-01 : f32
    %add3A_135 = vector.broadcast %add3A_134 : f32 to vector<16xf32>
    %add3A_136 = arith.addf %mul3A_133, %add3A_135 : vector<16xf32>
    %convert_element_type3A_137 = arith.fptosi %add3A_136 : vector<16xf32> to vector<16xi32>
    %swap3A_138 = arith.constant 112 : index
    %swap3A_139 = tpu.vector_load %arg8[%swap3A_138] {strides = array<i32>} : memref<256xi32, #tpu.memory_space<vmem>>, vector<16xi32>,
    %swap3A_140 = vector.shape_cast %swap3A_139 : vector<16xi32> to vector<16xi32>
    %swap3A_141 = vector.shape_cast %convert_element_type3A_137 : vector<16xi32> to vector<16xi32>
    tpu.vector_store %arg8[%swap3A_138], %swap3A_141 {strides = array<i32>} : memref<256xi32, #tpu.memory_space<vmem>>, vector<16xi32>,
    %dma_start3A_142 = arith.constant 0 : i32
    %dma_start3A_143 = arith.constant 0 : i32
    %dma_start3A_144 = tpu.memref_slice %arg10[%dma_start3A_142, %dma_start3A_143] : memref<256x128xf32, #tpu.memory_space<vmem>> -> memref<128x128xf32, #tpu.memory_space<vmem>>
    %dma_start3A_145 = arith.constant 0 : i32
    %dma_start3A_146 = tpu.memref_slice %arg7[%dma_start3A_145] : memref<256xi32, #tpu.memory_space<vmem>> -> memref<128xi32, #tpu.memory_space<vmem>>
    %dma_start3A_147 = arith.constant 0 : i32
    %dma_start3A_148 = arith.constant 0 : i32
    %dma_start3A_149 = tpu.memref_slice %arg2[%dma_start3A_147, %dma_start3A_148] : memref<4096x128xf32, #tpu.memory_space<hbm>> -> memref<4096x128xf32, #tpu.memory_space<hbm>>
    tpu.enqueue_indirect_dma source(%dma_start3A_149 : memref<4096x128xf32, #tpu.memory_space<hbm>>) target(%dma_start3A_144 : memref<128x128xf32, #tpu.memory_space<vmem>>) offsets(%dma_start3A_146 : memref<128xi32, #tpu.memory_space<vmem>>) semaphore(%arg14 : memref<!tpu.dma_semaphore, #tpu.memory_space<semaphore_mem>>)
    %dma_start3A_150 = arith.constant 0 : i32
    %dma_start3A_151 = arith.constant 0 : i32
    %dma_start3A_152 = tpu.memref_slice %arg11[%dma_start3A_150, %dma_start3A_151] : memref<256x128xf32, #tpu.memory_space<vmem>> -> memref<128x128xf32, #tpu.memory_space<vmem>>
    %dma_start3A_153 = arith.constant 0 : i32
    %dma_start3A_154 = tpu.memref_slice %arg8[%dma_start3A_153] : memref<256xi32, #tpu.memory_space<vmem>> -> memref<128xi32, #tpu.memory_space<vmem>>
    %dma_start3A_155 = arith.constant 0 : i32
    %dma_start3A_156 = arith.constant 0 : i32
    %dma_start3A_157 = tpu.memref_slice %arg5[%dma_start3A_155, %dma_start3A_156] : memref<8192x128xf32, #tpu.memory_space<hbm>> -> memref<8192x128xf32, #tpu.memory_space<hbm>>
    tpu.enqueue_indirect_dma source(%dma_start3A_157 : memref<8192x128xf32, #tpu.memory_space<hbm>>) target(%dma_start3A_152 : memref<128x128xf32, #tpu.memory_space<vmem>>) offsets(%dma_start3A_154 : memref<128xi32, #tpu.memory_space<vmem>>) semaphore(%arg14 : memref<!tpu.dma_semaphore, #tpu.memory_space<semaphore_mem>>)
    %add3A_158 = arith.constant 128 : i32
    %add3A_159 = arith.addi %mul3A_4, %add3A_158 : i32
    %dma_start3A_160 = arith.constant 128 : i32
    %dma_start3A_161 = tpu.memref_slice %arg7[%dma_start3A_160] : memref<256xi32, #tpu.memory_space<vmem>> -> memref<128xi32, #tpu.memory_space<vmem>>
    %dma_start3A_162 = tpu.memref_slice %arg3[%add3A_159] : memref<262144xi32, #tpu.memory_space<hbm>> -> memref<128xi32, #tpu.memory_space<hbm>>
    %dma_start3A_163 = arith.constant 128 : i32
    %dma_start3A_164 = tpu.memref_slice %arg7[%dma_start3A_163] : memref<256xi32, #tpu.memory_space<vmem>> -> memref<128xi32, #tpu.memory_space<vmem>>
    %dma_start3A_165 = tpu.memref_slice %arg3[%add3A_159] : memref<262144xi32, #tpu.memory_space<hbm>> -> memref<128xi32, #tpu.memory_space<hbm>>
    tpu.enqueue_dma source(%dma_start3A_165 : memref<128xi32, #tpu.memory_space<hbm>>) target(%dma_start3A_164 : memref<128xi32, #tpu.memory_space<vmem>>) target_semaphore(%arg13 : memref<!tpu.dma_semaphore, #tpu.memory_space<semaphore_mem>>)
    %dma_start3A_166 = arith.constant 128 : i32
    %dma_start3A_167 = tpu.memref_slice %arg9[%dma_start3A_166] : memref<256xf32, #tpu.memory_space<vmem>> -> memref<128xf32, #tpu.memory_space<vmem>>
    %dma_start3A_168 = tpu.memref_slice %arg4[%add3A_159] : memref<262144xf32, #tpu.memory_space<hbm>> -> memref<128xf32, #tpu.memory_space<hbm>>
    %dma_start3A_169 = arith.constant 128 : i32
    %dma_start3A_170 = tpu.memref_slice %arg9[%dma_start3A_169] : memref<256xf32, #tpu.memory_space<vmem>> -> memref<128xf32, #tpu.memory_space<vmem>>
    %dma_start3A_171 = tpu.memref_slice %arg4[%add3A_159] : memref<262144xf32, #tpu.memory_space<hbm>> -> memref<128xf32, #tpu.memory_space<hbm>>
    tpu.enqueue_dma source(%dma_start3A_171 : memref<128xf32, #tpu.memory_space<hbm>>) target(%dma_start3A_170 : memref<128xf32, #tpu.memory_space<vmem>>) target_semaphore(%arg13 : memref<!tpu.dma_semaphore, #tpu.memory_space<semaphore_mem>>)
    %scan3A = arith.constant 0 : i32
    %scan3A_172 = arith.constant 0 : i32
    %scan3A_173 = arith.constant 63 : i32
    %scan3A_174 = arith.addi %scan3A_172, %scan3A_173 : i32
    %scan3A_175 = arith.constant 1 : i32
    %scan3A_176 = scf.for %scan3A_353 = %scan3A_172 to %scan3A_174 step %scan3A_175 iter_args(%scan3A_354 = %scan3A) -> (i32)  : i32 {
      %add3A_355 = arith.constant 1 : i32
      %add3A_356 = arith.addi %scan3A_353, %add3A_355 : i32
      %jit3A = arith.constant 2 : i32
      %eq3A = arith.constant 0 : i32
      %eq3A_357 = arith.cmpi eq, %jit3A, %eq3A : i32
      %jit3A_358 = arith.constant 1 : i32
      %select_n3A = arith.select %eq3A_357, %jit3A_358, %jit3A : i32
      %rem3A = arith.remsi %add3A_356, %select_n3A : i32
      %ne3A = arith.constant 0 : i32
      %ne3A_359 = arith.cmpi ne, %rem3A, %ne3A : i32
      %lt3A = arith.constant 0 : i32
      %lt3A_360 = arith.cmpi slt, %rem3A, %lt3A : i32
      %lt3A_361 = arith.constant 0 : i32
      %lt3A_362 = arith.cmpi slt, %select_n3A, %lt3A_361 : i32
      %ne3A_363 = arith.xori %lt3A_360, %lt3A_362 : i1
      %and3A = arith.andi %ne3A_363, %ne3A_359 : i1
      %add3A_364 = arith.addi %rem3A, %select_n3A : i32
      %select_n3A_365 = arith.select %and3A, %add3A_364, %rem3A : i32
      %mul3A_366 = arith.constant 128 : i32
      %mul3A_367 = arith.muli %select_n3A_365, %mul3A_366 : i32
      %dma_wait3A_368 = tpu.memref_slice %arg7[%mul3A_367] : memref<256xi32, #tpu.memory_space<vmem>> -> memref<128xi32, #tpu.memory_space<vmem>>
      %dma_wait3A_369 = arith.constant 0 : i32
      %dma_wait3A_370 = tpu.memref_slice %arg3[%dma_wait3A_369] : memref<262144xi32, #tpu.memory_space<hbm>> -> memref<128xi32, #tpu.memory_space<hbm>>
      %dma_wait3A_371 = tpu.memref_slice %arg7[%mul3A_367] : memref<256xi32, #tpu.memory_space<vmem>> -> memref<128xi32, #tpu.memory_space<vmem>>
      %dma_wait3A_372 = arith.constant 0 : i32
      %dma_wait3A_373 = tpu.memref_slice %arg3[%dma_wait3A_372] : memref<262144xi32, #tpu.memory_space<hbm>> -> memref<128xi32, #tpu.memory_space<hbm>>
      tpu.wait_dma2 semaphore(%arg13 : memref<!tpu.dma_semaphore, #tpu.memory_space<semaphore_mem>>) src(%dma_wait3A_373 : memref<128xi32, #tpu.memory_space<hbm>>) dst(%dma_wait3A_371 : memref<128xi32, #tpu.memory_space<vmem>>)
      %mul3A_374 = arith.constant 128 : i32
      %mul3A_375 = arith.muli %select_n3A_365, %mul3A_374 : i32
      %dma_wait3A_376 = tpu.memref_slice %arg9[%mul3A_375] : memref<256xf32, #tpu.memory_space<vmem>> -> memref<128xf32, #tpu.memory_space<vmem>>
      %dma_wait3A_377 = arith.constant 0 : i32
      %dma_wait3A_378 = tpu.memref_slice %arg4[%dma_wait3A_377] : memref<262144xf32, #tpu.memory_space<hbm>> -> memref<128xf32, #tpu.memory_space<hbm>>
      %dma_wait3A_379 = tpu.memref_slice %arg9[%mul3A_375] : memref<256xf32, #tpu.memory_space<vmem>> -> memref<128xf32, #tpu.memory_space<vmem>>
      %dma_wait3A_380 = arith.constant 0 : i32
      %dma_wait3A_381 = tpu.memref_slice %arg4[%dma_wait3A_380] : memref<262144xf32, #tpu.memory_space<hbm>> -> memref<128xf32, #tpu.memory_space<hbm>>
      tpu.wait_dma2 semaphore(%arg13 : memref<!tpu.dma_semaphore, #tpu.memory_space<semaphore_mem>>) src(%dma_wait3A_381 : memref<128xf32, #tpu.memory_space<hbm>>) dst(%dma_wait3A_379 : memref<128xf32, #tpu.memory_space<vmem>>)
      %add3A_382 = arith.constant 1 : i32
      %add3A_383 = arith.addi %scan3A_353, %add3A_382 : i32
      %jit3A_384 = arith.constant 2 : i32
      %eq3A_385 = arith.constant 0 : i32
      %eq3A_386 = arith.cmpi eq, %jit3A_384, %eq3A_385 : i32
      %jit3A_387 = arith.constant 1 : i32
      %select_n3A_388 = arith.select %eq3A_386, %jit3A_387, %jit3A_384 : i32
      %rem3A_389 = arith.remsi %add3A_383, %select_n3A_388 : i32
      %ne3A_390 = arith.constant 0 : i32
      %ne3A_391 = arith.cmpi ne, %rem3A_389, %ne3A_390 : i32
      %lt3A_392 = arith.constant 0 : i32
      %lt3A_393 = arith.cmpi slt, %rem3A_389, %lt3A_392 : i32
      %lt3A_394 = arith.constant 0 : i32
      %lt3A_395 = arith.cmpi slt, %select_n3A_388, %lt3A_394 : i32
      %ne3A_396 = arith.xori %lt3A_393, %lt3A_395 : i1
      %and3A_397 = arith.andi %ne3A_396, %ne3A_391 : i1
      %add3A_398 = arith.addi %rem3A_389, %select_n3A_388 : i32
      %select_n3A_399 = arith.select %and3A_397, %add3A_398, %rem3A_389 : i32
      %mul3A_400 = arith.constant 128 : i32
      %mul3A_401 = arith.muli %select_n3A_399, %mul3A_400 : i32
      %add3A_402 = arith.constant 0 : i32
      %add3A_403 = arith.addi %mul3A_401, %add3A_402 : i32
      %get3A_404 = arith.index_cast %add3A_403 : i32 to index
      %get3A_405 = tpu.vector_load %arg9[%get3A_404] {strides = array<i32>} : memref<256xf32, #tpu.memory_space<vmem>>, vector<16xf32>,
      %get3A_406 = vector.shape_cast %get3A_405 : vector<16xf32> to vector<16xf32>
      %mul3A_407 = arith.constant 8.191000e+02 : f32
      %mul3A_408 = vector.broadcast %mul3A_407 : f32 to vector<16xf32>
      %mul3A_409 = arith.mulf %get3A_406, %mul3A_408 : vector<16xf32>
      %add3A_410 = arith.constant 5.000000e-01 : f32
      %add3A_411 = vector.broadcast %add3A_410 : f32 to vector<16xf32>
      %add3A_412 = arith.addf %mul3A_409, %add3A_411 : vector<16xf32>
      %convert_element_type3A_413 = arith.fptosi %add3A_412 : vector<16xf32> to vector<16xi32>
      %add3A_414 = arith.constant 0 : i32
      %add3A_415 = arith.addi %mul3A_401, %add3A_414 : i32
      %swap3A_416 = arith.index_cast %add3A_415 : i32 to index
      %swap3A_417 = tpu.vector_load %arg8[%swap3A_416] {strides = array<i32>} : memref<256xi32, #tpu.memory_space<vmem>>, vector<16xi32>,
      %swap3A_418 = vector.shape_cast %swap3A_417 : vector<16xi32> to vector<16xi32>
      %swap3A_419 = vector.shape_cast %convert_element_type3A_413 : vector<16xi32> to vector<16xi32>
      tpu.vector_store %arg8[%swap3A_416], %swap3A_419 {strides = array<i32>} : memref<256xi32, #tpu.memory_space<vmem>>, vector<16xi32>,
      %add3A_420 = arith.constant 16 : i32
      %add3A_421 = arith.addi %mul3A_401, %add3A_420 : i32
      %get3A_422 = arith.index_cast %add3A_421 : i32 to index
      %get3A_423 = tpu.vector_load %arg9[%get3A_422] {strides = array<i32>} : memref<256xf32, #tpu.memory_space<vmem>>, vector<16xf32>,
      %get3A_424 = vector.shape_cast %get3A_423 : vector<16xf32> to vector<16xf32>
      %mul3A_425 = arith.constant 8.191000e+02 : f32
      %mul3A_426 = vector.broadcast %mul3A_425 : f32 to vector<16xf32>
      %mul3A_427 = arith.mulf %get3A_424, %mul3A_426 : vector<16xf32>
      %add3A_428 = arith.constant 5.000000e-01 : f32
      %add3A_429 = vector.broadcast %add3A_428 : f32 to vector<16xf32>
      %add3A_430 = arith.addf %mul3A_427, %add3A_429 : vector<16xf32>
      %convert_element_type3A_431 = arith.fptosi %add3A_430 : vector<16xf32> to vector<16xi32>
      %add3A_432 = arith.constant 16 : i32
      %add3A_433 = arith.addi %mul3A_401, %add3A_432 : i32
      %swap3A_434 = arith.index_cast %add3A_433 : i32 to index
      %swap3A_435 = tpu.vector_load %arg8[%swap3A_434] {strides = array<i32>} : memref<256xi32, #tpu.memory_space<vmem>>, vector<16xi32>,
      %swap3A_436 = vector.shape_cast %swap3A_435 : vector<16xi32> to vector<16xi32>
      %swap3A_437 = vector.shape_cast %convert_element_type3A_431 : vector<16xi32> to vector<16xi32>
      tpu.vector_store %arg8[%swap3A_434], %swap3A_437 {strides = array<i32>} : memref<256xi32, #tpu.memory_space<vmem>>, vector<16xi32>,
      %add3A_438 = arith.constant 32 : i32
      %add3A_439 = arith.addi %mul3A_401, %add3A_438 : i32
      %get3A_440 = arith.index_cast %add3A_439 : i32 to index
      %get3A_441 = tpu.vector_load %arg9[%get3A_440] {strides = array<i32>} : memref<256xf32, #tpu.memory_space<vmem>>, vector<16xf32>,
      %get3A_442 = vector.shape_cast %get3A_441 : vector<16xf32> to vector<16xf32>
      %mul3A_443 = arith.constant 8.191000e+02 : f32
      %mul3A_444 = vector.broadcast %mul3A_443 : f32 to vector<16xf32>
      %mul3A_445 = arith.mulf %get3A_442, %mul3A_444 : vector<16xf32>
      %add3A_446 = arith.constant 5.000000e-01 : f32
      %add3A_447 = vector.broadcast %add3A_446 : f32 to vector<16xf32>
      %add3A_448 = arith.addf %mul3A_445, %add3A_447 : vector<16xf32>
      %convert_element_type3A_449 = arith.fptosi %add3A_448 : vector<16xf32> to vector<16xi32>
      %add3A_450 = arith.constant 32 : i32
      %add3A_451 = arith.addi %mul3A_401, %add3A_450 : i32
      %swap3A_452 = arith.index_cast %add3A_451 : i32 to index
      %swap3A_453 = tpu.vector_load %arg8[%swap3A_452] {strides = array<i32>} : memref<256xi32, #tpu.memory_space<vmem>>, vector<16xi32>,
      %swap3A_454 = vector.shape_cast %swap3A_453 : vector<16xi32> to vector<16xi32>
      %swap3A_455 = vector.shape_cast %convert_element_type3A_449 : vector<16xi32> to vector<16xi32>
      tpu.vector_store %arg8[%swap3A_452], %swap3A_455 {strides = array<i32>} : memref<256xi32, #tpu.memory_space<vmem>>, vector<16xi32>,
      %add3A_456 = arith.constant 48 : i32
      %add3A_457 = arith.addi %mul3A_401, %add3A_456 : i32
      %get3A_458 = arith.index_cast %add3A_457 : i32 to index
      %get3A_459 = tpu.vector_load %arg9[%get3A_458] {strides = array<i32>} : memref<256xf32, #tpu.memory_space<vmem>>, vector<16xf32>,
      %get3A_460 = vector.shape_cast %get3A_459 : vector<16xf32> to vector<16xf32>
      %mul3A_461 = arith.constant 8.191000e+02 : f32
      %mul3A_462 = vector.broadcast %mul3A_461 : f32 to vector<16xf32>
      %mul3A_463 = arith.mulf %get3A_460, %mul3A_462 : vector<16xf32>
      %add3A_464 = arith.constant 5.000000e-01 : f32
      %add3A_465 = vector.broadcast %add3A_464 : f32 to vector<16xf32>
      %add3A_466 = arith.addf %mul3A_463, %add3A_465 : vector<16xf32>
      %convert_element_type3A_467 = arith.fptosi %add3A_466 : vector<16xf32> to vector<16xi32>
      %add3A_468 = arith.constant 48 : i32
      %add3A_469 = arith.addi %mul3A_401, %add3A_468 : i32
      %swap3A_470 = arith.index_cast %add3A_469 : i32 to index
      %swap3A_471 = tpu.vector_load %arg8[%swap3A_470] {strides = array<i32>} : memref<256xi32, #tpu.memory_space<vmem>>, vector<16xi32>,
      %swap3A_472 = vector.shape_cast %swap3A_471 : vector<16xi32> to vector<16xi32>
      %swap3A_473 = vector.shape_cast %convert_element_type3A_467 : vector<16xi32> to vector<16xi32>
      tpu.vector_store %arg8[%swap3A_470], %swap3A_473 {strides = array<i32>} : memref<256xi32, #tpu.memory_space<vmem>>, vector<16xi32>,
      %add3A_474 = arith.constant 64 : i32
      %add3A_475 = arith.addi %mul3A_401, %add3A_474 : i32
      %get3A_476 = arith.index_cast %add3A_475 : i32 to index
      %get3A_477 = tpu.vector_load %arg9[%get3A_476] {strides = array<i32>} : memref<256xf32, #tpu.memory_space<vmem>>, vector<16xf32>,
      %get3A_478 = vector.shape_cast %get3A_477 : vector<16xf32> to vector<16xf32>
      %mul3A_479 = arith.constant 8.191000e+02 : f32
      %mul3A_480 = vector.broadcast %mul3A_479 : f32 to vector<16xf32>
      %mul3A_481 = arith.mulf %get3A_478, %mul3A_480 : vector<16xf32>
      %add3A_482 = arith.constant 5.000000e-01 : f32
      %add3A_483 = vector.broadcast %add3A_482 : f32 to vector<16xf32>
      %add3A_484 = arith.addf %mul3A_481, %add3A_483 : vector<16xf32>
      %convert_element_type3A_485 = arith.fptosi %add3A_484 : vector<16xf32> to vector<16xi32>
      %add3A_486 = arith.constant 64 : i32
      %add3A_487 = arith.addi %mul3A_401, %add3A_486 : i32
      %swap3A_488 = arith.index_cast %add3A_487 : i32 to index
      %swap3A_489 = tpu.vector_load %arg8[%swap3A_488] {strides = array<i32>} : memref<256xi32, #tpu.memory_space<vmem>>, vector<16xi32>,
      %swap3A_490 = vector.shape_cast %swap3A_489 : vector<16xi32> to vector<16xi32>
      %swap3A_491 = vector.shape_cast %convert_element_type3A_485 : vector<16xi32> to vector<16xi32>
      tpu.vector_store %arg8[%swap3A_488], %swap3A_491 {strides = array<i32>} : memref<256xi32, #tpu.memory_space<vmem>>, vector<16xi32>,
      %add3A_492 = arith.constant 80 : i32
      %add3A_493 = arith.addi %mul3A_401, %add3A_492 : i32
      %get3A_494 = arith.index_cast %add3A_493 : i32 to index
      %get3A_495 = tpu.vector_load %arg9[%get3A_494] {strides = array<i32>} : memref<256xf32, #tpu.memory_space<vmem>>, vector<16xf32>,
      %get3A_496 = vector.shape_cast %get3A_495 : vector<16xf32> to vector<16xf32>
      %mul3A_497 = arith.constant 8.191000e+02 : f32
      %mul3A_498 = vector.broadcast %mul3A_497 : f32 to vector<16xf32>
      %mul3A_499 = arith.mulf %get3A_496, %mul3A_498 : vector<16xf32>
      %add3A_500 = arith.constant 5.000000e-01 : f32
      %add3A_501 = vector.broadcast %add3A_500 : f32 to vector<16xf32>
      %add3A_502 = arith.addf %mul3A_499, %add3A_501 : vector<16xf32>
      %convert_element_type3A_503 = arith.fptosi %add3A_502 : vector<16xf32> to vector<16xi32>
      %add3A_504 = arith.constant 80 : i32
      %add3A_505 = arith.addi %mul3A_401, %add3A_504 : i32
      %swap3A_506 = arith.index_cast %add3A_505 : i32 to index
      %swap3A_507 = tpu.vector_load %arg8[%swap3A_506] {strides = array<i32>} : memref<256xi32, #tpu.memory_space<vmem>>, vector<16xi32>,
      %swap3A_508 = vector.shape_cast %swap3A_507 : vector<16xi32> to vector<16xi32>
      %swap3A_509 = vector.shape_cast %convert_element_type3A_503 : vector<16xi32> to vector<16xi32>
      tpu.vector_store %arg8[%swap3A_506], %swap3A_509 {strides = array<i32>} : memref<256xi32, #tpu.memory_space<vmem>>, vector<16xi32>,
      %add3A_510 = arith.constant 96 : i32
      %add3A_511 = arith.addi %mul3A_401, %add3A_510 : i32
      %get3A_512 = arith.index_cast %add3A_511 : i32 to index
      %get3A_513 = tpu.vector_load %arg9[%get3A_512] {strides = array<i32>} : memref<256xf32, #tpu.memory_space<vmem>>, vector<16xf32>,
      %get3A_514 = vector.shape_cast %get3A_513 : vector<16xf32> to vector<16xf32>
      %mul3A_515 = arith.constant 8.191000e+02 : f32
      %mul3A_516 = vector.broadcast %mul3A_515 : f32 to vector<16xf32>
      %mul3A_517 = arith.mulf %get3A_514, %mul3A_516 : vector<16xf32>
      %add3A_518 = arith.constant 5.000000e-01 : f32
      %add3A_519 = vector.broadcast %add3A_518 : f32 to vector<16xf32>
      %add3A_520 = arith.addf %mul3A_517, %add3A_519 : vector<16xf32>
      %convert_element_type3A_521 = arith.fptosi %add3A_520 : vector<16xf32> to vector<16xi32>
      %add3A_522 = arith.constant 96 : i32
      %add3A_523 = arith.addi %mul3A_401, %add3A_522 : i32
      %swap3A_524 = arith.index_cast %add3A_523 : i32 to index
      %swap3A_525 = tpu.vector_load %arg8[%swap3A_524] {strides = array<i32>} : memref<256xi32, #tpu.memory_space<vmem>>, vector<16xi32>,
      %swap3A_526 = vector.shape_cast %swap3A_525 : vector<16xi32> to vector<16xi32>
      %swap3A_527 = vector.shape_cast %convert_element_type3A_521 : vector<16xi32> to vector<16xi32>
      tpu.vector_store %arg8[%swap3A_524], %swap3A_527 {strides = array<i32>} : memref<256xi32, #tpu.memory_space<vmem>>, vector<16xi32>,
      %add3A_528 = arith.constant 112 : i32
      %add3A_529 = arith.addi %mul3A_401, %add3A_528 : i32
      %get3A_530 = arith.index_cast %add3A_529 : i32 to index
      %get3A_531 = tpu.vector_load %arg9[%get3A_530] {strides = array<i32>} : memref<256xf32, #tpu.memory_space<vmem>>, vector<16xf32>,
      %get3A_532 = vector.shape_cast %get3A_531 : vector<16xf32> to vector<16xf32>
      %mul3A_533 = arith.constant 8.191000e+02 : f32
      %mul3A_534 = vector.broadcast %mul3A_533 : f32 to vector<16xf32>
      %mul3A_535 = arith.mulf %get3A_532, %mul3A_534 : vector<16xf32>
      %add3A_536 = arith.constant 5.000000e-01 : f32
      %add3A_537 = vector.broadcast %add3A_536 : f32 to vector<16xf32>
      %add3A_538 = arith.addf %mul3A_535, %add3A_537 : vector<16xf32>
      %convert_element_type3A_539 = arith.fptosi %add3A_538 : vector<16xf32> to vector<16xi32>
      %add3A_540 = arith.constant 112 : i32
      %add3A_541 = arith.addi %mul3A_401, %add3A_540 : i32
      %swap3A_542 = arith.index_cast %add3A_541 : i32 to index
      %swap3A_543 = tpu.vector_load %arg8[%swap3A_542] {strides = array<i32>} : memref<256xi32, #tpu.memory_space<vmem>>, vector<16xi32>,
      %swap3A_544 = vector.shape_cast %swap3A_543 : vector<16xi32> to vector<16xi32>
      %swap3A_545 = vector.shape_cast %convert_element_type3A_539 : vector<16xi32> to vector<16xi32>
      tpu.vector_store %arg8[%swap3A_542], %swap3A_545 {strides = array<i32>} : memref<256xi32, #tpu.memory_space<vmem>>, vector<16xi32>,
      %dma_start3A_546 = arith.constant 0 : i32
      %dma_start3A_547 = tpu.memref_slice %arg10[%mul3A_401, %dma_start3A_546] : memref<256x128xf32, #tpu.memory_space<vmem>> -> memref<128x128xf32, #tpu.memory_space<vmem>>
      %dma_start3A_548 = tpu.memref_slice %arg7[%mul3A_401] : memref<256xi32, #tpu.memory_space<vmem>> -> memref<128xi32, #tpu.memory_space<vmem>>
      %dma_start3A_549 = arith.constant 0 : i32
      %dma_start3A_550 = arith.constant 0 : i32
      %dma_start3A_551 = tpu.memref_slice %arg2[%dma_start3A_549, %dma_start3A_550] : memref<4096x128xf32, #tpu.memory_space<hbm>> -> memref<4096x128xf32, #tpu.memory_space<hbm>>
      tpu.enqueue_indirect_dma source(%dma_start3A_551 : memref<4096x128xf32, #tpu.memory_space<hbm>>) target(%dma_start3A_547 : memref<128x128xf32, #tpu.memory_space<vmem>>) offsets(%dma_start3A_548 : memref<128xi32, #tpu.memory_space<vmem>>) semaphore(%arg14 : memref<!tpu.dma_semaphore, #tpu.memory_space<semaphore_mem>>)
      %dma_start3A_552 = arith.constant 0 : i32
      %dma_start3A_553 = tpu.memref_slice %arg11[%mul3A_401, %dma_start3A_552] : memref<256x128xf32, #tpu.memory_space<vmem>> -> memref<128x128xf32, #tpu.memory_space<vmem>>
      %dma_start3A_554 = tpu.memref_slice %arg8[%mul3A_401] : memref<256xi32, #tpu.memory_space<vmem>> -> memref<128xi32, #tpu.memory_space<vmem>>
      %dma_start3A_555 = arith.constant 0 : i32
      %dma_start3A_556 = arith.constant 0 : i32
      %dma_start3A_557 = tpu.memref_slice %arg5[%dma_start3A_555, %dma_start3A_556] : memref<8192x128xf32, #tpu.memory_space<hbm>> -> memref<8192x128xf32, #tpu.memory_space<hbm>>
      tpu.enqueue_indirect_dma source(%dma_start3A_557 : memref<8192x128xf32, #tpu.memory_space<hbm>>) target(%dma_start3A_553 : memref<128x128xf32, #tpu.memory_space<vmem>>) offsets(%dma_start3A_554 : memref<128xi32, #tpu.memory_space<vmem>>) semaphore(%arg14 : memref<!tpu.dma_semaphore, #tpu.memory_space<semaphore_mem>>)
      %jit3A_558 = arith.constant 2 : i32
      %eq3A_559 = arith.constant 0 : i32
      %eq3A_560 = arith.cmpi eq, %jit3A_558, %eq3A_559 : i32
      %jit3A_561 = arith.constant 1 : i32
      %select_n3A_562 = arith.select %eq3A_560, %jit3A_561, %jit3A_558 : i32
      %rem3A_563 = arith.remsi %scan3A_353, %select_n3A_562 : i32
      %ne3A_564 = arith.constant 0 : i32
      %ne3A_565 = arith.cmpi ne, %rem3A_563, %ne3A_564 : i32
      %lt3A_566 = arith.constant 0 : i32
      %lt3A_567 = arith.cmpi slt, %rem3A_563, %lt3A_566 : i32
      %lt3A_568 = arith.constant 0 : i32
      %lt3A_569 = arith.cmpi slt, %select_n3A_562, %lt3A_568 : i32
      %ne3A_570 = arith.xori %lt3A_567, %lt3A_569 : i1
      %and3A_571 = arith.andi %ne3A_570, %ne3A_565 : i1
      %add3A_572 = arith.addi %rem3A_563, %select_n3A_562 : i32
      %select_n3A_573 = arith.select %and3A_571, %add3A_572, %rem3A_563 : i32
      %mul3A_574 = arith.constant 128 : i32
      %mul3A_575 = arith.muli %select_n3A_573, %mul3A_574 : i32
      %dma_wait3A_576 = arith.constant 0 : i32
      %dma_wait3A_577 = arith.constant 0 : i32
      %dma_wait3A_578 = tpu.memref_slice %arg10[%dma_wait3A_576, %dma_wait3A_577] : memref<256x128xf32, #tpu.memory_space<vmem>> -> memref<128x128xf32, #tpu.memory_space<vmem>>
      %dma_wait3A_579 = arith.constant 0 : i32
      %dma_wait3A_580 = tpu.memref_slice %arg7[%dma_wait3A_579] : memref<256xi32, #tpu.memory_space<vmem>> -> memref<128xi32, #tpu.memory_space<vmem>>
      %dma_wait3A_581 = arith.constant 0 : i32
      %dma_wait3A_582 = arith.constant 0 : i32
      %dma_wait3A_583 = tpu.memref_slice %arg2[%dma_wait3A_581, %dma_wait3A_582] : memref<4096x128xf32, #tpu.memory_space<hbm>> -> memref<4096x128xf32, #tpu.memory_space<hbm>>
      tpu.wait_indirect_dma semaphore(%arg14 : memref<!tpu.dma_semaphore, #tpu.memory_space<semaphore_mem>>) src(%dma_wait3A_583 : memref<4096x128xf32, #tpu.memory_space<hbm>>) dst(%dma_wait3A_578 : memref<128x128xf32, #tpu.memory_space<vmem>>)
      %dma_wait3A_584 = arith.constant 0 : i32
      %dma_wait3A_585 = arith.constant 0 : i32
      %dma_wait3A_586 = tpu.memref_slice %arg11[%dma_wait3A_584, %dma_wait3A_585] : memref<256x128xf32, #tpu.memory_space<vmem>> -> memref<128x128xf32, #tpu.memory_space<vmem>>
      %dma_wait3A_587 = arith.constant 0 : i32
      %dma_wait3A_588 = tpu.memref_slice %arg8[%dma_wait3A_587] : memref<256xi32, #tpu.memory_space<vmem>> -> memref<128xi32, #tpu.memory_space<vmem>>
      %dma_wait3A_589 = arith.constant 0 : i32
      %dma_wait3A_590 = arith.constant 0 : i32
      %dma_wait3A_591 = tpu.memref_slice %arg5[%dma_wait3A_589, %dma_wait3A_590] : memref<8192x128xf32, #tpu.memory_space<hbm>> -> memref<8192x128xf32, #tpu.memory_space<hbm>>
      tpu.wait_indirect_dma semaphore(%arg14 : memref<!tpu.dma_semaphore, #tpu.memory_space<semaphore_mem>>) src(%dma_wait3A_591 : memref<8192x128xf32, #tpu.memory_space<hbm>>) dst(%dma_wait3A_586 : memref<128x128xf32, #tpu.memory_space<vmem>>)
      %broadcast_in_dim3A_592 = arith.constant 0.000000e+00 : f32
      %broadcast_in_dim3A_593 = vector.broadcast %broadcast_in_dim3A_592 : f32 to vector<16xf32>
      %broadcast_in_dim3A_594 = arith.constant 0.000000e+00 : f32
      %broadcast_in_dim3A_595 = vector.broadcast %broadcast_in_dim3A_594 : f32 to vector<16xf32>
      %broadcast_in_dim3A_596 = arith.constant 0.000000e+00 : f32
      %broadcast_in_dim3A_597 = vector.broadcast %broadcast_in_dim3A_596 : f32 to vector<16xf32>
      %broadcast_in_dim3A_598 = arith.constant 0.000000e+00 : f32
      %broadcast_in_dim3A_599 = vector.broadcast %broadcast_in_dim3A_598 : f32 to vector<16xf32>
      %broadcast_in_dim3A_600 = arith.constant 0.000000e+00 : f32
      %broadcast_in_dim3A_601 = vector.broadcast %broadcast_in_dim3A_600 : f32 to vector<16xf32>
      %broadcast_in_dim3A_602 = arith.constant 0.000000e+00 : f32
      %broadcast_in_dim3A_603 = vector.broadcast %broadcast_in_dim3A_602 : f32 to vector<16xf32>
      %broadcast_in_dim3A_604 = arith.constant 0.000000e+00 : f32
      %broadcast_in_dim3A_605 = vector.broadcast %broadcast_in_dim3A_604 : f32 to vector<16xf32>
      %broadcast_in_dim3A_606 = arith.constant 0.000000e+00 : f32
      %broadcast_in_dim3A_607 = vector.broadcast %broadcast_in_dim3A_606 : f32 to vector<16xf32>
      %scan3A_608 = arith.constant 0 : i32
      %scan3A_609 = arith.constant 64 : i32
      %scan3A_610 = arith.addi %scan3A_608, %scan3A_609 : i32
      %scan3A_611 = arith.constant 8 : i32
      %scan3A_612:8 = scf.for %scan3A_787 = %scan3A_608 to %scan3A_610 step %scan3A_611 iter_args(%scan3A_788 = %broadcast_in_dim3A_593, %scan3A_789 = %broadcast_in_dim3A_595, %scan3A_790 = %broadcast_in_dim3A_597, %scan3A_791 = %broadcast_in_dim3A_599, %scan3A_792 = %broadcast_in_dim3A_601, %scan3A_793 = %broadcast_in_dim3A_603, %scan3A_794 = %broadcast_in_dim3A_605, %scan3A_795 = %broadcast_in_dim3A_607) -> (vector<16xf32>, vector<16xf32>, vector<16xf32>, vector<16xf32>, vector<16xf32>, vector<16xf32>, vector<16xf32>, vector<16xf32>)  : i32 {
        %add3A_796 = arith.constant 0 : i32
        %add3A_797 = arith.addi %mul3A_575, %add3A_796 : i32
        %add3A_798 = arith.addi %add3A_797, %scan3A_787 : i32
        %get3A_799 = arith.index_cast %add3A_798 : i32 to index
        %get3A_800 = arith.constant 0 : index
        %get3A_801 = tpu.vector_load %arg11[%get3A_799, %get3A_800] {strides = array<i32>} : memref<256x128xf32, #tpu.memory_space<vmem>>, vector<1x16xf32>,
        %get3A_802 = vector.shape_cast %get3A_801 : vector<1x16xf32> to vector<16xf32>
        %get3A_803 = arith.index_cast %add3A_798 : i32 to index
        %get3A_804 = arith.constant 0 : index
        %get3A_805 = tpu.vector_load %arg10[%get3A_803, %get3A_804] {strides = array<i32>} : memref<256x128xf32, #tpu.memory_space<vmem>>, vector<1x16xf32>,
        %get3A_806 = vector.shape_cast %get3A_805 : vector<1x16xf32> to vector<16xf32>
        %mul3A_807 = arith.mulf %get3A_802, %get3A_806 : vector<16xf32>
        %add3A_808 = arith.addf %scan3A_788, %mul3A_807 : vector<16xf32>
        %get3A_809 = arith.index_cast %add3A_798 : i32 to index
        %get3A_810 = arith.constant 16 : index
        %get3A_811 = tpu.vector_load %arg11[%get3A_809, %get3A_810] {strides = array<i32>} : memref<256x128xf32, #tpu.memory_space<vmem>>, vector<1x16xf32>,
        %get3A_812 = vector.shape_cast %get3A_811 : vector<1x16xf32> to vector<16xf32>
        %get3A_813 = arith.index_cast %add3A_798 : i32 to index
        %get3A_814 = arith.constant 16 : index
        %get3A_815 = tpu.vector_load %arg10[%get3A_813, %get3A_814] {strides = array<i32>} : memref<256x128xf32, #tpu.memory_space<vmem>>, vector<1x16xf32>,
        %get3A_816 = vector.shape_cast %get3A_815 : vector<1x16xf32> to vector<16xf32>
        %mul3A_817 = arith.mulf %get3A_812, %get3A_816 : vector<16xf32>
        %add3A_818 = arith.addf %scan3A_789, %mul3A_817 : vector<16xf32>
        %get3A_819 = arith.index_cast %add3A_798 : i32 to index
        %get3A_820 = arith.constant 32 : index
        %get3A_821 = tpu.vector_load %arg11[%get3A_819, %get3A_820] {strides = array<i32>} : memref<256x128xf32, #tpu.memory_space<vmem>>, vector<1x16xf32>,
        %get3A_822 = vector.shape_cast %get3A_821 : vector<1x16xf32> to vector<16xf32>
        %get3A_823 = arith.index_cast %add3A_798 : i32 to index
        %get3A_824 = arith.constant 32 : index
        %get3A_825 = tpu.vector_load %arg10[%get3A_823, %get3A_824] {strides = array<i32>} : memref<256x128xf32, #tpu.memory_space<vmem>>, vector<1x16xf32>,
        %get3A_826 = vector.shape_cast %get3A_825 : vector<1x16xf32> to vector<16xf32>
        %mul3A_827 = arith.mulf %get3A_822, %get3A_826 : vector<16xf32>
        %add3A_828 = arith.addf %scan3A_790, %mul3A_827 : vector<16xf32>
        %get3A_829 = arith.index_cast %add3A_798 : i32 to index
        %get3A_830 = arith.constant 48 : index
        %get3A_831 = tpu.vector_load %arg11[%get3A_829, %get3A_830] {strides = array<i32>} : memref<256x128xf32, #tpu.memory_space<vmem>>, vector<1x16xf32>,
        %get3A_832 = vector.shape_cast %get3A_831 : vector<1x16xf32> to vector<16xf32>
        %get3A_833 = arith.index_cast %add3A_798 : i32 to index
        %get3A_834 = arith.constant 48 : index
        %get3A_835 = tpu.vector_load %arg10[%get3A_833, %get3A_834] {strides = array<i32>} : memref<256x128xf32, #tpu.memory_space<vmem>>, vector<1x16xf32>,
        %get3A_836 = vector.shape_cast %get3A_835 : vector<1x16xf32> to vector<16xf32>
        %mul3A_837 = arith.mulf %get3A_832, %get3A_836 : vector<16xf32>
        %add3A_838 = arith.addf %scan3A_791, %mul3A_837 : vector<16xf32>
        %get3A_839 = arith.index_cast %add3A_798 : i32 to index
        %get3A_840 = arith.constant 64 : index
        %get3A_841 = tpu.vector_load %arg11[%get3A_839, %get3A_840] {strides = array<i32>} : memref<256x128xf32, #tpu.memory_space<vmem>>, vector<1x16xf32>,
        %get3A_842 = vector.shape_cast %get3A_841 : vector<1x16xf32> to vector<16xf32>
        %get3A_843 = arith.index_cast %add3A_798 : i32 to index
        %get3A_844 = arith.constant 64 : index
        %get3A_845 = tpu.vector_load %arg10[%get3A_843, %get3A_844] {strides = array<i32>} : memref<256x128xf32, #tpu.memory_space<vmem>>, vector<1x16xf32>,
        %get3A_846 = vector.shape_cast %get3A_845 : vector<1x16xf32> to vector<16xf32>
        %mul3A_847 = arith.mulf %get3A_842, %get3A_846 : vector<16xf32>
        %add3A_848 = arith.addf %scan3A_792, %mul3A_847 : vector<16xf32>
        %get3A_849 = arith.index_cast %add3A_798 : i32 to index
        %get3A_850 = arith.constant 80 : index
        %get3A_851 = tpu.vector_load %arg11[%get3A_849, %get3A_850] {strides = array<i32>} : memref<256x128xf32, #tpu.memory_space<vmem>>, vector<1x16xf32>,
        %get3A_852 = vector.shape_cast %get3A_851 : vector<1x16xf32> to vector<16xf32>
        %get3A_853 = arith.index_cast %add3A_798 : i32 to index
        %get3A_854 = arith.constant 80 : index
        %get3A_855 = tpu.vector_load %arg10[%get3A_853, %get3A_854] {strides = array<i32>} : memref<256x128xf32, #tpu.memory_space<vmem>>, vector<1x16xf32>,
        %get3A_856 = vector.shape_cast %get3A_855 : vector<1x16xf32> to vector<16xf32>
        %mul3A_857 = arith.mulf %get3A_852, %get3A_856 : vector<16xf32>
        %add3A_858 = arith.addf %scan3A_793, %mul3A_857 : vector<16xf32>
        %get3A_859 = arith.index_cast %add3A_798 : i32 to index
        %get3A_860 = arith.constant 96 : index
        %get3A_861 = tpu.vector_load %arg11[%get3A_859, %get3A_860] {strides = array<i32>} : memref<256x128xf32, #tpu.memory_space<vmem>>, vector<1x16xf32>,
        %get3A_862 = vector.shape_cast %get3A_861 : vector<1x16xf32> to vector<16xf32>
        %get3A_863 = arith.index_cast %add3A_798 : i32 to index
        %get3A_864 = arith.constant 96 : index
        %get3A_865 = tpu.vector_load %arg10[%get3A_863, %get3A_864] {strides = array<i32>} : memref<256x128xf32, #tpu.memory_space<vmem>>, vector<1x16xf32>,
        %get3A_866 = vector.shape_cast %get3A_865 : vector<1x16xf32> to vector<16xf32>
        %mul3A_867 = arith.mulf %get3A_862, %get3A_866 : vector<16xf32>
        %add3A_868 = arith.addf %scan3A_794, %mul3A_867 : vector<16xf32>
        %get3A_869 = arith.index_cast %add3A_798 : i32 to index
        %get3A_870 = arith.constant 112 : index
        %get3A_871 = tpu.vector_load %arg11[%get3A_869, %get3A_870] {strides = array<i32>} : memref<256x128xf32, #tpu.memory_space<vmem>>, vector<1x16xf32>,
        %get3A_872 = vector.shape_cast %get3A_871 : vector<1x16xf32> to vector<16xf32>
        %get3A_873 = arith.index_cast %add3A_798 : i32 to index
        %get3A_874 = arith.constant 112 : index
        %get3A_875 = tpu.vector_load %arg10[%get3A_873, %get3A_874] {strides = array<i32>} : memref<256x128xf32, #tpu.memory_space<vmem>>, vector<1x16xf32>,
        %get3A_876 = vector.shape_cast %get3A_875 : vector<1x16xf32> to vector<16xf32>
        %mul3A_877 = arith.mulf %get3A_872, %get3A_876 : vector<16xf32>
        %add3A_878 = arith.addf %scan3A_795, %mul3A_877 : vector<16xf32>
        %scan3A_879 = arith.constant 1 : i32
        %scan3A_880 = arith.addi %scan3A_787, %scan3A_879 : i32
        %add3A_881 = arith.constant 0 : i32
        %add3A_882 = arith.addi %mul3A_575, %add3A_881 : i32
        %add3A_883 = arith.addi %add3A_882, %scan3A_880 : i32
        %get3A_884 = arith.index_cast %add3A_883 : i32 to index
        %get3A_885 = arith.constant 0 : index
        %get3A_886 = tpu.vector_load %arg11[%get3A_884, %get3A_885] {strides = array<i32>} : memref<256x128xf32, #tpu.memory_space<vmem>>, vector<1x16xf32>,
        %get3A_887 = vector.shape_cast %get3A_886 : vector<1x16xf32> to vector<16xf32>
        %get3A_888 = arith.index_cast %add3A_883 : i32 to index
        %get3A_889 = arith.constant 0 : index
        %get3A_890 = tpu.vector_load %arg10[%get3A_888, %get3A_889] {strides = array<i32>} : memref<256x128xf32, #tpu.memory_space<vmem>>, vector<1x16xf32>,
        %get3A_891 = vector.shape_cast %get3A_890 : vector<1x16xf32> to vector<16xf32>
        %mul3A_892 = arith.mulf %get3A_887, %get3A_891 : vector<16xf32>
        %add3A_893 = arith.addf %add3A_808, %mul3A_892 : vector<16xf32>
        %get3A_894 = arith.index_cast %add3A_883 : i32 to index
        %get3A_895 = arith.constant 16 : index
        %get3A_896 = tpu.vector_load %arg11[%get3A_894, %get3A_895] {strides = array<i32>} : memref<256x128xf32, #tpu.memory_space<vmem>>, vector<1x16xf32>,
        %get3A_897 = vector.shape_cast %get3A_896 : vector<1x16xf32> to vector<16xf32>
        %get3A_898 = arith.index_cast %add3A_883 : i32 to index
        %get3A_899 = arith.constant 16 : index
        %get3A_900 = tpu.vector_load %arg10[%get3A_898, %get3A_899] {strides = array<i32>} : memref<256x128xf32, #tpu.memory_space<vmem>>, vector<1x16xf32>,
        %get3A_901 = vector.shape_cast %get3A_900 : vector<1x16xf32> to vector<16xf32>
        %mul3A_902 = arith.mulf %get3A_897, %get3A_901 : vector<16xf32>
        %add3A_903 = arith.addf %add3A_818, %mul3A_902 : vector<16xf32>
        %get3A_904 = arith.index_cast %add3A_883 : i32 to index
        %get3A_905 = arith.constant 32 : index
        %get3A_906 = tpu.vector_load %arg11[%get3A_904, %get3A_905] {strides = array<i32>} : memref<256x128xf32, #tpu.memory_space<vmem>>, vector<1x16xf32>,
        %get3A_907 = vector.shape_cast %get3A_906 : vector<1x16xf32> to vector<16xf32>
        %get3A_908 = arith.index_cast %add3A_883 : i32 to index
        %get3A_909 = arith.constant 32 : index
        %get3A_910 = tpu.vector_load %arg10[%get3A_908, %get3A_909] {strides = array<i32>} : memref<256x128xf32, #tpu.memory_space<vmem>>, vector<1x16xf32>,
        %get3A_911 = vector.shape_cast %get3A_910 : vector<1x16xf32> to vector<16xf32>
        %mul3A_912 = arith.mulf %get3A_907, %get3A_911 : vector<16xf32>
        %add3A_913 = arith.addf %add3A_828, %mul3A_912 : vector<16xf32>
        %get3A_914 = arith.index_cast %add3A_883 : i32 to index
        %get3A_915 = arith.constant 48 : index
        %get3A_916 = tpu.vector_load %arg11[%get3A_914, %get3A_915] {strides = array<i32>} : memref<256x128xf32, #tpu.memory_space<vmem>>, vector<1x16xf32>,
        %get3A_917 = vector.shape_cast %get3A_916 : vector<1x16xf32> to vector<16xf32>
        %get3A_918 = arith.index_cast %add3A_883 : i32 to index
        %get3A_919 = arith.constant 48 : index
        %get3A_920 = tpu.vector_load %arg10[%get3A_918, %get3A_919] {strides = array<i32>} : memref<256x128xf32, #tpu.memory_space<vmem>>, vector<1x16xf32>,
        %get3A_921 = vector.shape_cast %get3A_920 : vector<1x16xf32> to vector<16xf32>
        %mul3A_922 = arith.mulf %get3A_917, %get3A_921 : vector<16xf32>
        %add3A_923 = arith.addf %add3A_838, %mul3A_922 : vector<16xf32>
        %get3A_924 = arith.index_cast %add3A_883 : i32 to index
        %get3A_925 = arith.constant 64 : index
        %get3A_926 = tpu.vector_load %arg11[%get3A_924, %get3A_925] {strides = array<i32>} : memref<256x128xf32, #tpu.memory_space<vmem>>, vector<1x16xf32>,
        %get3A_927 = vector.shape_cast %get3A_926 : vector<1x16xf32> to vector<16xf32>
        %get3A_928 = arith.index_cast %add3A_883 : i32 to index
        %get3A_929 = arith.constant 64 : index
        %get3A_930 = tpu.vector_load %arg10[%get3A_928, %get3A_929] {strides = array<i32>} : memref<256x128xf32, #tpu.memory_space<vmem>>, vector<1x16xf32>,
        %get3A_931 = vector.shape_cast %get3A_930 : vector<1x16xf32> to vector<16xf32>
        %mul3A_932 = arith.mulf %get3A_927, %get3A_931 : vector<16xf32>
        %add3A_933 = arith.addf %add3A_848, %mul3A_932 : vector<16xf32>
        %get3A_934 = arith.index_cast %add3A_883 : i32 to index
        %get3A_935 = arith.constant 80 : index
        %get3A_936 = tpu.vector_load %arg11[%get3A_934, %get3A_935] {strides = array<i32>} : memref<256x128xf32, #tpu.memory_space<vmem>>, vector<1x16xf32>,
        %get3A_937 = vector.shape_cast %get3A_936 : vector<1x16xf32> to vector<16xf32>
        %get3A_938 = arith.index_cast %add3A_883 : i32 to index
        %get3A_939 = arith.constant 80 : index
        %get3A_940 = tpu.vector_load %arg10[%get3A_938, %get3A_939] {strides = array<i32>} : memref<256x128xf32, #tpu.memory_space<vmem>>, vector<1x16xf32>,
        %get3A_941 = vector.shape_cast %get3A_940 : vector<1x16xf32> to vector<16xf32>
        %mul3A_942 = arith.mulf %get3A_937, %get3A_941 : vector<16xf32>
        %add3A_943 = arith.addf %add3A_858, %mul3A_942 : vector<16xf32>
        %get3A_944 = arith.index_cast %add3A_883 : i32 to index
        %get3A_945 = arith.constant 96 : index
        %get3A_946 = tpu.vector_load %arg11[%get3A_944, %get3A_945] {strides = array<i32>} : memref<256x128xf32, #tpu.memory_space<vmem>>, vector<1x16xf32>,
        %get3A_947 = vector.shape_cast %get3A_946 : vector<1x16xf32> to vector<16xf32>
        %get3A_948 = arith.index_cast %add3A_883 : i32 to index
        %get3A_949 = arith.constant 96 : index
        %get3A_950 = tpu.vector_load %arg10[%get3A_948, %get3A_949] {strides = array<i32>} : memref<256x128xf32, #tpu.memory_space<vmem>>, vector<1x16xf32>,
        %get3A_951 = vector.shape_cast %get3A_950 : vector<1x16xf32> to vector<16xf32>
        %mul3A_952 = arith.mulf %get3A_947, %get3A_951 : vector<16xf32>
        %add3A_953 = arith.addf %add3A_868, %mul3A_952 : vector<16xf32>
        %get3A_954 = arith.index_cast %add3A_883 : i32 to index
        %get3A_955 = arith.constant 112 : index
        %get3A_956 = tpu.vector_load %arg11[%get3A_954, %get3A_955] {strides = array<i32>} : memref<256x128xf32, #tpu.memory_space<vmem>>, vector<1x16xf32>,
        %get3A_957 = vector.shape_cast %get3A_956 : vector<1x16xf32> to vector<16xf32>
        %get3A_958 = arith.index_cast %add3A_883 : i32 to index
        %get3A_959 = arith.constant 112 : index
        %get3A_960 = tpu.vector_load %arg10[%get3A_958, %get3A_959] {strides = array<i32>} : memref<256x128xf32, #tpu.memory_space<vmem>>, vector<1x16xf32>,
        %get3A_961 = vector.shape_cast %get3A_960 : vector<1x16xf32> to vector<16xf32>
        %mul3A_962 = arith.mulf %get3A_957, %get3A_961 : vector<16xf32>
        %add3A_963 = arith.addf %add3A_878, %mul3A_962 : vector<16xf32>
        %scan3A_964 = arith.constant 2 : i32
        %scan3A_965 = arith.addi %scan3A_787, %scan3A_964 : i32
        %add3A_966 = arith.constant 0 : i32
        %add3A_967 = arith.addi %mul3A_575, %add3A_966 : i32
        %add3A_968 = arith.addi %add3A_967, %scan3A_965 : i32
        %get3A_969 = arith.index_cast %add3A_968 : i32 to index
        %get3A_970 = arith.constant 0 : index
        %get3A_971 = tpu.vector_load %arg11[%get3A_969, %get3A_970] {strides = array<i32>} : memref<256x128xf32, #tpu.memory_space<vmem>>, vector<1x16xf32>,
        %get3A_972 = vector.shape_cast %get3A_971 : vector<1x16xf32> to vector<16xf32>
        %get3A_973 = arith.index_cast %add3A_968 : i32 to index
        %get3A_974 = arith.constant 0 : index
        %get3A_975 = tpu.vector_load %arg10[%get3A_973, %get3A_974] {strides = array<i32>} : memref<256x128xf32, #tpu.memory_space<vmem>>, vector<1x16xf32>,
        %get3A_976 = vector.shape_cast %get3A_975 : vector<1x16xf32> to vector<16xf32>
        %mul3A_977 = arith.mulf %get3A_972, %get3A_976 : vector<16xf32>
        %add3A_978 = arith.addf %add3A_893, %mul3A_977 : vector<16xf32>
        %get3A_979 = arith.index_cast %add3A_968 : i32 to index
        %get3A_980 = arith.constant 16 : index
        %get3A_981 = tpu.vector_load %arg11[%get3A_979, %get3A_980] {strides = array<i32>} : memref<256x128xf32, #tpu.memory_space<vmem>>, vector<1x16xf32>,
        %get3A_982 = vector.shape_cast %get3A_981 : vector<1x16xf32> to vector<16xf32>
        %get3A_983 = arith.index_cast %add3A_968 : i32 to index
        %get3A_984 = arith.constant 16 : index
        %get3A_985 = tpu.vector_load %arg10[%get3A_983, %get3A_984] {strides = array<i32>} : memref<256x128xf32, #tpu.memory_space<vmem>>, vector<1x16xf32>,
        %get3A_986 = vector.shape_cast %get3A_985 : vector<1x16xf32> to vector<16xf32>
        %mul3A_987 = arith.mulf %get3A_982, %get3A_986 : vector<16xf32>
        %add3A_988 = arith.addf %add3A_903, %mul3A_987 : vector<16xf32>
        %get3A_989 = arith.index_cast %add3A_968 : i32 to index
        %get3A_990 = arith.constant 32 : index
        %get3A_991 = tpu.vector_load %arg11[%get3A_989, %get3A_990] {strides = array<i32>} : memref<256x128xf32, #tpu.memory_space<vmem>>, vector<1x16xf32>,
        %get3A_992 = vector.shape_cast %get3A_991 : vector<1x16xf32> to vector<16xf32>
        %get3A_993 = arith.index_cast %add3A_968 : i32 to index
        %get3A_994 = arith.constant 32 : index
        %get3A_995 = tpu.vector_load %arg10[%get3A_993, %get3A_994] {strides = array<i32>} : memref<256x128xf32, #tpu.memory_space<vmem>>, vector<1x16xf32>,
        %get3A_996 = vector.shape_cast %get3A_995 : vector<1x16xf32> to vector<16xf32>
        %mul3A_997 = arith.mulf %get3A_992, %get3A_996 : vector<16xf32>
        %add3A_998 = arith.addf %add3A_913, %mul3A_997 : vector<16xf32>
        %get3A_999 = arith.index_cast %add3A_968 : i32 to index
        %get3A_1000 = arith.constant 48 : index
        %get3A_1001 = tpu.vector_load %arg11[%get3A_999, %get3A_1000] {strides = array<i32>} : memref<256x128xf32, #tpu.memory_space<vmem>>, vector<1x16xf32>,
        %get3A_1002 = vector.shape_cast %get3A_1001 : vector<1x16xf32> to vector<16xf32>
        %get3A_1003 = arith.index_cast %add3A_968 : i32 to index
        %get3A_1004 = arith.constant 48 : index
        %get3A_1005 = tpu.vector_load %arg10[%get3A_1003, %get3A_1004] {strides = array<i32>} : memref<256x128xf32, #tpu.memory_space<vmem>>, vector<1x16xf32>,
        %get3A_1006 = vector.shape_cast %get3A_1005 : vector<1x16xf32> to vector<16xf32>
        %mul3A_1007 = arith.mulf %get3A_1002, %get3A_1006 : vector<16xf32>
        %add3A_1008 = arith.addf %add3A_923, %mul3A_1007 : vector<16xf32>
        %get3A_1009 = arith.index_cast %add3A_968 : i32 to index
        %get3A_1010 = arith.constant 64 : index
        %get3A_1011 = tpu.vector_load %arg11[%get3A_1009, %get3A_1010] {strides = array<i32>} : memref<256x128xf32, #tpu.memory_space<vmem>>, vector<1x16xf32>,
        %get3A_1012 = vector.shape_cast %get3A_1011 : vector<1x16xf32> to vector<16xf32>
        %get3A_1013 = arith.index_cast %add3A_968 : i32 to index
        %get3A_1014 = arith.constant 64 : index
        %get3A_1015 = tpu.vector_load %arg10[%get3A_1013, %get3A_1014] {strides = array<i32>} : memref<256x128xf32, #tpu.memory_space<vmem>>, vector<1x16xf32>,
        %get3A_1016 = vector.shape_cast %get3A_1015 : vector<1x16xf32> to vector<16xf32>
        %mul3A_1017 = arith.mulf %get3A_1012, %get3A_1016 : vector<16xf32>
        %add3A_1018 = arith.addf %add3A_933, %mul3A_1017 : vector<16xf32>
        %get3A_1019 = arith.index_cast %add3A_968 : i32 to index
        %get3A_1020 = arith.constant 80 : index
        %get3A_1021 = tpu.vector_load %arg11[%get3A_1019, %get3A_1020] {strides = array<i32>} : memref<256x128xf32, #tpu.memory_space<vmem>>, vector<1x16xf32>,
        %get3A_1022 = vector.shape_cast %get3A_1021 : vector<1x16xf32> to vector<16xf32>
        %get3A_1023 = arith.index_cast %add3A_968 : i32 to index
        %get3A_1024 = arith.constant 80 : index
        %get3A_1025 = tpu.vector_load %arg10[%get3A_1023, %get3A_1024] {strides = array<i32>} : memref<256x128xf32, #tpu.memory_space<vmem>>, vector<1x16xf32>,
        %get3A_1026 = vector.shape_cast %get3A_1025 : vector<1x16xf32> to vector<16xf32>
        %mul3A_1027 = arith.mulf %get3A_1022, %get3A_1026 : vector<16xf32>
        %add3A_1028 = arith.addf %add3A_943, %mul3A_1027 : vector<16xf32>
        %get3A_1029 = arith.index_cast %add3A_968 : i32 to index
        %get3A_1030 = arith.constant 96 : index
        %get3A_1031 = tpu.vector_load %arg11[%get3A_1029, %get3A_1030] {strides = array<i32>} : memref<256x128xf32, #tpu.memory_space<vmem>>, vector<1x16xf32>,
        %get3A_1032 = vector.shape_cast %get3A_1031 : vector<1x16xf32> to vector<16xf32>
        %get3A_1033 = arith.index_cast %add3A_968 : i32 to index
        %get3A_1034 = arith.constant 96 : index
        %get3A_1035 = tpu.vector_load %arg10[%get3A_1033, %get3A_1034] {strides = array<i32>} : memref<256x128xf32, #tpu.memory_space<vmem>>, vector<1x16xf32>,
        %get3A_1036 = vector.shape_cast %get3A_1035 : vector<1x16xf32> to vector<16xf32>
        %mul3A_1037 = arith.mulf %get3A_1032, %get3A_1036 : vector<16xf32>
        %add3A_1038 = arith.addf %add3A_953, %mul3A_1037 : vector<16xf32>
        %get3A_1039 = arith.index_cast %add3A_968 : i32 to index
        %get3A_1040 = arith.constant 112 : index
        %get3A_1041 = tpu.vector_load %arg11[%get3A_1039, %get3A_1040] {strides = array<i32>} : memref<256x128xf32, #tpu.memory_space<vmem>>, vector<1x16xf32>,
        %get3A_1042 = vector.shape_cast %get3A_1041 : vector<1x16xf32> to vector<16xf32>
        %get3A_1043 = arith.index_cast %add3A_968 : i32 to index
        %get3A_1044 = arith.constant 112 : index
        %get3A_1045 = tpu.vector_load %arg10[%get3A_1043, %get3A_1044] {strides = array<i32>} : memref<256x128xf32, #tpu.memory_space<vmem>>, vector<1x16xf32>,
        %get3A_1046 = vector.shape_cast %get3A_1045 : vector<1x16xf32> to vector<16xf32>
        %mul3A_1047 = arith.mulf %get3A_1042, %get3A_1046 : vector<16xf32>
        %add3A_1048 = arith.addf %add3A_963, %mul3A_1047 : vector<16xf32>
        %scan3A_1049 = arith.constant 3 : i32
        %scan3A_1050 = arith.addi %scan3A_787, %scan3A_1049 : i32
        %add3A_1051 = arith.constant 0 : i32
        %add3A_1052 = arith.addi %mul3A_575, %add3A_1051 : i32
        %add3A_1053 = arith.addi %add3A_1052, %scan3A_1050 : i32
        %get3A_1054 = arith.index_cast %add3A_1053 : i32 to index
        %get3A_1055 = arith.constant 0 : index
        %get3A_1056 = tpu.vector_load %arg11[%get3A_1054, %get3A_1055] {strides = array<i32>} : memref<256x128xf32, #tpu.memory_space<vmem>>, vector<1x16xf32>,
        %get3A_1057 = vector.shape_cast %get3A_1056 : vector<1x16xf32> to vector<16xf32>
        %get3A_1058 = arith.index_cast %add3A_1053 : i32 to index
        %get3A_1059 = arith.constant 0 : index
        %get3A_1060 = tpu.vector_load %arg10[%get3A_1058, %get3A_1059] {strides = array<i32>} : memref<256x128xf32, #tpu.memory_space<vmem>>, vector<1x16xf32>,
        %get3A_1061 = vector.shape_cast %get3A_1060 : vector<1x16xf32> to vector<16xf32>
        %mul3A_1062 = arith.mulf %get3A_1057, %get3A_1061 : vector<16xf32>
        %add3A_1063 = arith.addf %add3A_978, %mul3A_1062 : vector<16xf32>
        %get3A_1064 = arith.index_cast %add3A_1053 : i32 to index
        %get3A_1065 = arith.constant 16 : index
        %get3A_1066 = tpu.vector_load %arg11[%get3A_1064, %get3A_1065] {strides = array<i32>} : memref<256x128xf32, #tpu.memory_space<vmem>>, vector<1x16xf32>,
        %get3A_1067 = vector.shape_cast %get3A_1066 : vector<1x16xf32> to vector<16xf32>
        %get3A_1068 = arith.index_cast %add3A_1053 : i32 to index
        %get3A_1069 = arith.constant 16 : index
        %get3A_1070 = tpu.vector_load %arg10[%get3A_1068, %get3A_1069] {strides = array<i32>} : memref<256x128xf32, #tpu.memory_space<vmem>>, vector<1x16xf32>,
        %get3A_1071 = vector.shape_cast %get3A_1070 : vector<1x16xf32> to vector<16xf32>
        %mul3A_1072 = arith.mulf %get3A_1067, %get3A_1071 : vector<16xf32>
        %add3A_1073 = arith.addf %add3A_988, %mul3A_1072 : vector<16xf32>
        %get3A_1074 = arith.index_cast %add3A_1053 : i32 to index
        %get3A_1075 = arith.constant 32 : index
        %get3A_1076 = tpu.vector_load %arg11[%get3A_1074, %get3A_1075] {strides = array<i32>} : memref<256x128xf32, #tpu.memory_space<vmem>>, vector<1x16xf32>,
        %get3A_1077 = vector.shape_cast %get3A_1076 : vector<1x16xf32> to vector<16xf32>
        %get3A_1078 = arith.index_cast %add3A_1053 : i32 to index
        %get3A_1079 = arith.constant 32 : index
        %get3A_1080 = tpu.vector_load %arg10[%get3A_1078, %get3A_1079] {strides = array<i32>} : memref<256x128xf32, #tpu.memory_space<vmem>>, vector<1x16xf32>,
        %get3A_1081 = vector.shape_cast %get3A_1080 : vector<1x16xf32> to vector<16xf32>
        %mul3A_1082 = arith.mulf %get3A_1077, %get3A_1081 : vector<16xf32>
        %add3A_1083 = arith.addf %add3A_998, %mul3A_1082 : vector<16xf32>
        %get3A_1084 = arith.index_cast %add3A_1053 : i32 to index
        %get3A_1085 = arith.constant 48 : index
        %get3A_1086 = tpu.vector_load %arg11[%get3A_1084, %get3A_1085] {strides = array<i32>} : memref<256x128xf32, #tpu.memory_space<vmem>>, vector<1x16xf32>,
        %get3A_1087 = vector.shape_cast %get3A_1086 : vector<1x16xf32> to vector<16xf32>
        %get3A_1088 = arith.index_cast %add3A_1053 : i32 to index
        %get3A_1089 = arith.constant 48 : index
        %get3A_1090 = tpu.vector_load %arg10[%get3A_1088, %get3A_1089] {strides = array<i32>} : memref<256x128xf32, #tpu.memory_space<vmem>>, vector<1x16xf32>,
        %get3A_1091 = vector.shape_cast %get3A_1090 : vector<1x16xf32> to vector<16xf32>
        %mul3A_1092 = arith.mulf %get3A_1087, %get3A_1091 : vector<16xf32>
        %add3A_1093 = arith.addf %add3A_1008, %mul3A_1092 : vector<16xf32>
        %get3A_1094 = arith.index_cast %add3A_1053 : i32 to index
        %get3A_1095 = arith.constant 64 : index
        %get3A_1096 = tpu.vector_load %arg11[%get3A_1094, %get3A_1095] {strides = array<i32>} : memref<256x128xf32, #tpu.memory_space<vmem>>, vector<1x16xf32>,
        %get3A_1097 = vector.shape_cast %get3A_1096 : vector<1x16xf32> to vector<16xf32>
        %get3A_1098 = arith.index_cast %add3A_1053 : i32 to index
        %get3A_1099 = arith.constant 64 : index
        %get3A_1100 = tpu.vector_load %arg10[%get3A_1098, %get3A_1099] {strides = array<i32>} : memref<256x128xf32, #tpu.memory_space<vmem>>, vector<1x16xf32>,
        %get3A_1101 = vector.shape_cast %get3A_1100 : vector<1x16xf32> to vector<16xf32>
        %mul3A_1102 = arith.mulf %get3A_1097, %get3A_1101 : vector<16xf32>
        %add3A_1103 = arith.addf %add3A_1018, %mul3A_1102 : vector<16xf32>
        %get3A_1104 = arith.index_cast %add3A_1053 : i32 to index
        %get3A_1105 = arith.constant 80 : index
        %get3A_1106 = tpu.vector_load %arg11[%get3A_1104, %get3A_1105] {strides = array<i32>} : memref<256x128xf32, #tpu.memory_space<vmem>>, vector<1x16xf32>,
        %get3A_1107 = vector.shape_cast %get3A_1106 : vector<1x16xf32> to vector<16xf32>
        %get3A_1108 = arith.index_cast %add3A_1053 : i32 to index
        %get3A_1109 = arith.constant 80 : index
        %get3A_1110 = tpu.vector_load %arg10[%get3A_1108, %get3A_1109] {strides = array<i32>} : memref<256x128xf32, #tpu.memory_space<vmem>>, vector<1x16xf32>,
        %get3A_1111 = vector.shape_cast %get3A_1110 : vector<1x16xf32> to vector<16xf32>
        %mul3A_1112 = arith.mulf %get3A_1107, %get3A_1111 : vector<16xf32>
        %add3A_1113 = arith.addf %add3A_1028, %mul3A_1112 : vector<16xf32>
        %get3A_1114 = arith.index_cast %add3A_1053 : i32 to index
        %get3A_1115 = arith.constant 96 : index
        %get3A_1116 = tpu.vector_load %arg11[%get3A_1114, %get3A_1115] {strides = array<i32>} : memref<256x128xf32, #tpu.memory_space<vmem>>, vector<1x16xf32>,
        %get3A_1117 = vector.shape_cast %get3A_1116 : vector<1x16xf32> to vector<16xf32>
        %get3A_1118 = arith.index_cast %add3A_1053 : i32 to index
        %get3A_1119 = arith.constant 96 : index
        %get3A_1120 = tpu.vector_load %arg10[%get3A_1118, %get3A_1119] {strides = array<i32>} : memref<256x128xf32, #tpu.memory_space<vmem>>, vector<1x16xf32>,
        %get3A_1121 = vector.shape_cast %get3A_1120 : vector<1x16xf32> to vector<16xf32>
        %mul3A_1122 = arith.mulf %get3A_1117, %get3A_1121 : vector<16xf32>
        %add3A_1123 = arith.addf %add3A_1038, %mul3A_1122 : vector<16xf32>
        %get3A_1124 = arith.index_cast %add3A_1053 : i32 to index
        %get3A_1125 = arith.constant 112 : index
        %get3A_1126 = tpu.vector_load %arg11[%get3A_1124, %get3A_1125] {strides = array<i32>} : memref<256x128xf32, #tpu.memory_space<vmem>>, vector<1x16xf32>,
        %get3A_1127 = vector.shape_cast %get3A_1126 : vector<1x16xf32> to vector<16xf32>
        %get3A_1128 = arith.index_cast %add3A_1053 : i32 to index
        %get3A_1129 = arith.constant 112 : index
        %get3A_1130 = tpu.vector_load %arg10[%get3A_1128, %get3A_1129] {strides = array<i32>} : memref<256x128xf32, #tpu.memory_space<vmem>>, vector<1x16xf32>,
        %get3A_1131 = vector.shape_cast %get3A_1130 : vector<1x16xf32> to vector<16xf32>
        %mul3A_1132 = arith.mulf %get3A_1127, %get3A_1131 : vector<16xf32>
        %add3A_1133 = arith.addf %add3A_1048, %mul3A_1132 : vector<16xf32>
        %scan3A_1134 = arith.constant 4 : i32
        %scan3A_1135 = arith.addi %scan3A_787, %scan3A_1134 : i32
        %add3A_1136 = arith.constant 0 : i32
        %add3A_1137 = arith.addi %mul3A_575, %add3A_1136 : i32
        %add3A_1138 = arith.addi %add3A_1137, %scan3A_1135 : i32
        %get3A_1139 = arith.index_cast %add3A_1138 : i32 to index
        %get3A_1140 = arith.constant 0 : index
        %get3A_1141 = tpu.vector_load %arg11[%get3A_1139, %get3A_1140] {strides = array<i32>} : memref<256x128xf32, #tpu.memory_space<vmem>>, vector<1x16xf32>,
        %get3A_1142 = vector.shape_cast %get3A_1141 : vector<1x16xf32> to vector<16xf32>
        %get3A_1143 = arith.index_cast %add3A_1138 : i32 to index
        %get3A_1144 = arith.constant 0 : index
        %get3A_1145 = tpu.vector_load %arg10[%get3A_1143, %get3A_1144] {strides = array<i32>} : memref<256x128xf32, #tpu.memory_space<vmem>>, vector<1x16xf32>,
        %get3A_1146 = vector.shape_cast %get3A_1145 : vector<1x16xf32> to vector<16xf32>
        %mul3A_1147 = arith.mulf %get3A_1142, %get3A_1146 : vector<16xf32>
        %add3A_1148 = arith.addf %add3A_1063, %mul3A_1147 : vector<16xf32>
        %get3A_1149 = arith.index_cast %add3A_1138 : i32 to index
        %get3A_1150 = arith.constant 16 : index
        %get3A_1151 = tpu.vector_load %arg11[%get3A_1149, %get3A_1150] {strides = array<i32>} : memref<256x128xf32, #tpu.memory_space<vmem>>, vector<1x16xf32>,
        %get3A_1152 = vector.shape_cast %get3A_1151 : vector<1x16xf32> to vector<16xf32>
        %get3A_1153 = arith.index_cast %add3A_1138 : i32 to index
        %get3A_1154 = arith.constant 16 : index
        %get3A_1155 = tpu.vector_load %arg10[%get3A_1153, %get3A_1154] {strides = array<i32>} : memref<256x128xf32, #tpu.memory_space<vmem>>, vector<1x16xf32>,
        %get3A_1156 = vector.shape_cast %get3A_1155 : vector<1x16xf32> to vector<16xf32>
        %mul3A_1157 = arith.mulf %get3A_1152, %get3A_1156 : vector<16xf32>
        %add3A_1158 = arith.addf %add3A_1073, %mul3A_1157 : vector<16xf32>
        %get3A_1159 = arith.index_cast %add3A_1138 : i32 to index
        %get3A_1160 = arith.constant 32 : index
        %get3A_1161 = tpu.vector_load %arg11[%get3A_1159, %get3A_1160] {strides = array<i32>} : memref<256x128xf32, #tpu.memory_space<vmem>>, vector<1x16xf32>,
        %get3A_1162 = vector.shape_cast %get3A_1161 : vector<1x16xf32> to vector<16xf32>
        %get3A_1163 = arith.index_cast %add3A_1138 : i32 to index
        %get3A_1164 = arith.constant 32 : index
        %get3A_1165 = tpu.vector_load %arg10[%get3A_1163, %get3A_1164] {strides = array<i32>} : memref<256x128xf32, #tpu.memory_space<vmem>>, vector<1x16xf32>,
        %get3A_1166 = vector.shape_cast %get3A_1165 : vector<1x16xf32> to vector<16xf32>
        %mul3A_1167 = arith.mulf %get3A_1162, %get3A_1166 : vector<16xf32>
        %add3A_1168 = arith.addf %add3A_1083, %mul3A_1167 : vector<16xf32>
        %get3A_1169 = arith.index_cast %add3A_1138 : i32 to index
        %get3A_1170 = arith.constant 48 : index
        %get3A_1171 = tpu.vector_load %arg11[%get3A_1169, %get3A_1170] {strides = array<i32>} : memref<256x128xf32, #tpu.memory_space<vmem>>, vector<1x16xf32>,
        %get3A_1172 = vector.shape_cast %get3A_1171 : vector<1x16xf32> to vector<16xf32>
        %get3A_1173 = arith.index_cast %add3A_1138 : i32 to index
        %get3A_1174 = arith.constant 48 : index
        %get3A_1175 = tpu.vector_load %arg10[%get3A_1173, %get3A_1174] {strides = array<i32>} : memref<256x128xf32, #tpu.memory_space<vmem>>, vector<1x16xf32>,
        %get3A_1176 = vector.shape_cast %get3A_1175 : vector<1x16xf32> to vector<16xf32>
        %mul3A_1177 = arith.mulf %get3A_1172, %get3A_1176 : vector<16xf32>
        %add3A_1178 = arith.addf %add3A_1093, %mul3A_1177 : vector<16xf32>
        %get3A_1179 = arith.index_cast %add3A_1138 : i32 to index
        %get3A_1180 = arith.constant 64 : index
        %get3A_1181 = tpu.vector_load %arg11[%get3A_1179, %get3A_1180] {strides = array<i32>} : memref<256x128xf32, #tpu.memory_space<vmem>>, vector<1x16xf32>,
        %get3A_1182 = vector.shape_cast %get3A_1181 : vector<1x16xf32> to vector<16xf32>
        %get3A_1183 = arith.index_cast %add3A_1138 : i32 to index
        %get3A_1184 = arith.constant 64 : index
        %get3A_1185 = tpu.vector_load %arg10[%get3A_1183, %get3A_1184] {strides = array<i32>} : memref<256x128xf32, #tpu.memory_space<vmem>>, vector<1x16xf32>,
        %get3A_1186 = vector.shape_cast %get3A_1185 : vector<1x16xf32> to vector<16xf32>
        %mul3A_1187 = arith.mulf %get3A_1182, %get3A_1186 : vector<16xf32>
        %add3A_1188 = arith.addf %add3A_1103, %mul3A_1187 : vector<16xf32>
        %get3A_1189 = arith.index_cast %add3A_1138 : i32 to index
        %get3A_1190 = arith.constant 80 : index
        %get3A_1191 = tpu.vector_load %arg11[%get3A_1189, %get3A_1190] {strides = array<i32>} : memref<256x128xf32, #tpu.memory_space<vmem>>, vector<1x16xf32>,
        %get3A_1192 = vector.shape_cast %get3A_1191 : vector<1x16xf32> to vector<16xf32>
        %get3A_1193 = arith.index_cast %add3A_1138 : i32 to index
        %get3A_1194 = arith.constant 80 : index
        %get3A_1195 = tpu.vector_load %arg10[%get3A_1193, %get3A_1194] {strides = array<i32>} : memref<256x128xf32, #tpu.memory_space<vmem>>, vector<1x16xf32>,
        %get3A_1196 = vector.shape_cast %get3A_1195 : vector<1x16xf32> to vector<16xf32>
        %mul3A_1197 = arith.mulf %get3A_1192, %get3A_1196 : vector<16xf32>
        %add3A_1198 = arith.addf %add3A_1113, %mul3A_1197 : vector<16xf32>
        %get3A_1199 = arith.index_cast %add3A_1138 : i32 to index
        %get3A_1200 = arith.constant 96 : index
        %get3A_1201 = tpu.vector_load %arg11[%get3A_1199, %get3A_1200] {strides = array<i32>} : memref<256x128xf32, #tpu.memory_space<vmem>>, vector<1x16xf32>,
        %get3A_1202 = vector.shape_cast %get3A_1201 : vector<1x16xf32> to vector<16xf32>
        %get3A_1203 = arith.index_cast %add3A_1138 : i32 to index
        %get3A_1204 = arith.constant 96 : index
        %get3A_1205 = tpu.vector_load %arg10[%get3A_1203, %get3A_1204] {strides = array<i32>} : memref<256x128xf32, #tpu.memory_space<vmem>>, vector<1x16xf32>,
        %get3A_1206 = vector.shape_cast %get3A_1205 : vector<1x16xf32> to vector<16xf32>
        %mul3A_1207 = arith.mulf %get3A_1202, %get3A_1206 : vector<16xf32>
        %add3A_1208 = arith.addf %add3A_1123, %mul3A_1207 : vector<16xf32>
        %get3A_1209 = arith.index_cast %add3A_1138 : i32 to index
        %get3A_1210 = arith.constant 112 : index
        %get3A_1211 = tpu.vector_load %arg11[%get3A_1209, %get3A_1210] {strides = array<i32>} : memref<256x128xf32, #tpu.memory_space<vmem>>, vector<1x16xf32>,
        %get3A_1212 = vector.shape_cast %get3A_1211 : vector<1x16xf32> to vector<16xf32>
        %get3A_1213 = arith.index_cast %add3A_1138 : i32 to index
        %get3A_1214 = arith.constant 112 : index
        %get3A_1215 = tpu.vector_load %arg10[%get3A_1213, %get3A_1214] {strides = array<i32>} : memref<256x128xf32, #tpu.memory_space<vmem>>, vector<1x16xf32>,
        %get3A_1216 = vector.shape_cast %get3A_1215 : vector<1x16xf32> to vector<16xf32>
        %mul3A_1217 = arith.mulf %get3A_1212, %get3A_1216 : vector<16xf32>
        %add3A_1218 = arith.addf %add3A_1133, %mul3A_1217 : vector<16xf32>
        %scan3A_1219 = arith.constant 5 : i32
        %scan3A_1220 = arith.addi %scan3A_787, %scan3A_1219 : i32
        %add3A_1221 = arith.constant 0 : i32
        %add3A_1222 = arith.addi %mul3A_575, %add3A_1221 : i32
        %add3A_1223 = arith.addi %add3A_1222, %scan3A_1220 : i32
        %get3A_1224 = arith.index_cast %add3A_1223 : i32 to index
        %get3A_1225 = arith.constant 0 : index
        %get3A_1226 = tpu.vector_load %arg11[%get3A_1224, %get3A_1225] {strides = array<i32>} : memref<256x128xf32, #tpu.memory_space<vmem>>, vector<1x16xf32>,
        %get3A_1227 = vector.shape_cast %get3A_1226 : vector<1x16xf32> to vector<16xf32>
        %get3A_1228 = arith.index_cast %add3A_1223 : i32 to index
        %get3A_1229 = arith.constant 0 : index
        %get3A_1230 = tpu.vector_load %arg10[%get3A_1228, %get3A_1229] {strides = array<i32>} : memref<256x128xf32, #tpu.memory_space<vmem>>, vector<1x16xf32>,
        %get3A_1231 = vector.shape_cast %get3A_1230 : vector<1x16xf32> to vector<16xf32>
        %mul3A_1232 = arith.mulf %get3A_1227, %get3A_1231 : vector<16xf32>
        %add3A_1233 = arith.addf %add3A_1148, %mul3A_1232 : vector<16xf32>
        %get3A_1234 = arith.index_cast %add3A_1223 : i32 to index
        %get3A_1235 = arith.constant 16 : index
        %get3A_1236 = tpu.vector_load %arg11[%get3A_1234, %get3A_1235] {strides = array<i32>} : memref<256x128xf32, #tpu.memory_space<vmem>>, vector<1x16xf32>,
        %get3A_1237 = vector.shape_cast %get3A_1236 : vector<1x16xf32> to vector<16xf32>
        %get3A_1238 = arith.index_cast %add3A_1223 : i32 to index
        %get3A_1239 = arith.constant 16 : index
        %get3A_1240 = tpu.vector_load %arg10[%get3A_1238, %get3A_1239] {strides = array<i32>} : memref<256x128xf32, #tpu.memory_space<vmem>>, vector<1x16xf32>,
        %get3A_1241 = vector.shape_cast %get3A_1240 : vector<1x16xf32> to vector<16xf32>
        %mul3A_1242 = arith.mulf %get3A_1237, %get3A_1241 : vector<16xf32>
        %add3A_1243 = arith.addf %add3A_1158, %mul3A_1242 : vector<16xf32>
        %get3A_1244 = arith.index_cast %add3A_1223 : i32 to index
        %get3A_1245 = arith.constant 32 : index
        %get3A_1246 = tpu.vector_load %arg11[%get3A_1244, %get3A_1245] {strides = array<i32>} : memref<256x128xf32, #tpu.memory_space<vmem>>, vector<1x16xf32>,
        %get3A_1247 = vector.shape_cast %get3A_1246 : vector<1x16xf32> to vector<16xf32>
        %get3A_1248 = arith.index_cast %add3A_1223 : i32 to index
        %get3A_1249 = arith.constant 32 : index
        %get3A_1250 = tpu.vector_load %arg10[%get3A_1248, %get3A_1249] {strides = array<i32>} : memref<256x128xf32, #tpu.memory_space<vmem>>, vector<1x16xf32>,
        %get3A_1251 = vector.shape_cast %get3A_1250 : vector<1x16xf32> to vector<16xf32>
        %mul3A_1252 = arith.mulf %get3A_1247, %get3A_1251 : vector<16xf32>
        %add3A_1253 = arith.addf %add3A_1168, %mul3A_1252 : vector<16xf32>
        %get3A_1254 = arith.index_cast %add3A_1223 : i32 to index
        %get3A_1255 = arith.constant 48 : index
        %get3A_1256 = tpu.vector_load %arg11[%get3A_1254, %get3A_1255] {strides = array<i32>} : memref<256x128xf32, #tpu.memory_space<vmem>>, vector<1x16xf32>,
        %get3A_1257 = vector.shape_cast %get3A_1256 : vector<1x16xf32> to vector<16xf32>
        %get3A_1258 = arith.index_cast %add3A_1223 : i32 to index
        %get3A_1259 = arith.constant 48 : index
        %get3A_1260 = tpu.vector_load %arg10[%get3A_1258, %get3A_1259] {strides = array<i32>} : memref<256x128xf32, #tpu.memory_space<vmem>>, vector<1x16xf32>,
        %get3A_1261 = vector.shape_cast %get3A_1260 : vector<1x16xf32> to vector<16xf32>
        %mul3A_1262 = arith.mulf %get3A_1257, %get3A_1261 : vector<16xf32>
        %add3A_1263 = arith.addf %add3A_1178, %mul3A_1262 : vector<16xf32>
        %get3A_1264 = arith.index_cast %add3A_1223 : i32 to index
        %get3A_1265 = arith.constant 64 : index
        %get3A_1266 = tpu.vector_load %arg11[%get3A_1264, %get3A_1265] {strides = array<i32>} : memref<256x128xf32, #tpu.memory_space<vmem>>, vector<1x16xf32>,
        %get3A_1267 = vector.shape_cast %get3A_1266 : vector<1x16xf32> to vector<16xf32>
        %get3A_1268 = arith.index_cast %add3A_1223 : i32 to index
        %get3A_1269 = arith.constant 64 : index
        %get3A_1270 = tpu.vector_load %arg10[%get3A_1268, %get3A_1269] {strides = array<i32>} : memref<256x128xf32, #tpu.memory_space<vmem>>, vector<1x16xf32>,
        %get3A_1271 = vector.shape_cast %get3A_1270 : vector<1x16xf32> to vector<16xf32>
        %mul3A_1272 = arith.mulf %get3A_1267, %get3A_1271 : vector<16xf32>
        %add3A_1273 = arith.addf %add3A_1188, %mul3A_1272 : vector<16xf32>
        %get3A_1274 = arith.index_cast %add3A_1223 : i32 to index
        %get3A_1275 = arith.constant 80 : index
        %get3A_1276 = tpu.vector_load %arg11[%get3A_1274, %get3A_1275] {strides = array<i32>} : memref<256x128xf32, #tpu.memory_space<vmem>>, vector<1x16xf32>,
        %get3A_1277 = vector.shape_cast %get3A_1276 : vector<1x16xf32> to vector<16xf32>
        %get3A_1278 = arith.index_cast %add3A_1223 : i32 to index
        %get3A_1279 = arith.constant 80 : index
        %get3A_1280 = tpu.vector_load %arg10[%get3A_1278, %get3A_1279] {strides = array<i32>} : memref<256x128xf32, #tpu.memory_space<vmem>>, vector<1x16xf32>,
        %get3A_1281 = vector.shape_cast %get3A_1280 : vector<1x16xf32> to vector<16xf32>
        %mul3A_1282 = arith.mulf %get3A_1277, %get3A_1281 : vector<16xf32>
        %add3A_1283 = arith.addf %add3A_1198, %mul3A_1282 : vector<16xf32>
        %get3A_1284 = arith.index_cast %add3A_1223 : i32 to index
        %get3A_1285 = arith.constant 96 : index
        %get3A_1286 = tpu.vector_load %arg11[%get3A_1284, %get3A_1285] {strides = array<i32>} : memref<256x128xf32, #tpu.memory_space<vmem>>, vector<1x16xf32>,
        %get3A_1287 = vector.shape_cast %get3A_1286 : vector<1x16xf32> to vector<16xf32>
        %get3A_1288 = arith.index_cast %add3A_1223 : i32 to index
        %get3A_1289 = arith.constant 96 : index
        %get3A_1290 = tpu.vector_load %arg10[%get3A_1288, %get3A_1289] {strides = array<i32>} : memref<256x128xf32, #tpu.memory_space<vmem>>, vector<1x16xf32>,
        %get3A_1291 = vector.shape_cast %get3A_1290 : vector<1x16xf32> to vector<16xf32>
        %mul3A_1292 = arith.mulf %get3A_1287, %get3A_1291 : vector<16xf32>
        %add3A_1293 = arith.addf %add3A_1208, %mul3A_1292 : vector<16xf32>
        %get3A_1294 = arith.index_cast %add3A_1223 : i32 to index
        %get3A_1295 = arith.constant 112 : index
        %get3A_1296 = tpu.vector_load %arg11[%get3A_1294, %get3A_1295] {strides = array<i32>} : memref<256x128xf32, #tpu.memory_space<vmem>>, vector<1x16xf32>,
        %get3A_1297 = vector.shape_cast %get3A_1296 : vector<1x16xf32> to vector<16xf32>
        %get3A_1298 = arith.index_cast %add3A_1223 : i32 to index
        %get3A_1299 = arith.constant 112 : index
        %get3A_1300 = tpu.vector_load %arg10[%get3A_1298, %get3A_1299] {strides = array<i32>} : memref<256x128xf32, #tpu.memory_space<vmem>>, vector<1x16xf32>,
        %get3A_1301 = vector.shape_cast %get3A_1300 : vector<1x16xf32> to vector<16xf32>
        %mul3A_1302 = arith.mulf %get3A_1297, %get3A_1301 : vector<16xf32>
        %add3A_1303 = arith.addf %add3A_1218, %mul3A_1302 : vector<16xf32>
        %scan3A_1304 = arith.constant 6 : i32
        %scan3A_1305 = arith.addi %scan3A_787, %scan3A_1304 : i32
        %add3A_1306 = arith.constant 0 : i32
        %add3A_1307 = arith.addi %mul3A_575, %add3A_1306 : i32
        %add3A_1308 = arith.addi %add3A_1307, %scan3A_1305 : i32
        %get3A_1309 = arith.index_cast %add3A_1308 : i32 to index
        %get3A_1310 = arith.constant 0 : index
        %get3A_1311 = tpu.vector_load %arg11[%get3A_1309, %get3A_1310] {strides = array<i32>} : memref<256x128xf32, #tpu.memory_space<vmem>>, vector<1x16xf32>,
        %get3A_1312 = vector.shape_cast %get3A_1311 : vector<1x16xf32> to vector<16xf32>
        %get3A_1313 = arith.index_cast %add3A_1308 : i32 to index
        %get3A_1314 = arith.constant 0 : index
        %get3A_1315 = tpu.vector_load %arg10[%get3A_1313, %get3A_1314] {strides = array<i32>} : memref<256x128xf32, #tpu.memory_space<vmem>>, vector<1x16xf32>,
        %get3A_1316 = vector.shape_cast %get3A_1315 : vector<1x16xf32> to vector<16xf32>
        %mul3A_1317 = arith.mulf %get3A_1312, %get3A_1316 : vector<16xf32>
        %add3A_1318 = arith.addf %add3A_1233, %mul3A_1317 : vector<16xf32>
        %get3A_1319 = arith.index_cast %add3A_1308 : i32 to index
        %get3A_1320 = arith.constant 16 : index
        %get3A_1321 = tpu.vector_load %arg11[%get3A_1319, %get3A_1320] {strides = array<i32>} : memref<256x128xf32, #tpu.memory_space<vmem>>, vector<1x16xf32>,
        %get3A_1322 = vector.shape_cast %get3A_1321 : vector<1x16xf32> to vector<16xf32>
        %get3A_1323 = arith.index_cast %add3A_1308 : i32 to index
        %get3A_1324 = arith.constant 16 : index
        %get3A_1325 = tpu.vector_load %arg10[%get3A_1323, %get3A_1324] {strides = array<i32>} : memref<256x128xf32, #tpu.memory_space<vmem>>, vector<1x16xf32>,
        %get3A_1326 = vector.shape_cast %get3A_1325 : vector<1x16xf32> to vector<16xf32>
        %mul3A_1327 = arith.mulf %get3A_1322, %get3A_1326 : vector<16xf32>
        %add3A_1328 = arith.addf %add3A_1243, %mul3A_1327 : vector<16xf32>
        %get3A_1329 = arith.index_cast %add3A_1308 : i32 to index
        %get3A_1330 = arith.constant 32 : index
        %get3A_1331 = tpu.vector_load %arg11[%get3A_1329, %get3A_1330] {strides = array<i32>} : memref<256x128xf32, #tpu.memory_space<vmem>>, vector<1x16xf32>,
        %get3A_1332 = vector.shape_cast %get3A_1331 : vector<1x16xf32> to vector<16xf32>
        %get3A_1333 = arith.index_cast %add3A_1308 : i32 to index
        %get3A_1334 = arith.constant 32 : index
        %get3A_1335 = tpu.vector_load %arg10[%get3A_1333, %get3A_1334] {strides = array<i32>} : memref<256x128xf32, #tpu.memory_space<vmem>>, vector<1x16xf32>,
        %get3A_1336 = vector.shape_cast %get3A_1335 : vector<1x16xf32> to vector<16xf32>
        %mul3A_1337 = arith.mulf %get3A_1332, %get3A_1336 : vector<16xf32>
        %add3A_1338 = arith.addf %add3A_1253, %mul3A_1337 : vector<16xf32>
        %get3A_1339 = arith.index_cast %add3A_1308 : i32 to index
        %get3A_1340 = arith.constant 48 : index
        %get3A_1341 = tpu.vector_load %arg11[%get3A_1339, %get3A_1340] {strides = array<i32>} : memref<256x128xf32, #tpu.memory_space<vmem>>, vector<1x16xf32>,
        %get3A_1342 = vector.shape_cast %get3A_1341 : vector<1x16xf32> to vector<16xf32>
        %get3A_1343 = arith.index_cast %add3A_1308 : i32 to index
        %get3A_1344 = arith.constant 48 : index
        %get3A_1345 = tpu.vector_load %arg10[%get3A_1343, %get3A_1344] {strides = array<i32>} : memref<256x128xf32, #tpu.memory_space<vmem>>, vector<1x16xf32>,
        %get3A_1346 = vector.shape_cast %get3A_1345 : vector<1x16xf32> to vector<16xf32>
        %mul3A_1347 = arith.mulf %get3A_1342, %get3A_1346 : vector<16xf32>
        %add3A_1348 = arith.addf %add3A_1263, %mul3A_1347 : vector<16xf32>
        %get3A_1349 = arith.index_cast %add3A_1308 : i32 to index
        %get3A_1350 = arith.constant 64 : index
        %get3A_1351 = tpu.vector_load %arg11[%get3A_1349, %get3A_1350] {strides = array<i32>} : memref<256x128xf32, #tpu.memory_space<vmem>>, vector<1x16xf32>,
        %get3A_1352 = vector.shape_cast %get3A_1351 : vector<1x16xf32> to vector<16xf32>
        %get3A_1353 = arith.index_cast %add3A_1308 : i32 to index
        %get3A_1354 = arith.constant 64 : index
        %get3A_1355 = tpu.vector_load %arg10[%get3A_1353, %get3A_1354] {strides = array<i32>} : memref<256x128xf32, #tpu.memory_space<vmem>>, vector<1x16xf32>,
        %get3A_1356 = vector.shape_cast %get3A_1355 : vector<1x16xf32> to vector<16xf32>
        %mul3A_1357 = arith.mulf %get3A_1352, %get3A_1356 : vector<16xf32>
        %add3A_1358 = arith.addf %add3A_1273, %mul3A_1357 : vector<16xf32>
        %get3A_1359 = arith.index_cast %add3A_1308 : i32 to index
        %get3A_1360 = arith.constant 80 : index
        %get3A_1361 = tpu.vector_load %arg11[%get3A_1359, %get3A_1360] {strides = array<i32>} : memref<256x128xf32, #tpu.memory_space<vmem>>, vector<1x16xf32>,
        %get3A_1362 = vector.shape_cast %get3A_1361 : vector<1x16xf32> to vector<16xf32>
        %get3A_1363 = arith.index_cast %add3A_1308 : i32 to index
        %get3A_1364 = arith.constant 80 : index
        %get3A_1365 = tpu.vector_load %arg10[%get3A_1363, %get3A_1364] {strides = array<i32>} : memref<256x128xf32, #tpu.memory_space<vmem>>, vector<1x16xf32>,
        %get3A_1366 = vector.shape_cast %get3A_1365 : vector<1x16xf32> to vector<16xf32>
        %mul3A_1367 = arith.mulf %get3A_1362, %get3A_1366 : vector<16xf32>
        %add3A_1368 = arith.addf %add3A_1283, %mul3A_1367 : vector<16xf32>
        %get3A_1369 = arith.index_cast %add3A_1308 : i32 to index
        %get3A_1370 = arith.constant 96 : index
        %get3A_1371 = tpu.vector_load %arg11[%get3A_1369, %get3A_1370] {strides = array<i32>} : memref<256x128xf32, #tpu.memory_space<vmem>>, vector<1x16xf32>,
        %get3A_1372 = vector.shape_cast %get3A_1371 : vector<1x16xf32> to vector<16xf32>
        %get3A_1373 = arith.index_cast %add3A_1308 : i32 to index
        %get3A_1374 = arith.constant 96 : index
        %get3A_1375 = tpu.vector_load %arg10[%get3A_1373, %get3A_1374] {strides = array<i32>} : memref<256x128xf32, #tpu.memory_space<vmem>>, vector<1x16xf32>,
        %get3A_1376 = vector.shape_cast %get3A_1375 : vector<1x16xf32> to vector<16xf32>
        %mul3A_1377 = arith.mulf %get3A_1372, %get3A_1376 : vector<16xf32>
        %add3A_1378 = arith.addf %add3A_1293, %mul3A_1377 : vector<16xf32>
        %get3A_1379 = arith.index_cast %add3A_1308 : i32 to index
        %get3A_1380 = arith.constant 112 : index
        %get3A_1381 = tpu.vector_load %arg11[%get3A_1379, %get3A_1380] {strides = array<i32>} : memref<256x128xf32, #tpu.memory_space<vmem>>, vector<1x16xf32>,
        %get3A_1382 = vector.shape_cast %get3A_1381 : vector<1x16xf32> to vector<16xf32>
        %get3A_1383 = arith.index_cast %add3A_1308 : i32 to index
        %get3A_1384 = arith.constant 112 : index
        %get3A_1385 = tpu.vector_load %arg10[%get3A_1383, %get3A_1384] {strides = array<i32>} : memref<256x128xf32, #tpu.memory_space<vmem>>, vector<1x16xf32>,
        %get3A_1386 = vector.shape_cast %get3A_1385 : vector<1x16xf32> to vector<16xf32>
        %mul3A_1387 = arith.mulf %get3A_1382, %get3A_1386 : vector<16xf32>
        %add3A_1388 = arith.addf %add3A_1303, %mul3A_1387 : vector<16xf32>
        %scan3A_1389 = arith.constant 7 : i32
        %scan3A_1390 = arith.addi %scan3A_787, %scan3A_1389 : i32
        %add3A_1391 = arith.constant 0 : i32
        %add3A_1392 = arith.addi %mul3A_575, %add3A_1391 : i32
        %add3A_1393 = arith.addi %add3A_1392, %scan3A_1390 : i32
        %get3A_1394 = arith.index_cast %add3A_1393 : i32 to index
        %get3A_1395 = arith.constant 0 : index
        %get3A_1396 = tpu.vector_load %arg11[%get3A_1394, %get3A_1395] {strides = array<i32>} : memref<256x128xf32, #tpu.memory_space<vmem>>, vector<1x16xf32>,
        %get3A_1397 = vector.shape_cast %get3A_1396 : vector<1x16xf32> to vector<16xf32>
        %get3A_1398 = arith.index_cast %add3A_1393 : i32 to index
        %get3A_1399 = arith.constant 0 : index
        %get3A_1400 = tpu.vector_load %arg10[%get3A_1398, %get3A_1399] {strides = array<i32>} : memref<256x128xf32, #tpu.memory_space<vmem>>, vector<1x16xf32>,
        %get3A_1401 = vector.shape_cast %get3A_1400 : vector<1x16xf32> to vector<16xf32>
        %mul3A_1402 = arith.mulf %get3A_1397, %get3A_1401 : vector<16xf32>
        %add3A_1403 = arith.addf %add3A_1318, %mul3A_1402 : vector<16xf32>
        %get3A_1404 = arith.index_cast %add3A_1393 : i32 to index
        %get3A_1405 = arith.constant 16 : index
        %get3A_1406 = tpu.vector_load %arg11[%get3A_1404, %get3A_1405] {strides = array<i32>} : memref<256x128xf32, #tpu.memory_space<vmem>>, vector<1x16xf32>,
        %get3A_1407 = vector.shape_cast %get3A_1406 : vector<1x16xf32> to vector<16xf32>
        %get3A_1408 = arith.index_cast %add3A_1393 : i32 to index
        %get3A_1409 = arith.constant 16 : index
        %get3A_1410 = tpu.vector_load %arg10[%get3A_1408, %get3A_1409] {strides = array<i32>} : memref<256x128xf32, #tpu.memory_space<vmem>>, vector<1x16xf32>,
        %get3A_1411 = vector.shape_cast %get3A_1410 : vector<1x16xf32> to vector<16xf32>
        %mul3A_1412 = arith.mulf %get3A_1407, %get3A_1411 : vector<16xf32>
        %add3A_1413 = arith.addf %add3A_1328, %mul3A_1412 : vector<16xf32>
        %get3A_1414 = arith.index_cast %add3A_1393 : i32 to index
        %get3A_1415 = arith.constant 32 : index
        %get3A_1416 = tpu.vector_load %arg11[%get3A_1414, %get3A_1415] {strides = array<i32>} : memref<256x128xf32, #tpu.memory_space<vmem>>, vector<1x16xf32>,
        %get3A_1417 = vector.shape_cast %get3A_1416 : vector<1x16xf32> to vector<16xf32>
        %get3A_1418 = arith.index_cast %add3A_1393 : i32 to index
        %get3A_1419 = arith.constant 32 : index
        %get3A_1420 = tpu.vector_load %arg10[%get3A_1418, %get3A_1419] {strides = array<i32>} : memref<256x128xf32, #tpu.memory_space<vmem>>, vector<1x16xf32>,
        %get3A_1421 = vector.shape_cast %get3A_1420 : vector<1x16xf32> to vector<16xf32>
        %mul3A_1422 = arith.mulf %get3A_1417, %get3A_1421 : vector<16xf32>
        %add3A_1423 = arith.addf %add3A_1338, %mul3A_1422 : vector<16xf32>
        %get3A_1424 = arith.index_cast %add3A_1393 : i32 to index
        %get3A_1425 = arith.constant 48 : index
        %get3A_1426 = tpu.vector_load %arg11[%get3A_1424, %get3A_1425] {strides = array<i32>} : memref<256x128xf32, #tpu.memory_space<vmem>>, vector<1x16xf32>,
        %get3A_1427 = vector.shape_cast %get3A_1426 : vector<1x16xf32> to vector<16xf32>
        %get3A_1428 = arith.index_cast %add3A_1393 : i32 to index
        %get3A_1429 = arith.constant 48 : index
        %get3A_1430 = tpu.vector_load %arg10[%get3A_1428, %get3A_1429] {strides = array<i32>} : memref<256x128xf32, #tpu.memory_space<vmem>>, vector<1x16xf32>,
        %get3A_1431 = vector.shape_cast %get3A_1430 : vector<1x16xf32> to vector<16xf32>
        %mul3A_1432 = arith.mulf %get3A_1427, %get3A_1431 : vector<16xf32>
        %add3A_1433 = arith.addf %add3A_1348, %mul3A_1432 : vector<16xf32>
        %get3A_1434 = arith.index_cast %add3A_1393 : i32 to index
        %get3A_1435 = arith.constant 64 : index
        %get3A_1436 = tpu.vector_load %arg11[%get3A_1434, %get3A_1435] {strides = array<i32>} : memref<256x128xf32, #tpu.memory_space<vmem>>, vector<1x16xf32>,
        %get3A_1437 = vector.shape_cast %get3A_1436 : vector<1x16xf32> to vector<16xf32>
        %get3A_1438 = arith.index_cast %add3A_1393 : i32 to index
        %get3A_1439 = arith.constant 64 : index
        %get3A_1440 = tpu.vector_load %arg10[%get3A_1438, %get3A_1439] {strides = array<i32>} : memref<256x128xf32, #tpu.memory_space<vmem>>, vector<1x16xf32>,
        %get3A_1441 = vector.shape_cast %get3A_1440 : vector<1x16xf32> to vector<16xf32>
        %mul3A_1442 = arith.mulf %get3A_1437, %get3A_1441 : vector<16xf32>
        %add3A_1443 = arith.addf %add3A_1358, %mul3A_1442 : vector<16xf32>
        %get3A_1444 = arith.index_cast %add3A_1393 : i32 to index
        %get3A_1445 = arith.constant 80 : index
        %get3A_1446 = tpu.vector_load %arg11[%get3A_1444, %get3A_1445] {strides = array<i32>} : memref<256x128xf32, #tpu.memory_space<vmem>>, vector<1x16xf32>,
        %get3A_1447 = vector.shape_cast %get3A_1446 : vector<1x16xf32> to vector<16xf32>
        %get3A_1448 = arith.index_cast %add3A_1393 : i32 to index
        %get3A_1449 = arith.constant 80 : index
        %get3A_1450 = tpu.vector_load %arg10[%get3A_1448, %get3A_1449] {strides = array<i32>} : memref<256x128xf32, #tpu.memory_space<vmem>>, vector<1x16xf32>,
        %get3A_1451 = vector.shape_cast %get3A_1450 : vector<1x16xf32> to vector<16xf32>
        %mul3A_1452 = arith.mulf %get3A_1447, %get3A_1451 : vector<16xf32>
        %add3A_1453 = arith.addf %add3A_1368, %mul3A_1452 : vector<16xf32>
        %get3A_1454 = arith.index_cast %add3A_1393 : i32 to index
        %get3A_1455 = arith.constant 96 : index
        %get3A_1456 = tpu.vector_load %arg11[%get3A_1454, %get3A_1455] {strides = array<i32>} : memref<256x128xf32, #tpu.memory_space<vmem>>, vector<1x16xf32>,
        %get3A_1457 = vector.shape_cast %get3A_1456 : vector<1x16xf32> to vector<16xf32>
        %get3A_1458 = arith.index_cast %add3A_1393 : i32 to index
        %get3A_1459 = arith.constant 96 : index
        %get3A_1460 = tpu.vector_load %arg10[%get3A_1458, %get3A_1459] {strides = array<i32>} : memref<256x128xf32, #tpu.memory_space<vmem>>, vector<1x16xf32>,
        %get3A_1461 = vector.shape_cast %get3A_1460 : vector<1x16xf32> to vector<16xf32>
        %mul3A_1462 = arith.mulf %get3A_1457, %get3A_1461 : vector<16xf32>
        %add3A_1463 = arith.addf %add3A_1378, %mul3A_1462 : vector<16xf32>
        %get3A_1464 = arith.index_cast %add3A_1393 : i32 to index
        %get3A_1465 = arith.constant 112 : index
        %get3A_1466 = tpu.vector_load %arg11[%get3A_1464, %get3A_1465] {strides = array<i32>} : memref<256x128xf32, #tpu.memory_space<vmem>>, vector<1x16xf32>,
        %get3A_1467 = vector.shape_cast %get3A_1466 : vector<1x16xf32> to vector<16xf32>
        %get3A_1468 = arith.index_cast %add3A_1393 : i32 to index
        %get3A_1469 = arith.constant 112 : index
        %get3A_1470 = tpu.vector_load %arg10[%get3A_1468, %get3A_1469] {strides = array<i32>} : memref<256x128xf32, #tpu.memory_space<vmem>>, vector<1x16xf32>,
        %get3A_1471 = vector.shape_cast %get3A_1470 : vector<1x16xf32> to vector<16xf32>
        %mul3A_1472 = arith.mulf %get3A_1467, %get3A_1471 : vector<16xf32>
        %add3A_1473 = arith.addf %add3A_1388, %mul3A_1472 : vector<16xf32>
        scf.yield %add3A_1403, %add3A_1413, %add3A_1423, %add3A_1433, %add3A_1443, %add3A_1453, %add3A_1463, %add3A_1473 : vector<16xf32>, vector<16xf32>, vector<16xf32>, vector<16xf32>, vector<16xf32>, vector<16xf32>, vector<16xf32>, vector<16xf32>
      }
      %scan3A_613 = arith.constant 64 : i32
      %swap3A_614 = arith.constant 0 : i32
      %swap3A_615 = arith.index_cast %swap3A_614 : i32 to index
      %swap3A_616 = arith.constant 0 : index
      %swap3A_617 = tpu.vector_load %arg12[%swap3A_615, %swap3A_616] {strides = array<i32>} : memref<2x128xf32, #tpu.memory_space<vmem>>, vector<1x16xf32>,
      %swap3A_618 = vector.shape_cast %swap3A_617 : vector<1x16xf32> to vector<16xf32>
      %swap3A_619 = vector.shape_cast %scan3A_612#0 : vector<16xf32> to vector<1x16xf32>
      tpu.vector_store %arg12[%swap3A_615, %swap3A_616], %swap3A_619 {strides = array<i32>} : memref<2x128xf32, #tpu.memory_space<vmem>>, vector<1x16xf32>,
      %swap3A_620 = arith.constant 0 : i32
      %swap3A_621 = arith.index_cast %swap3A_620 : i32 to index
      %swap3A_622 = arith.constant 16 : index
      %swap3A_623 = tpu.vector_load %arg12[%swap3A_621, %swap3A_622] {strides = array<i32>} : memref<2x128xf32, #tpu.memory_space<vmem>>, vector<1x16xf32>,
      %swap3A_624 = vector.shape_cast %swap3A_623 : vector<1x16xf32> to vector<16xf32>
      %swap3A_625 = vector.shape_cast %scan3A_612#1 : vector<16xf32> to vector<1x16xf32>
      tpu.vector_store %arg12[%swap3A_621, %swap3A_622], %swap3A_625 {strides = array<i32>} : memref<2x128xf32, #tpu.memory_space<vmem>>, vector<1x16xf32>,
      %swap3A_626 = arith.constant 0 : i32
      %swap3A_627 = arith.index_cast %swap3A_626 : i32 to index
      %swap3A_628 = arith.constant 32 : index
      %swap3A_629 = tpu.vector_load %arg12[%swap3A_627, %swap3A_628] {strides = array<i32>} : memref<2x128xf32, #tpu.memory_space<vmem>>, vector<1x16xf32>,
      %swap3A_630 = vector.shape_cast %swap3A_629 : vector<1x16xf32> to vector<16xf32>
      %swap3A_631 = vector.shape_cast %scan3A_612#2 : vector<16xf32> to vector<1x16xf32>
      tpu.vector_store %arg12[%swap3A_627, %swap3A_628], %swap3A_631 {strides = array<i32>} : memref<2x128xf32, #tpu.memory_space<vmem>>, vector<1x16xf32>,
      %swap3A_632 = arith.constant 0 : i32
      %swap3A_633 = arith.index_cast %swap3A_632 : i32 to index
      %swap3A_634 = arith.constant 48 : index
      %swap3A_635 = tpu.vector_load %arg12[%swap3A_633, %swap3A_634] {strides = array<i32>} : memref<2x128xf32, #tpu.memory_space<vmem>>, vector<1x16xf32>,
      %swap3A_636 = vector.shape_cast %swap3A_635 : vector<1x16xf32> to vector<16xf32>
      %swap3A_637 = vector.shape_cast %scan3A_612#3 : vector<16xf32> to vector<1x16xf32>
      tpu.vector_store %arg12[%swap3A_633, %swap3A_634], %swap3A_637 {strides = array<i32>} : memref<2x128xf32, #tpu.memory_space<vmem>>, vector<1x16xf32>,
      %swap3A_638 = arith.constant 0 : i32
      %swap3A_639 = arith.index_cast %swap3A_638 : i32 to index
      %swap3A_640 = arith.constant 64 : index
      %swap3A_641 = tpu.vector_load %arg12[%swap3A_639, %swap3A_640] {strides = array<i32>} : memref<2x128xf32, #tpu.memory_space<vmem>>, vector<1x16xf32>,
      %swap3A_642 = vector.shape_cast %swap3A_641 : vector<1x16xf32> to vector<16xf32>
      %swap3A_643 = vector.shape_cast %scan3A_612#4 : vector<16xf32> to vector<1x16xf32>
      tpu.vector_store %arg12[%swap3A_639, %swap3A_640], %swap3A_643 {strides = array<i32>} : memref<2x128xf32, #tpu.memory_space<vmem>>, vector<1x16xf32>,
      %swap3A_644 = arith.constant 0 : i32
      %swap3A_645 = arith.index_cast %swap3A_644 : i32 to index
      %swap3A_646 = arith.constant 80 : index
      %swap3A_647 = tpu.vector_load %arg12[%swap3A_645, %swap3A_646] {strides = array<i32>} : memref<2x128xf32, #tpu.memory_space<vmem>>, vector<1x16xf32>,
      %swap3A_648 = vector.shape_cast %swap3A_647 : vector<1x16xf32> to vector<16xf32>
      %swap3A_649 = vector.shape_cast %scan3A_612#5 : vector<16xf32> to vector<1x16xf32>
      tpu.vector_store %arg12[%swap3A_645, %swap3A_646], %swap3A_649 {strides = array<i32>} : memref<2x128xf32, #tpu.memory_space<vmem>>, vector<1x16xf32>,
      %swap3A_650 = arith.constant 0 : i32
      %swap3A_651 = arith.index_cast %swap3A_650 : i32 to index
      %swap3A_652 = arith.constant 96 : index
      %swap3A_653 = tpu.vector_load %arg12[%swap3A_651, %swap3A_652] {strides = array<i32>} : memref<2x128xf32, #tpu.memory_space<vmem>>, vector<1x16xf32>,
      %swap3A_654 = vector.shape_cast %swap3A_653 : vector<1x16xf32> to vector<16xf32>
      %swap3A_655 = vector.shape_cast %scan3A_612#6 : vector<16xf32> to vector<1x16xf32>
      tpu.vector_store %arg12[%swap3A_651, %swap3A_652], %swap3A_655 {strides = array<i32>} : memref<2x128xf32, #tpu.memory_space<vmem>>, vector<1x16xf32>,
      %swap3A_656 = arith.constant 0 : i32
      %swap3A_657 = arith.index_cast %swap3A_656 : i32 to index
      %swap3A_658 = arith.constant 112 : index
      %swap3A_659 = tpu.vector_load %arg12[%swap3A_657, %swap3A_658] {strides = array<i32>} : memref<2x128xf32, #tpu.memory_space<vmem>>, vector<1x16xf32>,
      %swap3A_660 = vector.shape_cast %swap3A_659 : vector<1x16xf32> to vector<16xf32>
      %swap3A_661 = vector.shape_cast %scan3A_612#7 : vector<16xf32> to vector<1x16xf32>
      tpu.vector_store %arg12[%swap3A_657, %swap3A_658], %swap3A_661 {strides = array<i32>} : memref<2x128xf32, #tpu.memory_space<vmem>>, vector<1x16xf32>,
      %broadcast_in_dim3A_662 = arith.constant 0.000000e+00 : f32
      %broadcast_in_dim3A_663 = vector.broadcast %broadcast_in_dim3A_662 : f32 to vector<16xf32>
      %broadcast_in_dim3A_664 = arith.constant 0.000000e+00 : f32
      %broadcast_in_dim3A_665 = vector.broadcast %broadcast_in_dim3A_664 : f32 to vector<16xf32>
      %broadcast_in_dim3A_666 = arith.constant 0.000000e+00 : f32
      %broadcast_in_dim3A_667 = vector.broadcast %broadcast_in_dim3A_666 : f32 to vector<16xf32>
      %broadcast_in_dim3A_668 = arith.constant 0.000000e+00 : f32
      %broadcast_in_dim3A_669 = vector.broadcast %broadcast_in_dim3A_668 : f32 to vector<16xf32>
      %broadcast_in_dim3A_670 = arith.constant 0.000000e+00 : f32
      %broadcast_in_dim3A_671 = vector.broadcast %broadcast_in_dim3A_670 : f32 to vector<16xf32>
      %broadcast_in_dim3A_672 = arith.constant 0.000000e+00 : f32
      %broadcast_in_dim3A_673 = vector.broadcast %broadcast_in_dim3A_672 : f32 to vector<16xf32>
      %broadcast_in_dim3A_674 = arith.constant 0.000000e+00 : f32
      %broadcast_in_dim3A_675 = vector.broadcast %broadcast_in_dim3A_674 : f32 to vector<16xf32>
      %broadcast_in_dim3A_676 = arith.constant 0.000000e+00 : f32
      %broadcast_in_dim3A_677 = vector.broadcast %broadcast_in_dim3A_676 : f32 to vector<16xf32>
      %scan3A_678 = arith.constant 0 : i32
      %scan3A_679 = arith.constant 64 : i32
      %scan3A_680 = arith.addi %scan3A_678, %scan3A_679 : i32
      %scan3A_681 = arith.constant 8 : i32
      %scan3A_682:8 = scf.for %scan3A_787 = %scan3A_678 to %scan3A_680 step %scan3A_681 iter_args(%scan3A_788 = %broadcast_in_dim3A_663, %scan3A_789 = %broadcast_in_dim3A_665, %scan3A_790 = %broadcast_in_dim3A_667, %scan3A_791 = %broadcast_in_dim3A_669, %scan3A_792 = %broadcast_in_dim3A_671, %scan3A_793 = %broadcast_in_dim3A_673, %scan3A_794 = %broadcast_in_dim3A_675, %scan3A_795 = %broadcast_in_dim3A_677) -> (vector<16xf32>, vector<16xf32>, vector<16xf32>, vector<16xf32>, vector<16xf32>, vector<16xf32>, vector<16xf32>, vector<16xf32>)  : i32 {
        %add3A_796 = arith.constant 64 : i32
        %add3A_797 = arith.addi %mul3A_575, %add3A_796 : i32
        %add3A_798 = arith.addi %add3A_797, %scan3A_787 : i32
        %get3A_799 = arith.index_cast %add3A_798 : i32 to index
        %get3A_800 = arith.constant 0 : index
        %get3A_801 = tpu.vector_load %arg11[%get3A_799, %get3A_800] {strides = array<i32>} : memref<256x128xf32, #tpu.memory_space<vmem>>, vector<1x16xf32>,
        %get3A_802 = vector.shape_cast %get3A_801 : vector<1x16xf32> to vector<16xf32>
        %get3A_803 = arith.index_cast %add3A_798 : i32 to index
        %get3A_804 = arith.constant 0 : index
        %get3A_805 = tpu.vector_load %arg10[%get3A_803, %get3A_804] {strides = array<i32>} : memref<256x128xf32, #tpu.memory_space<vmem>>, vector<1x16xf32>,
        %get3A_806 = vector.shape_cast %get3A_805 : vector<1x16xf32> to vector<16xf32>
        %mul3A_807 = arith.mulf %get3A_802, %get3A_806 : vector<16xf32>
        %add3A_808 = arith.addf %scan3A_788, %mul3A_807 : vector<16xf32>
        %get3A_809 = arith.index_cast %add3A_798 : i32 to index
        %get3A_810 = arith.constant 16 : index
        %get3A_811 = tpu.vector_load %arg11[%get3A_809, %get3A_810] {strides = array<i32>} : memref<256x128xf32, #tpu.memory_space<vmem>>, vector<1x16xf32>,
        %get3A_812 = vector.shape_cast %get3A_811 : vector<1x16xf32> to vector<16xf32>
        %get3A_813 = arith.index_cast %add3A_798 : i32 to index
        %get3A_814 = arith.constant 16 : index
        %get3A_815 = tpu.vector_load %arg10[%get3A_813, %get3A_814] {strides = array<i32>} : memref<256x128xf32, #tpu.memory_space<vmem>>, vector<1x16xf32>,
        %get3A_816 = vector.shape_cast %get3A_815 : vector<1x16xf32> to vector<16xf32>
        %mul3A_817 = arith.mulf %get3A_812, %get3A_816 : vector<16xf32>
        %add3A_818 = arith.addf %scan3A_789, %mul3A_817 : vector<16xf32>
        %get3A_819 = arith.index_cast %add3A_798 : i32 to index
        %get3A_820 = arith.constant 32 : index
        %get3A_821 = tpu.vector_load %arg11[%get3A_819, %get3A_820] {strides = array<i32>} : memref<256x128xf32, #tpu.memory_space<vmem>>, vector<1x16xf32>,
        %get3A_822 = vector.shape_cast %get3A_821 : vector<1x16xf32> to vector<16xf32>
        %get3A_823 = arith.index_cast %add3A_798 : i32 to index
        %get3A_824 = arith.constant 32 : index
        %get3A_825 = tpu.vector_load %arg10[%get3A_823, %get3A_824] {strides = array<i32>} : memref<256x128xf32, #tpu.memory_space<vmem>>, vector<1x16xf32>,
        %get3A_826 = vector.shape_cast %get3A_825 : vector<1x16xf32> to vector<16xf32>
        %mul3A_827 = arith.mulf %get3A_822, %get3A_826 : vector<16xf32>
        %add3A_828 = arith.addf %scan3A_790, %mul3A_827 : vector<16xf32>
        %get3A_829 = arith.index_cast %add3A_798 : i32 to index
        %get3A_830 = arith.constant 48 : index
        %get3A_831 = tpu.vector_load %arg11[%get3A_829, %get3A_830] {strides = array<i32>} : memref<256x128xf32, #tpu.memory_space<vmem>>, vector<1x16xf32>,
        %get3A_832 = vector.shape_cast %get3A_831 : vector<1x16xf32> to vector<16xf32>
        %get3A_833 = arith.index_cast %add3A_798 : i32 to index
        %get3A_834 = arith.constant 48 : index
        %get3A_835 = tpu.vector_load %arg10[%get3A_833, %get3A_834] {strides = array<i32>} : memref<256x128xf32, #tpu.memory_space<vmem>>, vector<1x16xf32>,
        %get3A_836 = vector.shape_cast %get3A_835 : vector<1x16xf32> to vector<16xf32>
        %mul3A_837 = arith.mulf %get3A_832, %get3A_836 : vector<16xf32>
        %add3A_838 = arith.addf %scan3A_791, %mul3A_837 : vector<16xf32>
        %get3A_839 = arith.index_cast %add3A_798 : i32 to index
        %get3A_840 = arith.constant 64 : index
        %get3A_841 = tpu.vector_load %arg11[%get3A_839, %get3A_840] {strides = array<i32>} : memref<256x128xf32, #tpu.memory_space<vmem>>, vector<1x16xf32>,
        %get3A_842 = vector.shape_cast %get3A_841 : vector<1x16xf32> to vector<16xf32>
        %get3A_843 = arith.index_cast %add3A_798 : i32 to index
        %get3A_844 = arith.constant 64 : index
        %get3A_845 = tpu.vector_load %arg10[%get3A_843, %get3A_844] {strides = array<i32>} : memref<256x128xf32, #tpu.memory_space<vmem>>, vector<1x16xf32>,
        %get3A_846 = vector.shape_cast %get3A_845 : vector<1x16xf32> to vector<16xf32>
        %mul3A_847 = arith.mulf %get3A_842, %get3A_846 : vector<16xf32>
        %add3A_848 = arith.addf %scan3A_792, %mul3A_847 : vector<16xf32>
        %get3A_849 = arith.index_cast %add3A_798 : i32 to index
        %get3A_850 = arith.constant 80 : index
        %get3A_851 = tpu.vector_load %arg11[%get3A_849, %get3A_850] {strides = array<i32>} : memref<256x128xf32, #tpu.memory_space<vmem>>, vector<1x16xf32>,
        %get3A_852 = vector.shape_cast %get3A_851 : vector<1x16xf32> to vector<16xf32>
        %get3A_853 = arith.index_cast %add3A_798 : i32 to index
        %get3A_854 = arith.constant 80 : index
        %get3A_855 = tpu.vector_load %arg10[%get3A_853, %get3A_854] {strides = array<i32>} : memref<256x128xf32, #tpu.memory_space<vmem>>, vector<1x16xf32>,
        %get3A_856 = vector.shape_cast %get3A_855 : vector<1x16xf32> to vector<16xf32>
        %mul3A_857 = arith.mulf %get3A_852, %get3A_856 : vector<16xf32>
        %add3A_858 = arith.addf %scan3A_793, %mul3A_857 : vector<16xf32>
        %get3A_859 = arith.index_cast %add3A_798 : i32 to index
        %get3A_860 = arith.constant 96 : index
        %get3A_861 = tpu.vector_load %arg11[%get3A_859, %get3A_860] {strides = array<i32>} : memref<256x128xf32, #tpu.memory_space<vmem>>, vector<1x16xf32>,
        %get3A_862 = vector.shape_cast %get3A_861 : vector<1x16xf32> to vector<16xf32>
        %get3A_863 = arith.index_cast %add3A_798 : i32 to index
        %get3A_864 = arith.constant 96 : index
        %get3A_865 = tpu.vector_load %arg10[%get3A_863, %get3A_864] {strides = array<i32>} : memref<256x128xf32, #tpu.memory_space<vmem>>, vector<1x16xf32>,
        %get3A_866 = vector.shape_cast %get3A_865 : vector<1x16xf32> to vector<16xf32>
        %mul3A_867 = arith.mulf %get3A_862, %get3A_866 : vector<16xf32>
        %add3A_868 = arith.addf %scan3A_794, %mul3A_867 : vector<16xf32>
        %get3A_869 = arith.index_cast %add3A_798 : i32 to index
        %get3A_870 = arith.constant 112 : index
        %get3A_871 = tpu.vector_load %arg11[%get3A_869, %get3A_870] {strides = array<i32>} : memref<256x128xf32, #tpu.memory_space<vmem>>, vector<1x16xf32>,
        %get3A_872 = vector.shape_cast %get3A_871 : vector<1x16xf32> to vector<16xf32>
        %get3A_873 = arith.index_cast %add3A_798 : i32 to index
        %get3A_874 = arith.constant 112 : index
        %get3A_875 = tpu.vector_load %arg10[%get3A_873, %get3A_874] {strides = array<i32>} : memref<256x128xf32, #tpu.memory_space<vmem>>, vector<1x16xf32>,
        %get3A_876 = vector.shape_cast %get3A_875 : vector<1x16xf32> to vector<16xf32>
        %mul3A_877 = arith.mulf %get3A_872, %get3A_876 : vector<16xf32>
        %add3A_878 = arith.addf %scan3A_795, %mul3A_877 : vector<16xf32>
        %scan3A_879 = arith.constant 1 : i32
        %scan3A_880 = arith.addi %scan3A_787, %scan3A_879 : i32
        %add3A_881 = arith.constant 64 : i32
        %add3A_882 = arith.addi %mul3A_575, %add3A_881 : i32
        %add3A_883 = arith.addi %add3A_882, %scan3A_880 : i32
        %get3A_884 = arith.index_cast %add3A_883 : i32 to index
        %get3A_885 = arith.constant 0 : index
        %get3A_886 = tpu.vector_load %arg11[%get3A_884, %get3A_885] {strides = array<i32>} : memref<256x128xf32, #tpu.memory_space<vmem>>, vector<1x16xf32>,
        %get3A_887 = vector.shape_cast %get3A_886 : vector<1x16xf32> to vector<16xf32>
        %get3A_888 = arith.index_cast %add3A_883 : i32 to index
        %get3A_889 = arith.constant 0 : index
        %get3A_890 = tpu.vector_load %arg10[%get3A_888, %get3A_889] {strides = array<i32>} : memref<256x128xf32, #tpu.memory_space<vmem>>, vector<1x16xf32>,
        %get3A_891 = vector.shape_cast %get3A_890 : vector<1x16xf32> to vector<16xf32>
        %mul3A_892 = arith.mulf %get3A_887, %get3A_891 : vector<16xf32>
        %add3A_893 = arith.addf %add3A_808, %mul3A_892 : vector<16xf32>
        %get3A_894 = arith.index_cast %add3A_883 : i32 to index
        %get3A_895 = arith.constant 16 : index
        %get3A_896 = tpu.vector_load %arg11[%get3A_894, %get3A_895] {strides = array<i32>} : memref<256x128xf32, #tpu.memory_space<vmem>>, vector<1x16xf32>,
        %get3A_897 = vector.shape_cast %get3A_896 : vector<1x16xf32> to vector<16xf32>
        %get3A_898 = arith.index_cast %add3A_883 : i32 to index
        %get3A_899 = arith.constant 16 : index
        %get3A_900 = tpu.vector_load %arg10[%get3A_898, %get3A_899] {strides = array<i32>} : memref<256x128xf32, #tpu.memory_space<vmem>>, vector<1x16xf32>,
        %get3A_901 = vector.shape_cast %get3A_900 : vector<1x16xf32> to vector<16xf32>
        %mul3A_902 = arith.mulf %get3A_897, %get3A_901 : vector<16xf32>
        %add3A_903 = arith.addf %add3A_818, %mul3A_902 : vector<16xf32>
        %get3A_904 = arith.index_cast %add3A_883 : i32 to index
        %get3A_905 = arith.constant 32 : index
        %get3A_906 = tpu.vector_load %arg11[%get3A_904, %get3A_905] {strides = array<i32>} : memref<256x128xf32, #tpu.memory_space<vmem>>, vector<1x16xf32>,
        %get3A_907 = vector.shape_cast %get3A_906 : vector<1x16xf32> to vector<16xf32>
        %get3A_908 = arith.index_cast %add3A_883 : i32 to index
        %get3A_909 = arith.constant 32 : index
        %get3A_910 = tpu.vector_load %arg10[%get3A_908, %get3A_909] {strides = array<i32>} : memref<256x128xf32, #tpu.memory_space<vmem>>, vector<1x16xf32>,
        %get3A_911 = vector.shape_cast %get3A_910 : vector<1x16xf32> to vector<16xf32>
        %mul3A_912 = arith.mulf %get3A_907, %get3A_911 : vector<16xf32>
        %add3A_913 = arith.addf %add3A_828, %mul3A_912 : vector<16xf32>
        %get3A_914 = arith.index_cast %add3A_883 : i32 to index
        %get3A_915 = arith.constant 48 : index
        %get3A_916 = tpu.vector_load %arg11[%get3A_914, %get3A_915] {strides = array<i32>} : memref<256x128xf32, #tpu.memory_space<vmem>>, vector<1x16xf32>,
        %get3A_917 = vector.shape_cast %get3A_916 : vector<1x16xf32> to vector<16xf32>
        %get3A_918 = arith.index_cast %add3A_883 : i32 to index
        %get3A_919 = arith.constant 48 : index
        %get3A_920 = tpu.vector_load %arg10[%get3A_918, %get3A_919] {strides = array<i32>} : memref<256x128xf32, #tpu.memory_space<vmem>>, vector<1x16xf32>,
        %get3A_921 = vector.shape_cast %get3A_920 : vector<1x16xf32> to vector<16xf32>
        %mul3A_922 = arith.mulf %get3A_917, %get3A_921 : vector<16xf32>
        %add3A_923 = arith.addf %add3A_838, %mul3A_922 : vector<16xf32>
        %get3A_924 = arith.index_cast %add3A_883 : i32 to index
        %get3A_925 = arith.constant 64 : index
        %get3A_926 = tpu.vector_load %arg11[%get3A_924, %get3A_925] {strides = array<i32>} : memref<256x128xf32, #tpu.memory_space<vmem>>, vector<1x16xf32>,
        %get3A_927 = vector.shape_cast %get3A_926 : vector<1x16xf32> to vector<16xf32>
        %get3A_928 = arith.index_cast %add3A_883 : i32 to index
        %get3A_929 = arith.constant 64 : index
        %get3A_930 = tpu.vector_load %arg10[%get3A_928, %get3A_929] {strides = array<i32>} : memref<256x128xf32, #tpu.memory_space<vmem>>, vector<1x16xf32>,
        %get3A_931 = vector.shape_cast %get3A_930 : vector<1x16xf32> to vector<16xf32>
        %mul3A_932 = arith.mulf %get3A_927, %get3A_931 : vector<16xf32>
        %add3A_933 = arith.addf %add3A_848, %mul3A_932 : vector<16xf32>
        %get3A_934 = arith.index_cast %add3A_883 : i32 to index
        %get3A_935 = arith.constant 80 : index
        %get3A_936 = tpu.vector_load %arg11[%get3A_934, %get3A_935] {strides = array<i32>} : memref<256x128xf32, #tpu.memory_space<vmem>>, vector<1x16xf32>,
        %get3A_937 = vector.shape_cast %get3A_936 : vector<1x16xf32> to vector<16xf32>
        %get3A_938 = arith.index_cast %add3A_883 : i32 to index
        %get3A_939 = arith.constant 80 : index
        %get3A_940 = tpu.vector_load %arg10[%get3A_938, %get3A_939] {strides = array<i32>} : memref<256x128xf32, #tpu.memory_space<vmem>>, vector<1x16xf32>,
        %get3A_941 = vector.shape_cast %get3A_940 : vector<1x16xf32> to vector<16xf32>
        %mul3A_942 = arith.mulf %get3A_937, %get3A_941 : vector<16xf32>
        %add3A_943 = arith.addf %add3A_858, %mul3A_942 : vector<16xf32>
        %get3A_944 = arith.index_cast %add3A_883 : i32 to index
        %get3A_945 = arith.constant 96 : index
        %get3A_946 = tpu.vector_load %arg11[%get3A_944, %get3A_945] {strides = array<i32>} : memref<256x128xf32, #tpu.memory_space<vmem>>, vector<1x16xf32>,
        %get3A_947 = vector.shape_cast %get3A_946 : vector<1x16xf32> to vector<16xf32>
        %get3A_948 = arith.index_cast %add3A_883 : i32 to index
        %get3A_949 = arith.constant 96 : index
        %get3A_950 = tpu.vector_load %arg10[%get3A_948, %get3A_949] {strides = array<i32>} : memref<256x128xf32, #tpu.memory_space<vmem>>, vector<1x16xf32>,
        %get3A_951 = vector.shape_cast %get3A_950 : vector<1x16xf32> to vector<16xf32>
        %mul3A_952 = arith.mulf %get3A_947, %get3A_951 : vector<16xf32>
        %add3A_953 = arith.addf %add3A_868, %mul3A_952 : vector<16xf32>
        %get3A_954 = arith.index_cast %add3A_883 : i32 to index
        %get3A_955 = arith.constant 112 : index
        %get3A_956 = tpu.vector_load %arg11[%get3A_954, %get3A_955] {strides = array<i32>} : memref<256x128xf32, #tpu.memory_space<vmem>>, vector<1x16xf32>,
        %get3A_957 = vector.shape_cast %get3A_956 : vector<1x16xf32> to vector<16xf32>
        %get3A_958 = arith.index_cast %add3A_883 : i32 to index
        %get3A_959 = arith.constant 112 : index
        %get3A_960 = tpu.vector_load %arg10[%get3A_958, %get3A_959] {strides = array<i32>} : memref<256x128xf32, #tpu.memory_space<vmem>>, vector<1x16xf32>,
        %get3A_961 = vector.shape_cast %get3A_960 : vector<1x16xf32> to vector<16xf32>
        %mul3A_962 = arith.mulf %get3A_957, %get3A_961 : vector<16xf32>
        %add3A_963 = arith.addf %add3A_878, %mul3A_962 : vector<16xf32>
        %scan3A_964 = arith.constant 2 : i32
        %scan3A_965 = arith.addi %scan3A_787, %scan3A_964 : i32
        %add3A_966 = arith.constant 64 : i32
        %add3A_967 = arith.addi %mul3A_575, %add3A_966 : i32
        %add3A_968 = arith.addi %add3A_967, %scan3A_965 : i32
        %get3A_969 = arith.index_cast %add3A_968 : i32 to index
        %get3A_970 = arith.constant 0 : index
        %get3A_971 = tpu.vector_load %arg11[%get3A_969, %get3A_970] {strides = array<i32>} : memref<256x128xf32, #tpu.memory_space<vmem>>, vector<1x16xf32>,
        %get3A_972 = vector.shape_cast %get3A_971 : vector<1x16xf32> to vector<16xf32>
        %get3A_973 = arith.index_cast %add3A_968 : i32 to index
        %get3A_974 = arith.constant 0 : index
        %get3A_975 = tpu.vector_load %arg10[%get3A_973, %get3A_974] {strides = array<i32>} : memref<256x128xf32, #tpu.memory_space<vmem>>, vector<1x16xf32>,
        %get3A_976 = vector.shape_cast %get3A_975 : vector<1x16xf32> to vector<16xf32>
        %mul3A_977 = arith.mulf %get3A_972, %get3A_976 : vector<16xf32>
        %add3A_978 = arith.addf %add3A_893, %mul3A_977 : vector<16xf32>
        %get3A_979 = arith.index_cast %add3A_968 : i32 to index
        %get3A_980 = arith.constant 16 : index
        %get3A_981 = tpu.vector_load %arg11[%get3A_979, %get3A_980] {strides = array<i32>} : memref<256x128xf32, #tpu.memory_space<vmem>>, vector<1x16xf32>,
        %get3A_982 = vector.shape_cast %get3A_981 : vector<1x16xf32> to vector<16xf32>
        %get3A_983 = arith.index_cast %add3A_968 : i32 to index
        %get3A_984 = arith.constant 16 : index
        %get3A_985 = tpu.vector_load %arg10[%get3A_983, %get3A_984] {strides = array<i32>} : memref<256x128xf32, #tpu.memory_space<vmem>>, vector<1x16xf32>,
        %get3A_986 = vector.shape_cast %get3A_985 : vector<1x16xf32> to vector<16xf32>
        %mul3A_987 = arith.mulf %get3A_982, %get3A_986 : vector<16xf32>
        %add3A_988 = arith.addf %add3A_903, %mul3A_987 : vector<16xf32>
        %get3A_989 = arith.index_cast %add3A_968 : i32 to index
        %get3A_990 = arith.constant 32 : index
        %get3A_991 = tpu.vector_load %arg11[%get3A_989, %get3A_990] {strides = array<i32>} : memref<256x128xf32, #tpu.memory_space<vmem>>, vector<1x16xf32>,
        %get3A_992 = vector.shape_cast %get3A_991 : vector<1x16xf32> to vector<16xf32>
        %get3A_993 = arith.index_cast %add3A_968 : i32 to index
        %get3A_994 = arith.constant 32 : index
        %get3A_995 = tpu.vector_load %arg10[%get3A_993, %get3A_994] {strides = array<i32>} : memref<256x128xf32, #tpu.memory_space<vmem>>, vector<1x16xf32>,
        %get3A_996 = vector.shape_cast %get3A_995 : vector<1x16xf32> to vector<16xf32>
        %mul3A_997 = arith.mulf %get3A_992, %get3A_996 : vector<16xf32>
        %add3A_998 = arith.addf %add3A_913, %mul3A_997 : vector<16xf32>
        %get3A_999 = arith.index_cast %add3A_968 : i32 to index
        %get3A_1000 = arith.constant 48 : index
        %get3A_1001 = tpu.vector_load %arg11[%get3A_999, %get3A_1000] {strides = array<i32>} : memref<256x128xf32, #tpu.memory_space<vmem>>, vector<1x16xf32>,
        %get3A_1002 = vector.shape_cast %get3A_1001 : vector<1x16xf32> to vector<16xf32>
        %get3A_1003 = arith.index_cast %add3A_968 : i32 to index
        %get3A_1004 = arith.constant 48 : index
        %get3A_1005 = tpu.vector_load %arg10[%get3A_1003, %get3A_1004] {strides = array<i32>} : memref<256x128xf32, #tpu.memory_space<vmem>>, vector<1x16xf32>,
        %get3A_1006 = vector.shape_cast %get3A_1005 : vector<1x16xf32> to vector<16xf32>
        %mul3A_1007 = arith.mulf %get3A_1002, %get3A_1006 : vector<16xf32>
        %add3A_1008 = arith.addf %add3A_923, %mul3A_1007 : vector<16xf32>
        %get3A_1009 = arith.index_cast %add3A_968 : i32 to index
        %get3A_1010 = arith.constant 64 : index
        %get3A_1011 = tpu.vector_load %arg11[%get3A_1009, %get3A_1010] {strides = array<i32>} : memref<256x128xf32, #tpu.memory_space<vmem>>, vector<1x16xf32>,
        %get3A_1012 = vector.shape_cast %get3A_1011 : vector<1x16xf32> to vector<16xf32>
        %get3A_1013 = arith.index_cast %add3A_968 : i32 to index
        %get3A_1014 = arith.constant 64 : index
        %get3A_1015 = tpu.vector_load %arg10[%get3A_1013, %get3A_1014] {strides = array<i32>} : memref<256x128xf32, #tpu.memory_space<vmem>>, vector<1x16xf32>,
        %get3A_1016 = vector.shape_cast %get3A_1015 : vector<1x16xf32> to vector<16xf32>
        %mul3A_1017 = arith.mulf %get3A_1012, %get3A_1016 : vector<16xf32>
        %add3A_1018 = arith.addf %add3A_933, %mul3A_1017 : vector<16xf32>
        %get3A_1019 = arith.index_cast %add3A_968 : i32 to index
        %get3A_1020 = arith.constant 80 : index
        %get3A_1021 = tpu.vector_load %arg11[%get3A_1019, %get3A_1020] {strides = array<i32>} : memref<256x128xf32, #tpu.memory_space<vmem>>, vector<1x16xf32>,
        %get3A_1022 = vector.shape_cast %get3A_1021 : vector<1x16xf32> to vector<16xf32>
        %get3A_1023 = arith.index_cast %add3A_968 : i32 to index
        %get3A_1024 = arith.constant 80 : index
        %get3A_1025 = tpu.vector_load %arg10[%get3A_1023, %get3A_1024] {strides = array<i32>} : memref<256x128xf32, #tpu.memory_space<vmem>>, vector<1x16xf32>,
        %get3A_1026 = vector.shape_cast %get3A_1025 : vector<1x16xf32> to vector<16xf32>
        %mul3A_1027 = arith.mulf %get3A_1022, %get3A_1026 : vector<16xf32>
        %add3A_1028 = arith.addf %add3A_943, %mul3A_1027 : vector<16xf32>
        %get3A_1029 = arith.index_cast %add3A_968 : i32 to index
        %get3A_1030 = arith.constant 96 : index
        %get3A_1031 = tpu.vector_load %arg11[%get3A_1029, %get3A_1030] {strides = array<i32>} : memref<256x128xf32, #tpu.memory_space<vmem>>, vector<1x16xf32>,
        %get3A_1032 = vector.shape_cast %get3A_1031 : vector<1x16xf32> to vector<16xf32>
        %get3A_1033 = arith.index_cast %add3A_968 : i32 to index
        %get3A_1034 = arith.constant 96 : index
        %get3A_1035 = tpu.vector_load %arg10[%get3A_1033, %get3A_1034] {strides = array<i32>} : memref<256x128xf32, #tpu.memory_space<vmem>>, vector<1x16xf32>,
        %get3A_1036 = vector.shape_cast %get3A_1035 : vector<1x16xf32> to vector<16xf32>
        %mul3A_1037 = arith.mulf %get3A_1032, %get3A_1036 : vector<16xf32>
        %add3A_1038 = arith.addf %add3A_953, %mul3A_1037 : vector<16xf32>
        %get3A_1039 = arith.index_cast %add3A_968 : i32 to index
        %get3A_1040 = arith.constant 112 : index
        %get3A_1041 = tpu.vector_load %arg11[%get3A_1039, %get3A_1040] {strides = array<i32>} : memref<256x128xf32, #tpu.memory_space<vmem>>, vector<1x16xf32>,
        %get3A_1042 = vector.shape_cast %get3A_1041 : vector<1x16xf32> to vector<16xf32>
        %get3A_1043 = arith.index_cast %add3A_968 : i32 to index
        %get3A_1044 = arith.constant 112 : index
        %get3A_1045 = tpu.vector_load %arg10[%get3A_1043, %get3A_1044] {strides = array<i32>} : memref<256x128xf32, #tpu.memory_space<vmem>>, vector<1x16xf32>,
        %get3A_1046 = vector.shape_cast %get3A_1045 : vector<1x16xf32> to vector<16xf32>
        %mul3A_1047 = arith.mulf %get3A_1042, %get3A_1046 : vector<16xf32>
        %add3A_1048 = arith.addf %add3A_963, %mul3A_1047 : vector<16xf32>
        %scan3A_1049 = arith.constant 3 : i32
        %scan3A_1050 = arith.addi %scan3A_787, %scan3A_1049 : i32
        %add3A_1051 = arith.constant 64 : i32
        %add3A_1052 = arith.addi %mul3A_575, %add3A_1051 : i32
        %add3A_1053 = arith.addi %add3A_1052, %scan3A_1050 : i32
        %get3A_1054 = arith.index_cast %add3A_1053 : i32 to index
        %get3A_1055 = arith.constant 0 : index
        %get3A_1056 = tpu.vector_load %arg11[%get3A_1054, %get3A_1055] {strides = array<i32>} : memref<256x128xf32, #tpu.memory_space<vmem>>, vector<1x16xf32>,
        %get3A_1057 = vector.shape_cast %get3A_1056 : vector<1x16xf32> to vector<16xf32>
        %get3A_1058 = arith.index_cast %add3A_1053 : i32 to index
        %get3A_1059 = arith.constant 0 : index
        %get3A_1060 = tpu.vector_load %arg10[%get3A_1058, %get3A_1059] {strides = array<i32>} : memref<256x128xf32, #tpu.memory_space<vmem>>, vector<1x16xf32>,
        %get3A_1061 = vector.shape_cast %get3A_1060 : vector<1x16xf32> to vector<16xf32>
        %mul3A_1062 = arith.mulf %get3A_1057, %get3A_1061 : vector<16xf32>
        %add3A_1063 = arith.addf %add3A_978, %mul3A_1062 : vector<16xf32>
        %get3A_1064 = arith.index_cast %add3A_1053 : i32 to index
        %get3A_1065 = arith.constant 16 : index
        %get3A_1066 = tpu.vector_load %arg11[%get3A_1064, %get3A_1065] {strides = array<i32>} : memref<256x128xf32, #tpu.memory_space<vmem>>, vector<1x16xf32>,
        %get3A_1067 = vector.shape_cast %get3A_1066 : vector<1x16xf32> to vector<16xf32>
        %get3A_1068 = arith.index_cast %add3A_1053 : i32 to index
        %get3A_1069 = arith.constant 16 : index
        %get3A_1070 = tpu.vector_load %arg10[%get3A_1068, %get3A_1069] {strides = array<i32>} : memref<256x128xf32, #tpu.memory_space<vmem>>, vector<1x16xf32>,
        %get3A_1071 = vector.shape_cast %get3A_1070 : vector<1x16xf32> to vector<16xf32>
        %mul3A_1072 = arith.mulf %get3A_1067, %get3A_1071 : vector<16xf32>
        %add3A_1073 = arith.addf %add3A_988, %mul3A_1072 : vector<16xf32>
        %get3A_1074 = arith.index_cast %add3A_1053 : i32 to index
        %get3A_1075 = arith.constant 32 : index
        %get3A_1076 = tpu.vector_load %arg11[%get3A_1074, %get3A_1075] {strides = array<i32>} : memref<256x128xf32, #tpu.memory_space<vmem>>, vector<1x16xf32>,
        %get3A_1077 = vector.shape_cast %get3A_1076 : vector<1x16xf32> to vector<16xf32>
        %get3A_1078 = arith.index_cast %add3A_1053 : i32 to index
        %get3A_1079 = arith.constant 32 : index
        %get3A_1080 = tpu.vector_load %arg10[%get3A_1078, %get3A_1079] {strides = array<i32>} : memref<256x128xf32, #tpu.memory_space<vmem>>, vector<1x16xf32>,
        %get3A_1081 = vector.shape_cast %get3A_1080 : vector<1x16xf32> to vector<16xf32>
        %mul3A_1082 = arith.mulf %get3A_1077, %get3A_1081 : vector<16xf32>
        %add3A_1083 = arith.addf %add3A_998, %mul3A_1082 : vector<16xf32>
        %get3A_1084 = arith.index_cast %add3A_1053 : i32 to index
        %get3A_1085 = arith.constant 48 : index
        %get3A_1086 = tpu.vector_load %arg11[%get3A_1084, %get3A_1085] {strides = array<i32>} : memref<256x128xf32, #tpu.memory_space<vmem>>, vector<1x16xf32>,
        %get3A_1087 = vector.shape_cast %get3A_1086 : vector<1x16xf32> to vector<16xf32>
        %get3A_1088 = arith.index_cast %add3A_1053 : i32 to index
        %get3A_1089 = arith.constant 48 : index
        %get3A_1090 = tpu.vector_load %arg10[%get3A_1088, %get3A_1089] {strides = array<i32>} : memref<256x128xf32, #tpu.memory_space<vmem>>, vector<1x16xf32>,
        %get3A_1091 = vector.shape_cast %get3A_1090 : vector<1x16xf32> to vector<16xf32>
        %mul3A_1092 = arith.mulf %get3A_1087, %get3A_1091 : vector<16xf32>
        %add3A_1093 = arith.addf %add3A_1008, %mul3A_1092 : vector<16xf32>
        %get3A_1094 = arith.index_cast %add3A_1053 : i32 to index
        %get3A_1095 = arith.constant 64 : index
        %get3A_1096 = tpu.vector_load %arg11[%get3A_1094, %get3A_1095] {strides = array<i32>} : memref<256x128xf32, #tpu.memory_space<vmem>>, vector<1x16xf32>,
        %get3A_1097 = vector.shape_cast %get3A_1096 : vector<1x16xf32> to vector<16xf32>
        %get3A_1098 = arith.index_cast %add3A_1053 : i32 to index
        %get3A_1099 = arith.constant 64 : index
        %get3A_1100 = tpu.vector_load %arg10[%get3A_1098, %get3A_1099] {strides = array<i32>} : memref<256x128xf32, #tpu.memory_space<vmem>>, vector<1x16xf32>,
        %get3A_1101 = vector.shape_cast %get3A_1100 : vector<1x16xf32> to vector<16xf32>
        %mul3A_1102 = arith.mulf %get3A_1097, %get3A_1101 : vector<16xf32>
        %add3A_1103 = arith.addf %add3A_1018, %mul3A_1102 : vector<16xf32>
        %get3A_1104 = arith.index_cast %add3A_1053 : i32 to index
        %get3A_1105 = arith.constant 80 : index
        %get3A_1106 = tpu.vector_load %arg11[%get3A_1104, %get3A_1105] {strides = array<i32>} : memref<256x128xf32, #tpu.memory_space<vmem>>, vector<1x16xf32>,
        %get3A_1107 = vector.shape_cast %get3A_1106 : vector<1x16xf32> to vector<16xf32>
        %get3A_1108 = arith.index_cast %add3A_1053 : i32 to index
        %get3A_1109 = arith.constant 80 : index
        %get3A_1110 = tpu.vector_load %arg10[%get3A_1108, %get3A_1109] {strides = array<i32>} : memref<256x128xf32, #tpu.memory_space<vmem>>, vector<1x16xf32>,
        %get3A_1111 = vector.shape_cast %get3A_1110 : vector<1x16xf32> to vector<16xf32>
        %mul3A_1112 = arith.mulf %get3A_1107, %get3A_1111 : vector<16xf32>
        %add3A_1113 = arith.addf %add3A_1028, %mul3A_1112 : vector<16xf32>
        %get3A_1114 = arith.index_cast %add3A_1053 : i32 to index
        %get3A_1115 = arith.constant 96 : index
        %get3A_1116 = tpu.vector_load %arg11[%get3A_1114, %get3A_1115] {strides = array<i32>} : memref<256x128xf32, #tpu.memory_space<vmem>>, vector<1x16xf32>,
        %get3A_1117 = vector.shape_cast %get3A_1116 : vector<1x16xf32> to vector<16xf32>
        %get3A_1118 = arith.index_cast %add3A_1053 : i32 to index
        %get3A_1119 = arith.constant 96 : index
        %get3A_1120 = tpu.vector_load %arg10[%get3A_1118, %get3A_1119] {strides = array<i32>} : memref<256x128xf32, #tpu.memory_space<vmem>>, vector<1x16xf32>,
        %get3A_1121 = vector.shape_cast %get3A_1120 : vector<1x16xf32> to vector<16xf32>
        %mul3A_1122 = arith.mulf %get3A_1117, %get3A_1121 : vector<16xf32>
        %add3A_1123 = arith.addf %add3A_1038, %mul3A_1122 : vector<16xf32>
        %get3A_1124 = arith.index_cast %add3A_1053 : i32 to index
        %get3A_1125 = arith.constant 112 : index
        %get3A_1126 = tpu.vector_load %arg11[%get3A_1124, %get3A_1125] {strides = array<i32>} : memref<256x128xf32, #tpu.memory_space<vmem>>, vector<1x16xf32>,
        %get3A_1127 = vector.shape_cast %get3A_1126 : vector<1x16xf32> to vector<16xf32>
        %get3A_1128 = arith.index_cast %add3A_1053 : i32 to index
        %get3A_1129 = arith.constant 112 : index
        %get3A_1130 = tpu.vector_load %arg10[%get3A_1128, %get3A_1129] {strides = array<i32>} : memref<256x128xf32, #tpu.memory_space<vmem>>, vector<1x16xf32>,
        %get3A_1131 = vector.shape_cast %get3A_1130 : vector<1x16xf32> to vector<16xf32>
        %mul3A_1132 = arith.mulf %get3A_1127, %get3A_1131 : vector<16xf32>
        %add3A_1133 = arith.addf %add3A_1048, %mul3A_1132 : vector<16xf32>
        %scan3A_1134 = arith.constant 4 : i32
        %scan3A_1135 = arith.addi %scan3A_787, %scan3A_1134 : i32
        %add3A_1136 = arith.constant 64 : i32
        %add3A_1137 = arith.addi %mul3A_575, %add3A_1136 : i32
        %add3A_1138 = arith.addi %add3A_1137, %scan3A_1135 : i32
        %get3A_1139 = arith.index_cast %add3A_1138 : i32 to index
        %get3A_1140 = arith.constant 0 : index
        %get3A_1141 = tpu.vector_load %arg11[%get3A_1139, %get3A_1140] {strides = array<i32>} : memref<256x128xf32, #tpu.memory_space<vmem>>, vector<1x16xf32>,
        %get3A_1142 = vector.shape_cast %get3A_1141 : vector<1x16xf32> to vector<16xf32>
        %get3A_1143 = arith.index_cast %add3A_1138 : i32 to index
        %get3A_1144 = arith.constant 0 : index
        %get3A_1145 = tpu.vector_load %arg10[%get3A_1143, %get3A_1144] {strides = array<i32>} : memref<256x128xf32, #tpu.memory_space<vmem>>, vector<1x16xf32>,
        %get3A_1146 = vector.shape_cast %get3A_1145 : vector<1x16xf32> to vector<16xf32>
        %mul3A_1147 = arith.mulf %get3A_1142, %get3A_1146 : vector<16xf32>
        %add3A_1148 = arith.addf %add3A_1063, %mul3A_1147 : vector<16xf32>
        %get3A_1149 = arith.index_cast %add3A_1138 : i32 to index
        %get3A_1150 = arith.constant 16 : index
        %get3A_1151 = tpu.vector_load %arg11[%get3A_1149, %get3A_1150] {strides = array<i32>} : memref<256x128xf32, #tpu.memory_space<vmem>>, vector<1x16xf32>,
        %get3A_1152 = vector.shape_cast %get3A_1151 : vector<1x16xf32> to vector<16xf32>
        %get3A_1153 = arith.index_cast %add3A_1138 : i32 to index
        %get3A_1154 = arith.constant 16 : index
        %get3A_1155 = tpu.vector_load %arg10[%get3A_1153, %get3A_1154] {strides = array<i32>} : memref<256x128xf32, #tpu.memory_space<vmem>>, vector<1x16xf32>,
        %get3A_1156 = vector.shape_cast %get3A_1155 : vector<1x16xf32> to vector<16xf32>
        %mul3A_1157 = arith.mulf %get3A_1152, %get3A_1156 : vector<16xf32>
        %add3A_1158 = arith.addf %add3A_1073, %mul3A_1157 : vector<16xf32>
        %get3A_1159 = arith.index_cast %add3A_1138 : i32 to index
        %get3A_1160 = arith.constant 32 : index
        %get3A_1161 = tpu.vector_load %arg11[%get3A_1159, %get3A_1160] {strides = array<i32>} : memref<256x128xf32, #tpu.memory_space<vmem>>, vector<1x16xf32>,
        %get3A_1162 = vector.shape_cast %get3A_1161 : vector<1x16xf32> to vector<16xf32>
        %get3A_1163 = arith.index_cast %add3A_1138 : i32 to index
        %get3A_1164 = arith.constant 32 : index
        %get3A_1165 = tpu.vector_load %arg10[%get3A_1163, %get3A_1164] {strides = array<i32>} : memref<256x128xf32, #tpu.memory_space<vmem>>, vector<1x16xf32>,
        %get3A_1166 = vector.shape_cast %get3A_1165 : vector<1x16xf32> to vector<16xf32>
        %mul3A_1167 = arith.mulf %get3A_1162, %get3A_1166 : vector<16xf32>
        %add3A_1168 = arith.addf %add3A_1083, %mul3A_1167 : vector<16xf32>
        %get3A_1169 = arith.index_cast %add3A_1138 : i32 to index
        %get3A_1170 = arith.constant 48 : index
        %get3A_1171 = tpu.vector_load %arg11[%get3A_1169, %get3A_1170] {strides = array<i32>} : memref<256x128xf32, #tpu.memory_space<vmem>>, vector<1x16xf32>,
        %get3A_1172 = vector.shape_cast %get3A_1171 : vector<1x16xf32> to vector<16xf32>
        %get3A_1173 = arith.index_cast %add3A_1138 : i32 to index
        %get3A_1174 = arith.constant 48 : index
        %get3A_1175 = tpu.vector_load %arg10[%get3A_1173, %get3A_1174] {strides = array<i32>} : memref<256x128xf32, #tpu.memory_space<vmem>>, vector<1x16xf32>,
        %get3A_1176 = vector.shape_cast %get3A_1175 : vector<1x16xf32> to vector<16xf32>
        %mul3A_1177 = arith.mulf %get3A_1172, %get3A_1176 : vector<16xf32>
        %add3A_1178 = arith.addf %add3A_1093, %mul3A_1177 : vector<16xf32>
        %get3A_1179 = arith.index_cast %add3A_1138 : i32 to index
        %get3A_1180 = arith.constant 64 : index
        %get3A_1181 = tpu.vector_load %arg11[%get3A_1179, %get3A_1180] {strides = array<i32>} : memref<256x128xf32, #tpu.memory_space<vmem>>, vector<1x16xf32>,
        %get3A_1182 = vector.shape_cast %get3A_1181 : vector<1x16xf32> to vector<16xf32>
        %get3A_1183 = arith.index_cast %add3A_1138 : i32 to index
        %get3A_1184 = arith.constant 64 : index
        %get3A_1185 = tpu.vector_load %arg10[%get3A_1183, %get3A_1184] {strides = array<i32>} : memref<256x128xf32, #tpu.memory_space<vmem>>, vector<1x16xf32>,
        %get3A_1186 = vector.shape_cast %get3A_1185 : vector<1x16xf32> to vector<16xf32>
        %mul3A_1187 = arith.mulf %get3A_1182, %get3A_1186 : vector<16xf32>
        %add3A_1188 = arith.addf %add3A_1103, %mul3A_1187 : vector<16xf32>
        %get3A_1189 = arith.index_cast %add3A_1138 : i32 to index
        %get3A_1190 = arith.constant 80 : index
        %get3A_1191 = tpu.vector_load %arg11[%get3A_1189, %get3A_1190] {strides = array<i32>} : memref<256x128xf32, #tpu.memory_space<vmem>>, vector<1x16xf32>,
        %get3A_1192 = vector.shape_cast %get3A_1191 : vector<1x16xf32> to vector<16xf32>
        %get3A_1193 = arith.index_cast %add3A_1138 : i32 to index
        %get3A_1194 = arith.constant 80 : index
        %get3A_1195 = tpu.vector_load %arg10[%get3A_1193, %get3A_1194] {strides = array<i32>} : memref<256x128xf32, #tpu.memory_space<vmem>>, vector<1x16xf32>,
        %get3A_1196 = vector.shape_cast %get3A_1195 : vector<1x16xf32> to vector<16xf32>
        %mul3A_1197 = arith.mulf %get3A_1192, %get3A_1196 : vector<16xf32>
        %add3A_1198 = arith.addf %add3A_1113, %mul3A_1197 : vector<16xf32>
        %get3A_1199 = arith.index_cast %add3A_1138 : i32 to index
        %get3A_1200 = arith.constant 96 : index
        %get3A_1201 = tpu.vector_load %arg11[%get3A_1199, %get3A_1200] {strides = array<i32>} : memref<256x128xf32, #tpu.memory_space<vmem>>, vector<1x16xf32>,
        %get3A_1202 = vector.shape_cast %get3A_1201 : vector<1x16xf32> to vector<16xf32>
        %get3A_1203 = arith.index_cast %add3A_1138 : i32 to index
        %get3A_1204 = arith.constant 96 : index
        %get3A_1205 = tpu.vector_load %arg10[%get3A_1203, %get3A_1204] {strides = array<i32>} : memref<256x128xf32, #tpu.memory_space<vmem>>, vector<1x16xf32>,
        %get3A_1206 = vector.shape_cast %get3A_1205 : vector<1x16xf32> to vector<16xf32>
        %mul3A_1207 = arith.mulf %get3A_1202, %get3A_1206 : vector<16xf32>
        %add3A_1208 = arith.addf %add3A_1123, %mul3A_1207 : vector<16xf32>
        %get3A_1209 = arith.index_cast %add3A_1138 : i32 to index
        %get3A_1210 = arith.constant 112 : index
        %get3A_1211 = tpu.vector_load %arg11[%get3A_1209, %get3A_1210] {strides = array<i32>} : memref<256x128xf32, #tpu.memory_space<vmem>>, vector<1x16xf32>,
        %get3A_1212 = vector.shape_cast %get3A_1211 : vector<1x16xf32> to vector<16xf32>
        %get3A_1213 = arith.index_cast %add3A_1138 : i32 to index
        %get3A_1214 = arith.constant 112 : index
        %get3A_1215 = tpu.vector_load %arg10[%get3A_1213, %get3A_1214] {strides = array<i32>} : memref<256x128xf32, #tpu.memory_space<vmem>>, vector<1x16xf32>,
        %get3A_1216 = vector.shape_cast %get3A_1215 : vector<1x16xf32> to vector<16xf32>
        %mul3A_1217 = arith.mulf %get3A_1212, %get3A_1216 : vector<16xf32>
        %add3A_1218 = arith.addf %add3A_1133, %mul3A_1217 : vector<16xf32>
        %scan3A_1219 = arith.constant 5 : i32
        %scan3A_1220 = arith.addi %scan3A_787, %scan3A_1219 : i32
        %add3A_1221 = arith.constant 64 : i32
        %add3A_1222 = arith.addi %mul3A_575, %add3A_1221 : i32
        %add3A_1223 = arith.addi %add3A_1222, %scan3A_1220 : i32
        %get3A_1224 = arith.index_cast %add3A_1223 : i32 to index
        %get3A_1225 = arith.constant 0 : index
        %get3A_1226 = tpu.vector_load %arg11[%get3A_1224, %get3A_1225] {strides = array<i32>} : memref<256x128xf32, #tpu.memory_space<vmem>>, vector<1x16xf32>,
        %get3A_1227 = vector.shape_cast %get3A_1226 : vector<1x16xf32> to vector<16xf32>
        %get3A_1228 = arith.index_cast %add3A_1223 : i32 to index
        %get3A_1229 = arith.constant 0 : index
        %get3A_1230 = tpu.vector_load %arg10[%get3A_1228, %get3A_1229] {strides = array<i32>} : memref<256x128xf32, #tpu.memory_space<vmem>>, vector<1x16xf32>,
        %get3A_1231 = vector.shape_cast %get3A_1230 : vector<1x16xf32> to vector<16xf32>
        %mul3A_1232 = arith.mulf %get3A_1227, %get3A_1231 : vector<16xf32>
        %add3A_1233 = arith.addf %add3A_1148, %mul3A_1232 : vector<16xf32>
        %get3A_1234 = arith.index_cast %add3A_1223 : i32 to index
        %get3A_1235 = arith.constant 16 : index
        %get3A_1236 = tpu.vector_load %arg11[%get3A_1234, %get3A_1235] {strides = array<i32>} : memref<256x128xf32, #tpu.memory_space<vmem>>, vector<1x16xf32>,
        %get3A_1237 = vector.shape_cast %get3A_1236 : vector<1x16xf32> to vector<16xf32>
        %get3A_1238 = arith.index_cast %add3A_1223 : i32 to index
        %get3A_1239 = arith.constant 16 : index
        %get3A_1240 = tpu.vector_load %arg10[%get3A_1238, %get3A_1239] {strides = array<i32>} : memref<256x128xf32, #tpu.memory_space<vmem>>, vector<1x16xf32>,
        %get3A_1241 = vector.shape_cast %get3A_1240 : vector<1x16xf32> to vector<16xf32>
        %mul3A_1242 = arith.mulf %get3A_1237, %get3A_1241 : vector<16xf32>
        %add3A_1243 = arith.addf %add3A_1158, %mul3A_1242 : vector<16xf32>
        %get3A_1244 = arith.index_cast %add3A_1223 : i32 to index
        %get3A_1245 = arith.constant 32 : index
        %get3A_1246 = tpu.vector_load %arg11[%get3A_1244, %get3A_1245] {strides = array<i32>} : memref<256x128xf32, #tpu.memory_space<vmem>>, vector<1x16xf32>,
        %get3A_1247 = vector.shape_cast %get3A_1246 : vector<1x16xf32> to vector<16xf32>
        %get3A_1248 = arith.index_cast %add3A_1223 : i32 to index
        %get3A_1249 = arith.constant 32 : index
        %get3A_1250 = tpu.vector_load %arg10[%get3A_1248, %get3A_1249] {strides = array<i32>} : memref<256x128xf32, #tpu.memory_space<vmem>>, vector<1x16xf32>,
        %get3A_1251 = vector.shape_cast %get3A_1250 : vector<1x16xf32> to vector<16xf32>
        %mul3A_1252 = arith.mulf %get3A_1247, %get3A_1251 : vector<16xf32>
        %add3A_1253 = arith.addf %add3A_1168, %mul3A_1252 : vector<16xf32>
        %get3A_1254 = arith.index_cast %add3A_1223 : i32 to index
        %get3A_1255 = arith.constant 48 : index
        %get3A_1256 = tpu.vector_load %arg11[%get3A_1254, %get3A_1255] {strides = array<i32>} : memref<256x128xf32, #tpu.memory_space<vmem>>, vector<1x16xf32>,
        %get3A_1257 = vector.shape_cast %get3A_1256 : vector<1x16xf32> to vector<16xf32>
        %get3A_1258 = arith.index_cast %add3A_1223 : i32 to index
        %get3A_1259 = arith.constant 48 : index
        %get3A_1260 = tpu.vector_load %arg10[%get3A_1258, %get3A_1259] {strides = array<i32>} : memref<256x128xf32, #tpu.memory_space<vmem>>, vector<1x16xf32>,
        %get3A_1261 = vector.shape_cast %get3A_1260 : vector<1x16xf32> to vector<16xf32>
        %mul3A_1262 = arith.mulf %get3A_1257, %get3A_1261 : vector<16xf32>
        %add3A_1263 = arith.addf %add3A_1178, %mul3A_1262 : vector<16xf32>
        %get3A_1264 = arith.index_cast %add3A_1223 : i32 to index
        %get3A_1265 = arith.constant 64 : index
        %get3A_1266 = tpu.vector_load %arg11[%get3A_1264, %get3A_1265] {strides = array<i32>} : memref<256x128xf32, #tpu.memory_space<vmem>>, vector<1x16xf32>,
        %get3A_1267 = vector.shape_cast %get3A_1266 : vector<1x16xf32> to vector<16xf32>
        %get3A_1268 = arith.index_cast %add3A_1223 : i32 to index
        %get3A_1269 = arith.constant 64 : index
        %get3A_1270 = tpu.vector_load %arg10[%get3A_1268, %get3A_1269] {strides = array<i32>} : memref<256x128xf32, #tpu.memory_space<vmem>>, vector<1x16xf32>,
        %get3A_1271 = vector.shape_cast %get3A_1270 : vector<1x16xf32> to vector<16xf32>
        %mul3A_1272 = arith.mulf %get3A_1267, %get3A_1271 : vector<16xf32>
        %add3A_1273 = arith.addf %add3A_1188, %mul3A_1272 : vector<16xf32>
        %get3A_1274 = arith.index_cast %add3A_1223 : i32 to index
        %get3A_1275 = arith.constant 80 : index
        %get3A_1276 = tpu.vector_load %arg11[%get3A_1274, %get3A_1275] {strides = array<i32>} : memref<256x128xf32, #tpu.memory_space<vmem>>, vector<1x16xf32>,
        %get3A_1277 = vector.shape_cast %get3A_1276 : vector<1x16xf32> to vector<16xf32>
        %get3A_1278 = arith.index_cast %add3A_1223 : i32 to index
        %get3A_1279 = arith.constant 80 : index
        %get3A_1280 = tpu.vector_load %arg10[%get3A_1278, %get3A_1279] {strides = array<i32>} : memref<256x128xf32, #tpu.memory_space<vmem>>, vector<1x16xf32>,
        %get3A_1281 = vector.shape_cast %get3A_1280 : vector<1x16xf32> to vector<16xf32>
        %mul3A_1282 = arith.mulf %get3A_1277, %get3A_1281 : vector<16xf32>
        %add3A_1283 = arith.addf %add3A_1198, %mul3A_1282 : vector<16xf32>
        %get3A_1284 = arith.index_cast %add3A_1223 : i32 to index
        %get3A_1285 = arith.constant 96 : index
        %get3A_1286 = tpu.vector_load %arg11[%get3A_1284, %get3A_1285] {strides = array<i32>} : memref<256x128xf32, #tpu.memory_space<vmem>>, vector<1x16xf32>,
        %get3A_1287 = vector.shape_cast %get3A_1286 : vector<1x16xf32> to vector<16xf32>
        %get3A_1288 = arith.index_cast %add3A_1223 : i32 to index
        %get3A_1289 = arith.constant 96 : index
        %get3A_1290 = tpu.vector_load %arg10[%get3A_1288, %get3A_1289] {strides = array<i32>} : memref<256x128xf32, #tpu.memory_space<vmem>>, vector<1x16xf32>,
        %get3A_1291 = vector.shape_cast %get3A_1290 : vector<1x16xf32> to vector<16xf32>
        %mul3A_1292 = arith.mulf %get3A_1287, %get3A_1291 : vector<16xf32>
        %add3A_1293 = arith.addf %add3A_1208, %mul3A_1292 : vector<16xf32>
        %get3A_1294 = arith.index_cast %add3A_1223 : i32 to index
        %get3A_1295 = arith.constant 112 : index
        %get3A_1296 = tpu.vector_load %arg11[%get3A_1294, %get3A_1295] {strides = array<i32>} : memref<256x128xf32, #tpu.memory_space<vmem>>, vector<1x16xf32>,
        %get3A_1297 = vector.shape_cast %get3A_1296 : vector<1x16xf32> to vector<16xf32>
        %get3A_1298 = arith.index_cast %add3A_1223 : i32 to index
        %get3A_1299 = arith.constant 112 : index
        %get3A_1300 = tpu.vector_load %arg10[%get3A_1298, %get3A_1299] {strides = array<i32>} : memref<256x128xf32, #tpu.memory_space<vmem>>, vector<1x16xf32>,
        %get3A_1301 = vector.shape_cast %get3A_1300 : vector<1x16xf32> to vector<16xf32>
        %mul3A_1302 = arith.mulf %get3A_1297, %get3A_1301 : vector<16xf32>
        %add3A_1303 = arith.addf %add3A_1218, %mul3A_1302 : vector<16xf32>
        %scan3A_1304 = arith.constant 6 : i32
        %scan3A_1305 = arith.addi %scan3A_787, %scan3A_1304 : i32
        %add3A_1306 = arith.constant 64 : i32
        %add3A_1307 = arith.addi %mul3A_575, %add3A_1306 : i32
        %add3A_1308 = arith.addi %add3A_1307, %scan3A_1305 : i32
        %get3A_1309 = arith.index_cast %add3A_1308 : i32 to index
        %get3A_1310 = arith.constant 0 : index
        %get3A_1311 = tpu.vector_load %arg11[%get3A_1309, %get3A_1310] {strides = array<i32>} : memref<256x128xf32, #tpu.memory_space<vmem>>, vector<1x16xf32>,
        %get3A_1312 = vector.shape_cast %get3A_1311 : vector<1x16xf32> to vector<16xf32>
        %get3A_1313 = arith.index_cast %add3A_1308 : i32 to index
        %get3A_1314 = arith.constant 0 : index
        %get3A_1315 = tpu.vector_load %arg10[%get3A_1313, %get3A_1314] {strides = array<i32>} : memref<256x128xf32, #tpu.memory_space<vmem>>, vector<1x16xf32>,
        %get3A_1316 = vector.shape_cast %get3A_1315 : vector<1x16xf32> to vector<16xf32>
        %mul3A_1317 = arith.mulf %get3A_1312, %get3A_1316 : vector<16xf32>
        %add3A_1318 = arith.addf %add3A_1233, %mul3A_1317 : vector<16xf32>
        %get3A_1319 = arith.index_cast %add3A_1308 : i32 to index
        %get3A_1320 = arith.constant 16 : index
        %get3A_1321 = tpu.vector_load %arg11[%get3A_1319, %get3A_1320] {strides = array<i32>} : memref<256x128xf32, #tpu.memory_space<vmem>>, vector<1x16xf32>,
        %get3A_1322 = vector.shape_cast %get3A_1321 : vector<1x16xf32> to vector<16xf32>
        %get3A_1323 = arith.index_cast %add3A_1308 : i32 to index
        %get3A_1324 = arith.constant 16 : index
        %get3A_1325 = tpu.vector_load %arg10[%get3A_1323, %get3A_1324] {strides = array<i32>} : memref<256x128xf32, #tpu.memory_space<vmem>>, vector<1x16xf32>,
        %get3A_1326 = vector.shape_cast %get3A_1325 : vector<1x16xf32> to vector<16xf32>
        %mul3A_1327 = arith.mulf %get3A_1322, %get3A_1326 : vector<16xf32>
        %add3A_1328 = arith.addf %add3A_1243, %mul3A_1327 : vector<16xf32>
        %get3A_1329 = arith.index_cast %add3A_1308 : i32 to index
        %get3A_1330 = arith.constant 32 : index
        %get3A_1331 = tpu.vector_load %arg11[%get3A_1329, %get3A_1330] {strides = array<i32>} : memref<256x128xf32, #tpu.memory_space<vmem>>, vector<1x16xf32>,
        %get3A_1332 = vector.shape_cast %get3A_1331 : vector<1x16xf32> to vector<16xf32>
        %get3A_1333 = arith.index_cast %add3A_1308 : i32 to index
        %get3A_1334 = arith.constant 32 : index
        %get3A_1335 = tpu.vector_load %arg10[%get3A_1333, %get3A_1334] {strides = array<i32>} : memref<256x128xf32, #tpu.memory_space<vmem>>, vector<1x16xf32>,
        %get3A_1336 = vector.shape_cast %get3A_1335 : vector<1x16xf32> to vector<16xf32>
        %mul3A_1337 = arith.mulf %get3A_1332, %get3A_1336 : vector<16xf32>
        %add3A_1338 = arith.addf %add3A_1253, %mul3A_1337 : vector<16xf32>
        %get3A_1339 = arith.index_cast %add3A_1308 : i32 to index
        %get3A_1340 = arith.constant 48 : index
        %get3A_1341 = tpu.vector_load %arg11[%get3A_1339, %get3A_1340] {strides = array<i32>} : memref<256x128xf32, #tpu.memory_space<vmem>>, vector<1x16xf32>,
        %get3A_1342 = vector.shape_cast %get3A_1341 : vector<1x16xf32> to vector<16xf32>
        %get3A_1343 = arith.index_cast %add3A_1308 : i32 to index
        %get3A_1344 = arith.constant 48 : index
        %get3A_1345 = tpu.vector_load %arg10[%get3A_1343, %get3A_1344] {strides = array<i32>} : memref<256x128xf32, #tpu.memory_space<vmem>>, vector<1x16xf32>,
        %get3A_1346 = vector.shape_cast %get3A_1345 : vector<1x16xf32> to vector<16xf32>
        %mul3A_1347 = arith.mulf %get3A_1342, %get3A_1346 : vector<16xf32>
        %add3A_1348 = arith.addf %add3A_1263, %mul3A_1347 : vector<16xf32>
        %get3A_1349 = arith.index_cast %add3A_1308 : i32 to index
        %get3A_1350 = arith.constant 64 : index
        %get3A_1351 = tpu.vector_load %arg11[%get3A_1349, %get3A_1350] {strides = array<i32>} : memref<256x128xf32, #tpu.memory_space<vmem>>, vector<1x16xf32>,
        %get3A_1352 = vector.shape_cast %get3A_1351 : vector<1x16xf32> to vector<16xf32>
        %get3A_1353 = arith.index_cast %add3A_1308 : i32 to index
        %get3A_1354 = arith.constant 64 : index
        %get3A_1355 = tpu.vector_load %arg10[%get3A_1353, %get3A_1354] {strides = array<i32>} : memref<256x128xf32, #tpu.memory_space<vmem>>, vector<1x16xf32>,
        %get3A_1356 = vector.shape_cast %get3A_1355 : vector<1x16xf32> to vector<16xf32>
        %mul3A_1357 = arith.mulf %get3A_1352, %get3A_1356 : vector<16xf32>
        %add3A_1358 = arith.addf %add3A_1273, %mul3A_1357 : vector<16xf32>
        %get3A_1359 = arith.index_cast %add3A_1308 : i32 to index
        %get3A_1360 = arith.constant 80 : index
        %get3A_1361 = tpu.vector_load %arg11[%get3A_1359, %get3A_1360] {strides = array<i32>} : memref<256x128xf32, #tpu.memory_space<vmem>>, vector<1x16xf32>,
        %get3A_1362 = vector.shape_cast %get3A_1361 : vector<1x16xf32> to vector<16xf32>
        %get3A_1363 = arith.index_cast %add3A_1308 : i32 to index
        %get3A_1364 = arith.constant 80 : index
        %get3A_1365 = tpu.vector_load %arg10[%get3A_1363, %get3A_1364] {strides = array<i32>} : memref<256x128xf32, #tpu.memory_space<vmem>>, vector<1x16xf32>,
        %get3A_1366 = vector.shape_cast %get3A_1365 : vector<1x16xf32> to vector<16xf32>
        %mul3A_1367 = arith.mulf %get3A_1362, %get3A_1366 : vector<16xf32>
        %add3A_1368 = arith.addf %add3A_1283, %mul3A_1367 : vector<16xf32>
        %get3A_1369 = arith.index_cast %add3A_1308 : i32 to index
        %get3A_1370 = arith.constant 96 : index
        %get3A_1371 = tpu.vector_load %arg11[%get3A_1369, %get3A_1370] {strides = array<i32>} : memref<256x128xf32, #tpu.memory_space<vmem>>, vector<1x16xf32>,
        %get3A_1372 = vector.shape_cast %get3A_1371 : vector<1x16xf32> to vector<16xf32>
        %get3A_1373 = arith.index_cast %add3A_1308 : i32 to index
        %get3A_1374 = arith.constant 96 : index
        %get3A_1375 = tpu.vector_load %arg10[%get3A_1373, %get3A_1374] {strides = array<i32>} : memref<256x128xf32, #tpu.memory_space<vmem>>, vector<1x16xf32>,
        %get3A_1376 = vector.shape_cast %get3A_1375 : vector<1x16xf32> to vector<16xf32>
        %mul3A_1377 = arith.mulf %get3A_1372, %get3A_1376 : vector<16xf32>
        %add3A_1378 = arith.addf %add3A_1293, %mul3A_1377 : vector<16xf32>
        %get3A_1379 = arith.index_cast %add3A_1308 : i32 to index
        %get3A_1380 = arith.constant 112 : index
        %get3A_1381 = tpu.vector_load %arg11[%get3A_1379, %get3A_1380] {strides = array<i32>} : memref<256x128xf32, #tpu.memory_space<vmem>>, vector<1x16xf32>,
        %get3A_1382 = vector.shape_cast %get3A_1381 : vector<1x16xf32> to vector<16xf32>
        %get3A_1383 = arith.index_cast %add3A_1308 : i32 to index
        %get3A_1384 = arith.constant 112 : index
        %get3A_1385 = tpu.vector_load %arg10[%get3A_1383, %get3A_1384] {strides = array<i32>} : memref<256x128xf32, #tpu.memory_space<vmem>>, vector<1x16xf32>,
        %get3A_1386 = vector.shape_cast %get3A_1385 : vector<1x16xf32> to vector<16xf32>
        %mul3A_1387 = arith.mulf %get3A_1382, %get3A_1386 : vector<16xf32>
        %add3A_1388 = arith.addf %add3A_1303, %mul3A_1387 : vector<16xf32>
        %scan3A_1389 = arith.constant 7 : i32
        %scan3A_1390 = arith.addi %scan3A_787, %scan3A_1389 : i32
        %add3A_1391 = arith.constant 64 : i32
        %add3A_1392 = arith.addi %mul3A_575, %add3A_1391 : i32
        %add3A_1393 = arith.addi %add3A_1392, %scan3A_1390 : i32
        %get3A_1394 = arith.index_cast %add3A_1393 : i32 to index
        %get3A_1395 = arith.constant 0 : index
        %get3A_1396 = tpu.vector_load %arg11[%get3A_1394, %get3A_1395] {strides = array<i32>} : memref<256x128xf32, #tpu.memory_space<vmem>>, vector<1x16xf32>,
        %get3A_1397 = vector.shape_cast %get3A_1396 : vector<1x16xf32> to vector<16xf32>
        %get3A_1398 = arith.index_cast %add3A_1393 : i32 to index
        %get3A_1399 = arith.constant 0 : index
        %get3A_1400 = tpu.vector_load %arg10[%get3A_1398, %get3A_1399] {strides = array<i32>} : memref<256x128xf32, #tpu.memory_space<vmem>>, vector<1x16xf32>,
        %get3A_1401 = vector.shape_cast %get3A_1400 : vector<1x16xf32> to vector<16xf32>
        %mul3A_1402 = arith.mulf %get3A_1397, %get3A_1401 : vector<16xf32>
        %add3A_1403 = arith.addf %add3A_1318, %mul3A_1402 : vector<16xf32>
        %get3A_1404 = arith.index_cast %add3A_1393 : i32 to index
        %get3A_1405 = arith.constant 16 : index
        %get3A_1406 = tpu.vector_load %arg11[%get3A_1404, %get3A_1405] {strides = array<i32>} : memref<256x128xf32, #tpu.memory_space<vmem>>, vector<1x16xf32>,
        %get3A_1407 = vector.shape_cast %get3A_1406 : vector<1x16xf32> to vector<16xf32>
        %get3A_1408 = arith.index_cast %add3A_1393 : i32 to index
        %get3A_1409 = arith.constant 16 : index
        %get3A_1410 = tpu.vector_load %arg10[%get3A_1408, %get3A_1409] {strides = array<i32>} : memref<256x128xf32, #tpu.memory_space<vmem>>, vector<1x16xf32>,
        %get3A_1411 = vector.shape_cast %get3A_1410 : vector<1x16xf32> to vector<16xf32>
        %mul3A_1412 = arith.mulf %get3A_1407, %get3A_1411 : vector<16xf32>
        %add3A_1413 = arith.addf %add3A_1328, %mul3A_1412 : vector<16xf32>
        %get3A_1414 = arith.index_cast %add3A_1393 : i32 to index
        %get3A_1415 = arith.constant 32 : index
        %get3A_1416 = tpu.vector_load %arg11[%get3A_1414, %get3A_1415] {strides = array<i32>} : memref<256x128xf32, #tpu.memory_space<vmem>>, vector<1x16xf32>,
        %get3A_1417 = vector.shape_cast %get3A_1416 : vector<1x16xf32> to vector<16xf32>
        %get3A_1418 = arith.index_cast %add3A_1393 : i32 to index
        %get3A_1419 = arith.constant 32 : index
        %get3A_1420 = tpu.vector_load %arg10[%get3A_1418, %get3A_1419] {strides = array<i32>} : memref<256x128xf32, #tpu.memory_space<vmem>>, vector<1x16xf32>,
        %get3A_1421 = vector.shape_cast %get3A_1420 : vector<1x16xf32> to vector<16xf32>
        %mul3A_1422 = arith.mulf %get3A_1417, %get3A_1421 : vector<16xf32>
        %add3A_1423 = arith.addf %add3A_1338, %mul3A_1422 : vector<16xf32>
        %get3A_1424 = arith.index_cast %add3A_1393 : i32 to index
        %get3A_1425 = arith.constant 48 : index
        %get3A_1426 = tpu.vector_load %arg11[%get3A_1424, %get3A_1425] {strides = array<i32>} : memref<256x128xf32, #tpu.memory_space<vmem>>, vector<1x16xf32>,
        %get3A_1427 = vector.shape_cast %get3A_1426 : vector<1x16xf32> to vector<16xf32>
        %get3A_1428 = arith.index_cast %add3A_1393 : i32 to index
        %get3A_1429 = arith.constant 48 : index
        %get3A_1430 = tpu.vector_load %arg10[%get3A_1428, %get3A_1429] {strides = array<i32>} : memref<256x128xf32, #tpu.memory_space<vmem>>, vector<1x16xf32>,
        %get3A_1431 = vector.shape_cast %get3A_1430 : vector<1x16xf32> to vector<16xf32>
        %mul3A_1432 = arith.mulf %get3A_1427, %get3A_1431 : vector<16xf32>
        %add3A_1433 = arith.addf %add3A_1348, %mul3A_1432 : vector<16xf32>
        %get3A_1434 = arith.index_cast %add3A_1393 : i32 to index
        %get3A_1435 = arith.constant 64 : index
        %get3A_1436 = tpu.vector_load %arg11[%get3A_1434, %get3A_1435] {strides = array<i32>} : memref<256x128xf32, #tpu.memory_space<vmem>>, vector<1x16xf32>,
        %get3A_1437 = vector.shape_cast %get3A_1436 : vector<1x16xf32> to vector<16xf32>
        %get3A_1438 = arith.index_cast %add3A_1393 : i32 to index
        %get3A_1439 = arith.constant 64 : index
        %get3A_1440 = tpu.vector_load %arg10[%get3A_1438, %get3A_1439] {strides = array<i32>} : memref<256x128xf32, #tpu.memory_space<vmem>>, vector<1x16xf32>,
        %get3A_1441 = vector.shape_cast %get3A_1440 : vector<1x16xf32> to vector<16xf32>
        %mul3A_1442 = arith.mulf %get3A_1437, %get3A_1441 : vector<16xf32>
        %add3A_1443 = arith.addf %add3A_1358, %mul3A_1442 : vector<16xf32>
        %get3A_1444 = arith.index_cast %add3A_1393 : i32 to index
        %get3A_1445 = arith.constant 80 : index
        %get3A_1446 = tpu.vector_load %arg11[%get3A_1444, %get3A_1445] {strides = array<i32>} : memref<256x128xf32, #tpu.memory_space<vmem>>, vector<1x16xf32>,
        %get3A_1447 = vector.shape_cast %get3A_1446 : vector<1x16xf32> to vector<16xf32>
        %get3A_1448 = arith.index_cast %add3A_1393 : i32 to index
        %get3A_1449 = arith.constant 80 : index
        %get3A_1450 = tpu.vector_load %arg10[%get3A_1448, %get3A_1449] {strides = array<i32>} : memref<256x128xf32, #tpu.memory_space<vmem>>, vector<1x16xf32>,
        %get3A_1451 = vector.shape_cast %get3A_1450 : vector<1x16xf32> to vector<16xf32>
        %mul3A_1452 = arith.mulf %get3A_1447, %get3A_1451 : vector<16xf32>
        %add3A_1453 = arith.addf %add3A_1368, %mul3A_1452 : vector<16xf32>
        %get3A_1454 = arith.index_cast %add3A_1393 : i32 to index
        %get3A_1455 = arith.constant 96 : index
        %get3A_1456 = tpu.vector_load %arg11[%get3A_1454, %get3A_1455] {strides = array<i32>} : memref<256x128xf32, #tpu.memory_space<vmem>>, vector<1x16xf32>,
        %get3A_1457 = vector.shape_cast %get3A_1456 : vector<1x16xf32> to vector<16xf32>
        %get3A_1458 = arith.index_cast %add3A_1393 : i32 to index
        %get3A_1459 = arith.constant 96 : index
        %get3A_1460 = tpu.vector_load %arg10[%get3A_1458, %get3A_1459] {strides = array<i32>} : memref<256x128xf32, #tpu.memory_space<vmem>>, vector<1x16xf32>,
        %get3A_1461 = vector.shape_cast %get3A_1460 : vector<1x16xf32> to vector<16xf32>
        %mul3A_1462 = arith.mulf %get3A_1457, %get3A_1461 : vector<16xf32>
        %add3A_1463 = arith.addf %add3A_1378, %mul3A_1462 : vector<16xf32>
        %get3A_1464 = arith.index_cast %add3A_1393 : i32 to index
        %get3A_1465 = arith.constant 112 : index
        %get3A_1466 = tpu.vector_load %arg11[%get3A_1464, %get3A_1465] {strides = array<i32>} : memref<256x128xf32, #tpu.memory_space<vmem>>, vector<1x16xf32>,
        %get3A_1467 = vector.shape_cast %get3A_1466 : vector<1x16xf32> to vector<16xf32>
        %get3A_1468 = arith.index_cast %add3A_1393 : i32 to index
        %get3A_1469 = arith.constant 112 : index
        %get3A_1470 = tpu.vector_load %arg10[%get3A_1468, %get3A_1469] {strides = array<i32>} : memref<256x128xf32, #tpu.memory_space<vmem>>, vector<1x16xf32>,
        %get3A_1471 = vector.shape_cast %get3A_1470 : vector<1x16xf32> to vector<16xf32>
        %mul3A_1472 = arith.mulf %get3A_1467, %get3A_1471 : vector<16xf32>
        %add3A_1473 = arith.addf %add3A_1388, %mul3A_1472 : vector<16xf32>
        scf.yield %add3A_1403, %add3A_1413, %add3A_1423, %add3A_1433, %add3A_1443, %add3A_1453, %add3A_1463, %add3A_1473 : vector<16xf32>, vector<16xf32>, vector<16xf32>, vector<16xf32>, vector<16xf32>, vector<16xf32>, vector<16xf32>, vector<16xf32>
      }
      %scan3A_683 = arith.constant 64 : i32
      %swap3A_684 = arith.constant 1 : i32
      %swap3A_685 = arith.index_cast %swap3A_684 : i32 to index
      %swap3A_686 = arith.constant 0 : index
      %swap3A_687 = tpu.vector_load %arg12[%swap3A_685, %swap3A_686] {strides = array<i32>} : memref<2x128xf32, #tpu.memory_space<vmem>>, vector<1x16xf32>,
      %swap3A_688 = vector.shape_cast %swap3A_687 : vector<1x16xf32> to vector<16xf32>
      %swap3A_689 = vector.shape_cast %scan3A_682#0 : vector<16xf32> to vector<1x16xf32>
      tpu.vector_store %arg12[%swap3A_685, %swap3A_686], %swap3A_689 {strides = array<i32>} : memref<2x128xf32, #tpu.memory_space<vmem>>, vector<1x16xf32>,
      %swap3A_690 = arith.constant 1 : i32
      %swap3A_691 = arith.index_cast %swap3A_690 : i32 to index
      %swap3A_692 = arith.constant 16 : index
      %swap3A_693 = tpu.vector_load %arg12[%swap3A_691, %swap3A_692] {strides = array<i32>} : memref<2x128xf32, #tpu.memory_space<vmem>>, vector<1x16xf32>,
      %swap3A_694 = vector.shape_cast %swap3A_693 : vector<1x16xf32> to vector<16xf32>
      %swap3A_695 = vector.shape_cast %scan3A_682#1 : vector<16xf32> to vector<1x16xf32>
      tpu.vector_store %arg12[%swap3A_691, %swap3A_692], %swap3A_695 {strides = array<i32>} : memref<2x128xf32, #tpu.memory_space<vmem>>, vector<1x16xf32>,
      %swap3A_696 = arith.constant 1 : i32
      %swap3A_697 = arith.index_cast %swap3A_696 : i32 to index
      %swap3A_698 = arith.constant 32 : index
      %swap3A_699 = tpu.vector_load %arg12[%swap3A_697, %swap3A_698] {strides = array<i32>} : memref<2x128xf32, #tpu.memory_space<vmem>>, vector<1x16xf32>,
      %swap3A_700 = vector.shape_cast %swap3A_699 : vector<1x16xf32> to vector<16xf32>
      %swap3A_701 = vector.shape_cast %scan3A_682#2 : vector<16xf32> to vector<1x16xf32>
      tpu.vector_store %arg12[%swap3A_697, %swap3A_698], %swap3A_701 {strides = array<i32>} : memref<2x128xf32, #tpu.memory_space<vmem>>, vector<1x16xf32>,
      %swap3A_702 = arith.constant 1 : i32
      %swap3A_703 = arith.index_cast %swap3A_702 : i32 to index
      %swap3A_704 = arith.constant 48 : index
      %swap3A_705 = tpu.vector_load %arg12[%swap3A_703, %swap3A_704] {strides = array<i32>} : memref<2x128xf32, #tpu.memory_space<vmem>>, vector<1x16xf32>,
      %swap3A_706 = vector.shape_cast %swap3A_705 : vector<1x16xf32> to vector<16xf32>
      %swap3A_707 = vector.shape_cast %scan3A_682#3 : vector<16xf32> to vector<1x16xf32>
      tpu.vector_store %arg12[%swap3A_703, %swap3A_704], %swap3A_707 {strides = array<i32>} : memref<2x128xf32, #tpu.memory_space<vmem>>, vector<1x16xf32>,
      %swap3A_708 = arith.constant 1 : i32
      %swap3A_709 = arith.index_cast %swap3A_708 : i32 to index
      %swap3A_710 = arith.constant 64 : index
      %swap3A_711 = tpu.vector_load %arg12[%swap3A_709, %swap3A_710] {strides = array<i32>} : memref<2x128xf32, #tpu.memory_space<vmem>>, vector<1x16xf32>,
      %swap3A_712 = vector.shape_cast %swap3A_711 : vector<1x16xf32> to vector<16xf32>
      %swap3A_713 = vector.shape_cast %scan3A_682#4 : vector<16xf32> to vector<1x16xf32>
      tpu.vector_store %arg12[%swap3A_709, %swap3A_710], %swap3A_713 {strides = array<i32>} : memref<2x128xf32, #tpu.memory_space<vmem>>, vector<1x16xf32>,
      %swap3A_714 = arith.constant 1 : i32
      %swap3A_715 = arith.index_cast %swap3A_714 : i32 to index
      %swap3A_716 = arith.constant 80 : index
      %swap3A_717 = tpu.vector_load %arg12[%swap3A_715, %swap3A_716] {strides = array<i32>} : memref<2x128xf32, #tpu.memory_space<vmem>>, vector<1x16xf32>,
      %swap3A_718 = vector.shape_cast %swap3A_717 : vector<1x16xf32> to vector<16xf32>
      %swap3A_719 = vector.shape_cast %scan3A_682#5 : vector<16xf32> to vector<1x16xf32>
      tpu.vector_store %arg12[%swap3A_715, %swap3A_716], %swap3A_719 {strides = array<i32>} : memref<2x128xf32, #tpu.memory_space<vmem>>, vector<1x16xf32>,
      %swap3A_720 = arith.constant 1 : i32
      %swap3A_721 = arith.index_cast %swap3A_720 : i32 to index
      %swap3A_722 = arith.constant 96 : index
      %swap3A_723 = tpu.vector_load %arg12[%swap3A_721, %swap3A_722] {strides = array<i32>} : memref<2x128xf32, #tpu.memory_space<vmem>>, vector<1x16xf32>,
      %swap3A_724 = vector.shape_cast %swap3A_723 : vector<1x16xf32> to vector<16xf32>
      %swap3A_725 = vector.shape_cast %scan3A_682#6 : vector<16xf32> to vector<1x16xf32>
      tpu.vector_store %arg12[%swap3A_721, %swap3A_722], %swap3A_725 {strides = array<i32>} : memref<2x128xf32, #tpu.memory_space<vmem>>, vector<1x16xf32>,
      %swap3A_726 = arith.constant 1 : i32
      %swap3A_727 = arith.index_cast %swap3A_726 : i32 to index
      %swap3A_728 = arith.constant 112 : index
      %swap3A_729 = tpu.vector_load %arg12[%swap3A_727, %swap3A_728] {strides = array<i32>} : memref<2x128xf32, #tpu.memory_space<vmem>>, vector<1x16xf32>,
      %swap3A_730 = vector.shape_cast %swap3A_729 : vector<1x16xf32> to vector<16xf32>
      %swap3A_731 = vector.shape_cast %scan3A_682#7 : vector<16xf32> to vector<1x16xf32>
      tpu.vector_store %arg12[%swap3A_727, %swap3A_728], %swap3A_731 {strides = array<i32>} : memref<2x128xf32, #tpu.memory_space<vmem>>, vector<1x16xf32>,
      %mul3A_732 = arith.constant 128 : i32
      %mul3A_733 = arith.muli %add3A, %mul3A_732 : i32
      %mul3A_734 = arith.constant 2 : i32
      %mul3A_735 = arith.muli %scan3A_353, %mul3A_734 : i32
      %add3A_736 = arith.addi %mul3A_733, %mul3A_735 : i32
      "tpu.region"() ({
        %run_scoped3A = tpu.sem_alloc : memref<!tpu.dma_semaphore, #tpu.memory_space<semaphore_mem>>
        %dma_start3A_787 = arith.constant 0 : i32
        %dma_start3A_788 = tpu.memref_slice %arg6[%add3A_736, %dma_start3A_787] : memref<4096x128xf32, #tpu.memory_space<hbm>> -> memref<2x128xf32, #tpu.memory_space<hbm>>
        %dma_start3A_789 = arith.constant 0 : i32
        %dma_start3A_790 = tpu.memref_slice %arg6[%add3A_736, %dma_start3A_789] : memref<4096x128xf32, #tpu.memory_space<hbm>> -> memref<2x128xf32, #tpu.memory_space<hbm>>
        tpu.enqueue_dma source(%arg12 : memref<2x128xf32, #tpu.memory_space<vmem>>) target(%dma_start3A_790 : memref<2x128xf32, #tpu.memory_space<hbm>>) target_semaphore(%run_scoped3A : memref<!tpu.dma_semaphore, #tpu.memory_space<semaphore_mem>>)
        %dma_wait3A_791 = arith.constant 0 : i32
        %dma_wait3A_792 = tpu.memref_slice %arg6[%add3A_736, %dma_wait3A_791] : memref<4096x128xf32, #tpu.memory_space<hbm>> -> memref<2x128xf32, #tpu.memory_space<hbm>>
        %dma_wait3A_793 = arith.constant 0 : i32
        %dma_wait3A_794 = tpu.memref_slice %arg6[%add3A_736, %dma_wait3A_793] : memref<4096x128xf32, #tpu.memory_space<hbm>> -> memref<2x128xf32, #tpu.memory_space<hbm>>
        tpu.wait_dma2 semaphore(%run_scoped3A : memref<!tpu.dma_semaphore, #tpu.memory_space<semaphore_mem>>) src(%arg12 : memref<2x128xf32, #tpu.memory_space<vmem>>) dst(%dma_wait3A_794 : memref<2x128xf32, #tpu.memory_space<hbm>>)
        tpu.yield
      }) : () -> ()
      %add3A_737 = arith.constant 2 : i32
      %add3A_738 = arith.addi %scan3A_353, %add3A_737 : i32
      %jit3A_739 = arith.constant 2 : i32
      %eq3A_740 = arith.constant 0 : i32
      %eq3A_741 = arith.cmpi eq, %jit3A_739, %eq3A_740 : i32
      %jit3A_742 = arith.constant 1 : i32
      %select_n3A_743 = arith.select %eq3A_741, %jit3A_742, %jit3A_739 : i32
      %rem3A_744 = arith.remsi %add3A_738, %select_n3A_743 : i32
      %ne3A_745 = arith.constant 0 : i32
      %ne3A_746 = arith.cmpi ne, %rem3A_744, %ne3A_745 : i32
      %lt3A_747 = arith.constant 0 : i32
      %lt3A_748 = arith.cmpi slt, %rem3A_744, %lt3A_747 : i32
      %lt3A_749 = arith.constant 0 : i32
      %lt3A_750 = arith.cmpi slt, %select_n3A_743, %lt3A_749 : i32
      %ne3A_751 = arith.xori %lt3A_748, %lt3A_750 : i1
      %and3A_752 = arith.andi %ne3A_751, %ne3A_746 : i1
      %add3A_753 = arith.addi %rem3A_744, %select_n3A_743 : i32
      %select_n3A_754 = arith.select %and3A_752, %add3A_753, %rem3A_744 : i32
      %jit3A_755 = arith.constant 64 : i32
      %eq3A_756 = arith.constant 0 : i32
      %eq3A_757 = arith.cmpi eq, %jit3A_755, %eq3A_756 : i32
      %jit3A_758 = arith.constant 1 : i32
      %select_n3A_759 = arith.select %eq3A_757, %jit3A_758, %jit3A_755 : i32
      %rem3A_760 = arith.remsi %add3A_738, %select_n3A_759 : i32
      %ne3A_761 = arith.constant 0 : i32
      %ne3A_762 = arith.cmpi ne, %rem3A_760, %ne3A_761 : i32
      %lt3A_763 = arith.constant 0 : i32
      %lt3A_764 = arith.cmpi slt, %rem3A_760, %lt3A_763 : i32
      %lt3A_765 = arith.constant 0 : i32
      %lt3A_766 = arith.cmpi slt, %select_n3A_759, %lt3A_765 : i32
      %ne3A_767 = arith.xori %lt3A_764, %lt3A_766 : i1
      %and3A_768 = arith.andi %ne3A_767, %ne3A_762 : i1
      %add3A_769 = arith.addi %rem3A_760, %select_n3A_759 : i32
      %select_n3A_770 = arith.select %and3A_768, %add3A_769, %rem3A_760 : i32
      %mul3A_771 = arith.constant 128 : i32
      %mul3A_772 = arith.muli %select_n3A_770, %mul3A_771 : i32
      %add3A_773 = arith.addi %mul3A_4, %mul3A_772 : i32
      %mul3A_774 = arith.constant 128 : i32
      %mul3A_775 = arith.muli %select_n3A_754, %mul3A_774 : i32
      %dma_start3A_776 = tpu.memref_slice %arg7[%mul3A_775] : memref<256xi32, #tpu.memory_space<vmem>> -> memref<128xi32, #tpu.memory_space<vmem>>
      %dma_start3A_777 = tpu.memref_slice %arg3[%add3A_773] : memref<262144xi32, #tpu.memory_space<hbm>> -> memref<128xi32, #tpu.memory_space<hbm>>
      %dma_start3A_778 = tpu.memref_slice %arg7[%mul3A_775] : memref<256xi32, #tpu.memory_space<vmem>> -> memref<128xi32, #tpu.memory_space<vmem>>
      %dma_start3A_779 = tpu.memref_slice %arg3[%add3A_773] : memref<262144xi32, #tpu.memory_space<hbm>> -> memref<128xi32, #tpu.memory_space<hbm>>
      tpu.enqueue_dma source(%dma_start3A_779 : memref<128xi32, #tpu.memory_space<hbm>>) target(%dma_start3A_778 : memref<128xi32, #tpu.memory_space<vmem>>) target_semaphore(%arg13 : memref<!tpu.dma_semaphore, #tpu.memory_space<semaphore_mem>>)
      %mul3A_780 = arith.constant 128 : i32
      %mul3A_781 = arith.muli %select_n3A_754, %mul3A_780 : i32
      %dma_start3A_782 = tpu.memref_slice %arg9[%mul3A_781] : memref<256xf32, #tpu.memory_space<vmem>> -> memref<128xf32, #tpu.memory_space<vmem>>
      %dma_start3A_783 = tpu.memref_slice %arg4[%add3A_773] : memref<262144xf32, #tpu.memory_space<hbm>> -> memref<128xf32, #tpu.memory_space<hbm>>
      %dma_start3A_784 = tpu.memref_slice %arg9[%mul3A_781] : memref<256xf32, #tpu.memory_space<vmem>> -> memref<128xf32, #tpu.memory_space<vmem>>
      %dma_start3A_785 = tpu.memref_slice %arg4[%add3A_773] : memref<262144xf32, #tpu.memory_space<hbm>> -> memref<128xf32, #tpu.memory_space<hbm>>
      tpu.enqueue_dma source(%dma_start3A_785 : memref<128xf32, #tpu.memory_space<hbm>>) target(%dma_start3A_784 : memref<128xf32, #tpu.memory_space<vmem>>) target_semaphore(%arg13 : memref<!tpu.dma_semaphore, #tpu.memory_space<semaphore_mem>>)
      %scan3A_786 = arith.constant 0 : i32
      scf.yield %scan3A_786 : i32
    }
    %scan3A_177 = arith.constant 63 : i32
    %dma_wait3A_178 = arith.constant 0 : i32
    %dma_wait3A_179 = arith.constant 0 : i32
    %dma_wait3A_180 = tpu.memref_slice %arg10[%dma_wait3A_178, %dma_wait3A_179] : memref<256x128xf32, #tpu.memory_space<vmem>> -> memref<128x128xf32, #tpu.memory_space<vmem>>
    %dma_wait3A_181 = arith.constant 0 : i32
    %dma_wait3A_182 = tpu.memref_slice %arg7[%dma_wait3A_181] : memref<256xi32, #tpu.memory_space<vmem>> -> memref<128xi32, #tpu.memory_space<vmem>>
    %dma_wait3A_183 = arith.constant 0 : i32
    %dma_wait3A_184 = arith.constant 0 : i32
    %dma_wait3A_185 = tpu.memref_slice %arg2[%dma_wait3A_183, %dma_wait3A_184] : memref<4096x128xf32, #tpu.memory_space<hbm>> -> memref<4096x128xf32, #tpu.memory_space<hbm>>
    tpu.wait_indirect_dma semaphore(%arg14 : memref<!tpu.dma_semaphore, #tpu.memory_space<semaphore_mem>>) src(%dma_wait3A_185 : memref<4096x128xf32, #tpu.memory_space<hbm>>) dst(%dma_wait3A_180 : memref<128x128xf32, #tpu.memory_space<vmem>>)
    %dma_wait3A_186 = arith.constant 0 : i32
    %dma_wait3A_187 = arith.constant 0 : i32
    %dma_wait3A_188 = tpu.memref_slice %arg11[%dma_wait3A_186, %dma_wait3A_187] : memref<256x128xf32, #tpu.memory_space<vmem>> -> memref<128x128xf32, #tpu.memory_space<vmem>>
    %dma_wait3A_189 = arith.constant 0 : i32
    %dma_wait3A_190 = tpu.memref_slice %arg8[%dma_wait3A_189] : memref<256xi32, #tpu.memory_space<vmem>> -> memref<128xi32, #tpu.memory_space<vmem>>
    %dma_wait3A_191 = arith.constant 0 : i32
    %dma_wait3A_192 = arith.constant 0 : i32
    %dma_wait3A_193 = tpu.memref_slice %arg5[%dma_wait3A_191, %dma_wait3A_192] : memref<8192x128xf32, #tpu.memory_space<hbm>> -> memref<8192x128xf32, #tpu.memory_space<hbm>>
    tpu.wait_indirect_dma semaphore(%arg14 : memref<!tpu.dma_semaphore, #tpu.memory_space<semaphore_mem>>) src(%dma_wait3A_193 : memref<8192x128xf32, #tpu.memory_space<hbm>>) dst(%dma_wait3A_188 : memref<128x128xf32, #tpu.memory_space<vmem>>)
    %broadcast_in_dim3A = arith.constant 0.000000e+00 : f32
    %broadcast_in_dim3A_194 = vector.broadcast %broadcast_in_dim3A : f32 to vector<16xf32>
    %broadcast_in_dim3A_195 = arith.constant 0.000000e+00 : f32
    %broadcast_in_dim3A_196 = vector.broadcast %broadcast_in_dim3A_195 : f32 to vector<16xf32>
    %broadcast_in_dim3A_197 = arith.constant 0.000000e+00 : f32
    %broadcast_in_dim3A_198 = vector.broadcast %broadcast_in_dim3A_197 : f32 to vector<16xf32>
    %broadcast_in_dim3A_199 = arith.constant 0.000000e+00 : f32
    %broadcast_in_dim3A_200 = vector.broadcast %broadcast_in_dim3A_199 : f32 to vector<16xf32>
    %broadcast_in_dim3A_201 = arith.constant 0.000000e+00 : f32
    %broadcast_in_dim3A_202 = vector.broadcast %broadcast_in_dim3A_201 : f32 to vector<16xf32>
    %broadcast_in_dim3A_203 = arith.constant 0.000000e+00 : f32
    %broadcast_in_dim3A_204 = vector.broadcast %broadcast_in_dim3A_203 : f32 to vector<16xf32>
    %broadcast_in_dim3A_205 = arith.constant 0.000000e+00 : f32
    %broadcast_in_dim3A_206 = vector.broadcast %broadcast_in_dim3A_205 : f32 to vector<16xf32>
    %broadcast_in_dim3A_207 = arith.constant 0.000000e+00 : f32
    %broadcast_in_dim3A_208 = vector.broadcast %broadcast_in_dim3A_207 : f32 to vector<16xf32>
    %scan3A_209 = arith.constant 0 : i32
    %scan3A_210 = arith.constant 64 : i32
    %scan3A_211 = arith.addi %scan3A_209, %scan3A_210 : i32
    %scan3A_212 = arith.constant 8 : i32
    %scan3A_213:8 = scf.for %scan3A_353 = %scan3A_209 to %scan3A_211 step %scan3A_212 iter_args(%scan3A_354 = %broadcast_in_dim3A_194, %scan3A_355 = %broadcast_in_dim3A_196, %scan3A_356 = %broadcast_in_dim3A_198, %scan3A_357 = %broadcast_in_dim3A_200, %scan3A_358 = %broadcast_in_dim3A_202, %scan3A_359 = %broadcast_in_dim3A_204, %scan3A_360 = %broadcast_in_dim3A_206, %scan3A_361 = %broadcast_in_dim3A_208) -> (vector<16xf32>, vector<16xf32>, vector<16xf32>, vector<16xf32>, vector<16xf32>, vector<16xf32>, vector<16xf32>, vector<16xf32>)  : i32 {
      %add3A_362 = arith.constant 128 : i32
      %add3A_363 = arith.addi %add3A_362, %scan3A_353 : i32
      %get3A_364 = arith.index_cast %add3A_363 : i32 to index
      %get3A_365 = arith.constant 0 : index
      %get3A_366 = tpu.vector_load %arg11[%get3A_364, %get3A_365] {strides = array<i32>} : memref<256x128xf32, #tpu.memory_space<vmem>>, vector<1x16xf32>,
      %get3A_367 = vector.shape_cast %get3A_366 : vector<1x16xf32> to vector<16xf32>
      %get3A_368 = arith.index_cast %add3A_363 : i32 to index
      %get3A_369 = arith.constant 0 : index
      %get3A_370 = tpu.vector_load %arg10[%get3A_368, %get3A_369] {strides = array<i32>} : memref<256x128xf32, #tpu.memory_space<vmem>>, vector<1x16xf32>,
      %get3A_371 = vector.shape_cast %get3A_370 : vector<1x16xf32> to vector<16xf32>
      %mul3A_372 = arith.mulf %get3A_367, %get3A_371 : vector<16xf32>
      %add3A_373 = arith.addf %scan3A_354, %mul3A_372 : vector<16xf32>
      %get3A_374 = arith.index_cast %add3A_363 : i32 to index
      %get3A_375 = arith.constant 16 : index
      %get3A_376 = tpu.vector_load %arg11[%get3A_374, %get3A_375] {strides = array<i32>} : memref<256x128xf32, #tpu.memory_space<vmem>>, vector<1x16xf32>,
      %get3A_377 = vector.shape_cast %get3A_376 : vector<1x16xf32> to vector<16xf32>
      %get3A_378 = arith.index_cast %add3A_363 : i32 to index
      %get3A_379 = arith.constant 16 : index
      %get3A_380 = tpu.vector_load %arg10[%get3A_378, %get3A_379] {strides = array<i32>} : memref<256x128xf32, #tpu.memory_space<vmem>>, vector<1x16xf32>,
      %get3A_381 = vector.shape_cast %get3A_380 : vector<1x16xf32> to vector<16xf32>
      %mul3A_382 = arith.mulf %get3A_377, %get3A_381 : vector<16xf32>
      %add3A_383 = arith.addf %scan3A_355, %mul3A_382 : vector<16xf32>
      %get3A_384 = arith.index_cast %add3A_363 : i32 to index
      %get3A_385 = arith.constant 32 : index
      %get3A_386 = tpu.vector_load %arg11[%get3A_384, %get3A_385] {strides = array<i32>} : memref<256x128xf32, #tpu.memory_space<vmem>>, vector<1x16xf32>,
      %get3A_387 = vector.shape_cast %get3A_386 : vector<1x16xf32> to vector<16xf32>
      %get3A_388 = arith.index_cast %add3A_363 : i32 to index
      %get3A_389 = arith.constant 32 : index
      %get3A_390 = tpu.vector_load %arg10[%get3A_388, %get3A_389] {strides = array<i32>} : memref<256x128xf32, #tpu.memory_space<vmem>>, vector<1x16xf32>,
      %get3A_391 = vector.shape_cast %get3A_390 : vector<1x16xf32> to vector<16xf32>
      %mul3A_392 = arith.mulf %get3A_387, %get3A_391 : vector<16xf32>
      %add3A_393 = arith.addf %scan3A_356, %mul3A_392 : vector<16xf32>
      %get3A_394 = arith.index_cast %add3A_363 : i32 to index
      %get3A_395 = arith.constant 48 : index
      %get3A_396 = tpu.vector_load %arg11[%get3A_394, %get3A_395] {strides = array<i32>} : memref<256x128xf32, #tpu.memory_space<vmem>>, vector<1x16xf32>,
      %get3A_397 = vector.shape_cast %get3A_396 : vector<1x16xf32> to vector<16xf32>
      %get3A_398 = arith.index_cast %add3A_363 : i32 to index
      %get3A_399 = arith.constant 48 : index
      %get3A_400 = tpu.vector_load %arg10[%get3A_398, %get3A_399] {strides = array<i32>} : memref<256x128xf32, #tpu.memory_space<vmem>>, vector<1x16xf32>,
      %get3A_401 = vector.shape_cast %get3A_400 : vector<1x16xf32> to vector<16xf32>
      %mul3A_402 = arith.mulf %get3A_397, %get3A_401 : vector<16xf32>
      %add3A_403 = arith.addf %scan3A_357, %mul3A_402 : vector<16xf32>
      %get3A_404 = arith.index_cast %add3A_363 : i32 to index
      %get3A_405 = arith.constant 64 : index
      %get3A_406 = tpu.vector_load %arg11[%get3A_404, %get3A_405] {strides = array<i32>} : memref<256x128xf32, #tpu.memory_space<vmem>>, vector<1x16xf32>,
      %get3A_407 = vector.shape_cast %get3A_406 : vector<1x16xf32> to vector<16xf32>
      %get3A_408 = arith.index_cast %add3A_363 : i32 to index
      %get3A_409 = arith.constant 64 : index
      %get3A_410 = tpu.vector_load %arg10[%get3A_408, %get3A_409] {strides = array<i32>} : memref<256x128xf32, #tpu.memory_space<vmem>>, vector<1x16xf32>,
      %get3A_411 = vector.shape_cast %get3A_410 : vector<1x16xf32> to vector<16xf32>
      %mul3A_412 = arith.mulf %get3A_407, %get3A_411 : vector<16xf32>
      %add3A_413 = arith.addf %scan3A_358, %mul3A_412 : vector<16xf32>
      %get3A_414 = arith.index_cast %add3A_363 : i32 to index
      %get3A_415 = arith.constant 80 : index
      %get3A_416 = tpu.vector_load %arg11[%get3A_414, %get3A_415] {strides = array<i32>} : memref<256x128xf32, #tpu.memory_space<vmem>>, vector<1x16xf32>,
      %get3A_417 = vector.shape_cast %get3A_416 : vector<1x16xf32> to vector<16xf32>
      %get3A_418 = arith.index_cast %add3A_363 : i32 to index
      %get3A_419 = arith.constant 80 : index
      %get3A_420 = tpu.vector_load %arg10[%get3A_418, %get3A_419] {strides = array<i32>} : memref<256x128xf32, #tpu.memory_space<vmem>>, vector<1x16xf32>,
      %get3A_421 = vector.shape_cast %get3A_420 : vector<1x16xf32> to vector<16xf32>
      %mul3A_422 = arith.mulf %get3A_417, %get3A_421 : vector<16xf32>
      %add3A_423 = arith.addf %scan3A_359, %mul3A_422 : vector<16xf32>
      %get3A_424 = arith.index_cast %add3A_363 : i32 to index
      %get3A_425 = arith.constant 96 : index
      %get3A_426 = tpu.vector_load %arg11[%get3A_424, %get3A_425] {strides = array<i32>} : memref<256x128xf32, #tpu.memory_space<vmem>>, vector<1x16xf32>,
      %get3A_427 = vector.shape_cast %get3A_426 : vector<1x16xf32> to vector<16xf32>
      %get3A_428 = arith.index_cast %add3A_363 : i32 to index
      %get3A_429 = arith.constant 96 : index
      %get3A_430 = tpu.vector_load %arg10[%get3A_428, %get3A_429] {strides = array<i32>} : memref<256x128xf32, #tpu.memory_space<vmem>>, vector<1x16xf32>,
      %get3A_431 = vector.shape_cast %get3A_430 : vector<1x16xf32> to vector<16xf32>
      %mul3A_432 = arith.mulf %get3A_427, %get3A_431 : vector<16xf32>
      %add3A_433 = arith.addf %scan3A_360, %mul3A_432 : vector<16xf32>
      %get3A_434 = arith.index_cast %add3A_363 : i32 to index
      %get3A_435 = arith.constant 112 : index
      %get3A_436 = tpu.vector_load %arg11[%get3A_434, %get3A_435] {strides = array<i32>} : memref<256x128xf32, #tpu.memory_space<vmem>>, vector<1x16xf32>,
      %get3A_437 = vector.shape_cast %get3A_436 : vector<1x16xf32> to vector<16xf32>
      %get3A_438 = arith.index_cast %add3A_363 : i32 to index
      %get3A_439 = arith.constant 112 : index
      %get3A_440 = tpu.vector_load %arg10[%get3A_438, %get3A_439] {strides = array<i32>} : memref<256x128xf32, #tpu.memory_space<vmem>>, vector<1x16xf32>,
      %get3A_441 = vector.shape_cast %get3A_440 : vector<1x16xf32> to vector<16xf32>
      %mul3A_442 = arith.mulf %get3A_437, %get3A_441 : vector<16xf32>
      %add3A_443 = arith.addf %scan3A_361, %mul3A_442 : vector<16xf32>
      %scan3A_444 = arith.constant 1 : i32
      %scan3A_445 = arith.addi %scan3A_353, %scan3A_444 : i32
      %add3A_446 = arith.constant 128 : i32
      %add3A_447 = arith.addi %add3A_446, %scan3A_445 : i32
      %get3A_448 = arith.index_cast %add3A_447 : i32 to index
      %get3A_449 = arith.constant 0 : index
      %get3A_450 = tpu.vector_load %arg11[%get3A_448, %get3A_449] {strides = array<i32>} : memref<256x128xf32, #tpu.memory_space<vmem>>, vector<1x16xf32>,
      %get3A_451 = vector.shape_cast %get3A_450 : vector<1x16xf32> to vector<16xf32>
      %get3A_452 = arith.index_cast %add3A_447 : i32 to index
      %get3A_453 = arith.constant 0 : index
      %get3A_454 = tpu.vector_load %arg10[%get3A_452, %get3A_453] {strides = array<i32>} : memref<256x128xf32, #tpu.memory_space<vmem>>, vector<1x16xf32>,
      %get3A_455 = vector.shape_cast %get3A_454 : vector<1x16xf32> to vector<16xf32>
      %mul3A_456 = arith.mulf %get3A_451, %get3A_455 : vector<16xf32>
      %add3A_457 = arith.addf %add3A_373, %mul3A_456 : vector<16xf32>
      %get3A_458 = arith.index_cast %add3A_447 : i32 to index
      %get3A_459 = arith.constant 16 : index
      %get3A_460 = tpu.vector_load %arg11[%get3A_458, %get3A_459] {strides = array<i32>} : memref<256x128xf32, #tpu.memory_space<vmem>>, vector<1x16xf32>,
      %get3A_461 = vector.shape_cast %get3A_460 : vector<1x16xf32> to vector<16xf32>
      %get3A_462 = arith.index_cast %add3A_447 : i32 to index
      %get3A_463 = arith.constant 16 : index
      %get3A_464 = tpu.vector_load %arg10[%get3A_462, %get3A_463] {strides = array<i32>} : memref<256x128xf32, #tpu.memory_space<vmem>>, vector<1x16xf32>,
      %get3A_465 = vector.shape_cast %get3A_464 : vector<1x16xf32> to vector<16xf32>
      %mul3A_466 = arith.mulf %get3A_461, %get3A_465 : vector<16xf32>
      %add3A_467 = arith.addf %add3A_383, %mul3A_466 : vector<16xf32>
      %get3A_468 = arith.index_cast %add3A_447 : i32 to index
      %get3A_469 = arith.constant 32 : index
      %get3A_470 = tpu.vector_load %arg11[%get3A_468, %get3A_469] {strides = array<i32>} : memref<256x128xf32, #tpu.memory_space<vmem>>, vector<1x16xf32>,
      %get3A_471 = vector.shape_cast %get3A_470 : vector<1x16xf32> to vector<16xf32>
      %get3A_472 = arith.index_cast %add3A_447 : i32 to index
      %get3A_473 = arith.constant 32 : index
      %get3A_474 = tpu.vector_load %arg10[%get3A_472, %get3A_473] {strides = array<i32>} : memref<256x128xf32, #tpu.memory_space<vmem>>, vector<1x16xf32>,
      %get3A_475 = vector.shape_cast %get3A_474 : vector<1x16xf32> to vector<16xf32>
      %mul3A_476 = arith.mulf %get3A_471, %get3A_475 : vector<16xf32>
      %add3A_477 = arith.addf %add3A_393, %mul3A_476 : vector<16xf32>
      %get3A_478 = arith.index_cast %add3A_447 : i32 to index
      %get3A_479 = arith.constant 48 : index
      %get3A_480 = tpu.vector_load %arg11[%get3A_478, %get3A_479] {strides = array<i32>} : memref<256x128xf32, #tpu.memory_space<vmem>>, vector<1x16xf32>,
      %get3A_481 = vector.shape_cast %get3A_480 : vector<1x16xf32> to vector<16xf32>
      %get3A_482 = arith.index_cast %add3A_447 : i32 to index
      %get3A_483 = arith.constant 48 : index
      %get3A_484 = tpu.vector_load %arg10[%get3A_482, %get3A_483] {strides = array<i32>} : memref<256x128xf32, #tpu.memory_space<vmem>>, vector<1x16xf32>,
      %get3A_485 = vector.shape_cast %get3A_484 : vector<1x16xf32> to vector<16xf32>
      %mul3A_486 = arith.mulf %get3A_481, %get3A_485 : vector<16xf32>
      %add3A_487 = arith.addf %add3A_403, %mul3A_486 : vector<16xf32>
      %get3A_488 = arith.index_cast %add3A_447 : i32 to index
      %get3A_489 = arith.constant 64 : index
      %get3A_490 = tpu.vector_load %arg11[%get3A_488, %get3A_489] {strides = array<i32>} : memref<256x128xf32, #tpu.memory_space<vmem>>, vector<1x16xf32>,
      %get3A_491 = vector.shape_cast %get3A_490 : vector<1x16xf32> to vector<16xf32>
      %get3A_492 = arith.index_cast %add3A_447 : i32 to index
      %get3A_493 = arith.constant 64 : index
      %get3A_494 = tpu.vector_load %arg10[%get3A_492, %get3A_493] {strides = array<i32>} : memref<256x128xf32, #tpu.memory_space<vmem>>, vector<1x16xf32>,
      %get3A_495 = vector.shape_cast %get3A_494 : vector<1x16xf32> to vector<16xf32>
      %mul3A_496 = arith.mulf %get3A_491, %get3A_495 : vector<16xf32>
      %add3A_497 = arith.addf %add3A_413, %mul3A_496 : vector<16xf32>
      %get3A_498 = arith.index_cast %add3A_447 : i32 to index
      %get3A_499 = arith.constant 80 : index
      %get3A_500 = tpu.vector_load %arg11[%get3A_498, %get3A_499] {strides = array<i32>} : memref<256x128xf32, #tpu.memory_space<vmem>>, vector<1x16xf32>,
      %get3A_501 = vector.shape_cast %get3A_500 : vector<1x16xf32> to vector<16xf32>
      %get3A_502 = arith.index_cast %add3A_447 : i32 to index
      %get3A_503 = arith.constant 80 : index
      %get3A_504 = tpu.vector_load %arg10[%get3A_502, %get3A_503] {strides = array<i32>} : memref<256x128xf32, #tpu.memory_space<vmem>>, vector<1x16xf32>,
      %get3A_505 = vector.shape_cast %get3A_504 : vector<1x16xf32> to vector<16xf32>
      %mul3A_506 = arith.mulf %get3A_501, %get3A_505 : vector<16xf32>
      %add3A_507 = arith.addf %add3A_423, %mul3A_506 : vector<16xf32>
      %get3A_508 = arith.index_cast %add3A_447 : i32 to index
      %get3A_509 = arith.constant 96 : index
      %get3A_510 = tpu.vector_load %arg11[%get3A_508, %get3A_509] {strides = array<i32>} : memref<256x128xf32, #tpu.memory_space<vmem>>, vector<1x16xf32>,
      %get3A_511 = vector.shape_cast %get3A_510 : vector<1x16xf32> to vector<16xf32>
      %get3A_512 = arith.index_cast %add3A_447 : i32 to index
      %get3A_513 = arith.constant 96 : index
      %get3A_514 = tpu.vector_load %arg10[%get3A_512, %get3A_513] {strides = array<i32>} : memref<256x128xf32, #tpu.memory_space<vmem>>, vector<1x16xf32>,
      %get3A_515 = vector.shape_cast %get3A_514 : vector<1x16xf32> to vector<16xf32>
      %mul3A_516 = arith.mulf %get3A_511, %get3A_515 : vector<16xf32>
      %add3A_517 = arith.addf %add3A_433, %mul3A_516 : vector<16xf32>
      %get3A_518 = arith.index_cast %add3A_447 : i32 to index
      %get3A_519 = arith.constant 112 : index
      %get3A_520 = tpu.vector_load %arg11[%get3A_518, %get3A_519] {strides = array<i32>} : memref<256x128xf32, #tpu.memory_space<vmem>>, vector<1x16xf32>,
      %get3A_521 = vector.shape_cast %get3A_520 : vector<1x16xf32> to vector<16xf32>
      %get3A_522 = arith.index_cast %add3A_447 : i32 to index
      %get3A_523 = arith.constant 112 : index
      %get3A_524 = tpu.vector_load %arg10[%get3A_522, %get3A_523] {strides = array<i32>} : memref<256x128xf32, #tpu.memory_space<vmem>>, vector<1x16xf32>,
      %get3A_525 = vector.shape_cast %get3A_524 : vector<1x16xf32> to vector<16xf32>
      %mul3A_526 = arith.mulf %get3A_521, %get3A_525 : vector<16xf32>
      %add3A_527 = arith.addf %add3A_443, %mul3A_526 : vector<16xf32>
      %scan3A_528 = arith.constant 2 : i32
      %scan3A_529 = arith.addi %scan3A_353, %scan3A_528 : i32
      %add3A_530 = arith.constant 128 : i32
      %add3A_531 = arith.addi %add3A_530, %scan3A_529 : i32
      %get3A_532 = arith.index_cast %add3A_531 : i32 to index
      %get3A_533 = arith.constant 0 : index
      %get3A_534 = tpu.vector_load %arg11[%get3A_532, %get3A_533] {strides = array<i32>} : memref<256x128xf32, #tpu.memory_space<vmem>>, vector<1x16xf32>,
      %get3A_535 = vector.shape_cast %get3A_534 : vector<1x16xf32> to vector<16xf32>
      %get3A_536 = arith.index_cast %add3A_531 : i32 to index
      %get3A_537 = arith.constant 0 : index
      %get3A_538 = tpu.vector_load %arg10[%get3A_536, %get3A_537] {strides = array<i32>} : memref<256x128xf32, #tpu.memory_space<vmem>>, vector<1x16xf32>,
      %get3A_539 = vector.shape_cast %get3A_538 : vector<1x16xf32> to vector<16xf32>
      %mul3A_540 = arith.mulf %get3A_535, %get3A_539 : vector<16xf32>
      %add3A_541 = arith.addf %add3A_457, %mul3A_540 : vector<16xf32>
      %get3A_542 = arith.index_cast %add3A_531 : i32 to index
      %get3A_543 = arith.constant 16 : index
      %get3A_544 = tpu.vector_load %arg11[%get3A_542, %get3A_543] {strides = array<i32>} : memref<256x128xf32, #tpu.memory_space<vmem>>, vector<1x16xf32>,
      %get3A_545 = vector.shape_cast %get3A_544 : vector<1x16xf32> to vector<16xf32>
      %get3A_546 = arith.index_cast %add3A_531 : i32 to index
      %get3A_547 = arith.constant 16 : index
      %get3A_548 = tpu.vector_load %arg10[%get3A_546, %get3A_547] {strides = array<i32>} : memref<256x128xf32, #tpu.memory_space<vmem>>, vector<1x16xf32>,
      %get3A_549 = vector.shape_cast %get3A_548 : vector<1x16xf32> to vector<16xf32>
      %mul3A_550 = arith.mulf %get3A_545, %get3A_549 : vector<16xf32>
      %add3A_551 = arith.addf %add3A_467, %mul3A_550 : vector<16xf32>
      %get3A_552 = arith.index_cast %add3A_531 : i32 to index
      %get3A_553 = arith.constant 32 : index
      %get3A_554 = tpu.vector_load %arg11[%get3A_552, %get3A_553] {strides = array<i32>} : memref<256x128xf32, #tpu.memory_space<vmem>>, vector<1x16xf32>,
      %get3A_555 = vector.shape_cast %get3A_554 : vector<1x16xf32> to vector<16xf32>
      %get3A_556 = arith.index_cast %add3A_531 : i32 to index
      %get3A_557 = arith.constant 32 : index
      %get3A_558 = tpu.vector_load %arg10[%get3A_556, %get3A_557] {strides = array<i32>} : memref<256x128xf32, #tpu.memory_space<vmem>>, vector<1x16xf32>,
      %get3A_559 = vector.shape_cast %get3A_558 : vector<1x16xf32> to vector<16xf32>
      %mul3A_560 = arith.mulf %get3A_555, %get3A_559 : vector<16xf32>
      %add3A_561 = arith.addf %add3A_477, %mul3A_560 : vector<16xf32>
      %get3A_562 = arith.index_cast %add3A_531 : i32 to index
      %get3A_563 = arith.constant 48 : index
      %get3A_564 = tpu.vector_load %arg11[%get3A_562, %get3A_563] {strides = array<i32>} : memref<256x128xf32, #tpu.memory_space<vmem>>, vector<1x16xf32>,
      %get3A_565 = vector.shape_cast %get3A_564 : vector<1x16xf32> to vector<16xf32>
      %get3A_566 = arith.index_cast %add3A_531 : i32 to index
      %get3A_567 = arith.constant 48 : index
      %get3A_568 = tpu.vector_load %arg10[%get3A_566, %get3A_567] {strides = array<i32>} : memref<256x128xf32, #tpu.memory_space<vmem>>, vector<1x16xf32>,
      %get3A_569 = vector.shape_cast %get3A_568 : vector<1x16xf32> to vector<16xf32>
      %mul3A_570 = arith.mulf %get3A_565, %get3A_569 : vector<16xf32>
      %add3A_571 = arith.addf %add3A_487, %mul3A_570 : vector<16xf32>
      %get3A_572 = arith.index_cast %add3A_531 : i32 to index
      %get3A_573 = arith.constant 64 : index
      %get3A_574 = tpu.vector_load %arg11[%get3A_572, %get3A_573] {strides = array<i32>} : memref<256x128xf32, #tpu.memory_space<vmem>>, vector<1x16xf32>,
      %get3A_575 = vector.shape_cast %get3A_574 : vector<1x16xf32> to vector<16xf32>
      %get3A_576 = arith.index_cast %add3A_531 : i32 to index
      %get3A_577 = arith.constant 64 : index
      %get3A_578 = tpu.vector_load %arg10[%get3A_576, %get3A_577] {strides = array<i32>} : memref<256x128xf32, #tpu.memory_space<vmem>>, vector<1x16xf32>,
      %get3A_579 = vector.shape_cast %get3A_578 : vector<1x16xf32> to vector<16xf32>
      %mul3A_580 = arith.mulf %get3A_575, %get3A_579 : vector<16xf32>
      %add3A_581 = arith.addf %add3A_497, %mul3A_580 : vector<16xf32>
      %get3A_582 = arith.index_cast %add3A_531 : i32 to index
      %get3A_583 = arith.constant 80 : index
      %get3A_584 = tpu.vector_load %arg11[%get3A_582, %get3A_583] {strides = array<i32>} : memref<256x128xf32, #tpu.memory_space<vmem>>, vector<1x16xf32>,
      %get3A_585 = vector.shape_cast %get3A_584 : vector<1x16xf32> to vector<16xf32>
      %get3A_586 = arith.index_cast %add3A_531 : i32 to index
      %get3A_587 = arith.constant 80 : index
      %get3A_588 = tpu.vector_load %arg10[%get3A_586, %get3A_587] {strides = array<i32>} : memref<256x128xf32, #tpu.memory_space<vmem>>, vector<1x16xf32>,
      %get3A_589 = vector.shape_cast %get3A_588 : vector<1x16xf32> to vector<16xf32>
      %mul3A_590 = arith.mulf %get3A_585, %get3A_589 : vector<16xf32>
      %add3A_591 = arith.addf %add3A_507, %mul3A_590 : vector<16xf32>
      %get3A_592 = arith.index_cast %add3A_531 : i32 to index
      %get3A_593 = arith.constant 96 : index
      %get3A_594 = tpu.vector_load %arg11[%get3A_592, %get3A_593] {strides = array<i32>} : memref<256x128xf32, #tpu.memory_space<vmem>>, vector<1x16xf32>,
      %get3A_595 = vector.shape_cast %get3A_594 : vector<1x16xf32> to vector<16xf32>
      %get3A_596 = arith.index_cast %add3A_531 : i32 to index
      %get3A_597 = arith.constant 96 : index
      %get3A_598 = tpu.vector_load %arg10[%get3A_596, %get3A_597] {strides = array<i32>} : memref<256x128xf32, #tpu.memory_space<vmem>>, vector<1x16xf32>,
      %get3A_599 = vector.shape_cast %get3A_598 : vector<1x16xf32> to vector<16xf32>
      %mul3A_600 = arith.mulf %get3A_595, %get3A_599 : vector<16xf32>
      %add3A_601 = arith.addf %add3A_517, %mul3A_600 : vector<16xf32>
      %get3A_602 = arith.index_cast %add3A_531 : i32 to index
      %get3A_603 = arith.constant 112 : index
      %get3A_604 = tpu.vector_load %arg11[%get3A_602, %get3A_603] {strides = array<i32>} : memref<256x128xf32, #tpu.memory_space<vmem>>, vector<1x16xf32>,
      %get3A_605 = vector.shape_cast %get3A_604 : vector<1x16xf32> to vector<16xf32>
      %get3A_606 = arith.index_cast %add3A_531 : i32 to index
      %get3A_607 = arith.constant 112 : index
      %get3A_608 = tpu.vector_load %arg10[%get3A_606, %get3A_607] {strides = array<i32>} : memref<256x128xf32, #tpu.memory_space<vmem>>, vector<1x16xf32>,
      %get3A_609 = vector.shape_cast %get3A_608 : vector<1x16xf32> to vector<16xf32>
      %mul3A_610 = arith.mulf %get3A_605, %get3A_609 : vector<16xf32>
      %add3A_611 = arith.addf %add3A_527, %mul3A_610 : vector<16xf32>
      %scan3A_612 = arith.constant 3 : i32
      %scan3A_613 = arith.addi %scan3A_353, %scan3A_612 : i32
      %add3A_614 = arith.constant 128 : i32
      %add3A_615 = arith.addi %add3A_614, %scan3A_613 : i32
      %get3A_616 = arith.index_cast %add3A_615 : i32 to index
      %get3A_617 = arith.constant 0 : index
      %get3A_618 = tpu.vector_load %arg11[%get3A_616, %get3A_617] {strides = array<i32>} : memref<256x128xf32, #tpu.memory_space<vmem>>, vector<1x16xf32>,
      %get3A_619 = vector.shape_cast %get3A_618 : vector<1x16xf32> to vector<16xf32>
      %get3A_620 = arith.index_cast %add3A_615 : i32 to index
      %get3A_621 = arith.constant 0 : index
      %get3A_622 = tpu.vector_load %arg10[%get3A_620, %get3A_621] {strides = array<i32>} : memref<256x128xf32, #tpu.memory_space<vmem>>, vector<1x16xf32>,
      %get3A_623 = vector.shape_cast %get3A_622 : vector<1x16xf32> to vector<16xf32>
      %mul3A_624 = arith.mulf %get3A_619, %get3A_623 : vector<16xf32>
      %add3A_625 = arith.addf %add3A_541, %mul3A_624 : vector<16xf32>
      %get3A_626 = arith.index_cast %add3A_615 : i32 to index
      %get3A_627 = arith.constant 16 : index
      %get3A_628 = tpu.vector_load %arg11[%get3A_626, %get3A_627] {strides = array<i32>} : memref<256x128xf32, #tpu.memory_space<vmem>>, vector<1x16xf32>,
      %get3A_629 = vector.shape_cast %get3A_628 : vector<1x16xf32> to vector<16xf32>
      %get3A_630 = arith.index_cast %add3A_615 : i32 to index
      %get3A_631 = arith.constant 16 : index
      %get3A_632 = tpu.vector_load %arg10[%get3A_630, %get3A_631] {strides = array<i32>} : memref<256x128xf32, #tpu.memory_space<vmem>>, vector<1x16xf32>,
      %get3A_633 = vector.shape_cast %get3A_632 : vector<1x16xf32> to vector<16xf32>
      %mul3A_634 = arith.mulf %get3A_629, %get3A_633 : vector<16xf32>
      %add3A_635 = arith.addf %add3A_551, %mul3A_634 : vector<16xf32>
      %get3A_636 = arith.index_cast %add3A_615 : i32 to index
      %get3A_637 = arith.constant 32 : index
      %get3A_638 = tpu.vector_load %arg11[%get3A_636, %get3A_637] {strides = array<i32>} : memref<256x128xf32, #tpu.memory_space<vmem>>, vector<1x16xf32>,
      %get3A_639 = vector.shape_cast %get3A_638 : vector<1x16xf32> to vector<16xf32>
      %get3A_640 = arith.index_cast %add3A_615 : i32 to index
      %get3A_641 = arith.constant 32 : index
      %get3A_642 = tpu.vector_load %arg10[%get3A_640, %get3A_641] {strides = array<i32>} : memref<256x128xf32, #tpu.memory_space<vmem>>, vector<1x16xf32>,
      %get3A_643 = vector.shape_cast %get3A_642 : vector<1x16xf32> to vector<16xf32>
      %mul3A_644 = arith.mulf %get3A_639, %get3A_643 : vector<16xf32>
      %add3A_645 = arith.addf %add3A_561, %mul3A_644 : vector<16xf32>
      %get3A_646 = arith.index_cast %add3A_615 : i32 to index
      %get3A_647 = arith.constant 48 : index
      %get3A_648 = tpu.vector_load %arg11[%get3A_646, %get3A_647] {strides = array<i32>} : memref<256x128xf32, #tpu.memory_space<vmem>>, vector<1x16xf32>,
      %get3A_649 = vector.shape_cast %get3A_648 : vector<1x16xf32> to vector<16xf32>
      %get3A_650 = arith.index_cast %add3A_615 : i32 to index
      %get3A_651 = arith.constant 48 : index
      %get3A_652 = tpu.vector_load %arg10[%get3A_650, %get3A_651] {strides = array<i32>} : memref<256x128xf32, #tpu.memory_space<vmem>>, vector<1x16xf32>,
      %get3A_653 = vector.shape_cast %get3A_652 : vector<1x16xf32> to vector<16xf32>
      %mul3A_654 = arith.mulf %get3A_649, %get3A_653 : vector<16xf32>
      %add3A_655 = arith.addf %add3A_571, %mul3A_654 : vector<16xf32>
      %get3A_656 = arith.index_cast %add3A_615 : i32 to index
      %get3A_657 = arith.constant 64 : index
      %get3A_658 = tpu.vector_load %arg11[%get3A_656, %get3A_657] {strides = array<i32>} : memref<256x128xf32, #tpu.memory_space<vmem>>, vector<1x16xf32>,
      %get3A_659 = vector.shape_cast %get3A_658 : vector<1x16xf32> to vector<16xf32>
      %get3A_660 = arith.index_cast %add3A_615 : i32 to index
      %get3A_661 = arith.constant 64 : index
      %get3A_662 = tpu.vector_load %arg10[%get3A_660, %get3A_661] {strides = array<i32>} : memref<256x128xf32, #tpu.memory_space<vmem>>, vector<1x16xf32>,
      %get3A_663 = vector.shape_cast %get3A_662 : vector<1x16xf32> to vector<16xf32>
      %mul3A_664 = arith.mulf %get3A_659, %get3A_663 : vector<16xf32>
      %add3A_665 = arith.addf %add3A_581, %mul3A_664 : vector<16xf32>
      %get3A_666 = arith.index_cast %add3A_615 : i32 to index
      %get3A_667 = arith.constant 80 : index
      %get3A_668 = tpu.vector_load %arg11[%get3A_666, %get3A_667] {strides = array<i32>} : memref<256x128xf32, #tpu.memory_space<vmem>>, vector<1x16xf32>,
      %get3A_669 = vector.shape_cast %get3A_668 : vector<1x16xf32> to vector<16xf32>
      %get3A_670 = arith.index_cast %add3A_615 : i32 to index
      %get3A_671 = arith.constant 80 : index
      %get3A_672 = tpu.vector_load %arg10[%get3A_670, %get3A_671] {strides = array<i32>} : memref<256x128xf32, #tpu.memory_space<vmem>>, vector<1x16xf32>,
      %get3A_673 = vector.shape_cast %get3A_672 : vector<1x16xf32> to vector<16xf32>
      %mul3A_674 = arith.mulf %get3A_669, %get3A_673 : vector<16xf32>
      %add3A_675 = arith.addf %add3A_591, %mul3A_674 : vector<16xf32>
      %get3A_676 = arith.index_cast %add3A_615 : i32 to index
      %get3A_677 = arith.constant 96 : index
      %get3A_678 = tpu.vector_load %arg11[%get3A_676, %get3A_677] {strides = array<i32>} : memref<256x128xf32, #tpu.memory_space<vmem>>, vector<1x16xf32>,
      %get3A_679 = vector.shape_cast %get3A_678 : vector<1x16xf32> to vector<16xf32>
      %get3A_680 = arith.index_cast %add3A_615 : i32 to index
      %get3A_681 = arith.constant 96 : index
      %get3A_682 = tpu.vector_load %arg10[%get3A_680, %get3A_681] {strides = array<i32>} : memref<256x128xf32, #tpu.memory_space<vmem>>, vector<1x16xf32>,
      %get3A_683 = vector.shape_cast %get3A_682 : vector<1x16xf32> to vector<16xf32>
      %mul3A_684 = arith.mulf %get3A_679, %get3A_683 : vector<16xf32>
      %add3A_685 = arith.addf %add3A_601, %mul3A_684 : vector<16xf32>
      %get3A_686 = arith.index_cast %add3A_615 : i32 to index
      %get3A_687 = arith.constant 112 : index
      %get3A_688 = tpu.vector_load %arg11[%get3A_686, %get3A_687] {strides = array<i32>} : memref<256x128xf32, #tpu.memory_space<vmem>>, vector<1x16xf32>,
      %get3A_689 = vector.shape_cast %get3A_688 : vector<1x16xf32> to vector<16xf32>
      %get3A_690 = arith.index_cast %add3A_615 : i32 to index
      %get3A_691 = arith.constant 112 : index
      %get3A_692 = tpu.vector_load %arg10[%get3A_690, %get3A_691] {strides = array<i32>} : memref<256x128xf32, #tpu.memory_space<vmem>>, vector<1x16xf32>,
      %get3A_693 = vector.shape_cast %get3A_692 : vector<1x16xf32> to vector<16xf32>
      %mul3A_694 = arith.mulf %get3A_689, %get3A_693 : vector<16xf32>
      %add3A_695 = arith.addf %add3A_611, %mul3A_694 : vector<16xf32>
      %scan3A_696 = arith.constant 4 : i32
      %scan3A_697 = arith.addi %scan3A_353, %scan3A_696 : i32
      %add3A_698 = arith.constant 128 : i32
      %add3A_699 = arith.addi %add3A_698, %scan3A_697 : i32
      %get3A_700 = arith.index_cast %add3A_699 : i32 to index
      %get3A_701 = arith.constant 0 : index
      %get3A_702 = tpu.vector_load %arg11[%get3A_700, %get3A_701] {strides = array<i32>} : memref<256x128xf32, #tpu.memory_space<vmem>>, vector<1x16xf32>,
      %get3A_703 = vector.shape_cast %get3A_702 : vector<1x16xf32> to vector<16xf32>
      %get3A_704 = arith.index_cast %add3A_699 : i32 to index
      %get3A_705 = arith.constant 0 : index
      %get3A_706 = tpu.vector_load %arg10[%get3A_704, %get3A_705] {strides = array<i32>} : memref<256x128xf32, #tpu.memory_space<vmem>>, vector<1x16xf32>,
      %get3A_707 = vector.shape_cast %get3A_706 : vector<1x16xf32> to vector<16xf32>
      %mul3A_708 = arith.mulf %get3A_703, %get3A_707 : vector<16xf32>
      %add3A_709 = arith.addf %add3A_625, %mul3A_708 : vector<16xf32>
      %get3A_710 = arith.index_cast %add3A_699 : i32 to index
      %get3A_711 = arith.constant 16 : index
      %get3A_712 = tpu.vector_load %arg11[%get3A_710, %get3A_711] {strides = array<i32>} : memref<256x128xf32, #tpu.memory_space<vmem>>, vector<1x16xf32>,
      %get3A_713 = vector.shape_cast %get3A_712 : vector<1x16xf32> to vector<16xf32>
      %get3A_714 = arith.index_cast %add3A_699 : i32 to index
      %get3A_715 = arith.constant 16 : index
      %get3A_716 = tpu.vector_load %arg10[%get3A_714, %get3A_715] {strides = array<i32>} : memref<256x128xf32, #tpu.memory_space<vmem>>, vector<1x16xf32>,
      %get3A_717 = vector.shape_cast %get3A_716 : vector<1x16xf32> to vector<16xf32>
      %mul3A_718 = arith.mulf %get3A_713, %get3A_717 : vector<16xf32>
      %add3A_719 = arith.addf %add3A_635, %mul3A_718 : vector<16xf32>
      %get3A_720 = arith.index_cast %add3A_699 : i32 to index
      %get3A_721 = arith.constant 32 : index
      %get3A_722 = tpu.vector_load %arg11[%get3A_720, %get3A_721] {strides = array<i32>} : memref<256x128xf32, #tpu.memory_space<vmem>>, vector<1x16xf32>,
      %get3A_723 = vector.shape_cast %get3A_722 : vector<1x16xf32> to vector<16xf32>
      %get3A_724 = arith.index_cast %add3A_699 : i32 to index
      %get3A_725 = arith.constant 32 : index
      %get3A_726 = tpu.vector_load %arg10[%get3A_724, %get3A_725] {strides = array<i32>} : memref<256x128xf32, #tpu.memory_space<vmem>>, vector<1x16xf32>,
      %get3A_727 = vector.shape_cast %get3A_726 : vector<1x16xf32> to vector<16xf32>
      %mul3A_728 = arith.mulf %get3A_723, %get3A_727 : vector<16xf32>
      %add3A_729 = arith.addf %add3A_645, %mul3A_728 : vector<16xf32>
      %get3A_730 = arith.index_cast %add3A_699 : i32 to index
      %get3A_731 = arith.constant 48 : index
      %get3A_732 = tpu.vector_load %arg11[%get3A_730, %get3A_731] {strides = array<i32>} : memref<256x128xf32, #tpu.memory_space<vmem>>, vector<1x16xf32>,
      %get3A_733 = vector.shape_cast %get3A_732 : vector<1x16xf32> to vector<16xf32>
      %get3A_734 = arith.index_cast %add3A_699 : i32 to index
      %get3A_735 = arith.constant 48 : index
      %get3A_736 = tpu.vector_load %arg10[%get3A_734, %get3A_735] {strides = array<i32>} : memref<256x128xf32, #tpu.memory_space<vmem>>, vector<1x16xf32>,
      %get3A_737 = vector.shape_cast %get3A_736 : vector<1x16xf32> to vector<16xf32>
      %mul3A_738 = arith.mulf %get3A_733, %get3A_737 : vector<16xf32>
      %add3A_739 = arith.addf %add3A_655, %mul3A_738 : vector<16xf32>
      %get3A_740 = arith.index_cast %add3A_699 : i32 to index
      %get3A_741 = arith.constant 64 : index
      %get3A_742 = tpu.vector_load %arg11[%get3A_740, %get3A_741] {strides = array<i32>} : memref<256x128xf32, #tpu.memory_space<vmem>>, vector<1x16xf32>,
      %get3A_743 = vector.shape_cast %get3A_742 : vector<1x16xf32> to vector<16xf32>
      %get3A_744 = arith.index_cast %add3A_699 : i32 to index
      %get3A_745 = arith.constant 64 : index
      %get3A_746 = tpu.vector_load %arg10[%get3A_744, %get3A_745] {strides = array<i32>} : memref<256x128xf32, #tpu.memory_space<vmem>>, vector<1x16xf32>,
      %get3A_747 = vector.shape_cast %get3A_746 : vector<1x16xf32> to vector<16xf32>
      %mul3A_748 = arith.mulf %get3A_743, %get3A_747 : vector<16xf32>
      %add3A_749 = arith.addf %add3A_665, %mul3A_748 : vector<16xf32>
      %get3A_750 = arith.index_cast %add3A_699 : i32 to index
      %get3A_751 = arith.constant 80 : index
      %get3A_752 = tpu.vector_load %arg11[%get3A_750, %get3A_751] {strides = array<i32>} : memref<256x128xf32, #tpu.memory_space<vmem>>, vector<1x16xf32>,
      %get3A_753 = vector.shape_cast %get3A_752 : vector<1x16xf32> to vector<16xf32>
      %get3A_754 = arith.index_cast %add3A_699 : i32 to index
      %get3A_755 = arith.constant 80 : index
      %get3A_756 = tpu.vector_load %arg10[%get3A_754, %get3A_755] {strides = array<i32>} : memref<256x128xf32, #tpu.memory_space<vmem>>, vector<1x16xf32>,
      %get3A_757 = vector.shape_cast %get3A_756 : vector<1x16xf32> to vector<16xf32>
      %mul3A_758 = arith.mulf %get3A_753, %get3A_757 : vector<16xf32>
      %add3A_759 = arith.addf %add3A_675, %mul3A_758 : vector<16xf32>
      %get3A_760 = arith.index_cast %add3A_699 : i32 to index
      %get3A_761 = arith.constant 96 : index
      %get3A_762 = tpu.vector_load %arg11[%get3A_760, %get3A_761] {strides = array<i32>} : memref<256x128xf32, #tpu.memory_space<vmem>>, vector<1x16xf32>,
      %get3A_763 = vector.shape_cast %get3A_762 : vector<1x16xf32> to vector<16xf32>
      %get3A_764 = arith.index_cast %add3A_699 : i32 to index
      %get3A_765 = arith.constant 96 : index
      %get3A_766 = tpu.vector_load %arg10[%get3A_764, %get3A_765] {strides = array<i32>} : memref<256x128xf32, #tpu.memory_space<vmem>>, vector<1x16xf32>,
      %get3A_767 = vector.shape_cast %get3A_766 : vector<1x16xf32> to vector<16xf32>
      %mul3A_768 = arith.mulf %get3A_763, %get3A_767 : vector<16xf32>
      %add3A_769 = arith.addf %add3A_685, %mul3A_768 : vector<16xf32>
      %get3A_770 = arith.index_cast %add3A_699 : i32 to index
      %get3A_771 = arith.constant 112 : index
      %get3A_772 = tpu.vector_load %arg11[%get3A_770, %get3A_771] {strides = array<i32>} : memref<256x128xf32, #tpu.memory_space<vmem>>, vector<1x16xf32>,
      %get3A_773 = vector.shape_cast %get3A_772 : vector<1x16xf32> to vector<16xf32>
      %get3A_774 = arith.index_cast %add3A_699 : i32 to index
      %get3A_775 = arith.constant 112 : index
      %get3A_776 = tpu.vector_load %arg10[%get3A_774, %get3A_775] {strides = array<i32>} : memref<256x128xf32, #tpu.memory_space<vmem>>, vector<1x16xf32>,
      %get3A_777 = vector.shape_cast %get3A_776 : vector<1x16xf32> to vector<16xf32>
      %mul3A_778 = arith.mulf %get3A_773, %get3A_777 : vector<16xf32>
      %add3A_779 = arith.addf %add3A_695, %mul3A_778 : vector<16xf32>
      %scan3A_780 = arith.constant 5 : i32
      %scan3A_781 = arith.addi %scan3A_353, %scan3A_780 : i32
      %add3A_782 = arith.constant 128 : i32
      %add3A_783 = arith.addi %add3A_782, %scan3A_781 : i32
      %get3A_784 = arith.index_cast %add3A_783 : i32 to index
      %get3A_785 = arith.constant 0 : index
      %get3A_786 = tpu.vector_load %arg11[%get3A_784, %get3A_785] {strides = array<i32>} : memref<256x128xf32, #tpu.memory_space<vmem>>, vector<1x16xf32>,
      %get3A_787 = vector.shape_cast %get3A_786 : vector<1x16xf32> to vector<16xf32>
      %get3A_788 = arith.index_cast %add3A_783 : i32 to index
      %get3A_789 = arith.constant 0 : index
      %get3A_790 = tpu.vector_load %arg10[%get3A_788, %get3A_789] {strides = array<i32>} : memref<256x128xf32, #tpu.memory_space<vmem>>, vector<1x16xf32>,
      %get3A_791 = vector.shape_cast %get3A_790 : vector<1x16xf32> to vector<16xf32>
      %mul3A_792 = arith.mulf %get3A_787, %get3A_791 : vector<16xf32>
      %add3A_793 = arith.addf %add3A_709, %mul3A_792 : vector<16xf32>
      %get3A_794 = arith.index_cast %add3A_783 : i32 to index
      %get3A_795 = arith.constant 16 : index
      %get3A_796 = tpu.vector_load %arg11[%get3A_794, %get3A_795] {strides = array<i32>} : memref<256x128xf32, #tpu.memory_space<vmem>>, vector<1x16xf32>,
      %get3A_797 = vector.shape_cast %get3A_796 : vector<1x16xf32> to vector<16xf32>
      %get3A_798 = arith.index_cast %add3A_783 : i32 to index
      %get3A_799 = arith.constant 16 : index
      %get3A_800 = tpu.vector_load %arg10[%get3A_798, %get3A_799] {strides = array<i32>} : memref<256x128xf32, #tpu.memory_space<vmem>>, vector<1x16xf32>,
      %get3A_801 = vector.shape_cast %get3A_800 : vector<1x16xf32> to vector<16xf32>
      %mul3A_802 = arith.mulf %get3A_797, %get3A_801 : vector<16xf32>
      %add3A_803 = arith.addf %add3A_719, %mul3A_802 : vector<16xf32>
      %get3A_804 = arith.index_cast %add3A_783 : i32 to index
      %get3A_805 = arith.constant 32 : index
      %get3A_806 = tpu.vector_load %arg11[%get3A_804, %get3A_805] {strides = array<i32>} : memref<256x128xf32, #tpu.memory_space<vmem>>, vector<1x16xf32>,
      %get3A_807 = vector.shape_cast %get3A_806 : vector<1x16xf32> to vector<16xf32>
      %get3A_808 = arith.index_cast %add3A_783 : i32 to index
      %get3A_809 = arith.constant 32 : index
      %get3A_810 = tpu.vector_load %arg10[%get3A_808, %get3A_809] {strides = array<i32>} : memref<256x128xf32, #tpu.memory_space<vmem>>, vector<1x16xf32>,
      %get3A_811 = vector.shape_cast %get3A_810 : vector<1x16xf32> to vector<16xf32>
      %mul3A_812 = arith.mulf %get3A_807, %get3A_811 : vector<16xf32>
      %add3A_813 = arith.addf %add3A_729, %mul3A_812 : vector<16xf32>
      %get3A_814 = arith.index_cast %add3A_783 : i32 to index
      %get3A_815 = arith.constant 48 : index
      %get3A_816 = tpu.vector_load %arg11[%get3A_814, %get3A_815] {strides = array<i32>} : memref<256x128xf32, #tpu.memory_space<vmem>>, vector<1x16xf32>,
      %get3A_817 = vector.shape_cast %get3A_816 : vector<1x16xf32> to vector<16xf32>
      %get3A_818 = arith.index_cast %add3A_783 : i32 to index
      %get3A_819 = arith.constant 48 : index
      %get3A_820 = tpu.vector_load %arg10[%get3A_818, %get3A_819] {strides = array<i32>} : memref<256x128xf32, #tpu.memory_space<vmem>>, vector<1x16xf32>,
      %get3A_821 = vector.shape_cast %get3A_820 : vector<1x16xf32> to vector<16xf32>
      %mul3A_822 = arith.mulf %get3A_817, %get3A_821 : vector<16xf32>
      %add3A_823 = arith.addf %add3A_739, %mul3A_822 : vector<16xf32>
      %get3A_824 = arith.index_cast %add3A_783 : i32 to index
      %get3A_825 = arith.constant 64 : index
      %get3A_826 = tpu.vector_load %arg11[%get3A_824, %get3A_825] {strides = array<i32>} : memref<256x128xf32, #tpu.memory_space<vmem>>, vector<1x16xf32>,
      %get3A_827 = vector.shape_cast %get3A_826 : vector<1x16xf32> to vector<16xf32>
      %get3A_828 = arith.index_cast %add3A_783 : i32 to index
      %get3A_829 = arith.constant 64 : index
      %get3A_830 = tpu.vector_load %arg10[%get3A_828, %get3A_829] {strides = array<i32>} : memref<256x128xf32, #tpu.memory_space<vmem>>, vector<1x16xf32>,
      %get3A_831 = vector.shape_cast %get3A_830 : vector<1x16xf32> to vector<16xf32>
      %mul3A_832 = arith.mulf %get3A_827, %get3A_831 : vector<16xf32>
      %add3A_833 = arith.addf %add3A_749, %mul3A_832 : vector<16xf32>
      %get3A_834 = arith.index_cast %add3A_783 : i32 to index
      %get3A_835 = arith.constant 80 : index
      %get3A_836 = tpu.vector_load %arg11[%get3A_834, %get3A_835] {strides = array<i32>} : memref<256x128xf32, #tpu.memory_space<vmem>>, vector<1x16xf32>,
      %get3A_837 = vector.shape_cast %get3A_836 : vector<1x16xf32> to vector<16xf32>
      %get3A_838 = arith.index_cast %add3A_783 : i32 to index
      %get3A_839 = arith.constant 80 : index
      %get3A_840 = tpu.vector_load %arg10[%get3A_838, %get3A_839] {strides = array<i32>} : memref<256x128xf32, #tpu.memory_space<vmem>>, vector<1x16xf32>,
      %get3A_841 = vector.shape_cast %get3A_840 : vector<1x16xf32> to vector<16xf32>
      %mul3A_842 = arith.mulf %get3A_837, %get3A_841 : vector<16xf32>
      %add3A_843 = arith.addf %add3A_759, %mul3A_842 : vector<16xf32>
      %get3A_844 = arith.index_cast %add3A_783 : i32 to index
      %get3A_845 = arith.constant 96 : index
      %get3A_846 = tpu.vector_load %arg11[%get3A_844, %get3A_845] {strides = array<i32>} : memref<256x128xf32, #tpu.memory_space<vmem>>, vector<1x16xf32>,
      %get3A_847 = vector.shape_cast %get3A_846 : vector<1x16xf32> to vector<16xf32>
      %get3A_848 = arith.index_cast %add3A_783 : i32 to index
      %get3A_849 = arith.constant 96 : index
      %get3A_850 = tpu.vector_load %arg10[%get3A_848, %get3A_849] {strides = array<i32>} : memref<256x128xf32, #tpu.memory_space<vmem>>, vector<1x16xf32>,
      %get3A_851 = vector.shape_cast %get3A_850 : vector<1x16xf32> to vector<16xf32>
      %mul3A_852 = arith.mulf %get3A_847, %get3A_851 : vector<16xf32>
      %add3A_853 = arith.addf %add3A_769, %mul3A_852 : vector<16xf32>
      %get3A_854 = arith.index_cast %add3A_783 : i32 to index
      %get3A_855 = arith.constant 112 : index
      %get3A_856 = tpu.vector_load %arg11[%get3A_854, %get3A_855] {strides = array<i32>} : memref<256x128xf32, #tpu.memory_space<vmem>>, vector<1x16xf32>,
      %get3A_857 = vector.shape_cast %get3A_856 : vector<1x16xf32> to vector<16xf32>
      %get3A_858 = arith.index_cast %add3A_783 : i32 to index
      %get3A_859 = arith.constant 112 : index
      %get3A_860 = tpu.vector_load %arg10[%get3A_858, %get3A_859] {strides = array<i32>} : memref<256x128xf32, #tpu.memory_space<vmem>>, vector<1x16xf32>,
      %get3A_861 = vector.shape_cast %get3A_860 : vector<1x16xf32> to vector<16xf32>
      %mul3A_862 = arith.mulf %get3A_857, %get3A_861 : vector<16xf32>
      %add3A_863 = arith.addf %add3A_779, %mul3A_862 : vector<16xf32>
      %scan3A_864 = arith.constant 6 : i32
      %scan3A_865 = arith.addi %scan3A_353, %scan3A_864 : i32
      %add3A_866 = arith.constant 128 : i32
      %add3A_867 = arith.addi %add3A_866, %scan3A_865 : i32
      %get3A_868 = arith.index_cast %add3A_867 : i32 to index
      %get3A_869 = arith.constant 0 : index
      %get3A_870 = tpu.vector_load %arg11[%get3A_868, %get3A_869] {strides = array<i32>} : memref<256x128xf32, #tpu.memory_space<vmem>>, vector<1x16xf32>,
      %get3A_871 = vector.shape_cast %get3A_870 : vector<1x16xf32> to vector<16xf32>
      %get3A_872 = arith.index_cast %add3A_867 : i32 to index
      %get3A_873 = arith.constant 0 : index
      %get3A_874 = tpu.vector_load %arg10[%get3A_872, %get3A_873] {strides = array<i32>} : memref<256x128xf32, #tpu.memory_space<vmem>>, vector<1x16xf32>,
      %get3A_875 = vector.shape_cast %get3A_874 : vector<1x16xf32> to vector<16xf32>
      %mul3A_876 = arith.mulf %get3A_871, %get3A_875 : vector<16xf32>
      %add3A_877 = arith.addf %add3A_793, %mul3A_876 : vector<16xf32>
      %get3A_878 = arith.index_cast %add3A_867 : i32 to index
      %get3A_879 = arith.constant 16 : index
      %get3A_880 = tpu.vector_load %arg11[%get3A_878, %get3A_879] {strides = array<i32>} : memref<256x128xf32, #tpu.memory_space<vmem>>, vector<1x16xf32>,
      %get3A_881 = vector.shape_cast %get3A_880 : vector<1x16xf32> to vector<16xf32>
      %get3A_882 = arith.index_cast %add3A_867 : i32 to index
      %get3A_883 = arith.constant 16 : index
      %get3A_884 = tpu.vector_load %arg10[%get3A_882, %get3A_883] {strides = array<i32>} : memref<256x128xf32, #tpu.memory_space<vmem>>, vector<1x16xf32>,
      %get3A_885 = vector.shape_cast %get3A_884 : vector<1x16xf32> to vector<16xf32>
      %mul3A_886 = arith.mulf %get3A_881, %get3A_885 : vector<16xf32>
      %add3A_887 = arith.addf %add3A_803, %mul3A_886 : vector<16xf32>
      %get3A_888 = arith.index_cast %add3A_867 : i32 to index
      %get3A_889 = arith.constant 32 : index
      %get3A_890 = tpu.vector_load %arg11[%get3A_888, %get3A_889] {strides = array<i32>} : memref<256x128xf32, #tpu.memory_space<vmem>>, vector<1x16xf32>,
      %get3A_891 = vector.shape_cast %get3A_890 : vector<1x16xf32> to vector<16xf32>
      %get3A_892 = arith.index_cast %add3A_867 : i32 to index
      %get3A_893 = arith.constant 32 : index
      %get3A_894 = tpu.vector_load %arg10[%get3A_892, %get3A_893] {strides = array<i32>} : memref<256x128xf32, #tpu.memory_space<vmem>>, vector<1x16xf32>,
      %get3A_895 = vector.shape_cast %get3A_894 : vector<1x16xf32> to vector<16xf32>
      %mul3A_896 = arith.mulf %get3A_891, %get3A_895 : vector<16xf32>
      %add3A_897 = arith.addf %add3A_813, %mul3A_896 : vector<16xf32>
      %get3A_898 = arith.index_cast %add3A_867 : i32 to index
      %get3A_899 = arith.constant 48 : index
      %get3A_900 = tpu.vector_load %arg11[%get3A_898, %get3A_899] {strides = array<i32>} : memref<256x128xf32, #tpu.memory_space<vmem>>, vector<1x16xf32>,
      %get3A_901 = vector.shape_cast %get3A_900 : vector<1x16xf32> to vector<16xf32>
      %get3A_902 = arith.index_cast %add3A_867 : i32 to index
      %get3A_903 = arith.constant 48 : index
      %get3A_904 = tpu.vector_load %arg10[%get3A_902, %get3A_903] {strides = array<i32>} : memref<256x128xf32, #tpu.memory_space<vmem>>, vector<1x16xf32>,
      %get3A_905 = vector.shape_cast %get3A_904 : vector<1x16xf32> to vector<16xf32>
      %mul3A_906 = arith.mulf %get3A_901, %get3A_905 : vector<16xf32>
      %add3A_907 = arith.addf %add3A_823, %mul3A_906 : vector<16xf32>
      %get3A_908 = arith.index_cast %add3A_867 : i32 to index
      %get3A_909 = arith.constant 64 : index
      %get3A_910 = tpu.vector_load %arg11[%get3A_908, %get3A_909] {strides = array<i32>} : memref<256x128xf32, #tpu.memory_space<vmem>>, vector<1x16xf32>,
      %get3A_911 = vector.shape_cast %get3A_910 : vector<1x16xf32> to vector<16xf32>
      %get3A_912 = arith.index_cast %add3A_867 : i32 to index
      %get3A_913 = arith.constant 64 : index
      %get3A_914 = tpu.vector_load %arg10[%get3A_912, %get3A_913] {strides = array<i32>} : memref<256x128xf32, #tpu.memory_space<vmem>>, vector<1x16xf32>,
      %get3A_915 = vector.shape_cast %get3A_914 : vector<1x16xf32> to vector<16xf32>
      %mul3A_916 = arith.mulf %get3A_911, %get3A_915 : vector<16xf32>
      %add3A_917 = arith.addf %add3A_833, %mul3A_916 : vector<16xf32>
      %get3A_918 = arith.index_cast %add3A_867 : i32 to index
      %get3A_919 = arith.constant 80 : index
      %get3A_920 = tpu.vector_load %arg11[%get3A_918, %get3A_919] {strides = array<i32>} : memref<256x128xf32, #tpu.memory_space<vmem>>, vector<1x16xf32>,
      %get3A_921 = vector.shape_cast %get3A_920 : vector<1x16xf32> to vector<16xf32>
      %get3A_922 = arith.index_cast %add3A_867 : i32 to index
      %get3A_923 = arith.constant 80 : index
      %get3A_924 = tpu.vector_load %arg10[%get3A_922, %get3A_923] {strides = array<i32>} : memref<256x128xf32, #tpu.memory_space<vmem>>, vector<1x16xf32>,
      %get3A_925 = vector.shape_cast %get3A_924 : vector<1x16xf32> to vector<16xf32>
      %mul3A_926 = arith.mulf %get3A_921, %get3A_925 : vector<16xf32>
      %add3A_927 = arith.addf %add3A_843, %mul3A_926 : vector<16xf32>
      %get3A_928 = arith.index_cast %add3A_867 : i32 to index
      %get3A_929 = arith.constant 96 : index
      %get3A_930 = tpu.vector_load %arg11[%get3A_928, %get3A_929] {strides = array<i32>} : memref<256x128xf32, #tpu.memory_space<vmem>>, vector<1x16xf32>,
      %get3A_931 = vector.shape_cast %get3A_930 : vector<1x16xf32> to vector<16xf32>
      %get3A_932 = arith.index_cast %add3A_867 : i32 to index
      %get3A_933 = arith.constant 96 : index
      %get3A_934 = tpu.vector_load %arg10[%get3A_932, %get3A_933] {strides = array<i32>} : memref<256x128xf32, #tpu.memory_space<vmem>>, vector<1x16xf32>,
      %get3A_935 = vector.shape_cast %get3A_934 : vector<1x16xf32> to vector<16xf32>
      %mul3A_936 = arith.mulf %get3A_931, %get3A_935 : vector<16xf32>
      %add3A_937 = arith.addf %add3A_853, %mul3A_936 : vector<16xf32>
      %get3A_938 = arith.index_cast %add3A_867 : i32 to index
      %get3A_939 = arith.constant 112 : index
      %get3A_940 = tpu.vector_load %arg11[%get3A_938, %get3A_939] {strides = array<i32>} : memref<256x128xf32, #tpu.memory_space<vmem>>, vector<1x16xf32>,
      %get3A_941 = vector.shape_cast %get3A_940 : vector<1x16xf32> to vector<16xf32>
      %get3A_942 = arith.index_cast %add3A_867 : i32 to index
      %get3A_943 = arith.constant 112 : index
      %get3A_944 = tpu.vector_load %arg10[%get3A_942, %get3A_943] {strides = array<i32>} : memref<256x128xf32, #tpu.memory_space<vmem>>, vector<1x16xf32>,
      %get3A_945 = vector.shape_cast %get3A_944 : vector<1x16xf32> to vector<16xf32>
      %mul3A_946 = arith.mulf %get3A_941, %get3A_945 : vector<16xf32>
      %add3A_947 = arith.addf %add3A_863, %mul3A_946 : vector<16xf32>
      %scan3A_948 = arith.constant 7 : i32
      %scan3A_949 = arith.addi %scan3A_353, %scan3A_948 : i32
      %add3A_950 = arith.constant 128 : i32
      %add3A_951 = arith.addi %add3A_950, %scan3A_949 : i32
      %get3A_952 = arith.index_cast %add3A_951 : i32 to index
      %get3A_953 = arith.constant 0 : index
      %get3A_954 = tpu.vector_load %arg11[%get3A_952, %get3A_953] {strides = array<i32>} : memref<256x128xf32, #tpu.memory_space<vmem>>, vector<1x16xf32>,
      %get3A_955 = vector.shape_cast %get3A_954 : vector<1x16xf32> to vector<16xf32>
      %get3A_956 = arith.index_cast %add3A_951 : i32 to index
      %get3A_957 = arith.constant 0 : index
      %get3A_958 = tpu.vector_load %arg10[%get3A_956, %get3A_957] {strides = array<i32>} : memref<256x128xf32, #tpu.memory_space<vmem>>, vector<1x16xf32>,
      %get3A_959 = vector.shape_cast %get3A_958 : vector<1x16xf32> to vector<16xf32>
      %mul3A_960 = arith.mulf %get3A_955, %get3A_959 : vector<16xf32>
      %add3A_961 = arith.addf %add3A_877, %mul3A_960 : vector<16xf32>
      %get3A_962 = arith.index_cast %add3A_951 : i32 to index
      %get3A_963 = arith.constant 16 : index
      %get3A_964 = tpu.vector_load %arg11[%get3A_962, %get3A_963] {strides = array<i32>} : memref<256x128xf32, #tpu.memory_space<vmem>>, vector<1x16xf32>,
      %get3A_965 = vector.shape_cast %get3A_964 : vector<1x16xf32> to vector<16xf32>
      %get3A_966 = arith.index_cast %add3A_951 : i32 to index
      %get3A_967 = arith.constant 16 : index
      %get3A_968 = tpu.vector_load %arg10[%get3A_966, %get3A_967] {strides = array<i32>} : memref<256x128xf32, #tpu.memory_space<vmem>>, vector<1x16xf32>,
      %get3A_969 = vector.shape_cast %get3A_968 : vector<1x16xf32> to vector<16xf32>
      %mul3A_970 = arith.mulf %get3A_965, %get3A_969 : vector<16xf32>
      %add3A_971 = arith.addf %add3A_887, %mul3A_970 : vector<16xf32>
      %get3A_972 = arith.index_cast %add3A_951 : i32 to index
      %get3A_973 = arith.constant 32 : index
      %get3A_974 = tpu.vector_load %arg11[%get3A_972, %get3A_973] {strides = array<i32>} : memref<256x128xf32, #tpu.memory_space<vmem>>, vector<1x16xf32>,
      %get3A_975 = vector.shape_cast %get3A_974 : vector<1x16xf32> to vector<16xf32>
      %get3A_976 = arith.index_cast %add3A_951 : i32 to index
      %get3A_977 = arith.constant 32 : index
      %get3A_978 = tpu.vector_load %arg10[%get3A_976, %get3A_977] {strides = array<i32>} : memref<256x128xf32, #tpu.memory_space<vmem>>, vector<1x16xf32>,
      %get3A_979 = vector.shape_cast %get3A_978 : vector<1x16xf32> to vector<16xf32>
      %mul3A_980 = arith.mulf %get3A_975, %get3A_979 : vector<16xf32>
      %add3A_981 = arith.addf %add3A_897, %mul3A_980 : vector<16xf32>
      %get3A_982 = arith.index_cast %add3A_951 : i32 to index
      %get3A_983 = arith.constant 48 : index
      %get3A_984 = tpu.vector_load %arg11[%get3A_982, %get3A_983] {strides = array<i32>} : memref<256x128xf32, #tpu.memory_space<vmem>>, vector<1x16xf32>,
      %get3A_985 = vector.shape_cast %get3A_984 : vector<1x16xf32> to vector<16xf32>
      %get3A_986 = arith.index_cast %add3A_951 : i32 to index
      %get3A_987 = arith.constant 48 : index
      %get3A_988 = tpu.vector_load %arg10[%get3A_986, %get3A_987] {strides = array<i32>} : memref<256x128xf32, #tpu.memory_space<vmem>>, vector<1x16xf32>,
      %get3A_989 = vector.shape_cast %get3A_988 : vector<1x16xf32> to vector<16xf32>
      %mul3A_990 = arith.mulf %get3A_985, %get3A_989 : vector<16xf32>
      %add3A_991 = arith.addf %add3A_907, %mul3A_990 : vector<16xf32>
      %get3A_992 = arith.index_cast %add3A_951 : i32 to index
      %get3A_993 = arith.constant 64 : index
      %get3A_994 = tpu.vector_load %arg11[%get3A_992, %get3A_993] {strides = array<i32>} : memref<256x128xf32, #tpu.memory_space<vmem>>, vector<1x16xf32>,
      %get3A_995 = vector.shape_cast %get3A_994 : vector<1x16xf32> to vector<16xf32>
      %get3A_996 = arith.index_cast %add3A_951 : i32 to index
      %get3A_997 = arith.constant 64 : index
      %get3A_998 = tpu.vector_load %arg10[%get3A_996, %get3A_997] {strides = array<i32>} : memref<256x128xf32, #tpu.memory_space<vmem>>, vector<1x16xf32>,
      %get3A_999 = vector.shape_cast %get3A_998 : vector<1x16xf32> to vector<16xf32>
      %mul3A_1000 = arith.mulf %get3A_995, %get3A_999 : vector<16xf32>
      %add3A_1001 = arith.addf %add3A_917, %mul3A_1000 : vector<16xf32>
      %get3A_1002 = arith.index_cast %add3A_951 : i32 to index
      %get3A_1003 = arith.constant 80 : index
      %get3A_1004 = tpu.vector_load %arg11[%get3A_1002, %get3A_1003] {strides = array<i32>} : memref<256x128xf32, #tpu.memory_space<vmem>>, vector<1x16xf32>,
      %get3A_1005 = vector.shape_cast %get3A_1004 : vector<1x16xf32> to vector<16xf32>
      %get3A_1006 = arith.index_cast %add3A_951 : i32 to index
      %get3A_1007 = arith.constant 80 : index
      %get3A_1008 = tpu.vector_load %arg10[%get3A_1006, %get3A_1007] {strides = array<i32>} : memref<256x128xf32, #tpu.memory_space<vmem>>, vector<1x16xf32>,
      %get3A_1009 = vector.shape_cast %get3A_1008 : vector<1x16xf32> to vector<16xf32>
      %mul3A_1010 = arith.mulf %get3A_1005, %get3A_1009 : vector<16xf32>
      %add3A_1011 = arith.addf %add3A_927, %mul3A_1010 : vector<16xf32>
      %get3A_1012 = arith.index_cast %add3A_951 : i32 to index
      %get3A_1013 = arith.constant 96 : index
      %get3A_1014 = tpu.vector_load %arg11[%get3A_1012, %get3A_1013] {strides = array<i32>} : memref<256x128xf32, #tpu.memory_space<vmem>>, vector<1x16xf32>,
      %get3A_1015 = vector.shape_cast %get3A_1014 : vector<1x16xf32> to vector<16xf32>
      %get3A_1016 = arith.index_cast %add3A_951 : i32 to index
      %get3A_1017 = arith.constant 96 : index
      %get3A_1018 = tpu.vector_load %arg10[%get3A_1016, %get3A_1017] {strides = array<i32>} : memref<256x128xf32, #tpu.memory_space<vmem>>, vector<1x16xf32>,
      %get3A_1019 = vector.shape_cast %get3A_1018 : vector<1x16xf32> to vector<16xf32>
      %mul3A_1020 = arith.mulf %get3A_1015, %get3A_1019 : vector<16xf32>
      %add3A_1021 = arith.addf %add3A_937, %mul3A_1020 : vector<16xf32>
      %get3A_1022 = arith.index_cast %add3A_951 : i32 to index
      %get3A_1023 = arith.constant 112 : index
      %get3A_1024 = tpu.vector_load %arg11[%get3A_1022, %get3A_1023] {strides = array<i32>} : memref<256x128xf32, #tpu.memory_space<vmem>>, vector<1x16xf32>,
      %get3A_1025 = vector.shape_cast %get3A_1024 : vector<1x16xf32> to vector<16xf32>
      %get3A_1026 = arith.index_cast %add3A_951 : i32 to index
      %get3A_1027 = arith.constant 112 : index
      %get3A_1028 = tpu.vector_load %arg10[%get3A_1026, %get3A_1027] {strides = array<i32>} : memref<256x128xf32, #tpu.memory_space<vmem>>, vector<1x16xf32>,
      %get3A_1029 = vector.shape_cast %get3A_1028 : vector<1x16xf32> to vector<16xf32>
      %mul3A_1030 = arith.mulf %get3A_1025, %get3A_1029 : vector<16xf32>
      %add3A_1031 = arith.addf %add3A_947, %mul3A_1030 : vector<16xf32>
      scf.yield %add3A_961, %add3A_971, %add3A_981, %add3A_991, %add3A_1001, %add3A_1011, %add3A_1021, %add3A_1031 : vector<16xf32>, vector<16xf32>, vector<16xf32>, vector<16xf32>, vector<16xf32>, vector<16xf32>, vector<16xf32>, vector<16xf32>
    }
    %scan3A_214 = arith.constant 64 : i32
    %swap3A_215 = arith.constant 0 : i32
    %swap3A_216 = arith.index_cast %swap3A_215 : i32 to index
    %swap3A_217 = arith.constant 0 : index
    %swap3A_218 = tpu.vector_load %arg12[%swap3A_216, %swap3A_217] {strides = array<i32>} : memref<2x128xf32, #tpu.memory_space<vmem>>, vector<1x16xf32>,
    %swap3A_219 = vector.shape_cast %swap3A_218 : vector<1x16xf32> to vector<16xf32>
    %swap3A_220 = vector.shape_cast %scan3A_213#0 : vector<16xf32> to vector<1x16xf32>
    tpu.vector_store %arg12[%swap3A_216, %swap3A_217], %swap3A_220 {strides = array<i32>} : memref<2x128xf32, #tpu.memory_space<vmem>>, vector<1x16xf32>,
    %swap3A_221 = arith.constant 0 : i32
    %swap3A_222 = arith.index_cast %swap3A_221 : i32 to index
    %swap3A_223 = arith.constant 16 : index
    %swap3A_224 = tpu.vector_load %arg12[%swap3A_222, %swap3A_223] {strides = array<i32>} : memref<2x128xf32, #tpu.memory_space<vmem>>, vector<1x16xf32>,
    %swap3A_225 = vector.shape_cast %swap3A_224 : vector<1x16xf32> to vector<16xf32>
    %swap3A_226 = vector.shape_cast %scan3A_213#1 : vector<16xf32> to vector<1x16xf32>
    tpu.vector_store %arg12[%swap3A_222, %swap3A_223], %swap3A_226 {strides = array<i32>} : memref<2x128xf32, #tpu.memory_space<vmem>>, vector<1x16xf32>,
    %swap3A_227 = arith.constant 0 : i32
    %swap3A_228 = arith.index_cast %swap3A_227 : i32 to index
    %swap3A_229 = arith.constant 32 : index
    %swap3A_230 = tpu.vector_load %arg12[%swap3A_228, %swap3A_229] {strides = array<i32>} : memref<2x128xf32, #tpu.memory_space<vmem>>, vector<1x16xf32>,
    %swap3A_231 = vector.shape_cast %swap3A_230 : vector<1x16xf32> to vector<16xf32>
    %swap3A_232 = vector.shape_cast %scan3A_213#2 : vector<16xf32> to vector<1x16xf32>
    tpu.vector_store %arg12[%swap3A_228, %swap3A_229], %swap3A_232 {strides = array<i32>} : memref<2x128xf32, #tpu.memory_space<vmem>>, vector<1x16xf32>,
    %swap3A_233 = arith.constant 0 : i32
    %swap3A_234 = arith.index_cast %swap3A_233 : i32 to index
    %swap3A_235 = arith.constant 48 : index
    %swap3A_236 = tpu.vector_load %arg12[%swap3A_234, %swap3A_235] {strides = array<i32>} : memref<2x128xf32, #tpu.memory_space<vmem>>, vector<1x16xf32>,
    %swap3A_237 = vector.shape_cast %swap3A_236 : vector<1x16xf32> to vector<16xf32>
    %swap3A_238 = vector.shape_cast %scan3A_213#3 : vector<16xf32> to vector<1x16xf32>
    tpu.vector_store %arg12[%swap3A_234, %swap3A_235], %swap3A_238 {strides = array<i32>} : memref<2x128xf32, #tpu.memory_space<vmem>>, vector<1x16xf32>,
    %swap3A_239 = arith.constant 0 : i32
    %swap3A_240 = arith.index_cast %swap3A_239 : i32 to index
    %swap3A_241 = arith.constant 64 : index
    %swap3A_242 = tpu.vector_load %arg12[%swap3A_240, %swap3A_241] {strides = array<i32>} : memref<2x128xf32, #tpu.memory_space<vmem>>, vector<1x16xf32>,
    %swap3A_243 = vector.shape_cast %swap3A_242 : vector<1x16xf32> to vector<16xf32>
    %swap3A_244 = vector.shape_cast %scan3A_213#4 : vector<16xf32> to vector<1x16xf32>
    tpu.vector_store %arg12[%swap3A_240, %swap3A_241], %swap3A_244 {strides = array<i32>} : memref<2x128xf32, #tpu.memory_space<vmem>>, vector<1x16xf32>,
    %swap3A_245 = arith.constant 0 : i32
    %swap3A_246 = arith.index_cast %swap3A_245 : i32 to index
    %swap3A_247 = arith.constant 80 : index
    %swap3A_248 = tpu.vector_load %arg12[%swap3A_246, %swap3A_247] {strides = array<i32>} : memref<2x128xf32, #tpu.memory_space<vmem>>, vector<1x16xf32>,
    %swap3A_249 = vector.shape_cast %swap3A_248 : vector<1x16xf32> to vector<16xf32>
    %swap3A_250 = vector.shape_cast %scan3A_213#5 : vector<16xf32> to vector<1x16xf32>
    tpu.vector_store %arg12[%swap3A_246, %swap3A_247], %swap3A_250 {strides = array<i32>} : memref<2x128xf32, #tpu.memory_space<vmem>>, vector<1x16xf32>,
    %swap3A_251 = arith.constant 0 : i32
    %swap3A_252 = arith.index_cast %swap3A_251 : i32 to index
    %swap3A_253 = arith.constant 96 : index
    %swap3A_254 = tpu.vector_load %arg12[%swap3A_252, %swap3A_253] {strides = array<i32>} : memref<2x128xf32, #tpu.memory_space<vmem>>, vector<1x16xf32>,
    %swap3A_255 = vector.shape_cast %swap3A_254 : vector<1x16xf32> to vector<16xf32>
    %swap3A_256 = vector.shape_cast %scan3A_213#6 : vector<16xf32> to vector<1x16xf32>
    tpu.vector_store %arg12[%swap3A_252, %swap3A_253], %swap3A_256 {strides = array<i32>} : memref<2x128xf32, #tpu.memory_space<vmem>>, vector<1x16xf32>,
    %swap3A_257 = arith.constant 0 : i32
    %swap3A_258 = arith.index_cast %swap3A_257 : i32 to index
    %swap3A_259 = arith.constant 112 : index
    %swap3A_260 = tpu.vector_load %arg12[%swap3A_258, %swap3A_259] {strides = array<i32>} : memref<2x128xf32, #tpu.memory_space<vmem>>, vector<1x16xf32>,
    %swap3A_261 = vector.shape_cast %swap3A_260 : vector<1x16xf32> to vector<16xf32>
    %swap3A_262 = vector.shape_cast %scan3A_213#7 : vector<16xf32> to vector<1x16xf32>
    tpu.vector_store %arg12[%swap3A_258, %swap3A_259], %swap3A_262 {strides = array<i32>} : memref<2x128xf32, #tpu.memory_space<vmem>>, vector<1x16xf32>,
    %broadcast_in_dim3A_263 = arith.constant 0.000000e+00 : f32
    %broadcast_in_dim3A_264 = vector.broadcast %broadcast_in_dim3A_263 : f32 to vector<16xf32>
    %broadcast_in_dim3A_265 = arith.constant 0.000000e+00 : f32
    %broadcast_in_dim3A_266 = vector.broadcast %broadcast_in_dim3A_265 : f32 to vector<16xf32>
    %broadcast_in_dim3A_267 = arith.constant 0.000000e+00 : f32
    %broadcast_in_dim3A_268 = vector.broadcast %broadcast_in_dim3A_267 : f32 to vector<16xf32>
    %broadcast_in_dim3A_269 = arith.constant 0.000000e+00 : f32
    %broadcast_in_dim3A_270 = vector.broadcast %broadcast_in_dim3A_269 : f32 to vector<16xf32>
    %broadcast_in_dim3A_271 = arith.constant 0.000000e+00 : f32
    %broadcast_in_dim3A_272 = vector.broadcast %broadcast_in_dim3A_271 : f32 to vector<16xf32>
    %broadcast_in_dim3A_273 = arith.constant 0.000000e+00 : f32
    %broadcast_in_dim3A_274 = vector.broadcast %broadcast_in_dim3A_273 : f32 to vector<16xf32>
    %broadcast_in_dim3A_275 = arith.constant 0.000000e+00 : f32
    %broadcast_in_dim3A_276 = vector.broadcast %broadcast_in_dim3A_275 : f32 to vector<16xf32>
    %broadcast_in_dim3A_277 = arith.constant 0.000000e+00 : f32
    %broadcast_in_dim3A_278 = vector.broadcast %broadcast_in_dim3A_277 : f32 to vector<16xf32>
    %scan3A_279 = arith.constant 0 : i32
    %scan3A_280 = arith.constant 64 : i32
    %scan3A_281 = arith.addi %scan3A_279, %scan3A_280 : i32
    %scan3A_282 = arith.constant 8 : i32
    %scan3A_283:8 = scf.for %scan3A_353 = %scan3A_279 to %scan3A_281 step %scan3A_282 iter_args(%scan3A_354 = %broadcast_in_dim3A_264, %scan3A_355 = %broadcast_in_dim3A_266, %scan3A_356 = %broadcast_in_dim3A_268, %scan3A_357 = %broadcast_in_dim3A_270, %scan3A_358 = %broadcast_in_dim3A_272, %scan3A_359 = %broadcast_in_dim3A_274, %scan3A_360 = %broadcast_in_dim3A_276, %scan3A_361 = %broadcast_in_dim3A_278) -> (vector<16xf32>, vector<16xf32>, vector<16xf32>, vector<16xf32>, vector<16xf32>, vector<16xf32>, vector<16xf32>, vector<16xf32>)  : i32 {
      %add3A_362 = arith.constant 192 : i32
      %add3A_363 = arith.addi %add3A_362, %scan3A_353 : i32
      %get3A_364 = arith.index_cast %add3A_363 : i32 to index
      %get3A_365 = arith.constant 0 : index
      %get3A_366 = tpu.vector_load %arg11[%get3A_364, %get3A_365] {strides = array<i32>} : memref<256x128xf32, #tpu.memory_space<vmem>>, vector<1x16xf32>,
      %get3A_367 = vector.shape_cast %get3A_366 : vector<1x16xf32> to vector<16xf32>
      %get3A_368 = arith.index_cast %add3A_363 : i32 to index
      %get3A_369 = arith.constant 0 : index
      %get3A_370 = tpu.vector_load %arg10[%get3A_368, %get3A_369] {strides = array<i32>} : memref<256x128xf32, #tpu.memory_space<vmem>>, vector<1x16xf32>,
      %get3A_371 = vector.shape_cast %get3A_370 : vector<1x16xf32> to vector<16xf32>
      %mul3A_372 = arith.mulf %get3A_367, %get3A_371 : vector<16xf32>
      %add3A_373 = arith.addf %scan3A_354, %mul3A_372 : vector<16xf32>
      %get3A_374 = arith.index_cast %add3A_363 : i32 to index
      %get3A_375 = arith.constant 16 : index
      %get3A_376 = tpu.vector_load %arg11[%get3A_374, %get3A_375] {strides = array<i32>} : memref<256x128xf32, #tpu.memory_space<vmem>>, vector<1x16xf32>,
      %get3A_377 = vector.shape_cast %get3A_376 : vector<1x16xf32> to vector<16xf32>
      %get3A_378 = arith.index_cast %add3A_363 : i32 to index
      %get3A_379 = arith.constant 16 : index
      %get3A_380 = tpu.vector_load %arg10[%get3A_378, %get3A_379] {strides = array<i32>} : memref<256x128xf32, #tpu.memory_space<vmem>>, vector<1x16xf32>,
      %get3A_381 = vector.shape_cast %get3A_380 : vector<1x16xf32> to vector<16xf32>
      %mul3A_382 = arith.mulf %get3A_377, %get3A_381 : vector<16xf32>
      %add3A_383 = arith.addf %scan3A_355, %mul3A_382 : vector<16xf32>
      %get3A_384 = arith.index_cast %add3A_363 : i32 to index
      %get3A_385 = arith.constant 32 : index
      %get3A_386 = tpu.vector_load %arg11[%get3A_384, %get3A_385] {strides = array<i32>} : memref<256x128xf32, #tpu.memory_space<vmem>>, vector<1x16xf32>,
      %get3A_387 = vector.shape_cast %get3A_386 : vector<1x16xf32> to vector<16xf32>
      %get3A_388 = arith.index_cast %add3A_363 : i32 to index
      %get3A_389 = arith.constant 32 : index
      %get3A_390 = tpu.vector_load %arg10[%get3A_388, %get3A_389] {strides = array<i32>} : memref<256x128xf32, #tpu.memory_space<vmem>>, vector<1x16xf32>,
      %get3A_391 = vector.shape_cast %get3A_390 : vector<1x16xf32> to vector<16xf32>
      %mul3A_392 = arith.mulf %get3A_387, %get3A_391 : vector<16xf32>
      %add3A_393 = arith.addf %scan3A_356, %mul3A_392 : vector<16xf32>
      %get3A_394 = arith.index_cast %add3A_363 : i32 to index
      %get3A_395 = arith.constant 48 : index
      %get3A_396 = tpu.vector_load %arg11[%get3A_394, %get3A_395] {strides = array<i32>} : memref<256x128xf32, #tpu.memory_space<vmem>>, vector<1x16xf32>,
      %get3A_397 = vector.shape_cast %get3A_396 : vector<1x16xf32> to vector<16xf32>
      %get3A_398 = arith.index_cast %add3A_363 : i32 to index
      %get3A_399 = arith.constant 48 : index
      %get3A_400 = tpu.vector_load %arg10[%get3A_398, %get3A_399] {strides = array<i32>} : memref<256x128xf32, #tpu.memory_space<vmem>>, vector<1x16xf32>,
      %get3A_401 = vector.shape_cast %get3A_400 : vector<1x16xf32> to vector<16xf32>
      %mul3A_402 = arith.mulf %get3A_397, %get3A_401 : vector<16xf32>
      %add3A_403 = arith.addf %scan3A_357, %mul3A_402 : vector<16xf32>
      %get3A_404 = arith.index_cast %add3A_363 : i32 to index
      %get3A_405 = arith.constant 64 : index
      %get3A_406 = tpu.vector_load %arg11[%get3A_404, %get3A_405] {strides = array<i32>} : memref<256x128xf32, #tpu.memory_space<vmem>>, vector<1x16xf32>,
      %get3A_407 = vector.shape_cast %get3A_406 : vector<1x16xf32> to vector<16xf32>
      %get3A_408 = arith.index_cast %add3A_363 : i32 to index
      %get3A_409 = arith.constant 64 : index
      %get3A_410 = tpu.vector_load %arg10[%get3A_408, %get3A_409] {strides = array<i32>} : memref<256x128xf32, #tpu.memory_space<vmem>>, vector<1x16xf32>,
      %get3A_411 = vector.shape_cast %get3A_410 : vector<1x16xf32> to vector<16xf32>
      %mul3A_412 = arith.mulf %get3A_407, %get3A_411 : vector<16xf32>
      %add3A_413 = arith.addf %scan3A_358, %mul3A_412 : vector<16xf32>
      %get3A_414 = arith.index_cast %add3A_363 : i32 to index
      %get3A_415 = arith.constant 80 : index
      %get3A_416 = tpu.vector_load %arg11[%get3A_414, %get3A_415] {strides = array<i32>} : memref<256x128xf32, #tpu.memory_space<vmem>>, vector<1x16xf32>,
      %get3A_417 = vector.shape_cast %get3A_416 : vector<1x16xf32> to vector<16xf32>
      %get3A_418 = arith.index_cast %add3A_363 : i32 to index
      %get3A_419 = arith.constant 80 : index
      %get3A_420 = tpu.vector_load %arg10[%get3A_418, %get3A_419] {strides = array<i32>} : memref<256x128xf32, #tpu.memory_space<vmem>>, vector<1x16xf32>,
      %get3A_421 = vector.shape_cast %get3A_420 : vector<1x16xf32> to vector<16xf32>
      %mul3A_422 = arith.mulf %get3A_417, %get3A_421 : vector<16xf32>
      %add3A_423 = arith.addf %scan3A_359, %mul3A_422 : vector<16xf32>
      %get3A_424 = arith.index_cast %add3A_363 : i32 to index
      %get3A_425 = arith.constant 96 : index
      %get3A_426 = tpu.vector_load %arg11[%get3A_424, %get3A_425] {strides = array<i32>} : memref<256x128xf32, #tpu.memory_space<vmem>>, vector<1x16xf32>,
      %get3A_427 = vector.shape_cast %get3A_426 : vector<1x16xf32> to vector<16xf32>
      %get3A_428 = arith.index_cast %add3A_363 : i32 to index
      %get3A_429 = arith.constant 96 : index
      %get3A_430 = tpu.vector_load %arg10[%get3A_428, %get3A_429] {strides = array<i32>} : memref<256x128xf32, #tpu.memory_space<vmem>>, vector<1x16xf32>,
      %get3A_431 = vector.shape_cast %get3A_430 : vector<1x16xf32> to vector<16xf32>
      %mul3A_432 = arith.mulf %get3A_427, %get3A_431 : vector<16xf32>
      %add3A_433 = arith.addf %scan3A_360, %mul3A_432 : vector<16xf32>
      %get3A_434 = arith.index_cast %add3A_363 : i32 to index
      %get3A_435 = arith.constant 112 : index
      %get3A_436 = tpu.vector_load %arg11[%get3A_434, %get3A_435] {strides = array<i32>} : memref<256x128xf32, #tpu.memory_space<vmem>>, vector<1x16xf32>,
      %get3A_437 = vector.shape_cast %get3A_436 : vector<1x16xf32> to vector<16xf32>
      %get3A_438 = arith.index_cast %add3A_363 : i32 to index
      %get3A_439 = arith.constant 112 : index
      %get3A_440 = tpu.vector_load %arg10[%get3A_438, %get3A_439] {strides = array<i32>} : memref<256x128xf32, #tpu.memory_space<vmem>>, vector<1x16xf32>,
      %get3A_441 = vector.shape_cast %get3A_440 : vector<1x16xf32> to vector<16xf32>
      %mul3A_442 = arith.mulf %get3A_437, %get3A_441 : vector<16xf32>
      %add3A_443 = arith.addf %scan3A_361, %mul3A_442 : vector<16xf32>
      %scan3A_444 = arith.constant 1 : i32
      %scan3A_445 = arith.addi %scan3A_353, %scan3A_444 : i32
      %add3A_446 = arith.constant 192 : i32
      %add3A_447 = arith.addi %add3A_446, %scan3A_445 : i32
      %get3A_448 = arith.index_cast %add3A_447 : i32 to index
      %get3A_449 = arith.constant 0 : index
      %get3A_450 = tpu.vector_load %arg11[%get3A_448, %get3A_449] {strides = array<i32>} : memref<256x128xf32, #tpu.memory_space<vmem>>, vector<1x16xf32>,
      %get3A_451 = vector.shape_cast %get3A_450 : vector<1x16xf32> to vector<16xf32>
      %get3A_452 = arith.index_cast %add3A_447 : i32 to index
      %get3A_453 = arith.constant 0 : index
      %get3A_454 = tpu.vector_load %arg10[%get3A_452, %get3A_453] {strides = array<i32>} : memref<256x128xf32, #tpu.memory_space<vmem>>, vector<1x16xf32>,
      %get3A_455 = vector.shape_cast %get3A_454 : vector<1x16xf32> to vector<16xf32>
      %mul3A_456 = arith.mulf %get3A_451, %get3A_455 : vector<16xf32>
      %add3A_457 = arith.addf %add3A_373, %mul3A_456 : vector<16xf32>
      %get3A_458 = arith.index_cast %add3A_447 : i32 to index
      %get3A_459 = arith.constant 16 : index
      %get3A_460 = tpu.vector_load %arg11[%get3A_458, %get3A_459] {strides = array<i32>} : memref<256x128xf32, #tpu.memory_space<vmem>>, vector<1x16xf32>,
      %get3A_461 = vector.shape_cast %get3A_460 : vector<1x16xf32> to vector<16xf32>
      %get3A_462 = arith.index_cast %add3A_447 : i32 to index
      %get3A_463 = arith.constant 16 : index
      %get3A_464 = tpu.vector_load %arg10[%get3A_462, %get3A_463] {strides = array<i32>} : memref<256x128xf32, #tpu.memory_space<vmem>>, vector<1x16xf32>,
      %get3A_465 = vector.shape_cast %get3A_464 : vector<1x16xf32> to vector<16xf32>
      %mul3A_466 = arith.mulf %get3A_461, %get3A_465 : vector<16xf32>
      %add3A_467 = arith.addf %add3A_383, %mul3A_466 : vector<16xf32>
      %get3A_468 = arith.index_cast %add3A_447 : i32 to index
      %get3A_469 = arith.constant 32 : index
      %get3A_470 = tpu.vector_load %arg11[%get3A_468, %get3A_469] {strides = array<i32>} : memref<256x128xf32, #tpu.memory_space<vmem>>, vector<1x16xf32>,
      %get3A_471 = vector.shape_cast %get3A_470 : vector<1x16xf32> to vector<16xf32>
      %get3A_472 = arith.index_cast %add3A_447 : i32 to index
      %get3A_473 = arith.constant 32 : index
      %get3A_474 = tpu.vector_load %arg10[%get3A_472, %get3A_473] {strides = array<i32>} : memref<256x128xf32, #tpu.memory_space<vmem>>, vector<1x16xf32>,
      %get3A_475 = vector.shape_cast %get3A_474 : vector<1x16xf32> to vector<16xf32>
      %mul3A_476 = arith.mulf %get3A_471, %get3A_475 : vector<16xf32>
      %add3A_477 = arith.addf %add3A_393, %mul3A_476 : vector<16xf32>
      %get3A_478 = arith.index_cast %add3A_447 : i32 to index
      %get3A_479 = arith.constant 48 : index
      %get3A_480 = tpu.vector_load %arg11[%get3A_478, %get3A_479] {strides = array<i32>} : memref<256x128xf32, #tpu.memory_space<vmem>>, vector<1x16xf32>,
      %get3A_481 = vector.shape_cast %get3A_480 : vector<1x16xf32> to vector<16xf32>
      %get3A_482 = arith.index_cast %add3A_447 : i32 to index
      %get3A_483 = arith.constant 48 : index
      %get3A_484 = tpu.vector_load %arg10[%get3A_482, %get3A_483] {strides = array<i32>} : memref<256x128xf32, #tpu.memory_space<vmem>>, vector<1x16xf32>,
      %get3A_485 = vector.shape_cast %get3A_484 : vector<1x16xf32> to vector<16xf32>
      %mul3A_486 = arith.mulf %get3A_481, %get3A_485 : vector<16xf32>
      %add3A_487 = arith.addf %add3A_403, %mul3A_486 : vector<16xf32>
      %get3A_488 = arith.index_cast %add3A_447 : i32 to index
      %get3A_489 = arith.constant 64 : index
      %get3A_490 = tpu.vector_load %arg11[%get3A_488, %get3A_489] {strides = array<i32>} : memref<256x128xf32, #tpu.memory_space<vmem>>, vector<1x16xf32>,
      %get3A_491 = vector.shape_cast %get3A_490 : vector<1x16xf32> to vector<16xf32>
      %get3A_492 = arith.index_cast %add3A_447 : i32 to index
      %get3A_493 = arith.constant 64 : index
      %get3A_494 = tpu.vector_load %arg10[%get3A_492, %get3A_493] {strides = array<i32>} : memref<256x128xf32, #tpu.memory_space<vmem>>, vector<1x16xf32>,
      %get3A_495 = vector.shape_cast %get3A_494 : vector<1x16xf32> to vector<16xf32>
      %mul3A_496 = arith.mulf %get3A_491, %get3A_495 : vector<16xf32>
      %add3A_497 = arith.addf %add3A_413, %mul3A_496 : vector<16xf32>
      %get3A_498 = arith.index_cast %add3A_447 : i32 to index
      %get3A_499 = arith.constant 80 : index
      %get3A_500 = tpu.vector_load %arg11[%get3A_498, %get3A_499] {strides = array<i32>} : memref<256x128xf32, #tpu.memory_space<vmem>>, vector<1x16xf32>,
      %get3A_501 = vector.shape_cast %get3A_500 : vector<1x16xf32> to vector<16xf32>
      %get3A_502 = arith.index_cast %add3A_447 : i32 to index
      %get3A_503 = arith.constant 80 : index
      %get3A_504 = tpu.vector_load %arg10[%get3A_502, %get3A_503] {strides = array<i32>} : memref<256x128xf32, #tpu.memory_space<vmem>>, vector<1x16xf32>,
      %get3A_505 = vector.shape_cast %get3A_504 : vector<1x16xf32> to vector<16xf32>
      %mul3A_506 = arith.mulf %get3A_501, %get3A_505 : vector<16xf32>
      %add3A_507 = arith.addf %add3A_423, %mul3A_506 : vector<16xf32>
      %get3A_508 = arith.index_cast %add3A_447 : i32 to index
      %get3A_509 = arith.constant 96 : index
      %get3A_510 = tpu.vector_load %arg11[%get3A_508, %get3A_509] {strides = array<i32>} : memref<256x128xf32, #tpu.memory_space<vmem>>, vector<1x16xf32>,
      %get3A_511 = vector.shape_cast %get3A_510 : vector<1x16xf32> to vector<16xf32>
      %get3A_512 = arith.index_cast %add3A_447 : i32 to index
      %get3A_513 = arith.constant 96 : index
      %get3A_514 = tpu.vector_load %arg10[%get3A_512, %get3A_513] {strides = array<i32>} : memref<256x128xf32, #tpu.memory_space<vmem>>, vector<1x16xf32>,
      %get3A_515 = vector.shape_cast %get3A_514 : vector<1x16xf32> to vector<16xf32>
      %mul3A_516 = arith.mulf %get3A_511, %get3A_515 : vector<16xf32>
      %add3A_517 = arith.addf %add3A_433, %mul3A_516 : vector<16xf32>
      %get3A_518 = arith.index_cast %add3A_447 : i32 to index
      %get3A_519 = arith.constant 112 : index
      %get3A_520 = tpu.vector_load %arg11[%get3A_518, %get3A_519] {strides = array<i32>} : memref<256x128xf32, #tpu.memory_space<vmem>>, vector<1x16xf32>,
      %get3A_521 = vector.shape_cast %get3A_520 : vector<1x16xf32> to vector<16xf32>
      %get3A_522 = arith.index_cast %add3A_447 : i32 to index
      %get3A_523 = arith.constant 112 : index
      %get3A_524 = tpu.vector_load %arg10[%get3A_522, %get3A_523] {strides = array<i32>} : memref<256x128xf32, #tpu.memory_space<vmem>>, vector<1x16xf32>,
      %get3A_525 = vector.shape_cast %get3A_524 : vector<1x16xf32> to vector<16xf32>
      %mul3A_526 = arith.mulf %get3A_521, %get3A_525 : vector<16xf32>
      %add3A_527 = arith.addf %add3A_443, %mul3A_526 : vector<16xf32>
      %scan3A_528 = arith.constant 2 : i32
      %scan3A_529 = arith.addi %scan3A_353, %scan3A_528 : i32
      %add3A_530 = arith.constant 192 : i32
      %add3A_531 = arith.addi %add3A_530, %scan3A_529 : i32
      %get3A_532 = arith.index_cast %add3A_531 : i32 to index
      %get3A_533 = arith.constant 0 : index
      %get3A_534 = tpu.vector_load %arg11[%get3A_532, %get3A_533] {strides = array<i32>} : memref<256x128xf32, #tpu.memory_space<vmem>>, vector<1x16xf32>,
      %get3A_535 = vector.shape_cast %get3A_534 : vector<1x16xf32> to vector<16xf32>
      %get3A_536 = arith.index_cast %add3A_531 : i32 to index
      %get3A_537 = arith.constant 0 : index
      %get3A_538 = tpu.vector_load %arg10[%get3A_536, %get3A_537] {strides = array<i32>} : memref<256x128xf32, #tpu.memory_space<vmem>>, vector<1x16xf32>,
      %get3A_539 = vector.shape_cast %get3A_538 : vector<1x16xf32> to vector<16xf32>
      %mul3A_540 = arith.mulf %get3A_535, %get3A_539 : vector<16xf32>
      %add3A_541 = arith.addf %add3A_457, %mul3A_540 : vector<16xf32>
      %get3A_542 = arith.index_cast %add3A_531 : i32 to index
      %get3A_543 = arith.constant 16 : index
      %get3A_544 = tpu.vector_load %arg11[%get3A_542, %get3A_543] {strides = array<i32>} : memref<256x128xf32, #tpu.memory_space<vmem>>, vector<1x16xf32>,
      %get3A_545 = vector.shape_cast %get3A_544 : vector<1x16xf32> to vector<16xf32>
      %get3A_546 = arith.index_cast %add3A_531 : i32 to index
      %get3A_547 = arith.constant 16 : index
      %get3A_548 = tpu.vector_load %arg10[%get3A_546, %get3A_547] {strides = array<i32>} : memref<256x128xf32, #tpu.memory_space<vmem>>, vector<1x16xf32>,
      %get3A_549 = vector.shape_cast %get3A_548 : vector<1x16xf32> to vector<16xf32>
      %mul3A_550 = arith.mulf %get3A_545, %get3A_549 : vector<16xf32>
      %add3A_551 = arith.addf %add3A_467, %mul3A_550 : vector<16xf32>
      %get3A_552 = arith.index_cast %add3A_531 : i32 to index
      %get3A_553 = arith.constant 32 : index
      %get3A_554 = tpu.vector_load %arg11[%get3A_552, %get3A_553] {strides = array<i32>} : memref<256x128xf32, #tpu.memory_space<vmem>>, vector<1x16xf32>,
      %get3A_555 = vector.shape_cast %get3A_554 : vector<1x16xf32> to vector<16xf32>
      %get3A_556 = arith.index_cast %add3A_531 : i32 to index
      %get3A_557 = arith.constant 32 : index
      %get3A_558 = tpu.vector_load %arg10[%get3A_556, %get3A_557] {strides = array<i32>} : memref<256x128xf32, #tpu.memory_space<vmem>>, vector<1x16xf32>,
      %get3A_559 = vector.shape_cast %get3A_558 : vector<1x16xf32> to vector<16xf32>
      %mul3A_560 = arith.mulf %get3A_555, %get3A_559 : vector<16xf32>
      %add3A_561 = arith.addf %add3A_477, %mul3A_560 : vector<16xf32>
      %get3A_562 = arith.index_cast %add3A_531 : i32 to index
      %get3A_563 = arith.constant 48 : index
      %get3A_564 = tpu.vector_load %arg11[%get3A_562, %get3A_563] {strides = array<i32>} : memref<256x128xf32, #tpu.memory_space<vmem>>, vector<1x16xf32>,
      %get3A_565 = vector.shape_cast %get3A_564 : vector<1x16xf32> to vector<16xf32>
      %get3A_566 = arith.index_cast %add3A_531 : i32 to index
      %get3A_567 = arith.constant 48 : index
      %get3A_568 = tpu.vector_load %arg10[%get3A_566, %get3A_567] {strides = array<i32>} : memref<256x128xf32, #tpu.memory_space<vmem>>, vector<1x16xf32>,
      %get3A_569 = vector.shape_cast %get3A_568 : vector<1x16xf32> to vector<16xf32>
      %mul3A_570 = arith.mulf %get3A_565, %get3A_569 : vector<16xf32>
      %add3A_571 = arith.addf %add3A_487, %mul3A_570 : vector<16xf32>
      %get3A_572 = arith.index_cast %add3A_531 : i32 to index
      %get3A_573 = arith.constant 64 : index
      %get3A_574 = tpu.vector_load %arg11[%get3A_572, %get3A_573] {strides = array<i32>} : memref<256x128xf32, #tpu.memory_space<vmem>>, vector<1x16xf32>,
      %get3A_575 = vector.shape_cast %get3A_574 : vector<1x16xf32> to vector<16xf32>
      %get3A_576 = arith.index_cast %add3A_531 : i32 to index
      %get3A_577 = arith.constant 64 : index
      %get3A_578 = tpu.vector_load %arg10[%get3A_576, %get3A_577] {strides = array<i32>} : memref<256x128xf32, #tpu.memory_space<vmem>>, vector<1x16xf32>,
      %get3A_579 = vector.shape_cast %get3A_578 : vector<1x16xf32> to vector<16xf32>
      %mul3A_580 = arith.mulf %get3A_575, %get3A_579 : vector<16xf32>
      %add3A_581 = arith.addf %add3A_497, %mul3A_580 : vector<16xf32>
      %get3A_582 = arith.index_cast %add3A_531 : i32 to index
      %get3A_583 = arith.constant 80 : index
      %get3A_584 = tpu.vector_load %arg11[%get3A_582, %get3A_583] {strides = array<i32>} : memref<256x128xf32, #tpu.memory_space<vmem>>, vector<1x16xf32>,
      %get3A_585 = vector.shape_cast %get3A_584 : vector<1x16xf32> to vector<16xf32>
      %get3A_586 = arith.index_cast %add3A_531 : i32 to index
      %get3A_587 = arith.constant 80 : index
      %get3A_588 = tpu.vector_load %arg10[%get3A_586, %get3A_587] {strides = array<i32>} : memref<256x128xf32, #tpu.memory_space<vmem>>, vector<1x16xf32>,
      %get3A_589 = vector.shape_cast %get3A_588 : vector<1x16xf32> to vector<16xf32>
      %mul3A_590 = arith.mulf %get3A_585, %get3A_589 : vector<16xf32>
      %add3A_591 = arith.addf %add3A_507, %mul3A_590 : vector<16xf32>
      %get3A_592 = arith.index_cast %add3A_531 : i32 to index
      %get3A_593 = arith.constant 96 : index
      %get3A_594 = tpu.vector_load %arg11[%get3A_592, %get3A_593] {strides = array<i32>} : memref<256x128xf32, #tpu.memory_space<vmem>>, vector<1x16xf32>,
      %get3A_595 = vector.shape_cast %get3A_594 : vector<1x16xf32> to vector<16xf32>
      %get3A_596 = arith.index_cast %add3A_531 : i32 to index
      %get3A_597 = arith.constant 96 : index
      %get3A_598 = tpu.vector_load %arg10[%get3A_596, %get3A_597] {strides = array<i32>} : memref<256x128xf32, #tpu.memory_space<vmem>>, vector<1x16xf32>,
      %get3A_599 = vector.shape_cast %get3A_598 : vector<1x16xf32> to vector<16xf32>
      %mul3A_600 = arith.mulf %get3A_595, %get3A_599 : vector<16xf32>
      %add3A_601 = arith.addf %add3A_517, %mul3A_600 : vector<16xf32>
      %get3A_602 = arith.index_cast %add3A_531 : i32 to index
      %get3A_603 = arith.constant 112 : index
      %get3A_604 = tpu.vector_load %arg11[%get3A_602, %get3A_603] {strides = array<i32>} : memref<256x128xf32, #tpu.memory_space<vmem>>, vector<1x16xf32>,
      %get3A_605 = vector.shape_cast %get3A_604 : vector<1x16xf32> to vector<16xf32>
      %get3A_606 = arith.index_cast %add3A_531 : i32 to index
      %get3A_607 = arith.constant 112 : index
      %get3A_608 = tpu.vector_load %arg10[%get3A_606, %get3A_607] {strides = array<i32>} : memref<256x128xf32, #tpu.memory_space<vmem>>, vector<1x16xf32>,
      %get3A_609 = vector.shape_cast %get3A_608 : vector<1x16xf32> to vector<16xf32>
      %mul3A_610 = arith.mulf %get3A_605, %get3A_609 : vector<16xf32>
      %add3A_611 = arith.addf %add3A_527, %mul3A_610 : vector<16xf32>
      %scan3A_612 = arith.constant 3 : i32
      %scan3A_613 = arith.addi %scan3A_353, %scan3A_612 : i32
      %add3A_614 = arith.constant 192 : i32
      %add3A_615 = arith.addi %add3A_614, %scan3A_613 : i32
      %get3A_616 = arith.index_cast %add3A_615 : i32 to index
      %get3A_617 = arith.constant 0 : index
      %get3A_618 = tpu.vector_load %arg11[%get3A_616, %get3A_617] {strides = array<i32>} : memref<256x128xf32, #tpu.memory_space<vmem>>, vector<1x16xf32>,
      %get3A_619 = vector.shape_cast %get3A_618 : vector<1x16xf32> to vector<16xf32>
      %get3A_620 = arith.index_cast %add3A_615 : i32 to index
      %get3A_621 = arith.constant 0 : index
      %get3A_622 = tpu.vector_load %arg10[%get3A_620, %get3A_621] {strides = array<i32>} : memref<256x128xf32, #tpu.memory_space<vmem>>, vector<1x16xf32>,
      %get3A_623 = vector.shape_cast %get3A_622 : vector<1x16xf32> to vector<16xf32>
      %mul3A_624 = arith.mulf %get3A_619, %get3A_623 : vector<16xf32>
      %add3A_625 = arith.addf %add3A_541, %mul3A_624 : vector<16xf32>
      %get3A_626 = arith.index_cast %add3A_615 : i32 to index
      %get3A_627 = arith.constant 16 : index
      %get3A_628 = tpu.vector_load %arg11[%get3A_626, %get3A_627] {strides = array<i32>} : memref<256x128xf32, #tpu.memory_space<vmem>>, vector<1x16xf32>,
      %get3A_629 = vector.shape_cast %get3A_628 : vector<1x16xf32> to vector<16xf32>
      %get3A_630 = arith.index_cast %add3A_615 : i32 to index
      %get3A_631 = arith.constant 16 : index
      %get3A_632 = tpu.vector_load %arg10[%get3A_630, %get3A_631] {strides = array<i32>} : memref<256x128xf32, #tpu.memory_space<vmem>>, vector<1x16xf32>,
      %get3A_633 = vector.shape_cast %get3A_632 : vector<1x16xf32> to vector<16xf32>
      %mul3A_634 = arith.mulf %get3A_629, %get3A_633 : vector<16xf32>
      %add3A_635 = arith.addf %add3A_551, %mul3A_634 : vector<16xf32>
      %get3A_636 = arith.index_cast %add3A_615 : i32 to index
      %get3A_637 = arith.constant 32 : index
      %get3A_638 = tpu.vector_load %arg11[%get3A_636, %get3A_637] {strides = array<i32>} : memref<256x128xf32, #tpu.memory_space<vmem>>, vector<1x16xf32>,
      %get3A_639 = vector.shape_cast %get3A_638 : vector<1x16xf32> to vector<16xf32>
      %get3A_640 = arith.index_cast %add3A_615 : i32 to index
      %get3A_641 = arith.constant 32 : index
      %get3A_642 = tpu.vector_load %arg10[%get3A_640, %get3A_641] {strides = array<i32>} : memref<256x128xf32, #tpu.memory_space<vmem>>, vector<1x16xf32>,
      %get3A_643 = vector.shape_cast %get3A_642 : vector<1x16xf32> to vector<16xf32>
      %mul3A_644 = arith.mulf %get3A_639, %get3A_643 : vector<16xf32>
      %add3A_645 = arith.addf %add3A_561, %mul3A_644 : vector<16xf32>
      %get3A_646 = arith.index_cast %add3A_615 : i32 to index
      %get3A_647 = arith.constant 48 : index
      %get3A_648 = tpu.vector_load %arg11[%get3A_646, %get3A_647] {strides = array<i32>} : memref<256x128xf32, #tpu.memory_space<vmem>>, vector<1x16xf32>,
      %get3A_649 = vector.shape_cast %get3A_648 : vector<1x16xf32> to vector<16xf32>
      %get3A_650 = arith.index_cast %add3A_615 : i32 to index
      %get3A_651 = arith.constant 48 : index
      %get3A_652 = tpu.vector_load %arg10[%get3A_650, %get3A_651] {strides = array<i32>} : memref<256x128xf32, #tpu.memory_space<vmem>>, vector<1x16xf32>,
      %get3A_653 = vector.shape_cast %get3A_652 : vector<1x16xf32> to vector<16xf32>
      %mul3A_654 = arith.mulf %get3A_649, %get3A_653 : vector<16xf32>
      %add3A_655 = arith.addf %add3A_571, %mul3A_654 : vector<16xf32>
      %get3A_656 = arith.index_cast %add3A_615 : i32 to index
      %get3A_657 = arith.constant 64 : index
      %get3A_658 = tpu.vector_load %arg11[%get3A_656, %get3A_657] {strides = array<i32>} : memref<256x128xf32, #tpu.memory_space<vmem>>, vector<1x16xf32>,
      %get3A_659 = vector.shape_cast %get3A_658 : vector<1x16xf32> to vector<16xf32>
      %get3A_660 = arith.index_cast %add3A_615 : i32 to index
      %get3A_661 = arith.constant 64 : index
      %get3A_662 = tpu.vector_load %arg10[%get3A_660, %get3A_661] {strides = array<i32>} : memref<256x128xf32, #tpu.memory_space<vmem>>, vector<1x16xf32>,
      %get3A_663 = vector.shape_cast %get3A_662 : vector<1x16xf32> to vector<16xf32>
      %mul3A_664 = arith.mulf %get3A_659, %get3A_663 : vector<16xf32>
      %add3A_665 = arith.addf %add3A_581, %mul3A_664 : vector<16xf32>
      %get3A_666 = arith.index_cast %add3A_615 : i32 to index
      %get3A_667 = arith.constant 80 : index
      %get3A_668 = tpu.vector_load %arg11[%get3A_666, %get3A_667] {strides = array<i32>} : memref<256x128xf32, #tpu.memory_space<vmem>>, vector<1x16xf32>,
      %get3A_669 = vector.shape_cast %get3A_668 : vector<1x16xf32> to vector<16xf32>
      %get3A_670 = arith.index_cast %add3A_615 : i32 to index
      %get3A_671 = arith.constant 80 : index
      %get3A_672 = tpu.vector_load %arg10[%get3A_670, %get3A_671] {strides = array<i32>} : memref<256x128xf32, #tpu.memory_space<vmem>>, vector<1x16xf32>,
      %get3A_673 = vector.shape_cast %get3A_672 : vector<1x16xf32> to vector<16xf32>
      %mul3A_674 = arith.mulf %get3A_669, %get3A_673 : vector<16xf32>
      %add3A_675 = arith.addf %add3A_591, %mul3A_674 : vector<16xf32>
      %get3A_676 = arith.index_cast %add3A_615 : i32 to index
      %get3A_677 = arith.constant 96 : index
      %get3A_678 = tpu.vector_load %arg11[%get3A_676, %get3A_677] {strides = array<i32>} : memref<256x128xf32, #tpu.memory_space<vmem>>, vector<1x16xf32>,
      %get3A_679 = vector.shape_cast %get3A_678 : vector<1x16xf32> to vector<16xf32>
      %get3A_680 = arith.index_cast %add3A_615 : i32 to index
      %get3A_681 = arith.constant 96 : index
      %get3A_682 = tpu.vector_load %arg10[%get3A_680, %get3A_681] {strides = array<i32>} : memref<256x128xf32, #tpu.memory_space<vmem>>, vector<1x16xf32>,
      %get3A_683 = vector.shape_cast %get3A_682 : vector<1x16xf32> to vector<16xf32>
      %mul3A_684 = arith.mulf %get3A_679, %get3A_683 : vector<16xf32>
      %add3A_685 = arith.addf %add3A_601, %mul3A_684 : vector<16xf32>
      %get3A_686 = arith.index_cast %add3A_615 : i32 to index
      %get3A_687 = arith.constant 112 : index
      %get3A_688 = tpu.vector_load %arg11[%get3A_686, %get3A_687] {strides = array<i32>} : memref<256x128xf32, #tpu.memory_space<vmem>>, vector<1x16xf32>,
      %get3A_689 = vector.shape_cast %get3A_688 : vector<1x16xf32> to vector<16xf32>
      %get3A_690 = arith.index_cast %add3A_615 : i32 to index
      %get3A_691 = arith.constant 112 : index
      %get3A_692 = tpu.vector_load %arg10[%get3A_690, %get3A_691] {strides = array<i32>} : memref<256x128xf32, #tpu.memory_space<vmem>>, vector<1x16xf32>,
      %get3A_693 = vector.shape_cast %get3A_692 : vector<1x16xf32> to vector<16xf32>
      %mul3A_694 = arith.mulf %get3A_689, %get3A_693 : vector<16xf32>
      %add3A_695 = arith.addf %add3A_611, %mul3A_694 : vector<16xf32>
      %scan3A_696 = arith.constant 4 : i32
      %scan3A_697 = arith.addi %scan3A_353, %scan3A_696 : i32
      %add3A_698 = arith.constant 192 : i32
      %add3A_699 = arith.addi %add3A_698, %scan3A_697 : i32
      %get3A_700 = arith.index_cast %add3A_699 : i32 to index
      %get3A_701 = arith.constant 0 : index
      %get3A_702 = tpu.vector_load %arg11[%get3A_700, %get3A_701] {strides = array<i32>} : memref<256x128xf32, #tpu.memory_space<vmem>>, vector<1x16xf32>,
      %get3A_703 = vector.shape_cast %get3A_702 : vector<1x16xf32> to vector<16xf32>
      %get3A_704 = arith.index_cast %add3A_699 : i32 to index
      %get3A_705 = arith.constant 0 : index
      %get3A_706 = tpu.vector_load %arg10[%get3A_704, %get3A_705] {strides = array<i32>} : memref<256x128xf32, #tpu.memory_space<vmem>>, vector<1x16xf32>,
      %get3A_707 = vector.shape_cast %get3A_706 : vector<1x16xf32> to vector<16xf32>
      %mul3A_708 = arith.mulf %get3A_703, %get3A_707 : vector<16xf32>
      %add3A_709 = arith.addf %add3A_625, %mul3A_708 : vector<16xf32>
      %get3A_710 = arith.index_cast %add3A_699 : i32 to index
      %get3A_711 = arith.constant 16 : index
      %get3A_712 = tpu.vector_load %arg11[%get3A_710, %get3A_711] {strides = array<i32>} : memref<256x128xf32, #tpu.memory_space<vmem>>, vector<1x16xf32>,
      %get3A_713 = vector.shape_cast %get3A_712 : vector<1x16xf32> to vector<16xf32>
      %get3A_714 = arith.index_cast %add3A_699 : i32 to index
      %get3A_715 = arith.constant 16 : index
      %get3A_716 = tpu.vector_load %arg10[%get3A_714, %get3A_715] {strides = array<i32>} : memref<256x128xf32, #tpu.memory_space<vmem>>, vector<1x16xf32>,
      %get3A_717 = vector.shape_cast %get3A_716 : vector<1x16xf32> to vector<16xf32>
      %mul3A_718 = arith.mulf %get3A_713, %get3A_717 : vector<16xf32>
      %add3A_719 = arith.addf %add3A_635, %mul3A_718 : vector<16xf32>
      %get3A_720 = arith.index_cast %add3A_699 : i32 to index
      %get3A_721 = arith.constant 32 : index
      %get3A_722 = tpu.vector_load %arg11[%get3A_720, %get3A_721] {strides = array<i32>} : memref<256x128xf32, #tpu.memory_space<vmem>>, vector<1x16xf32>,
      %get3A_723 = vector.shape_cast %get3A_722 : vector<1x16xf32> to vector<16xf32>
      %get3A_724 = arith.index_cast %add3A_699 : i32 to index
      %get3A_725 = arith.constant 32 : index
      %get3A_726 = tpu.vector_load %arg10[%get3A_724, %get3A_725] {strides = array<i32>} : memref<256x128xf32, #tpu.memory_space<vmem>>, vector<1x16xf32>,
      %get3A_727 = vector.shape_cast %get3A_726 : vector<1x16xf32> to vector<16xf32>
      %mul3A_728 = arith.mulf %get3A_723, %get3A_727 : vector<16xf32>
      %add3A_729 = arith.addf %add3A_645, %mul3A_728 : vector<16xf32>
      %get3A_730 = arith.index_cast %add3A_699 : i32 to index
      %get3A_731 = arith.constant 48 : index
      %get3A_732 = tpu.vector_load %arg11[%get3A_730, %get3A_731] {strides = array<i32>} : memref<256x128xf32, #tpu.memory_space<vmem>>, vector<1x16xf32>,
      %get3A_733 = vector.shape_cast %get3A_732 : vector<1x16xf32> to vector<16xf32>
      %get3A_734 = arith.index_cast %add3A_699 : i32 to index
      %get3A_735 = arith.constant 48 : index
      %get3A_736 = tpu.vector_load %arg10[%get3A_734, %get3A_735] {strides = array<i32>} : memref<256x128xf32, #tpu.memory_space<vmem>>, vector<1x16xf32>,
      %get3A_737 = vector.shape_cast %get3A_736 : vector<1x16xf32> to vector<16xf32>
      %mul3A_738 = arith.mulf %get3A_733, %get3A_737 : vector<16xf32>
      %add3A_739 = arith.addf %add3A_655, %mul3A_738 : vector<16xf32>
      %get3A_740 = arith.index_cast %add3A_699 : i32 to index
      %get3A_741 = arith.constant 64 : index
      %get3A_742 = tpu.vector_load %arg11[%get3A_740, %get3A_741] {strides = array<i32>} : memref<256x128xf32, #tpu.memory_space<vmem>>, vector<1x16xf32>,
      %get3A_743 = vector.shape_cast %get3A_742 : vector<1x16xf32> to vector<16xf32>
      %get3A_744 = arith.index_cast %add3A_699 : i32 to index
      %get3A_745 = arith.constant 64 : index
      %get3A_746 = tpu.vector_load %arg10[%get3A_744, %get3A_745] {strides = array<i32>} : memref<256x128xf32, #tpu.memory_space<vmem>>, vector<1x16xf32>,
      %get3A_747 = vector.shape_cast %get3A_746 : vector<1x16xf32> to vector<16xf32>
      %mul3A_748 = arith.mulf %get3A_743, %get3A_747 : vector<16xf32>
      %add3A_749 = arith.addf %add3A_665, %mul3A_748 : vector<16xf32>
      %get3A_750 = arith.index_cast %add3A_699 : i32 to index
      %get3A_751 = arith.constant 80 : index
      %get3A_752 = tpu.vector_load %arg11[%get3A_750, %get3A_751] {strides = array<i32>} : memref<256x128xf32, #tpu.memory_space<vmem>>, vector<1x16xf32>,
      %get3A_753 = vector.shape_cast %get3A_752 : vector<1x16xf32> to vector<16xf32>
      %get3A_754 = arith.index_cast %add3A_699 : i32 to index
      %get3A_755 = arith.constant 80 : index
      %get3A_756 = tpu.vector_load %arg10[%get3A_754, %get3A_755] {strides = array<i32>} : memref<256x128xf32, #tpu.memory_space<vmem>>, vector<1x16xf32>,
      %get3A_757 = vector.shape_cast %get3A_756 : vector<1x16xf32> to vector<16xf32>
      %mul3A_758 = arith.mulf %get3A_753, %get3A_757 : vector<16xf32>
      %add3A_759 = arith.addf %add3A_675, %mul3A_758 : vector<16xf32>
      %get3A_760 = arith.index_cast %add3A_699 : i32 to index
      %get3A_761 = arith.constant 96 : index
      %get3A_762 = tpu.vector_load %arg11[%get3A_760, %get3A_761] {strides = array<i32>} : memref<256x128xf32, #tpu.memory_space<vmem>>, vector<1x16xf32>,
      %get3A_763 = vector.shape_cast %get3A_762 : vector<1x16xf32> to vector<16xf32>
      %get3A_764 = arith.index_cast %add3A_699 : i32 to index
      %get3A_765 = arith.constant 96 : index
      %get3A_766 = tpu.vector_load %arg10[%get3A_764, %get3A_765] {strides = array<i32>} : memref<256x128xf32, #tpu.memory_space<vmem>>, vector<1x16xf32>,
      %get3A_767 = vector.shape_cast %get3A_766 : vector<1x16xf32> to vector<16xf32>
      %mul3A_768 = arith.mulf %get3A_763, %get3A_767 : vector<16xf32>
      %add3A_769 = arith.addf %add3A_685, %mul3A_768 : vector<16xf32>
      %get3A_770 = arith.index_cast %add3A_699 : i32 to index
      %get3A_771 = arith.constant 112 : index
      %get3A_772 = tpu.vector_load %arg11[%get3A_770, %get3A_771] {strides = array<i32>} : memref<256x128xf32, #tpu.memory_space<vmem>>, vector<1x16xf32>,
      %get3A_773 = vector.shape_cast %get3A_772 : vector<1x16xf32> to vector<16xf32>
      %get3A_774 = arith.index_cast %add3A_699 : i32 to index
      %get3A_775 = arith.constant 112 : index
      %get3A_776 = tpu.vector_load %arg10[%get3A_774, %get3A_775] {strides = array<i32>} : memref<256x128xf32, #tpu.memory_space<vmem>>, vector<1x16xf32>,
      %get3A_777 = vector.shape_cast %get3A_776 : vector<1x16xf32> to vector<16xf32>
      %mul3A_778 = arith.mulf %get3A_773, %get3A_777 : vector<16xf32>
      %add3A_779 = arith.addf %add3A_695, %mul3A_778 : vector<16xf32>
      %scan3A_780 = arith.constant 5 : i32
      %scan3A_781 = arith.addi %scan3A_353, %scan3A_780 : i32
      %add3A_782 = arith.constant 192 : i32
      %add3A_783 = arith.addi %add3A_782, %scan3A_781 : i32
      %get3A_784 = arith.index_cast %add3A_783 : i32 to index
      %get3A_785 = arith.constant 0 : index
      %get3A_786 = tpu.vector_load %arg11[%get3A_784, %get3A_785] {strides = array<i32>} : memref<256x128xf32, #tpu.memory_space<vmem>>, vector<1x16xf32>,
      %get3A_787 = vector.shape_cast %get3A_786 : vector<1x16xf32> to vector<16xf32>
      %get3A_788 = arith.index_cast %add3A_783 : i32 to index
      %get3A_789 = arith.constant 0 : index
      %get3A_790 = tpu.vector_load %arg10[%get3A_788, %get3A_789] {strides = array<i32>} : memref<256x128xf32, #tpu.memory_space<vmem>>, vector<1x16xf32>,
      %get3A_791 = vector.shape_cast %get3A_790 : vector<1x16xf32> to vector<16xf32>
      %mul3A_792 = arith.mulf %get3A_787, %get3A_791 : vector<16xf32>
      %add3A_793 = arith.addf %add3A_709, %mul3A_792 : vector<16xf32>
      %get3A_794 = arith.index_cast %add3A_783 : i32 to index
      %get3A_795 = arith.constant 16 : index
      %get3A_796 = tpu.vector_load %arg11[%get3A_794, %get3A_795] {strides = array<i32>} : memref<256x128xf32, #tpu.memory_space<vmem>>, vector<1x16xf32>,
      %get3A_797 = vector.shape_cast %get3A_796 : vector<1x16xf32> to vector<16xf32>
      %get3A_798 = arith.index_cast %add3A_783 : i32 to index
      %get3A_799 = arith.constant 16 : index
      %get3A_800 = tpu.vector_load %arg10[%get3A_798, %get3A_799] {strides = array<i32>} : memref<256x128xf32, #tpu.memory_space<vmem>>, vector<1x16xf32>,
      %get3A_801 = vector.shape_cast %get3A_800 : vector<1x16xf32> to vector<16xf32>
      %mul3A_802 = arith.mulf %get3A_797, %get3A_801 : vector<16xf32>
      %add3A_803 = arith.addf %add3A_719, %mul3A_802 : vector<16xf32>
      %get3A_804 = arith.index_cast %add3A_783 : i32 to index
      %get3A_805 = arith.constant 32 : index
      %get3A_806 = tpu.vector_load %arg11[%get3A_804, %get3A_805] {strides = array<i32>} : memref<256x128xf32, #tpu.memory_space<vmem>>, vector<1x16xf32>,
      %get3A_807 = vector.shape_cast %get3A_806 : vector<1x16xf32> to vector<16xf32>
      %get3A_808 = arith.index_cast %add3A_783 : i32 to index
      %get3A_809 = arith.constant 32 : index
      %get3A_810 = tpu.vector_load %arg10[%get3A_808, %get3A_809] {strides = array<i32>} : memref<256x128xf32, #tpu.memory_space<vmem>>, vector<1x16xf32>,
      %get3A_811 = vector.shape_cast %get3A_810 : vector<1x16xf32> to vector<16xf32>
      %mul3A_812 = arith.mulf %get3A_807, %get3A_811 : vector<16xf32>
      %add3A_813 = arith.addf %add3A_729, %mul3A_812 : vector<16xf32>
      %get3A_814 = arith.index_cast %add3A_783 : i32 to index
      %get3A_815 = arith.constant 48 : index
      %get3A_816 = tpu.vector_load %arg11[%get3A_814, %get3A_815] {strides = array<i32>} : memref<256x128xf32, #tpu.memory_space<vmem>>, vector<1x16xf32>,
      %get3A_817 = vector.shape_cast %get3A_816 : vector<1x16xf32> to vector<16xf32>
      %get3A_818 = arith.index_cast %add3A_783 : i32 to index
      %get3A_819 = arith.constant 48 : index
      %get3A_820 = tpu.vector_load %arg10[%get3A_818, %get3A_819] {strides = array<i32>} : memref<256x128xf32, #tpu.memory_space<vmem>>, vector<1x16xf32>,
      %get3A_821 = vector.shape_cast %get3A_820 : vector<1x16xf32> to vector<16xf32>
      %mul3A_822 = arith.mulf %get3A_817, %get3A_821 : vector<16xf32>
      %add3A_823 = arith.addf %add3A_739, %mul3A_822 : vector<16xf32>
      %get3A_824 = arith.index_cast %add3A_783 : i32 to index
      %get3A_825 = arith.constant 64 : index
      %get3A_826 = tpu.vector_load %arg11[%get3A_824, %get3A_825] {strides = array<i32>} : memref<256x128xf32, #tpu.memory_space<vmem>>, vector<1x16xf32>,
      %get3A_827 = vector.shape_cast %get3A_826 : vector<1x16xf32> to vector<16xf32>
      %get3A_828 = arith.index_cast %add3A_783 : i32 to index
      %get3A_829 = arith.constant 64 : index
      %get3A_830 = tpu.vector_load %arg10[%get3A_828, %get3A_829] {strides = array<i32>} : memref<256x128xf32, #tpu.memory_space<vmem>>, vector<1x16xf32>,
      %get3A_831 = vector.shape_cast %get3A_830 : vector<1x16xf32> to vector<16xf32>
      %mul3A_832 = arith.mulf %get3A_827, %get3A_831 : vector<16xf32>
      %add3A_833 = arith.addf %add3A_749, %mul3A_832 : vector<16xf32>
      %get3A_834 = arith.index_cast %add3A_783 : i32 to index
      %get3A_835 = arith.constant 80 : index
      %get3A_836 = tpu.vector_load %arg11[%get3A_834, %get3A_835] {strides = array<i32>} : memref<256x128xf32, #tpu.memory_space<vmem>>, vector<1x16xf32>,
      %get3A_837 = vector.shape_cast %get3A_836 : vector<1x16xf32> to vector<16xf32>
      %get3A_838 = arith.index_cast %add3A_783 : i32 to index
      %get3A_839 = arith.constant 80 : index
      %get3A_840 = tpu.vector_load %arg10[%get3A_838, %get3A_839] {strides = array<i32>} : memref<256x128xf32, #tpu.memory_space<vmem>>, vector<1x16xf32>,
      %get3A_841 = vector.shape_cast %get3A_840 : vector<1x16xf32> to vector<16xf32>
      %mul3A_842 = arith.mulf %get3A_837, %get3A_841 : vector<16xf32>
      %add3A_843 = arith.addf %add3A_759, %mul3A_842 : vector<16xf32>
      %get3A_844 = arith.index_cast %add3A_783 : i32 to index
      %get3A_845 = arith.constant 96 : index
      %get3A_846 = tpu.vector_load %arg11[%get3A_844, %get3A_845] {strides = array<i32>} : memref<256x128xf32, #tpu.memory_space<vmem>>, vector<1x16xf32>,
      %get3A_847 = vector.shape_cast %get3A_846 : vector<1x16xf32> to vector<16xf32>
      %get3A_848 = arith.index_cast %add3A_783 : i32 to index
      %get3A_849 = arith.constant 96 : index
      %get3A_850 = tpu.vector_load %arg10[%get3A_848, %get3A_849] {strides = array<i32>} : memref<256x128xf32, #tpu.memory_space<vmem>>, vector<1x16xf32>,
      %get3A_851 = vector.shape_cast %get3A_850 : vector<1x16xf32> to vector<16xf32>
      %mul3A_852 = arith.mulf %get3A_847, %get3A_851 : vector<16xf32>
      %add3A_853 = arith.addf %add3A_769, %mul3A_852 : vector<16xf32>
      %get3A_854 = arith.index_cast %add3A_783 : i32 to index
      %get3A_855 = arith.constant 112 : index
      %get3A_856 = tpu.vector_load %arg11[%get3A_854, %get3A_855] {strides = array<i32>} : memref<256x128xf32, #tpu.memory_space<vmem>>, vector<1x16xf32>,
      %get3A_857 = vector.shape_cast %get3A_856 : vector<1x16xf32> to vector<16xf32>
      %get3A_858 = arith.index_cast %add3A_783 : i32 to index
      %get3A_859 = arith.constant 112 : index
      %get3A_860 = tpu.vector_load %arg10[%get3A_858, %get3A_859] {strides = array<i32>} : memref<256x128xf32, #tpu.memory_space<vmem>>, vector<1x16xf32>,
      %get3A_861 = vector.shape_cast %get3A_860 : vector<1x16xf32> to vector<16xf32>
      %mul3A_862 = arith.mulf %get3A_857, %get3A_861 : vector<16xf32>
      %add3A_863 = arith.addf %add3A_779, %mul3A_862 : vector<16xf32>
      %scan3A_864 = arith.constant 6 : i32
      %scan3A_865 = arith.addi %scan3A_353, %scan3A_864 : i32
      %add3A_866 = arith.constant 192 : i32
      %add3A_867 = arith.addi %add3A_866, %scan3A_865 : i32
      %get3A_868 = arith.index_cast %add3A_867 : i32 to index
      %get3A_869 = arith.constant 0 : index
      %get3A_870 = tpu.vector_load %arg11[%get3A_868, %get3A_869] {strides = array<i32>} : memref<256x128xf32, #tpu.memory_space<vmem>>, vector<1x16xf32>,
      %get3A_871 = vector.shape_cast %get3A_870 : vector<1x16xf32> to vector<16xf32>
      %get3A_872 = arith.index_cast %add3A_867 : i32 to index
      %get3A_873 = arith.constant 0 : index
      %get3A_874 = tpu.vector_load %arg10[%get3A_872, %get3A_873] {strides = array<i32>} : memref<256x128xf32, #tpu.memory_space<vmem>>, vector<1x16xf32>,
      %get3A_875 = vector.shape_cast %get3A_874 : vector<1x16xf32> to vector<16xf32>
      %mul3A_876 = arith.mulf %get3A_871, %get3A_875 : vector<16xf32>
      %add3A_877 = arith.addf %add3A_793, %mul3A_876 : vector<16xf32>
      %get3A_878 = arith.index_cast %add3A_867 : i32 to index
      %get3A_879 = arith.constant 16 : index
      %get3A_880 = tpu.vector_load %arg11[%get3A_878, %get3A_879] {strides = array<i32>} : memref<256x128xf32, #tpu.memory_space<vmem>>, vector<1x16xf32>,
      %get3A_881 = vector.shape_cast %get3A_880 : vector<1x16xf32> to vector<16xf32>
      %get3A_882 = arith.index_cast %add3A_867 : i32 to index
      %get3A_883 = arith.constant 16 : index
      %get3A_884 = tpu.vector_load %arg10[%get3A_882, %get3A_883] {strides = array<i32>} : memref<256x128xf32, #tpu.memory_space<vmem>>, vector<1x16xf32>,
      %get3A_885 = vector.shape_cast %get3A_884 : vector<1x16xf32> to vector<16xf32>
      %mul3A_886 = arith.mulf %get3A_881, %get3A_885 : vector<16xf32>
      %add3A_887 = arith.addf %add3A_803, %mul3A_886 : vector<16xf32>
      %get3A_888 = arith.index_cast %add3A_867 : i32 to index
      %get3A_889 = arith.constant 32 : index
      %get3A_890 = tpu.vector_load %arg11[%get3A_888, %get3A_889] {strides = array<i32>} : memref<256x128xf32, #tpu.memory_space<vmem>>, vector<1x16xf32>,
      %get3A_891 = vector.shape_cast %get3A_890 : vector<1x16xf32> to vector<16xf32>
      %get3A_892 = arith.index_cast %add3A_867 : i32 to index
      %get3A_893 = arith.constant 32 : index
      %get3A_894 = tpu.vector_load %arg10[%get3A_892, %get3A_893] {strides = array<i32>} : memref<256x128xf32, #tpu.memory_space<vmem>>, vector<1x16xf32>,
      %get3A_895 = vector.shape_cast %get3A_894 : vector<1x16xf32> to vector<16xf32>
      %mul3A_896 = arith.mulf %get3A_891, %get3A_895 : vector<16xf32>
      %add3A_897 = arith.addf %add3A_813, %mul3A_896 : vector<16xf32>
      %get3A_898 = arith.index_cast %add3A_867 : i32 to index
      %get3A_899 = arith.constant 48 : index
      %get3A_900 = tpu.vector_load %arg11[%get3A_898, %get3A_899] {strides = array<i32>} : memref<256x128xf32, #tpu.memory_space<vmem>>, vector<1x16xf32>,
      %get3A_901 = vector.shape_cast %get3A_900 : vector<1x16xf32> to vector<16xf32>
      %get3A_902 = arith.index_cast %add3A_867 : i32 to index
      %get3A_903 = arith.constant 48 : index
      %get3A_904 = tpu.vector_load %arg10[%get3A_902, %get3A_903] {strides = array<i32>} : memref<256x128xf32, #tpu.memory_space<vmem>>, vector<1x16xf32>,
      %get3A_905 = vector.shape_cast %get3A_904 : vector<1x16xf32> to vector<16xf32>
      %mul3A_906 = arith.mulf %get3A_901, %get3A_905 : vector<16xf32>
      %add3A_907 = arith.addf %add3A_823, %mul3A_906 : vector<16xf32>
      %get3A_908 = arith.index_cast %add3A_867 : i32 to index
      %get3A_909 = arith.constant 64 : index
      %get3A_910 = tpu.vector_load %arg11[%get3A_908, %get3A_909] {strides = array<i32>} : memref<256x128xf32, #tpu.memory_space<vmem>>, vector<1x16xf32>,
      %get3A_911 = vector.shape_cast %get3A_910 : vector<1x16xf32> to vector<16xf32>
      %get3A_912 = arith.index_cast %add3A_867 : i32 to index
      %get3A_913 = arith.constant 64 : index
      %get3A_914 = tpu.vector_load %arg10[%get3A_912, %get3A_913] {strides = array<i32>} : memref<256x128xf32, #tpu.memory_space<vmem>>, vector<1x16xf32>,
      %get3A_915 = vector.shape_cast %get3A_914 : vector<1x16xf32> to vector<16xf32>
      %mul3A_916 = arith.mulf %get3A_911, %get3A_915 : vector<16xf32>
      %add3A_917 = arith.addf %add3A_833, %mul3A_916 : vector<16xf32>
      %get3A_918 = arith.index_cast %add3A_867 : i32 to index
      %get3A_919 = arith.constant 80 : index
      %get3A_920 = tpu.vector_load %arg11[%get3A_918, %get3A_919] {strides = array<i32>} : memref<256x128xf32, #tpu.memory_space<vmem>>, vector<1x16xf32>,
      %get3A_921 = vector.shape_cast %get3A_920 : vector<1x16xf32> to vector<16xf32>
      %get3A_922 = arith.index_cast %add3A_867 : i32 to index
      %get3A_923 = arith.constant 80 : index
      %get3A_924 = tpu.vector_load %arg10[%get3A_922, %get3A_923] {strides = array<i32>} : memref<256x128xf32, #tpu.memory_space<vmem>>, vector<1x16xf32>,
      %get3A_925 = vector.shape_cast %get3A_924 : vector<1x16xf32> to vector<16xf32>
      %mul3A_926 = arith.mulf %get3A_921, %get3A_925 : vector<16xf32>
      %add3A_927 = arith.addf %add3A_843, %mul3A_926 : vector<16xf32>
      %get3A_928 = arith.index_cast %add3A_867 : i32 to index
      %get3A_929 = arith.constant 96 : index
      %get3A_930 = tpu.vector_load %arg11[%get3A_928, %get3A_929] {strides = array<i32>} : memref<256x128xf32, #tpu.memory_space<vmem>>, vector<1x16xf32>,
      %get3A_931 = vector.shape_cast %get3A_930 : vector<1x16xf32> to vector<16xf32>
      %get3A_932 = arith.index_cast %add3A_867 : i32 to index
      %get3A_933 = arith.constant 96 : index
      %get3A_934 = tpu.vector_load %arg10[%get3A_932, %get3A_933] {strides = array<i32>} : memref<256x128xf32, #tpu.memory_space<vmem>>, vector<1x16xf32>,
      %get3A_935 = vector.shape_cast %get3A_934 : vector<1x16xf32> to vector<16xf32>
      %mul3A_936 = arith.mulf %get3A_931, %get3A_935 : vector<16xf32>
      %add3A_937 = arith.addf %add3A_853, %mul3A_936 : vector<16xf32>
      %get3A_938 = arith.index_cast %add3A_867 : i32 to index
      %get3A_939 = arith.constant 112 : index
      %get3A_940 = tpu.vector_load %arg11[%get3A_938, %get3A_939] {strides = array<i32>} : memref<256x128xf32, #tpu.memory_space<vmem>>, vector<1x16xf32>,
      %get3A_941 = vector.shape_cast %get3A_940 : vector<1x16xf32> to vector<16xf32>
      %get3A_942 = arith.index_cast %add3A_867 : i32 to index
      %get3A_943 = arith.constant 112 : index
      %get3A_944 = tpu.vector_load %arg10[%get3A_942, %get3A_943] {strides = array<i32>} : memref<256x128xf32, #tpu.memory_space<vmem>>, vector<1x16xf32>,
      %get3A_945 = vector.shape_cast %get3A_944 : vector<1x16xf32> to vector<16xf32>
      %mul3A_946 = arith.mulf %get3A_941, %get3A_945 : vector<16xf32>
      %add3A_947 = arith.addf %add3A_863, %mul3A_946 : vector<16xf32>
      %scan3A_948 = arith.constant 7 : i32
      %scan3A_949 = arith.addi %scan3A_353, %scan3A_948 : i32
      %add3A_950 = arith.constant 192 : i32
      %add3A_951 = arith.addi %add3A_950, %scan3A_949 : i32
      %get3A_952 = arith.index_cast %add3A_951 : i32 to index
      %get3A_953 = arith.constant 0 : index
      %get3A_954 = tpu.vector_load %arg11[%get3A_952, %get3A_953] {strides = array<i32>} : memref<256x128xf32, #tpu.memory_space<vmem>>, vector<1x16xf32>,
      %get3A_955 = vector.shape_cast %get3A_954 : vector<1x16xf32> to vector<16xf32>
      %get3A_956 = arith.index_cast %add3A_951 : i32 to index
      %get3A_957 = arith.constant 0 : index
      %get3A_958 = tpu.vector_load %arg10[%get3A_956, %get3A_957] {strides = array<i32>} : memref<256x128xf32, #tpu.memory_space<vmem>>, vector<1x16xf32>,
      %get3A_959 = vector.shape_cast %get3A_958 : vector<1x16xf32> to vector<16xf32>
      %mul3A_960 = arith.mulf %get3A_955, %get3A_959 : vector<16xf32>
      %add3A_961 = arith.addf %add3A_877, %mul3A_960 : vector<16xf32>
      %get3A_962 = arith.index_cast %add3A_951 : i32 to index
      %get3A_963 = arith.constant 16 : index
      %get3A_964 = tpu.vector_load %arg11[%get3A_962, %get3A_963] {strides = array<i32>} : memref<256x128xf32, #tpu.memory_space<vmem>>, vector<1x16xf32>,
      %get3A_965 = vector.shape_cast %get3A_964 : vector<1x16xf32> to vector<16xf32>
      %get3A_966 = arith.index_cast %add3A_951 : i32 to index
      %get3A_967 = arith.constant 16 : index
      %get3A_968 = tpu.vector_load %arg10[%get3A_966, %get3A_967] {strides = array<i32>} : memref<256x128xf32, #tpu.memory_space<vmem>>, vector<1x16xf32>,
      %get3A_969 = vector.shape_cast %get3A_968 : vector<1x16xf32> to vector<16xf32>
      %mul3A_970 = arith.mulf %get3A_965, %get3A_969 : vector<16xf32>
      %add3A_971 = arith.addf %add3A_887, %mul3A_970 : vector<16xf32>
      %get3A_972 = arith.index_cast %add3A_951 : i32 to index
      %get3A_973 = arith.constant 32 : index
      %get3A_974 = tpu.vector_load %arg11[%get3A_972, %get3A_973] {strides = array<i32>} : memref<256x128xf32, #tpu.memory_space<vmem>>, vector<1x16xf32>,
      %get3A_975 = vector.shape_cast %get3A_974 : vector<1x16xf32> to vector<16xf32>
      %get3A_976 = arith.index_cast %add3A_951 : i32 to index
      %get3A_977 = arith.constant 32 : index
      %get3A_978 = tpu.vector_load %arg10[%get3A_976, %get3A_977] {strides = array<i32>} : memref<256x128xf32, #tpu.memory_space<vmem>>, vector<1x16xf32>,
      %get3A_979 = vector.shape_cast %get3A_978 : vector<1x16xf32> to vector<16xf32>
      %mul3A_980 = arith.mulf %get3A_975, %get3A_979 : vector<16xf32>
      %add3A_981 = arith.addf %add3A_897, %mul3A_980 : vector<16xf32>
      %get3A_982 = arith.index_cast %add3A_951 : i32 to index
      %get3A_983 = arith.constant 48 : index
      %get3A_984 = tpu.vector_load %arg11[%get3A_982, %get3A_983] {strides = array<i32>} : memref<256x128xf32, #tpu.memory_space<vmem>>, vector<1x16xf32>,
      %get3A_985 = vector.shape_cast %get3A_984 : vector<1x16xf32> to vector<16xf32>
      %get3A_986 = arith.index_cast %add3A_951 : i32 to index
      %get3A_987 = arith.constant 48 : index
      %get3A_988 = tpu.vector_load %arg10[%get3A_986, %get3A_987] {strides = array<i32>} : memref<256x128xf32, #tpu.memory_space<vmem>>, vector<1x16xf32>,
      %get3A_989 = vector.shape_cast %get3A_988 : vector<1x16xf32> to vector<16xf32>
      %mul3A_990 = arith.mulf %get3A_985, %get3A_989 : vector<16xf32>
      %add3A_991 = arith.addf %add3A_907, %mul3A_990 : vector<16xf32>
      %get3A_992 = arith.index_cast %add3A_951 : i32 to index
      %get3A_993 = arith.constant 64 : index
      %get3A_994 = tpu.vector_load %arg11[%get3A_992, %get3A_993] {strides = array<i32>} : memref<256x128xf32, #tpu.memory_space<vmem>>, vector<1x16xf32>,
      %get3A_995 = vector.shape_cast %get3A_994 : vector<1x16xf32> to vector<16xf32>
      %get3A_996 = arith.index_cast %add3A_951 : i32 to index
      %get3A_997 = arith.constant 64 : index
      %get3A_998 = tpu.vector_load %arg10[%get3A_996, %get3A_997] {strides = array<i32>} : memref<256x128xf32, #tpu.memory_space<vmem>>, vector<1x16xf32>,
      %get3A_999 = vector.shape_cast %get3A_998 : vector<1x16xf32> to vector<16xf32>
      %mul3A_1000 = arith.mulf %get3A_995, %get3A_999 : vector<16xf32>
      %add3A_1001 = arith.addf %add3A_917, %mul3A_1000 : vector<16xf32>
      %get3A_1002 = arith.index_cast %add3A_951 : i32 to index
      %get3A_1003 = arith.constant 80 : index
      %get3A_1004 = tpu.vector_load %arg11[%get3A_1002, %get3A_1003] {strides = array<i32>} : memref<256x128xf32, #tpu.memory_space<vmem>>, vector<1x16xf32>,
      %get3A_1005 = vector.shape_cast %get3A_1004 : vector<1x16xf32> to vector<16xf32>
      %get3A_1006 = arith.index_cast %add3A_951 : i32 to index
      %get3A_1007 = arith.constant 80 : index
      %get3A_1008 = tpu.vector_load %arg10[%get3A_1006, %get3A_1007] {strides = array<i32>} : memref<256x128xf32, #tpu.memory_space<vmem>>, vector<1x16xf32>,
      %get3A_1009 = vector.shape_cast %get3A_1008 : vector<1x16xf32> to vector<16xf32>
      %mul3A_1010 = arith.mulf %get3A_1005, %get3A_1009 : vector<16xf32>
      %add3A_1011 = arith.addf %add3A_927, %mul3A_1010 : vector<16xf32>
      %get3A_1012 = arith.index_cast %add3A_951 : i32 to index
      %get3A_1013 = arith.constant 96 : index
      %get3A_1014 = tpu.vector_load %arg11[%get3A_1012, %get3A_1013] {strides = array<i32>} : memref<256x128xf32, #tpu.memory_space<vmem>>, vector<1x16xf32>,
      %get3A_1015 = vector.shape_cast %get3A_1014 : vector<1x16xf32> to vector<16xf32>
      %get3A_1016 = arith.index_cast %add3A_951 : i32 to index
      %get3A_1017 = arith.constant 96 : index
      %get3A_1018 = tpu.vector_load %arg10[%get3A_1016, %get3A_1017] {strides = array<i32>} : memref<256x128xf32, #tpu.memory_space<vmem>>, vector<1x16xf32>,
      %get3A_1019 = vector.shape_cast %get3A_1018 : vector<1x16xf32> to vector<16xf32>
      %mul3A_1020 = arith.mulf %get3A_1015, %get3A_1019 : vector<16xf32>
      %add3A_1021 = arith.addf %add3A_937, %mul3A_1020 : vector<16xf32>
      %get3A_1022 = arith.index_cast %add3A_951 : i32 to index
      %get3A_1023 = arith.constant 112 : index
      %get3A_1024 = tpu.vector_load %arg11[%get3A_1022, %get3A_1023] {strides = array<i32>} : memref<256x128xf32, #tpu.memory_space<vmem>>, vector<1x16xf32>,
      %get3A_1025 = vector.shape_cast %get3A_1024 : vector<1x16xf32> to vector<16xf32>
      %get3A_1026 = arith.index_cast %add3A_951 : i32 to index
      %get3A_1027 = arith.constant 112 : index
      %get3A_1028 = tpu.vector_load %arg10[%get3A_1026, %get3A_1027] {strides = array<i32>} : memref<256x128xf32, #tpu.memory_space<vmem>>, vector<1x16xf32>,
      %get3A_1029 = vector.shape_cast %get3A_1028 : vector<1x16xf32> to vector<16xf32>
      %mul3A_1030 = arith.mulf %get3A_1025, %get3A_1029 : vector<16xf32>
      %add3A_1031 = arith.addf %add3A_947, %mul3A_1030 : vector<16xf32>
      scf.yield %add3A_961, %add3A_971, %add3A_981, %add3A_991, %add3A_1001, %add3A_1011, %add3A_1021, %add3A_1031 : vector<16xf32>, vector<16xf32>, vector<16xf32>, vector<16xf32>, vector<16xf32>, vector<16xf32>, vector<16xf32>, vector<16xf32>
    }
    %scan3A_284 = arith.constant 64 : i32
    %swap3A_285 = arith.constant 1 : i32
    %swap3A_286 = arith.index_cast %swap3A_285 : i32 to index
    %swap3A_287 = arith.constant 0 : index
    %swap3A_288 = tpu.vector_load %arg12[%swap3A_286, %swap3A_287] {strides = array<i32>} : memref<2x128xf32, #tpu.memory_space<vmem>>, vector<1x16xf32>,
    %swap3A_289 = vector.shape_cast %swap3A_288 : vector<1x16xf32> to vector<16xf32>
    %swap3A_290 = vector.shape_cast %scan3A_283#0 : vector<16xf32> to vector<1x16xf32>
    tpu.vector_store %arg12[%swap3A_286, %swap3A_287], %swap3A_290 {strides = array<i32>} : memref<2x128xf32, #tpu.memory_space<vmem>>, vector<1x16xf32>,
    %swap3A_291 = arith.constant 1 : i32
    %swap3A_292 = arith.index_cast %swap3A_291 : i32 to index
    %swap3A_293 = arith.constant 16 : index
    %swap3A_294 = tpu.vector_load %arg12[%swap3A_292, %swap3A_293] {strides = array<i32>} : memref<2x128xf32, #tpu.memory_space<vmem>>, vector<1x16xf32>,
    %swap3A_295 = vector.shape_cast %swap3A_294 : vector<1x16xf32> to vector<16xf32>
    %swap3A_296 = vector.shape_cast %scan3A_283#1 : vector<16xf32> to vector<1x16xf32>
    tpu.vector_store %arg12[%swap3A_292, %swap3A_293], %swap3A_296 {strides = array<i32>} : memref<2x128xf32, #tpu.memory_space<vmem>>, vector<1x16xf32>,
    %swap3A_297 = arith.constant 1 : i32
    %swap3A_298 = arith.index_cast %swap3A_297 : i32 to index
    %swap3A_299 = arith.constant 32 : index
    %swap3A_300 = tpu.vector_load %arg12[%swap3A_298, %swap3A_299] {strides = array<i32>} : memref<2x128xf32, #tpu.memory_space<vmem>>, vector<1x16xf32>,
    %swap3A_301 = vector.shape_cast %swap3A_300 : vector<1x16xf32> to vector<16xf32>
    %swap3A_302 = vector.shape_cast %scan3A_283#2 : vector<16xf32> to vector<1x16xf32>
    tpu.vector_store %arg12[%swap3A_298, %swap3A_299], %swap3A_302 {strides = array<i32>} : memref<2x128xf32, #tpu.memory_space<vmem>>, vector<1x16xf32>,
    %swap3A_303 = arith.constant 1 : i32
    %swap3A_304 = arith.index_cast %swap3A_303 : i32 to index
    %swap3A_305 = arith.constant 48 : index
    %swap3A_306 = tpu.vector_load %arg12[%swap3A_304, %swap3A_305] {strides = array<i32>} : memref<2x128xf32, #tpu.memory_space<vmem>>, vector<1x16xf32>,
    %swap3A_307 = vector.shape_cast %swap3A_306 : vector<1x16xf32> to vector<16xf32>
    %swap3A_308 = vector.shape_cast %scan3A_283#3 : vector<16xf32> to vector<1x16xf32>
    tpu.vector_store %arg12[%swap3A_304, %swap3A_305], %swap3A_308 {strides = array<i32>} : memref<2x128xf32, #tpu.memory_space<vmem>>, vector<1x16xf32>,
    %swap3A_309 = arith.constant 1 : i32
    %swap3A_310 = arith.index_cast %swap3A_309 : i32 to index
    %swap3A_311 = arith.constant 64 : index
    %swap3A_312 = tpu.vector_load %arg12[%swap3A_310, %swap3A_311] {strides = array<i32>} : memref<2x128xf32, #tpu.memory_space<vmem>>, vector<1x16xf32>,
    %swap3A_313 = vector.shape_cast %swap3A_312 : vector<1x16xf32> to vector<16xf32>
    %swap3A_314 = vector.shape_cast %scan3A_283#4 : vector<16xf32> to vector<1x16xf32>
    tpu.vector_store %arg12[%swap3A_310, %swap3A_311], %swap3A_314 {strides = array<i32>} : memref<2x128xf32, #tpu.memory_space<vmem>>, vector<1x16xf32>,
    %swap3A_315 = arith.constant 1 : i32
    %swap3A_316 = arith.index_cast %swap3A_315 : i32 to index
    %swap3A_317 = arith.constant 80 : index
    %swap3A_318 = tpu.vector_load %arg12[%swap3A_316, %swap3A_317] {strides = array<i32>} : memref<2x128xf32, #tpu.memory_space<vmem>>, vector<1x16xf32>,
    %swap3A_319 = vector.shape_cast %swap3A_318 : vector<1x16xf32> to vector<16xf32>
    %swap3A_320 = vector.shape_cast %scan3A_283#5 : vector<16xf32> to vector<1x16xf32>
    tpu.vector_store %arg12[%swap3A_316, %swap3A_317], %swap3A_320 {strides = array<i32>} : memref<2x128xf32, #tpu.memory_space<vmem>>, vector<1x16xf32>,
    %swap3A_321 = arith.constant 1 : i32
    %swap3A_322 = arith.index_cast %swap3A_321 : i32 to index
    %swap3A_323 = arith.constant 96 : index
    %swap3A_324 = tpu.vector_load %arg12[%swap3A_322, %swap3A_323] {strides = array<i32>} : memref<2x128xf32, #tpu.memory_space<vmem>>, vector<1x16xf32>,
    %swap3A_325 = vector.shape_cast %swap3A_324 : vector<1x16xf32> to vector<16xf32>
    %swap3A_326 = vector.shape_cast %scan3A_283#6 : vector<16xf32> to vector<1x16xf32>
    tpu.vector_store %arg12[%swap3A_322, %swap3A_323], %swap3A_326 {strides = array<i32>} : memref<2x128xf32, #tpu.memory_space<vmem>>, vector<1x16xf32>,
    %swap3A_327 = arith.constant 1 : i32
    %swap3A_328 = arith.index_cast %swap3A_327 : i32 to index
    %swap3A_329 = arith.constant 112 : index
    %swap3A_330 = tpu.vector_load %arg12[%swap3A_328, %swap3A_329] {strides = array<i32>} : memref<2x128xf32, #tpu.memory_space<vmem>>, vector<1x16xf32>,
    %swap3A_331 = vector.shape_cast %swap3A_330 : vector<1x16xf32> to vector<16xf32>
    %swap3A_332 = vector.shape_cast %scan3A_283#7 : vector<16xf32> to vector<1x16xf32>
    tpu.vector_store %arg12[%swap3A_328, %swap3A_329], %swap3A_332 {strides = array<i32>} : memref<2x128xf32, #tpu.memory_space<vmem>>, vector<1x16xf32>,
    %mul3A_333 = arith.constant 128 : i32
    %mul3A_334 = arith.muli %add3A, %mul3A_333 : i32
    %add3A_335 = arith.constant 126 : i32
    %add3A_336 = arith.addi %mul3A_334, %add3A_335 : i32
    "tpu.region"() ({
      %run_scoped3A = tpu.sem_alloc : memref<!tpu.dma_semaphore, #tpu.memory_space<semaphore_mem>>
      %dma_start3A_353 = arith.constant 0 : i32
      %dma_start3A_354 = tpu.memref_slice %arg6[%add3A_336, %dma_start3A_353] : memref<4096x128xf32, #tpu.memory_space<hbm>> -> memref<2x128xf32, #tpu.memory_space<hbm>>
      %dma_start3A_355 = arith.constant 0 : i32
      %dma_start3A_356 = tpu.memref_slice %arg6[%add3A_336, %dma_start3A_355] : memref<4096x128xf32, #tpu.memory_space<hbm>> -> memref<2x128xf32, #tpu.memory_space<hbm>>
      tpu.enqueue_dma source(%arg12 : memref<2x128xf32, #tpu.memory_space<vmem>>) target(%dma_start3A_356 : memref<2x128xf32, #tpu.memory_space<hbm>>) target_semaphore(%run_scoped3A : memref<!tpu.dma_semaphore, #tpu.memory_space<semaphore_mem>>)
      %dma_wait3A_357 = arith.constant 0 : i32
      %dma_wait3A_358 = tpu.memref_slice %arg6[%add3A_336, %dma_wait3A_357] : memref<4096x128xf32, #tpu.memory_space<hbm>> -> memref<2x128xf32, #tpu.memory_space<hbm>>
      %dma_wait3A_359 = arith.constant 0 : i32
      %dma_wait3A_360 = tpu.memref_slice %arg6[%add3A_336, %dma_wait3A_359] : memref<4096x128xf32, #tpu.memory_space<hbm>> -> memref<2x128xf32, #tpu.memory_space<hbm>>
      tpu.wait_dma2 semaphore(%run_scoped3A : memref<!tpu.dma_semaphore, #tpu.memory_space<semaphore_mem>>) src(%arg12 : memref<2x128xf32, #tpu.memory_space<vmem>>) dst(%dma_wait3A_360 : memref<2x128xf32, #tpu.memory_space<hbm>>)
      tpu.yield
    }) : () -> ()
    %dma_wait3A_337 = arith.constant 0 : i32
    %dma_wait3A_338 = tpu.memref_slice %arg7[%dma_wait3A_337] : memref<256xi32, #tpu.memory_space<vmem>> -> memref<128xi32, #tpu.memory_space<vmem>>
    %dma_wait3A_339 = arith.constant 0 : i32
    %dma_wait3A_340 = tpu.memref_slice %arg3[%dma_wait3A_339] : memref<262144xi32, #tpu.memory_space<hbm>> -> memref<128xi32, #tpu.memory_space<hbm>>
    %dma_wait3A_341 = arith.constant 0 : i32
    %dma_wait3A_342 = tpu.memref_slice %arg7[%dma_wait3A_341] : memref<256xi32, #tpu.memory_space<vmem>> -> memref<128xi32, #tpu.memory_space<vmem>>
    %dma_wait3A_343 = arith.constant 0 : i32
    %dma_wait3A_344 = tpu.memref_slice %arg3[%dma_wait3A_343] : memref<262144xi32, #tpu.memory_space<hbm>> -> memref<128xi32, #tpu.memory_space<hbm>>
    tpu.wait_dma2 semaphore(%arg13 : memref<!tpu.dma_semaphore, #tpu.memory_space<semaphore_mem>>) src(%dma_wait3A_344 : memref<128xi32, #tpu.memory_space<hbm>>) dst(%dma_wait3A_342 : memref<128xi32, #tpu.memory_space<vmem>>)
    %dma_wait3A_345 = arith.constant 0 : i32
    %dma_wait3A_346 = tpu.memref_slice %arg9[%dma_wait3A_345] : memref<256xf32, #tpu.memory_space<vmem>> -> memref<128xf32, #tpu.memory_space<vmem>>
    %dma_wait3A_347 = arith.constant 0 : i32
    %dma_wait3A_348 = tpu.memref_slice %arg4[%dma_wait3A_347] : memref<262144xf32, #tpu.memory_space<hbm>> -> memref<128xf32, #tpu.memory_space<hbm>>
    %dma_wait3A_349 = arith.constant 0 : i32
    %dma_wait3A_350 = tpu.memref_slice %arg9[%dma_wait3A_349] : memref<256xf32, #tpu.memory_space<vmem>> -> memref<128xf32, #tpu.memory_space<vmem>>
    %dma_wait3A_351 = arith.constant 0 : i32
    %dma_wait3A_352 = tpu.memref_slice %arg4[%dma_wait3A_351] : memref<262144xf32, #tpu.memory_space<hbm>> -> memref<128xf32, #tpu.memory_space<hbm>>
    tpu.wait_dma2 semaphore(%arg13 : memref<!tpu.dma_semaphore, #tpu.memory_space<semaphore_mem>>) src(%dma_wait3A_352 : memref<128xf32, #tpu.memory_space<hbm>>) dst(%dma_wait3A_350 : memref<128xf32, #tpu.memory_space<vmem>>)
    return
  }
}

</mosaic_0001>

<sc_bundles>
// kernel: _agg.3.cloned.1.call-start
scs
__scs_entry_jumppad:
0x0: {  	(pc) =	sbr.rel $0x88, $3  }
0x1: {  	(tag) =	ssettag $0x0;
	lr =	simm.s32 $0x1  }
0x2: {  	[smem:$0x3F9D] =	sst lr;
	_ =	strace $0xD0000000  }
0x3: {  	_ = 	snop  }
0x4: {  	_ = 	snop  }
0x5: {  	_ = 	snop  }
0x6: {  	_ = 	snop  }
0x7: {  	_ = 	snop  }
__scs_overlays_trampoline_lowered:
0x8: {  	[smem:$0x3FAC] =	sst s0  }
0x9: {  	[smem:$0x3FAD] =	sst s1  }
0xa: {  	[smem:$0x3FAE] =	sst s2  }
0xb: {  	[smem:$0x3FAF] =	sst s3  }
0xc: {  	[smem:$0x3FB0] =	sst s4  }
0xd: {  	[smem:$0x3FB1] =	sst s5  }
0xe: {  	[smem:$0x3FB2] =	sst s6  }
0xf: {  	[smem:$0x3FB3] =	sst s7  }
0x10: {  	[smem:$0x3FB4] =	sst s8  }
0x11: {  	[smem:$0x3FB5] =	sst s9;
	s0 =	simm.s32 @!p0 $0x0  }
0x12: {  	s1 =	sld [smem:$0x3F9B];
	s0 =	simm.s32 @p0 $0x1  }
0x13: {  	[smem:$0x3FB6] =	sst s0;
	s0 =	simm.s32 @!p1 $0x0  }
0x14: {  	s2 =	sld [smem:$0x3F9A];
	s0 =	simm.s32 @p1 $0x1  }
0x15: {  	[smem:$0x3FB7] =	sst s0;
	s0 =	simm.s32 @!p2 $0x0  }
0x16: {  	s3 =	sld [smem:$0x3FDB];
	s0 =	simm.s32 @p2 $0x1  }
0x17: {  	s4 =	simm.s32 $0x1BF5;
	[smem:$0x3FB9] =	sst s0  }
0x18: {  	s0 =	sld [smem:$0x3F9C];
	_ =	swait.ge [sflag:s4], $0x0  }
0x19: {  	s7 =	sld [smem:$0x3F9D]  }
0x1a: {  	s8 =	sadd.s32 $0xFFFFE003, lr  }
0x1b: {  	s9 =	sadd.s32 $0xFFFFFEF7, lr;
	s5 =	simm.s32 $0xFFFFFFFF;
	p2 =	slt.u32 s8, $0xFFFFF086  }
0x1c: {  	p1 =	slt.u32 s9, $0xF7A;
	s5 =	simm.s32 @!p2 $0x0  }
0x1d: {  	s5 =	simm.s32 @p1 $0x1;
	p0 =	seq.s32 s7, s2  }
0x1e: {  	s7 =	smul.u32 @!p0 $0xF7A, s2;
	p2 =	seq.s32 @!p0 s5, $0x0  }
0x1f: {  	s9 =	smul.u32 $0xF7A, s1;
	s8 =	simm.s32 @!p0 $0x1BF5;
	p2 =	por !p2, p0  }
0x20: {  	[sflag:s8] =	ssyncset.s32 @!p0 $0xFFFFF086;
	s6 =	sadd.s32 @!p0 s3, s7;
	s7 =	simm.s32 @!p0 $0x108  }
0x21: {  	s3 =	sadd.s32 s3, s9;
	s6 =	sadd.s32 @!p0 $0x88, s6;
	s7 =	simm.s32 @p2 $0x1082  }
0x22: {  	[simem:s7], [sflag:s8] =	dma.local @!p0 [hbm:s6], $0xF7A  }
0x23: {  	s9 =	sor.u32 $0xD0000000, s2;
	s6 =	simm.s32 $0x108;
	_ =	swait.ge @!p0 [sflag:s8], $0x0  }
0x24: {  	s3 =	sadd.s32 $0x88, s3;
	s6 =	simm.s32 @!p1 $0x1082;
	[sflag:s4] =	ssyncset.s32 $0xFFFFF086  }
0x25: {  	[simem:s6], [sflag:s4] =	dma.local [hbm:s3], $0xF7A  }
0x26: {  	[smem:$0x3F9D] =	sst s1;
	(tag) =	ssettag s2;
	_ =	strace s9  }
0x27: {  	s1 =	sld [smem:$0x3FAD]  }
0x28: {  	s2 =	sld [smem:$0x3FAE]  }
0x29: {  	s4 =	sld [smem:$0x3FB0]  }
0x2a: {  	p0 =	seq.s32 s5, $0x0;
	s5 =	sld [smem:$0x3FB1]  }
0x2b: {  	s6 =	sld [smem:$0x3FB2]  }
0x2c: {  	s7 =	sld [smem:$0x3FB3]  }
0x2d: {  	s3 =	simm.s32 $0x108;
	s8 =	sld [smem:$0x3FB4]  }
0x2e: {  	s3 =	simm.s32 @!p0 $0x1082;
	s9 =	sld [smem:$0x3FB5]  }
0x2f: {  	lr =	sadd.s32 s0, s3;
	s0 =	sld [smem:$0x3FAC]  }
0x30: {  	s3 =	sld [smem:$0x3FAF]  }
0x31: {  	[smem:$0x3FB8] =	sst s10  }
0x32: {  	s10 =	sld [smem:$0x3FB6];
	_ =	sdelay $0x3  }
0x33: {  	p0 =	seq.s32 s10, $0x1;
	s10 =	sld [smem:$0x3FB8];
	_ =	sdelay $0x3  }
0x34: {  	[smem:$0x3FB8] =	sst s10  }
0x35: {  	s10 =	sld [smem:$0x3FB7];
	_ =	sdelay $0x3  }
0x36: {  	p1 =	seq.s32 s10, $0x1;
	s10 =	sld [smem:$0x3FB8];
	_ =	sdelay $0x3  }
0x37: {  	[smem:$0x3FB8] =	sst s10  }
0x38: {  	s10 =	sld [smem:$0x3FB9]  }
0x39: {  	_ = 	snop;
	(pc) =	sbr.ind lr, $3  }
0x3a: {  	_ = 	snop  }
0x3b: {  	_ = 	snop  }
0x3c: {  	p2 =	seq.s32 s10, $0x1;
	s10 =	sld [smem:$0x3FB8]  }
0x3d: {  	_ =	shalt  }
0x3e: {  	_ =	shalt  }
0x3f: {  	_ =	shalt  }
0x40: {  	_ =	shalt  }
0x41: {  	_ =	shalt  }
0x42: {  	_ =	shalt  }
0x43: {  	_ =	shalt  }
0x44: {  	_ =	shalt  }
0x45: {  	_ =	shalt  }
0x46: {  	_ =	shalt  }
0x47: {  	_ =	shalt  }
0x48: {  	_ =	shalt  }
0x49: {  	_ =	shalt  }
0x4a: {  	_ =	shalt  }
0x4b: {  	_ =	shalt  }
0x4c: {  	_ =	shalt  }
0x4d: {  	_ =	shalt  }
0x4e: {  	_ =	shalt  }
0x4f: {  	_ =	shalt  }
0x50: {  	_ =	shalt  }
0x51: {  	_ =	shalt  }
0x52: {  	_ =	shalt  }
0x53: {  	_ =	shalt  }
0x54: {  	_ =	shalt  }
0x55: {  	_ =	shalt  }
0x56: {  	_ =	shalt  }
0x57: {  	_ =	shalt  }
0x58: {  	_ =	shalt  }
0x59: {  	_ =	shalt  }
0x5a: {  	_ =	shalt  }
0x5b: {  	_ =	shalt  }
0x5c: {  	_ =	shalt  }
0x5d: {  	_ =	shalt  }
0x5e: {  	_ =	shalt  }
0x5f: {  	_ =	shalt  }
0x60: {  	_ =	shalt  }
0x61: {  	_ =	shalt  }
0x62: {  	_ =	shalt  }
0x63: {  	_ =	shalt  }
0x64: {  	_ =	shalt  }
0x65: {  	_ =	shalt  }
0x66: {  	_ =	shalt  }
0x67: {  	_ =	shalt  }
0x68: {  	_ =	shalt  }
0x69: {  	_ =	shalt  }
0x6a: {  	_ =	shalt  }
0x6b: {  	_ =	shalt  }
0x6c: {  	_ =	shalt  }
0x6d: {  	_ =	shalt  }
0x6e: {  	_ =	shalt  }
0x6f: {  	_ =	shalt  }
0x70: {  	_ =	shalt  }
0x71: {  	_ =	shalt  }
0x72: {  	_ =	shalt  }
0x73: {  	_ =	shalt  }
0x74: {  	_ =	shalt  }
0x75: {  	_ =	shalt  }
0x76: {  	_ =	shalt  }
0x77: {  	_ =	shalt  }
0x78: {  	_ =	shalt  }
0x79: {  	_ =	shalt  }
0x7a: {  	_ =	shalt  }
0x7b: {  	_ =	shalt  }
0x7c: {  	_ =	shalt  }
0x7d: {  	_ =	shalt  }
0x7e: {  	_ =	shalt  }
0x7f: {  	_ =	shalt  }
0x80: {  	_ =	shalt  }
0x81: {  	_ =	shalt  }
0x82: {  	_ =	shalt  }
0x83: {  	_ =	shalt  }
0x84: {  	_ =	shalt  }
0x85: {  	_ =	shalt  }
0x86: {  	_ =	shalt  }
0x87: {  	_ =	shalt  }
.Lfunc_end0:
.L_simem_size_0:
called_computation_lowered:
.L_overlay_start_0:
0x88: {  	s2 =	sld [smem:$0x3FD9]  }
0x89: {  	s3 =	sld [smem:$0x3FFE];
	_ =	sdelay $0x1  }
0x8a: {  	s1 =	srdreg.scid  }
0x8b: {  	s0 =	sand.u32 $0x1, s1  }
0x8c: {  	s18 =	sshll.u32 s0, $0xA;
	s2 =	sadd.s32 s3, s2  }
0x8d: {  	s2 =	sadd.s32 s2, s18  }
0x8e: {  	[smem:$0x3FC4] =	sst s2  }
0x8f: {  	_ = 	snop  }
0x90: {  	s2 =	sld [smem:$0x3FC9]  }
0x91: {  	s19 =	sld [smem:$0x3FC8]  }
0x92: {  	s4 =	sld [smem:$0x3FC7]  }
0x93: {  	s5 =	sld [smem:$0x3FC6]  }
0x94: {  	s6 =	sld [smem:$0x3FD0];
	(tm) =	ssettm $0x1  }
0x95: {  	s7 =	sld [smem:$0x3FFB];
	_ =	sdelay $0x3  }
0x96: {  	_ =	strace s7  }
0x97: {  	s7 =	sld [smem:$0x3FFC];
	_ =	sdelay $0x3  }
0x98: {  	_ =	strace s7  }
0x99: {  	s7 =	sld [smem:$0x3FFD];
	_ =	sdelay $0x3  }
0x9a: {  	_ =	strace s7  }
0x9b: {  	_ =	strace $0x8FFFFFFF  }
0x9c: {  	s20 =	sld [smem:$0x3FDB];
	_ =	sdelay $0x1  }
0x9d: {  	s8 =	simm.s32 $_scs_section_size  }
0x9e: {  	s9 =	simm.s32 $_size__tile_overlayer_lowered;
	s10 =	simm.s32 $_tile_overlayer_lowered  }
0x9f: {  	s23 =	simm.s32 $0x1BFF;
	s22 =	sshll.u32 s10, $0x1;
	s7 =	sadd.s32 s8, s20  }
0xa0: {  	s11 =	simm.s32 $0x0;
	s21 =	sshll.u32 s9, $0x1;
	s9 =	sadd.s32 s22, s7  }
0xa1: {  	[timem:s11], [sflag:s23] =	dma.local [hbm:s9], s21  }
0xa2: {  	_ =	swait.ge [sflag:s23], s21  }
0xa3: {  	s8 =	ssub.s32 $0x0, s21;
	[sflag:s23] =	ssyncset.done $0x0  }
0xa4: {  	[sflag:s23] =	ssyncadd.s32 s8;
	_ =	sdelay $0x1  }
0xa5: {  	s24 =	simm.s32 $0x1B8B  }
0xa6: {  	_ =	swait.ge [sflag:s24], $0x1  }
0xa7: {  	[sflag:s24] =	ssyncset.done $0x0  }
0xa8: {  	s25 =	simm.s32 $0x1B8E;
	[sflag:s24] =	ssyncadd.s32 $0xFFFFFFFF  }
0xa9: {  	s26 =	simm.s32 $execute0_lowered;
	[smem:$0x3FD2] =	sst s25  }
0xaa: {  	s8 =	sshll.u32 s26, $0x1;
	_ =	strace $0x80000046;
	[dreg:$0x1] =	wrdreg $0xFFFFFFFF  }
0xab: {  	s28 =	simm.s32 $_size_execute0_lowered;
	s7 =	sadd.s32 s7, s8;
	[dreg:$0x0] =	wrdreg $0x0  }
0xac: {  	s8 =	sshll.u32 s28, $0x1;
	[dreg:$0x2] =	wrdreg s7  }
0xad: {  	[dreg:$0x3] =	wrdreg s8  }
0xae: {  	[dreg:$0x4] =	wrdreg $0xC0  }
0xaf: {  	_ =	task [dreg:s11], $0x5FFFF  }
0xb0: {  	[dreg:$0x1] =	wrdreg $0xFFFFFFFF  }
0xb1: {  	[dreg:$0x0] =	wrdreg $0x60  }
0xb2: {  	[dreg:$0x2] =	wrdreg s2  }
0xb3: {  	[dreg:$0x3] =	wrdreg s19  }
0xb4: {  	[dreg:$0x4] =	wrdreg s4  }
0xb5: {  	[dreg:$0x5] =	wrdreg s5  }
0xb6: {  	[dreg:$0x6] =	wrdreg s6  }
0xb7: {  	[dreg:$0x7] =	wrdreg $0x9  }
0xb8: {  	_ =	task.clear_ibuf [dreg:s11], $0x8FFFF;
	_ =	strace $0x90000046  }
0xb9: {  	s29 =	simm.s32 $0x9;
	_ =	strace $0x80000048  }
0xba: {  	_ =	swait.ge [sflag:s29], $0x1  }
0xbb: {  	[sflag:s29] =	ssyncadd.s32 $0xFFFFFFFF  }
0xbc: {  	_ =	strace $0x90000048  }
0xbd: {  	_ =	sfence  }
0xbe: {  	s30 =	sld [smem:$0x0];
	_ =	sdelay $0x2  }
0xbf: {  	s31 =	sshll.u32 s1, $0xD;
	s1 =	sshrl.u32 s1, $0x2  }
0xc0: {  	s3 =	sand.u32 $0x4000, s31;
	s1 =	sadd.s32 s1, s30  }
0xc1: {  	s0 =	sor.u32 s3, s0;
	s1 =	sshll.u32 s1, $0x11  }
0xc2: {  	s0 =	sor.u32 s1, s0  }
0xc3: {  	s0 =	sadd.s32 $0x8F2B, s0  }
0xc4: {  	[sflag:s0] =	ssyncadd.remote.s32 $0x1  }
0xc5: {  	_ =	sfence.sel $0xFFFF  }
0xc6: {  	[dreg:$0x0] =	wrdreg $0xFFFFFFFF;
	(pc) =	sbr.abs _section_cstart, $3  }
0xc7: {  	[dreg:$0x1] =	wrdreg $0xFFFFFFFF  }
0xc8: {  	_ =	task.clear_ibuf [dreg:s11], $0x2FFFF;
	_ =	strace $0x9FFFFFFF  }
0xc9: {  	(tm) =	ssettm $0x7FFFFFFF  }
tec
execute0_lowered:
.L_overlay_start_1:
0x0: {  	(tag) =	ssettag $0x1  }
0x1: {  	s1 =	rddreg [dreg:$0x0]  }
0x2: {  	s2 =	rddreg [dreg:$0x1]  }
0x3: {  	s3 =	rddreg [dreg:$0x2]  }
0x4: {  	s5 =	rddreg [dreg:$0x3]  }
0x5: {  	s0 =	rddreg [dreg:$0x4]  }
0x6: {  	s4 =	srdreg.scid;
	s7 =	stileid.u32;
	s6 =	simm.s32 $0x0  }
0x7: {  	s16 =	simm.s32 $0x1;
	s17 =	simm.s32 $0x80;
	s19 =	simm.s32 $0x100  }
0x8: {  	s20 =	simm.s32 $0x8300;
	s21 =	simm.s32 $0x280;
	s22 =	simm.s32 $0x2  }
0x9: {  	s23 =	simm.s32 $0x10300;
	s24 =	simm.s32 $0x3;
	s25 =	simm.s32 $0x0  }
0xa: {  	s4 =	sand.u32 $0x1, s4;
	s7 =	sshll.u32 s7, $0x1;
	[smem:$0x7FF] =	sst s6  }
0xb: {  	s8 =	ssub.s32 $0x2, s4;
	s4 =	sor.u32 s4, s7;
	_ =	strace $0x80000047  }
0xc: {  	s9 =	sshrl.u32 s8, $0x1;
	s7 =	sshll.u32 s4, $0xA;
	s4 =	sshll.u32 s4, $0xB  }
0xd: {  	s14 =	ssub.s32 s8, s9;
	s8 =	sadd.s32 s2, s7;
	s12 =	sor.u32 $0x10, s7  }
0xe: {  	s9 =	sadd.s32 s3, s7;
	s10 =	sadd.s32 s0, s4;
	s11 =	sadd.s32 s2, s12  }
0xf: {  	s12 =	sadd.s32 s3, s12;
	s13 =	sadd.s32 $0x7E0, s10;
	s14 =	smax.u32 s14, $0x1  }
.LBB2_1:
0x10: {  	[tilespmem:s6], [sflag:$0x1] =	stream.linear.gather [hbm4b:s8+s6], $0x80, $0x38;
	[tilespmem:$0x10400] =	vst v63  }
0x11: {  	s0 =	simm.s32 $0x200  }
0x12: {  	[tilespmem:s0], [sflag:$0x1] =	stream.linear.gather [hbm4b:s9+s6], $0x80, $0x38;
	[tilespmem:$0x10400] =	vst v63  }
0x13: {  	_ =	swait.ge [sflag:s16], $0x80  }
0x14: {  	[sflag:s16] =	ssyncset.done $0x0  }
0x15: {  	[sflag:s16] =	ssyncadd.s32 $0xFFFFFF80  }
0x16: {  	_ =	swait.ge [sflag:s16], $0x80  }
0x17: {  	[sflag:s16] =	ssyncset.done $0x0  }
0x18: {  	[sflag:s16] =	ssyncadd.s32 $0xFFFFFF80  }
0x19: {  	v0 =	vld [tilespmem:$0x200]  }
0x1a: {  	v1 =	vld [tilespmem:$0x210]  }
0x1b: {  	v2 =	vld [tilespmem:$0x220]  }
0x1c: {  	v3 =	vld [tilespmem:$0x230]  }
0x1d: {  	v4 =	vld [tilespmem:$0x240]  }
0x1e: {  	v5 =	vld [tilespmem:$0x250]  }
0x1f: {  	v6 =	vld [tilespmem:$0x260]  }
0x20: {  	v7 =	vld [tilespmem:$0x270]  }
0x21: {  	v0 =	vmul.f32 $8.190999760e+02, v0  }
0x22: {  	v1 =	vmul.f32 $8.190999760e+02, v1;
	v2 =	vmul.f32 $8.190999760e+02, v2  }
0x23: {  	v3 =	vmul.f32 $8.190999760e+02, v3;
	v4 =	vmul.f32 $8.190999760e+02, v4;
	v0 =	vadd.f32 $5.000000000e-01, v0  }
0x24: {  	v5 =	vmul.f32 $8.190999760e+02, v5;
	v6 =	vmul.f32 $8.190999760e+02, v6;
	v1 =	vadd.f32 $5.000000000e-01, v1  }
0x25: {  	v54 =	vmul.f32 $8.190999760e+02, v7;
	v2 =	vadd.f32 $5.000000000e-01, v2;
	v0 =	vtrunc.f32 v0  }
0x26: {  	v53 =	vadd.f32 $5.000000000e-01, v5;
	v1 =	vtrunc.f32 v1;
	v0 =	vcvt.f32.s32 v0  }
0x27: {  	v56 =	vadd.f32 $5.000000000e-01, v6;
	v2 =	vtrunc.f32 v2;
	v1 =	vcvt.f32.s32 v1  }
0x28: {  	v58 =	vadd.f32 $5.000000000e-01, v54;
	v57 =	vtrunc.f32 v53;
	v2 =	vcvt.f32.s32 v2;
	[tilespmem:$0x100] =	vst v0  }
0x29: {  	v3 =	vadd.f32 $5.000000000e-01, v3;
	v60 =	vtrunc.f32 v56;
	v59 =	vcvt.f32.s32 v57;
	[tilespmem:$0x110] =	vst v1  }
0x2a: {  	v4 =	vadd.f32 $5.000000000e-01, v4;
	v62 =	vtrunc.f32 v58;
	v61 =	vcvt.f32.s32 v60;
	[tilespmem:$0x120] =	vst v2  }
0x2b: {  	v52 =	vtrunc.f32 v3;
	v63 =	vcvt.f32.s32 v62;
	[tilespmem:$0x150] =	vst v59  }
0x2c: {  	v55 =	vtrunc.f32 v4;
	v0 =	vcvt.f32.s32 v52;
	[tilespmem:$0x160] =	vst v61  }
0x2d: {  	v1 =	vcvt.f32.s32 v55;
	[tilespmem:$0x170] =	vst v63  }
0x2e: {  	[tilespmem:$0x130] =	vst v0  }
0x2f: {  	s31 =	simm.s32 $0x300;
	[tilespmem:$0x140] =	vst v1  }
0x30: {  	[tilespmem:s31], [sflag:$0x2] =	stream.indirect.gather [hbm4b:s1+s17], $0x80, s6, s17, $0xb8;
	[tilespmem:$0x10400] =	vst v63  }
0x31: {  	_ = 	snop  }
0x32: {  	[tilespmem:s20], [sflag:$0x2] =	stream.indirect.gather [hbm4b:s5+s17], $0x80, s19, s17, $0xb8;
	[tilespmem:$0x10400] =	vst v63  }
0x33: {  	_ = 	snop  }
0x34: {  	[tilespmem:s17], [sflag:$0x1] =	stream.linear.gather [hbm4b:s11+s6], $0x80, $0x38;
	[tilespmem:$0x10400] =	vst v63  }
0x35: {  	p0 =	por $0x0, $0x0;
	s28 =	simm.s32 $0x0  }
0x36: {  	[tilespmem:s21], [sflag:$0x1] =	stream.linear.gather [hbm4b:s12+s6], $0x80, $0x38;
	[tilespmem:$0x10400] =	vst v63  }
.LBB2_2:
0x37: {  	_ =	swait.ge [sflag:s16], $0x80  }
0x38: {  	[sflag:s16] =	ssyncset.done $0x0  }
0x39: {  	[sflag:s16] =	ssyncadd.s32 $0xFFFFFF80  }
0x3a: {  	s26 =	sadd.s32 $0x1, s28;
	_ =	swait.ge [sflag:s16], $0x80  }
0x3b: {  	s0 =	sshll.u32 s26, $0x7;
	[sflag:s16] =	ssyncset.done $0x0  }
0x3c: {  	s0 =	sand.u32 $0x80, s0;
	[sflag:s16] =	ssyncadd.s32 $0xFFFFFF80  }
0x3d: {  	v0 =	vld [tilespmem:s0+$0x200]  }
0x3e: {  	v1 =	vld [tilespmem:s0+$0x210]  }
0x3f: {  	v2 =	vld [tilespmem:s0+$0x220]  }
0x40: {  	v3 =	vld [tilespmem:s0+$0x230]  }
0x41: {  	v4 =	vld [tilespmem:s0+$0x240]  }
0x42: {  	v5 =	vld [tilespmem:s0+$0x250]  }
0x43: {  	v6 =	vld [tilespmem:s0+$0x260]  }
0x44: {  	v7 =	vld [tilespmem:s0+$0x270]  }
0x45: {  	v0 =	vmul.f32 $8.190999760e+02, v0  }
0x46: {  	v1 =	vmul.f32 $8.190999760e+02, v1;
	v2 =	vmul.f32 $8.190999760e+02, v2  }
0x47: {  	v3 =	vmul.f32 $8.190999760e+02, v3;
	v4 =	vmul.f32 $8.190999760e+02, v4;
	v0 =	vadd.f32 $5.000000000e-01, v0  }
0x48: {  	v5 =	vmul.f32 $8.190999760e+02, v5;
	v6 =	vmul.f32 $8.190999760e+02, v6;
	v1 =	vadd.f32 $5.000000000e-01, v1  }
0x49: {  	v57 =	vmul.f32 $8.190999760e+02, v7;
	v2 =	vadd.f32 $5.000000000e-01, v2;
	v0 =	vtrunc.f32 v0  }
0x4a: {  	v3 =	vadd.f32 $5.000000000e-01, v3;
	v1 =	vtrunc.f32 v1;
	v0 =	vcvt.f32.s32 v0  }
0x4b: {  	v4 =	vadd.f32 $5.000000000e-01, v4;
	v2 =	vtrunc.f32 v2;
	v1 =	vcvt.f32.s32 v1  }
0x4c: {  	v2 =	vcvt.f32.s32 v2;
	[tilespmem:s0+$0x100] =	vst v0;
	v0 =	vtrunc.f32 v3;
	v3 =	vadd.f32 $5.000000000e-01, v5  }
0x4d: {  	v58 =	vadd.f32 $5.000000000e-01, v6;
	[tilespmem:s0+$0x110] =	vst v1;
	v1 =	vtrunc.f32 v4;
	v0 =	vcvt.f32.s32 v0  }
0x4e: {  	[tilespmem:s0+$0x120] =	vst v2;
	v1 =	vcvt.f32.s32 v1;
	v2 =	vtrunc.f32 v3;
	v3 =	vadd.f32 $5.000000000e-01, v57  }
0x4f: {  	[tilespmem:s0+$0x130] =	vst v0;
	v0 =	vcvt.f32.s32 v2;
	v2 =	vtrunc.f32 v58  }
0x50: {  	[tilespmem:s0+$0x140] =	vst v1;
	v1 =	vcvt.f32.s32 v2;
	v2 =	vtrunc.f32 v3  }
0x51: {  	[tilespmem:s0+$0x150] =	vst v0;
	v0 =	vcvt.f32.s32 v2  }
0x52: {  	s4 =	sshll.u32 s0, $0x7;
	[tilespmem:s0+$0x160] =	vst v1  }
0x53: {  	s15 =	sor.u32 $0x300, s4;
	[tilespmem:s0+$0x170] =	vst v0  }
0x54: {  	[tilespmem:s15], [sflag:$0x2] =	stream.indirect.gather [hbm4b:s1+s17], $0x80, s0, s17, $0xb8;
	[tilespmem:$0x10400] =	vst v63  }
0x55: {  	s4 =	sor.u32 $0x8300, s4;
	s0 =	sor.u32 $0x100, s0  }
0x56: {  	[tilespmem:s4], [sflag:$0x2] =	stream.indirect.gather [hbm4b:s5+s17], $0x80, s0, s17, $0xb8;
	[tilespmem:$0x10400] =	vst v63  }
0x57: {  	_ =	swait.ge [sflag:s22], $0x4000  }
0x58: {  	[sflag:s22] =	ssyncset.done $0x0  }
0x59: {  	s0 =	simm.s32 $0x1;
	[sflag:s22] =	ssyncadd.s32 $0xFFFFC000  }
0x5a: {  	s0 =	simm.s32 @!p0 $0x0;
	_ =	swait.ge [sflag:s22], $0x4000  }
0x5b: {  	s29 =	sshll.u32 s0, $0xE;
	[sflag:s22] =	ssyncset.done $0x0  }
0x5c: {  	s18 =	sor.u32 $0x8500, s29;
	[sflag:s22] =	ssyncadd.s32 $0xFFFFC000  }
0x5d: {  	s4 =	sor.u32 $0x500, s29;
	v53 =	vld [tilespmem:s18+$0x180]  }
0x5e: {  	v0 =	vld [tilespmem:s4+$0x180]  }
0x5f: {  	v6 =	vld [tilespmem:s18+$0x190]  }
0x60: {  	v4 =	vld [tilespmem:s4+$0x190]  }
0x61: {  	v62 =	vld [tilespmem:s18+$0x1A0]  }
0x62: {  	v5 =	vld [tilespmem:s4+$0x1A0]  }
0x63: {  	v10 =	vld [tilespmem:s18+$0x1B0]  }
0x64: {  	v11 =	vld [tilespmem:s4+$0x1B0]  }
0x65: {  	v16 =	vld [tilespmem:s18+$0x1C0]  }
0x66: {  	v17 =	vld [tilespmem:s4+$0x1C0]  }
0x67: {  	v22 =	vld [tilespmem:s18+$0x1D0]  }
0x68: {  	v23 =	vld [tilespmem:s4+$0x1D0]  }
0x69: {  	v41 =	vld [tilespmem:s18+$0x1E0]  }
0x6a: {  	v47 =	vld [tilespmem:s4+$0x1E0]  }
0x6b: {  	v24 =	vld [tilespmem:s18+$0x100]  }
0x6c: {  	v25 =	vld [tilespmem:s4+$0x100]  }
0x6d: {  	v26 =	vld [tilespmem:s18+$0x110]  }
0x6e: {  	v27 =	vld [tilespmem:s4+$0x110]  }
0x6f: {  	v28 =	vld [tilespmem:s18+$0x120]  }
0x70: {  	v29 =	vld [tilespmem:s4+$0x120]  }
0x71: {  	v30 =	vld [tilespmem:s18+$0x130]  }
0x72: {  	v1 =	vld [tilespmem:s4+$0x130]  }
0x73: {  	v32 =	vld [tilespmem:s18+$0x140]  }
0x74: {  	v33 =	vld [tilespmem:s4+$0x140]  }
0x75: {  	v2 =	vld [tilespmem:s18+$0x150]  }
0x76: {  	v35 =	vld [tilespmem:s4+$0x150]  }
0x77: {  	v3 =	vld [tilespmem:s18+$0x160]  }
0x78: {  	v36 =	vld [tilespmem:s18+$0x80]  }
0x79: {  	v37 =	vld [tilespmem:s4+$0x80]  }
0x7a: {  	v38 =	vld [tilespmem:s18+$0x90]  }
0x7b: {  	v39 =	vld [tilespmem:s4+$0x90]  }
0x7c: {  	v31 =	vld [tilespmem:s4+$0xA0]  }
0x7d: {  	v42 =	vld [tilespmem:s18+$0xB0]  }
0x7e: {  	v43 =	vld [tilespmem:s4+$0xB0]  }
0x7f: {  	v44 =	vld [tilespmem:s18+$0xC0]  }
0x80: {  	v45 =	vld [tilespmem:s4+$0xC0]  }
0x81: {  	v46 =	vld [tilespmem:s18+$0xD0]  }
0x82: {  	v34 =	vld [tilespmem:s4+$0xD0]  }
0x83: {  	v59 =	vld [tilespmem:s18+$0xE0]  }
0x84: {  	v60 =	vld [tilespmem:s4+$0xE0]  }
0x85: {  	v48 =	vld [tilespmem:s18+$0x0]  }
0x86: {  	v49 =	vld [tilespmem:s4+$0x0]  }
0x87: {  	v50 =	vld [tilespmem:s18+$0x10]  }
0x88: {  	v51 =	vld [tilespmem:s4+$0x10]  }
0x89: {  	v52 =	vld [tilespmem:s18+$0x20]  }
0x8a: {  	v13 =	vld [tilespmem:s4+$0x20]  }
0x8b: {  	v54 =	vld [tilespmem:s18+$0x30]  }
0x8c: {  	v55 =	vld [tilespmem:s4+$0x30]  }
0x8d: {  	v56 =	vld [tilespmem:s18+$0x40]  }
0x8e: {  	v57 =	vld [tilespmem:s4+$0x40]  }
0x8f: {  	v9 =	vld [tilespmem:s18+$0xFFFFFFA0]  }
0x90: {  	v58 =	vld [tilespmem:s18+$0x50]  }
0x91: {  	v61 =	vld [tilespmem:s18+$0x60]  }
0x92: {  	v63 =	vld [tilespmem:s4+$0x60]  }
0x93: {  	v40 =	vld [tilespmem:s18+$0xFFFFFF90]  }
0x94: {  	[tilespmem:$0x1FE80] =	vst v9;
	v9 =	vld [tilespmem:s4+$0xFFFFFFA0]  }
0x95: {  	v15 =	vld [tilespmem:s18+$0xFFFFFF00]  }
0x96: {  	v14 =	vld [tilespmem:s4+$0xFFFFFF00]  }
0x97: {  	v12 =	vld [tilespmem:s18+$0xFFFFFF10]  }
0x98: {  	v19 =	vld [tilespmem:s18+$0xFFFFFF20]  }
0x99: {  	[tilespmem:$0x1FE90] =	vst v9;
	v9 =	vld [tilespmem:s18+$0xFFFFFFB0]  }
0x9a: {  	v18 =	vld [tilespmem:s4+$0xFFFFFF20]  }
0x9b: {  	v21 =	vld [tilespmem:s18+$0xFFFFFF30]  }
0x9c: {  	v20 =	vld [tilespmem:s4+$0xFFFFFF30]  }
0x9d: {  	v7 =	vld [tilespmem:s18+$0xFFFFFF40]  }
0x9e: {  	[tilespmem:$0x1FEA0] =	vst v9;
	v9 =	vld [tilespmem:s4+$0xFFFFFFB0]  }
0x9f: {  	v8 =	vld [tilespmem:s18+$0xFFFFFE80]  }
0xa0: {  	[tilespmem:$0x1FE40] =	vst v3;
	v3 =	vld [tilespmem:s4+$0x160]  }
0xa1: {  	[tilespmem:$0x1FFE0] =	vst v59;
	v59 =	vld [tilespmem:s4+$0x50]  }
0xa2: {  	[tilespmem:$0x1FFF0] =	vst v60;
	v60 =	vld [tilespmem:s18+$0xFFFFFF80]  }
0xa3: {  	[tilespmem:$0x1FEB0] =	vst v9;
	v9 =	vld [tilespmem:s18+$0xFFFFFFC0]  }
0xa4: {  	[tilespmem:$0x1FFC0] =	vst v61;
	v61 =	vld [tilespmem:s4+$0xFFFFFF80]  }
0xa5: {  	[tilespmem:$0x1FFD0] =	vst v63;
	v63 =	vld [tilespmem:s4+$0xFFFFFF90]  }
0xa6: {  	[tilespmem:$0x1FF00] =	vst v7;
	v7 =	vld [tilespmem:s4+$0xFFFFFF40]  }
0xa7: {  	v17 =	vmul.f32 v17, v16;
	v16 =	vmul.f32 v23, v22;
	v22 =	vld [tilespmem:s18+$0xFFFFFEA0]  }
0xa8: {  	[tilespmem:$0x1FEC0] =	vst v9;
	v9 =	vld [tilespmem:s4+$0xFFFFFFC0]  }
0xa9: {  	v23 =	vmul.f32 v25, v24;
	v25 =	vld [tilespmem:s4+$0xFFFFFEA0]  }
0xaa: {  	v24 =	vmul.f32 v27, v26;
	v26 =	vmul.f32 v29, v28;
	v28 =	vld [tilespmem:s18+$0xFFFFFE00]  }
0xab: {  	v29 =	vld [tilespmem:s4+$0xFFFFFE00]  }
0xac: {  	[tilespmem:$0x1FF10] =	vst v7;
	v7 =	vld [tilespmem:s18+$0xFFFFFF50]  }
0xad: {  	[tilespmem:$0x1FED0] =	vst v9;
	v9 =	vld [tilespmem:s18+$0xFFFFFFD0]  }
0xae: {  	v27 =	vmul.f32 v1, v30;
	v1 =	vmul.f32 v33, v32;
	v32 =	vld [tilespmem:s18+$0xFFFFFE10]  }
0xaf: {  	v33 =	vld [tilespmem:s18+$0xFFFFFE20]  }
0xb0: {  	v0 =	vmul.f32 v0, v53;
	v53 =	vmul.f32 v45, v44;
	v45 =	vld [tilespmem:s18+$0xFFFFFED0]  }
0xb1: {  	[tilespmem:$0x1FF20] =	vst v7;
	v7 =	vld [tilespmem:s4+$0xFFFFFF50]  }
0xb2: {  	[tilespmem:$0x1FEE0] =	vst v9;
	v9 =	vld [tilespmem:s4+$0xFFFFFFD0]  }
0xb3: {  	v30 =	vmul.f32 v37, v36;
	v37 =	vmul.f32 v49, v48;
	v49 =	vld [tilespmem:s18+$0xFFFFFEE0]  }
0xb4: {  	[tilespmem:$0x1FF40] =	vst v0;
	v0 =	vmul.f32 v4, v6;
	v6 =	vld [tilespmem:s18+$0xFFFFFE90]  }
0xb5: {  	[tilespmem:$0x1FE60] =	vst v1;
	v1 =	vmul.f32 v35, v2;
	v35 =	vld [tilespmem:s4+$0xFFFFFE10]  }
0xb6: {  	[tilespmem:$0x1FF30] =	vst v7;
	v7 =	vld [tilespmem:s18+$0xFFFFFF60]  }
0xb7: {  	[tilespmem:$0x1FEF0] =	vst v9;
	v9 =	vld [tilespmem:s18+$0xFFFFFFE0]  }
0xb8: {  	v4 =	vmul.f32 v57, v56;
	v56 =	vld [tilespmem:$0x1FF00]  }
0xb9: {  	v57 =	vld [tilespmem:s4+$0xFFFFFE60];
	[tilespmem:$0x1FF50] =	vst v0  }
0xba: {  	v0 =	vmul.f32 v5, v62;
	[tilespmem:$0x1FE70] =	vst v1;
	v62 =	vmul.f32 v34, v46;
	v34 =	vld [tilespmem:s4+$0xFFFFFE20]  }
0xbb: {  	v1 =	vmul.f32 v39, v38;
	[tilespmem:$0x1FF80] =	vst v7;
	v7 =	vld [tilespmem:s4+$0xFFFFFF60]  }
0xbc: {  	v38 =	vmul.f32 v51, v50;
	v50 =	vmul.f32 v18, v19;
	[tilespmem:$0x1FFA0] =	vst v9;
	v9 =	vld [tilespmem:s4+$0xFFFFFFE0]  }
0xbd: {  	v19 =	vmul.f32 v20, v21;
	v20 =	vld [tilespmem:s18+$0xFFFFFE40];
	[tilespmem:$0x1FF60] =	vst v0;
	v0 =	vmul.f32 v11, v10  }
0xbe: {  	[tilespmem:$0x1FE50] =	vst v3;
	v3 =	vld [tilespmem:s18+$0xA0]  }
0xbf: {  	[tilespmem:$0x1FF70] =	vst v0;
	v0 =	vld [tilespmem:s4+$0xFFFFFE90]  }
0xc0: {  	v14 =	vmul.f32 v14, v15;
	v44 =	vmul.f32 v59, v58;
	[tilespmem:$0x1FF90] =	vst v7;
	v7 =	vld [tilespmem:s4+$0xFFFFFE80]  }
0xc1: {  	v59 =	vmul.f32 v61, v60;
	v60 =	vmul.f32 v63, v40;
	[tilespmem:$0x1FFB0] =	vst v9;
	v9 =	vld [tilespmem:s4+$0xFFFFFF10]  }
0xc2: {  	v51 =	vld [tilespmem:$0x1FE80];
	v40 =	vmul.f32 v29, v28;
	v15 =	vmul.f32 v35, v32  }
0xc3: {  	v58 =	vld [tilespmem:s4+$0xFFFFFE30];
	v2 =	vmul.f32 v31, v3;
	v3 =	vmul.f32 v43, v42;
	v43 =	vimm.f32 $0.0e+00  }
0xc4: {  	v61 =	vld [tilespmem:s18+$0xFFFFFEB0];
	v15 =	vadd.f32 v15, v43;
	v0 =	vmul.f32 v0, v6  }
0xc5: {  	v63 =	vld [tilespmem:s18+$0xFFFFFEC0];
	v7 =	vmul.f32 v7, v8;
	v8 =	vadd.f32 v40, v43  }
0xc6: {  	v28 =	vld [tilespmem:s4+$0xFFFFFEC0];
	v0 =	vadd.f32 v0, v15;
	v9 =	vmul.f32 v9, v12  }
0xc7: {  	v10 =	vmul.f32 v55, v54;
	v55 =	vld [tilespmem:s18+$0xFFFFFE30];
	v7 =	vadd.f32 v7, v8  }
0xc8: {  	v22 =	vmul.f32 v25, v22;
	v25 =	vld [tilespmem:s4+$0xFFFFFED0];
	v0 =	vadd.f32 v9, v0  }
0xc9: {  	v5 =	vmul.f32 v13, v52;
	v13 =	vld [tilespmem:$0x1FE90];
	v29 =	vmul.f32 v34, v33;
	v7 =	vadd.f32 v14, v7  }
0xca: {  	v12 =	vld [tilespmem:s4+$0xFFFFFEB0];
	v0 =	vadd.f32 v60, v0  }
0xcb: {  	v28 =	vmul.f32 v28, v63;
	v63 =	vld [tilespmem:s4+$0xFFFFFE70];
	v29 =	vadd.f32 v29, v43;
	v7 =	vadd.f32 v59, v7  }
0xcc: {  	v42 =	vmul.f32 v58, v55;
	v58 =	vld [tilespmem:$0x1FF20];
	v0 =	vadd.f32 v38, v0  }
0xcd: {  	v18 =	vadd.f32 v22, v29;
	v22 =	vld [tilespmem:s4+$0xFFFFFE50];
	v7 =	vadd.f32 v37, v7  }
0xce: {  	v0 =	vadd.f32 v1, v0;
	v1 =	vld [tilespmem:$0x1FF40]  }
0xcf: {  	v15 =	vld [tilespmem:s4+$0xFFFFFEE0];
	v12 =	vmul.f32 v12, v61;
	v61 =	vadd.f32 v30, v7  }
0xd0: {  	v8 =	vadd.f32 v50, v18;
	v18 =	vld [tilespmem:$0x1FEB0]  }
0xd1: {  	v14 =	vld [tilespmem:s4+$0xFFFFFE40];
	v6 =	vadd.f32 v23, v61  }
0xd2: {  	v32 =	vadd.f32 v42, v43;
	v9 =	vmul.f32 v13, v51;
	v13 =	vld [tilespmem:$0x1FEA0]  }
0xd3: {  	v34 =	vadd.f32 v1, v6;
	v1 =	vld [tilespmem:$0x1FF50]  }
0xd4: {  	v52 =	vld [tilespmem:$0x1FEC0];
	v12 =	vadd.f32 v12, v32  }
0xd5: {  	v55 =	vld [tilespmem:$0x1FEE0];
	v8 =	vadd.f32 v9, v8  }
0xd6: {  	v14 =	vmul.f32 v14, v20;
	v12 =	vadd.f32 v19, v12;
	v19 =	vld [tilespmem:s18+$0xFFFFFE50];
	v0 =	vadd.f32 v24, v0  }
0xd7: {  	v20 =	vld [tilespmem:s4+$0xFFFFFEF0];
	v8 =	vadd.f32 v5, v8  }
0xd8: {  	v14 =	vadd.f32 v14, v43;
	v18 =	vmul.f32 v18, v13;
	v33 =	vadd.f32 v1, v0;
	v1 =	vld [tilespmem:$0x1FF60]  }
0xd9: {  	v13 =	vld [tilespmem:$0x1FED0];
	v8 =	vadd.f32 v2, v8  }
0xda: {  	v14 =	vadd.f32 v28, v14;
	v28 =	vld [tilespmem:s4+$0x70];
	v54 =	vadd.f32 v18, v12  }
0xdb: {  	v60 =	vld [tilespmem:s18+$0xFFFFFE70];
	v19 =	vmul.f32 v22, v19;
	v22 =	vadd.f32 v26, v8  }
0xdc: {  	v30 =	vld [tilespmem:s18+$0xFFFFFEF0];
	v9 =	vadd.f32 v10, v54  }
0xdd: {  	v32 =	vadd.f32 v1, v22;
	v1 =	vld [tilespmem:$0x1FF70]  }
0xde: {  	v21 =	vmul.f32 v13, v52;
	v13 =	vld [tilespmem:$0x1FF10];
	v9 =	vadd.f32 v3, v9  }
0xdf: {  	v2 =	vld [tilespmem:$0x1FF90]  }
0xe0: {  	v24 =	vld [tilespmem:s18+$0xFFFFFF70];
	v23 =	vadd.f32 v27, v9  }
0xe1: {  	v18 =	vld [tilespmem:s18+$0xFFFFFE60]  }
0xe2: {  	v31 =	vadd.f32 v1, v23;
	v1 =	vld [tilespmem:$0x1FF80]  }
0xe3: {  	v29 =	vmul.f32 v13, v56;
	v13 =	vld [tilespmem:$0x1FF30]  }
0xe4: {  	v27 =	vld [tilespmem:s4+$0xFFFFFFF0]  }
0xe5: {  	v25 =	vmul.f32 v25, v45;
	v19 =	vadd.f32 v19, v43;
	v0 =	vld [tilespmem:s4+$0xFFFFFF70]  }
0xe6: {  	v26 =	vmul.f32 v63, v60;
	v18 =	vmul.f32 v57, v18;
	v22 =	vld [tilespmem:s18+$0xFFFFFFF0]  }
0xe7: {  	v15 =	vmul.f32 v15, v49;
	v19 =	vadd.f32 v25, v19;
	v25 =	vmul.f32 v2, v1;
	v1 =	vld [tilespmem:$0x1FFA0]  }
0xe8: {  	v20 =	vmul.f32 v20, v30;
	v18 =	vadd.f32 v18, v43;
	v23 =	vadd.f32 v26, v43;
	v2 =	vld [tilespmem:$0x1FFB0]  }
0xe9: {  	v12 =	vld [tilespmem:$0x1FEF0]  }
0xea: {  	v30 =	vld [tilespmem:s18+$0x70];
	v15 =	vadd.f32 v15, v18;
	v0 =	vmul.f32 v0, v24;
	v18 =	vadd.f32 v20, v23  }
0xeb: {  	v3 =	vld [tilespmem:$0x1FFD0];
	v14 =	vadd.f32 v29, v14  }
0xec: {  	v26 =	vld [tilespmem:s18+$0xF0];
	v0 =	vadd.f32 v0, v18;
	v18 =	vmul.f32 v27, v22  }
0xed: {  	v59 =	vmul.f32 v13, v58;
	v24 =	vmul.f32 v2, v1;
	v1 =	vadd.f32 v21, v14;
	v2 =	vld [tilespmem:$0x1FFC0]  }
0xee: {  	v12 =	vmul.f32 v12, v55;
	v21 =	vadd.f32 v18, v0;
	v0 =	vld [tilespmem:$0x1FFE0]  }
0xef: {  	v29 =	vmul.f32 v28, v30;
	v19 =	vadd.f32 v59, v19;
	v30 =	vadd.f32 v4, v1;
	v1 =	vld [tilespmem:$0x1FFF0]  }
0xf0: {  	v23 =	vld [tilespmem:s4+$0xF0]  }
0xf1: {  	v12 =	vadd.f32 v12, v19;
	v22 =	vld [tilespmem:s18+$0x170]  }
0xf2: {  	s15 =	sshll.u32 s28, $0x7;
	v25 =	vadd.f32 v25, v15;
	v15 =	vld [tilespmem:s4+$0x170]  }
0xf3: {  	s30 =	sand.u32 $0x80, s15;
	s15 =	simm.s32 $0x0;
	v28 =	vadd.f32 v44, v12;
	v14 =	vld [tilespmem:s18+$0x1F0]  }
0xf4: {  	s0 =	sor.u32 $0xA370, s29;
	s31 =	sor.u32 $0x2370, s29;
	s18 =	sadd.s32 $0x400, s18;
	v27 =	vadd.f32 v24, v25;
	v20 =	vmul.f32 v3, v2;
	v12 =	vmul.f32 v1, v0;
	v0 =	vld [tilespmem:s4+$0x1F0]  }
.LBB2_3:
0xf5: {  	v1 =	vld [tilespmem:$0x1FE40]  }
0xf6: {  	v2 =	vld [tilespmem:$0x1FE50];
	_ =	sdelay $0x1  }
0xf7: {  	v18 =	vadd.f32 v20, v27  }
0xf8: {  	v19 =	vadd.f32 v29, v21;
	v20 =	vmul.f32 v23, v26  }
0xf9: {  	v3 =	vadd.f32 v12, v18  }
0xfa: {  	v15 =	vmul.f32 v15, v22;
	v2 =	vmul.f32 v2, v1;
	v12 =	vadd.f32 v20, v19;
	_ =	sdelay $0x1  }
0xfb: {  	v0 =	vmul.f32 v0, v14;
	v2 =	vadd.f32 v2, v3;
	v3 =	vadd.f32 v15, v12;
	_ =	sdelay $0x1  }
0xfc: {  	v0 =	vadd.f32 v0, v3  }
0xfd: {  	s4 =	sadd.s32 $0x400, s4  }
0xfe: {  	[tilespmem:$0x1FDA0] =	vst v0;
	v0 =	vld [tilespmem:s4+$0x1D0];
	_ =	sdelay $0x4  }
0xff: {  	[tilespmem:$0x1FC10] =	vst v0;
	v0 =	vld [tilespmem:s18+$0x1E0];
	_ =	sdelay $0x4  }
0x100: {  	[tilespmem:$0x1FCF0] =	vst v0;
	v0 =	vld [tilespmem:s4+$0x1E0];
	_ =	sdelay $0x4  }
0x101: {  	[tilespmem:$0x1FCE0] =	vst v0;
	v0 =	vld [tilespmem:s18+$0x100];
	_ =	sdelay $0x4  }
0x102: {  	[tilespmem:$0x1FC20] =	vst v0;
	v0 =	vld [tilespmem:s4+$0x100];
	_ =	sdelay $0x4  }
0x103: {  	[tilespmem:$0x1FC30] =	vst v0;
	v0 =	vld [tilespmem:s18+$0x110];
	_ =	sdelay $0x4  }
0x104: {  	[tilespmem:$0x1FC40] =	vst v0;
	v0 =	vld [tilespmem:s4+$0x110];
	_ =	sdelay $0x4  }
0x105: {  	[tilespmem:$0x1FC50] =	vst v0;
	v0 =	vld [tilespmem:s18+$0x120];
	_ =	sdelay $0x4  }
0x106: {  	[tilespmem:$0x1FC60] =	vst v0;
	v0 =	vld [tilespmem:s4+$0x120];
	_ =	sdelay $0x4  }
0x107: {  	[tilespmem:$0x1FC70] =	vst v0;
	v0 =	vld [tilespmem:s18+$0x130];
	_ =	sdelay $0x4  }
0x108: {  	[tilespmem:$0x1FC80] =	vst v0;
	v0 =	vld [tilespmem:s4+$0x130];
	_ =	sdelay $0x4  }
0x109: {  	[tilespmem:$0x1FC90] =	vst v0;
	v0 =	vld [tilespmem:s18+$0x140];
	_ =	sdelay $0x4  }
0x10a: {  	[tilespmem:$0x1FCA0] =	vst v0;
	v0 =	vld [tilespmem:s4+$0x140];
	_ =	sdelay $0x4  }
0x10b: {  	[tilespmem:$0x1FCB0] =	vst v0;
	v0 =	vld [tilespmem:s18+$0x150];
	_ =	sdelay $0x4  }
0x10c: {  	[tilespmem:$0x1FCC0] =	vst v0;
	v0 =	vld [tilespmem:s4+$0x150];
	_ =	sdelay $0x4  }
0x10d: {  	[tilespmem:$0x1FCD0] =	vst v0;
	v0 =	vld [tilespmem:s18+$0x160];
	_ =	sdelay $0x3  }
0x10e: {  	v5 =	vld [tilespmem:s18+$0x180]  }
0x10f: {  	[tilespmem:$0x1FE40] =	vst v0;
	v0 =	vld [tilespmem:s4+$0x160]  }
0x110: {  	v7 =	vld [tilespmem:s18+$0x190]  }
0x111: {  	v57 =	vld [tilespmem:s18+$0x90]  }
0x112: {  	v58 =	vld [tilespmem:s18+$0xA0]  }
0x113: {  	v61 =	vld [tilespmem:s18+$0xB0]  }
0x114: {  	[tilespmem:$0x1FE50] =	vst v0;
	v0 =	vld [tilespmem:s18+$0xE0]  }
0x115: {  	v43 =	vld [tilespmem:s18+$0xD0]  }
0x116: {  	v37 =	vld [tilespmem:s18+$0x0]  }
0x117: {  	[tilespmem:$0x1FD10] =	vst v33;
	v33 =	vld [tilespmem:s18+$0x10]  }
0x118: {  	v36 =	vld [tilespmem:s18+$0x20]  }
0x119: {  	[tilespmem:$0x1FE20] =	vst v0;
	v0 =	vld [tilespmem:s4+$0xE0]  }
0x11a: {  	v25 =	vld [tilespmem:s18+$0x30]  }
0x11b: {  	v24 =	vld [tilespmem:s18+$0x40]  }
0x11c: {  	v11 =	vld [tilespmem:s18+$0xFFFFFF00]  }
0x11d: {  	v9 =	vld [tilespmem:s18+$0xFFFFFF10]  }
0x11e: {  	[tilespmem:$0x1FE30] =	vst v0;
	v0 =	vld [tilespmem:s18+$0x60]  }
0x11f: {  	v40 =	vld [tilespmem:s18+$0xFFFFFF40]  }
0x120: {  	v42 =	vld [tilespmem:s18+$0xFFFFFF50]  }
0x121: {  	v6 =	vld [tilespmem:s18+$0xFFFFFE80]  }
0x122: {  	v54 =	vld [tilespmem:s4+$0x180]  }
0x123: {  	[tilespmem:$0x1FE00] =	vst v0;
	v0 =	vld [tilespmem:s4+$0x60]  }
0x124: {  	v55 =	vld [tilespmem:s4+$0x190]  }
0x125: {  	v51 =	vld [tilespmem:s4+$0x1A0]  }
0x126: {  	v29 =	vld [tilespmem:s18+$0x1B0]  }
0x127: {  	v21 =	vadd.f32 v53, v30;
	v30 =	vld [tilespmem:s4+$0x1B0]  }
0x128: {  	[tilespmem:$0x1FE10] =	vst v0;
	v0 =	vld [tilespmem:s18+$0xFFFFFFA0]  }
0x129: {  	v35 =	vld [tilespmem:s4+$0x1C0]  }
0x12a: {  	v53 =	vld [tilespmem:s18+$0x80]  }
0x12b: {  	v56 =	vld [tilespmem:s4+$0x80]  }
0x12c: {  	v59 =	vld [tilespmem:s4+$0x90]  }
0x12d: {  	[tilespmem:$0x1FD20] =	vst v0;
	v0 =	vld [tilespmem:s18+$0xFFFFFFB0]  }
0x12e: {  	v60 =	vld [tilespmem:s4+$0xA0]  }
0x12f: {  	v63 =	vld [tilespmem:s4+$0xB0]  }
0x130: {  	v44 =	vld [tilespmem:s4+$0xC0]  }
0x131: {  	[tilespmem:$0x1FD00] =	vst v34;
	v34 =	vld [tilespmem:s4+$0x0]  }
0x132: {  	[tilespmem:$0x1FD30] =	vst v0;
	v0 =	vld [tilespmem:s18+$0xFFFFFFC0]  }
0x133: {  	v27 =	vld [tilespmem:s4+$0x20]  }
0x134: {  	v13 =	vld [tilespmem:s4+$0xFFFFFF90]  }
0x135: {  	v52 =	vld [tilespmem:s4+$0xFFFFFFA0]  }
0x136: {  	v50 =	vld [tilespmem:s4+$0xFFFFFFB0]  }
0x137: {  	[tilespmem:$0x1FD40] =	vst v0;
	v0 =	vld [tilespmem:s18+$0xFFFFFFD0]  }
0x138: {  	v49 =	vld [tilespmem:s4+$0xFFFFFFC0]  }
0x139: {  	v10 =	vld [tilespmem:s4+$0xFFFFFF00]  }
0x13a: {  	v8 =	vld [tilespmem:s4+$0xFFFFFF10]  }
0x13b: {  	v38 =	vld [tilespmem:s4+$0xFFFFFF40]  }
0x13c: {  	[tilespmem:$0x1FD50] =	vst v0;
	v0 =	vld [tilespmem:s4+$0xFFFFFFD0]  }
0x13d: {  	v39 =	vld [tilespmem:s4+$0xFFFFFF50]  }
0x13e: {  	v26 =	vld [tilespmem:s18+$0x1A0]  }
0x13f: {  	v23 =	vadd.f32 v62, v28;
	v28 =	vld [tilespmem:s4+$0x10]  }
0x140: {  	v22 =	vld [tilespmem:s4+$0x40]  }
0x141: {  	[tilespmem:$0x1FD60] =	vst v0;
	v0 =	vld [tilespmem:s18+$0xFFFFFFE0]  }
0x142: {  	v14 =	vld [tilespmem:s4+$0xFFFFFF30]  }
0x143: {  	v1 =	vld [tilespmem:$0x1FE60]  }
0x144: {  	v20 =	vld [tilespmem:s4+$0x50]  }
0x145: {  	v55 =	vmul.f32 v55, v7;
	v7 =	vld [tilespmem:s18+$0xFFFFFEA0]  }
0x146: {  	[tilespmem:$0x1FDE0] =	vst v0;
	v0 =	vld [tilespmem:s4+$0xFFFFFFE0]  }
0x147: {  	v54 =	vmul.f32 v54, v5;
	v5 =	vld [tilespmem:s4+$0xFFFFFEA0]  }
0x148: {  	v57 =	vmul.f32 v59, v57;
	v59 =	vld [tilespmem:s4+$0xFFFFFE10]  }
0x149: {  	v58 =	vmul.f32 v60, v58;
	v60 =	vmul.f32 v63, v61;
	v61 =	vld [tilespmem:s18+$0xFFFFFE20]  }
0x14a: {  	v63 =	vld [tilespmem:s4+$0xFFFFFE20]  }
0x14b: {  	[tilespmem:$0x1FDF0] =	vst v0;
	v0 =	vld [tilespmem:s18+$0xFFFFFF60]  }
0x14c: {  	v15 =	vld [tilespmem:s18+$0xFFFFFF20]  }
0x14d: {  	v18 =	vadd.f32 v1, v21;
	v1 =	vld [tilespmem:$0x1FE70]  }
0x14e: {  	v12 =	vld [tilespmem:s4+$0xFFFFFF20]  }
0x14f: {  	v24 =	vmul.f32 v22, v24;
	v22 =	vld [tilespmem:s18+$0x170]  }
0x150: {  	[tilespmem:$0x1FDB0] =	vst v0;
	v0 =	vld [tilespmem:s4+$0xFFFFFF60]  }
0x151: {  	v21 =	vld [tilespmem:s18+$0x50]  }
0x152: {  	v3 =	vld [tilespmem:s18+$0xFFFFFE90];
	v19 =	vadd.f32 v1, v23;
	v1 =	vmul.f32 v47, v41  }
0x153: {  	v5 =	vmul.f32 v5, v7;
	v7 =	vld [tilespmem:s4+$0xFFFFFED0]  }
0x154: {  	v47 =	vld [tilespmem:s18+$0x1D0];
	v1 =	vadd.f32 v1, v2  }
0x155: {  	[tilespmem:$0x1FDC0] =	vst v0;
	v0 =	vld [tilespmem:$0x1FC10]  }
0x156: {  	[tilespmem:$0x1FD90] =	vst v1;
	v1 =	vld [tilespmem:s18+$0x1C0]  }
0x157: {  	v4 =	vadd.f32 v17, v18;
	v18 =	vld [tilespmem:s4+$0xFFFFFF80]  }
0x158: {  	v63 =	vmul.f32 v63, v61;
	v17 =	vld [tilespmem:s18+$0xFFFFFF90]  }
0x159: {  	v34 =	vmul.f32 v34, v37;
	v37 =	vmul.f32 v12, v15;
	v12 =	vld [tilespmem:s18+$0xFFFFFE40]  }
0x15a: {  	v8 =	vmul.f32 v8, v9;
	v9 =	vadd.f32 v63, v32;
	v32 =	vld [tilespmem:s4+$0xFFFFFE50];
	v0 =	vmul.f32 v0, v47  }
0x15b: {  	v45 =	vmul.f32 v35, v1;
	v1 =	vld [tilespmem:$0x1FC30]  }
0x15c: {  	[tilespmem:$0x1FDD0] =	vst v0;
	v0 =	vld [tilespmem:$0x1FC20]  }
0x15d: {  	v15 =	vld [tilespmem:s18+$0xFFFFFE60]  }
0x15e: {  	[tilespmem:$0x1FD70] =	vst v4;
	v4 =	vld [tilespmem:s4+$0xFFFFFE80]  }
0x15f: {  	v41 =	vld [tilespmem:s4+$0xD0]  }
0x160: {  	v23 =	vld [tilespmem:s4+$0x30]  }
0x161: {  	v46 =	vmul.f32 v30, v29;
	v29 =	vmul.f32 v1, v0;
	v0 =	vld [tilespmem:$0x1FC40]  }
0x162: {  	v1 =	vld [tilespmem:$0x1FC50]  }
0x163: {  	v33 =	vmul.f32 v28, v33;
	v28 =	vmul.f32 v20, v21;
	v20 =	vld [tilespmem:s18+$0xFFFFFEB0]  }
0x164: {  	v21 =	vld [tilespmem:$0x1FD00]  }
0x165: {  	v62 =	vadd.f32 v16, v19;
	v19 =	vld [tilespmem:s18+$0xFFFFFF80]  }
0x166: {  	v30 =	vld [tilespmem:$0x1FC70]  }
0x167: {  	v51 =	vmul.f32 v51, v26;
	v26 =	vmul.f32 v1, v0;
	v0 =	vld [tilespmem:$0x1FC60]  }
0x168: {  	v48 =	vld [tilespmem:$0x1FCB0]  }
0x169: {  	v47 =	vld [tilespmem:$0x1FCA0]  }
0x16a: {  	v16 =	vld [tilespmem:s18+$0xFFFFFF30]  }
0x16b: {  	v2 =	vld [tilespmem:s4+$0xFFFFFE90]  }
0x16c: {  	v35 =	vmul.f32 v30, v0;
	v0 =	vld [tilespmem:$0x1FC80]  }
0x16d: {  	v30 =	vld [tilespmem:$0x1FC90]  }
0x16e: {  	v13 =	vmul.f32 v13, v17;
	v17 =	vld [tilespmem:s4+$0xFFFFFEB0];
	v47 =	vmul.f32 v48, v47  }
0x16f: {  	v48 =	vld [tilespmem:$0x1FCD0]  }
0x170: {  	[tilespmem:$0x1FE60] =	vst v47;
	v47 =	vld [tilespmem:$0x1FCC0]  }
0x171: {  	v1 =	vld [tilespmem:s18+$0xFFFFFE00]  }
0x172: {  	v30 =	vmul.f32 v30, v0;
	v0 =	vld [tilespmem:s4+$0xFFFFFE00]  }
0x173: {  	[tilespmem:$0x1FD80] =	vst v62;
	v62 =	vld [tilespmem:s18+$0xC0]  }
0x174: {  	v4 =	vmul.f32 v4, v6;
	v6 =	vld [tilespmem:s4+$0xFFFFFEC0]  }
0x175: {  	v23 =	vmul.f32 v23, v25;
	v25 =	vld [tilespmem:s4+$0xFFFFFE30];
	v47 =	vmul.f32 v48, v47  }
0x176: {  	v2 =	vmul.f32 v2, v3;
	v3 =	vld [tilespmem:s18+$0xFFFFFEC0]  }
0x177: {  	[tilespmem:$0x1FE70] =	vst v47;
	v47 =	vld [tilespmem:s18+$0xFFFFFE10];
	v0 =	vmul.f32 v0, v1  }
0x178: {  	v48 =	vld [tilespmem:s18+$0xFFFFFE30]  }
0x179: {  	v0 =	vadd.f32 v0, v21;
	v21 =	vld [tilespmem:$0x1FD10]  }
0x17a: {  	v56 =	vmul.f32 v56, v53;
	v18 =	vmul.f32 v18, v19;
	v19 =	vld [tilespmem:s18+$0xFFFFFED0]  }
0x17b: {  	v53 =	vmul.f32 v44, v62;
	v44 =	vmul.f32 v14, v16;
	v14 =	vld [tilespmem:s4+$0xFFFFFE40]  }
0x17c: {  	v63 =	vld [tilespmem:$0x1FD30];
	v1 =	vmul.f32 v59, v47  }
0x17d: {  	v27 =	vmul.f32 v27, v36;
	v36 =	vmul.f32 v25, v48;
	v48 =	vld [tilespmem:$0x1FD20]  }
0x17e: {  	v17 =	vmul.f32 v17, v20;
	v20 =	vld [tilespmem:s18+$0xFFFFFEE0];
	v1 =	vadd.f32 v1, v21  }
0x17f: {  	v10 =	vmul.f32 v10, v11;
	v62 =	vmul.f32 v41, v43;
	v41 =	vld [tilespmem:$0x1FCF0];
	v11 =	vadd.f32 v36, v31  }
0x180: {  	v5 =	vadd.f32 v5, v9;
	v12 =	vmul.f32 v14, v12;
	v14 =	vld [tilespmem:s4+$0xFFFFFEF0];
	v1 =	vadd.f32 v2, v1  }
0x181: {  	v9 =	vmul.f32 v50, v63;
	v50 =	vld [tilespmem:$0x1FD70];
	v43 =	vadd.f32 v17, v11;
	v0 =	vadd.f32 v4, v0  }
0x182: {  	v63 =	vld [tilespmem:$0x1FE10];
	v4 =	vadd.f32 v37, v5;
	v1 =	vadd.f32 v8, v1;
	v8 =	vmul.f32 v52, v48  }
0x183: {  	v36 =	vld [tilespmem:$0x1FD50]  }
0x184: {  	v61 =	vadd.f32 v44, v43;
	v43 =	vld [tilespmem:s4+$0xFFFFFE60];
	v4 =	vadd.f32 v8, v4  }
0x185: {  	v17 =	vld [tilespmem:s18+$0xFFFFFE70]  }
0x186: {  	v59 =	vld [tilespmem:s18+$0xFFFFFE50];
	v4 =	vadd.f32 v27, v4  }
0x187: {  	v47 =	vld [tilespmem:$0x1FCE0]  }
0x188: {  	v37 =	vld [tilespmem:$0x1FD60];
	v4 =	vadd.f32 v58, v4  }
0x189: {  	v5 =	vadd.f32 v9, v61;
	v9 =	vmul.f32 v43, v15;
	v15 =	vld [tilespmem:s4+$0xFFFFFF70];
	v0 =	vadd.f32 v10, v0  }
0x18a: {  	v61 =	vld [tilespmem:$0x1FE00];
	v4 =	vadd.f32 v35, v4  }
0x18b: {  	v10 =	vmul.f32 v32, v59;
	v59 =	vld [tilespmem:$0x1FDE0];
	v0 =	vadd.f32 v18, v0;
	v1 =	vadd.f32 v13, v1  }
0x18c: {  	v32 =	vadd.f32 v51, v4;
	v4 =	vadd.f32 v12, v50;
	v12 =	vld [tilespmem:$0x1FD90]  }
0x18d: {  	v5 =	vadd.f32 v23, v5;
	v23 =	vld [tilespmem:s4+$0xF0]  }
0x18e: {  	v0 =	vadd.f32 v34, v0;
	v13 =	vld [tilespmem:$0x1FD40];
	v1 =	vadd.f32 v33, v1  }
0x18f: {  	v21 =	vld [tilespmem:s4+$0xFFFFFE70]  }
0x190: {  	v48 =	vld [tilespmem:s18+$0xFFFFFEF0];
	v0 =	vadd.f32 v56, v0;
	v1 =	vadd.f32 v57, v1  }
0x191: {  	v9 =	vadd.f32 v9, v12;
	v12 =	vld [tilespmem:$0x1FDA0]  }
0x192: {  	v52 =	vld [tilespmem:s4+$0xFFFFFFF0];
	v0 =	vadd.f32 v29, v0;
	v1 =	vadd.f32 v26, v1  }
0x193: {  	v13 =	vmul.f32 v49, v13;
	v49 =	vld [tilespmem:s18+$0xFFFFFF70]  }
0x194: {  	v34 =	vadd.f32 v54, v0;
	v0 =	vmul.f32 v21, v17;
	v33 =	vadd.f32 v55, v1;
	v1 =	vld [tilespmem:s18+$0xFFFFFFF0]  }
0x195: {  	v5 =	vadd.f32 v60, v5;
	v51 =	vld [tilespmem:$0x1FD80]  }
0x196: {  	v44 =	vmul.f32 v7, v19;
	v2 =	vld [tilespmem:s4+$0xFFFFFEE0];
	v7 =	vmul.f32 v14, v48;
	v0 =	vadd.f32 v0, v12  }
0x197: {  	v5 =	vadd.f32 v30, v5;
	v56 =	vld [tilespmem:$0x1FDC0]  }
0x198: {  	v55 =	vld [tilespmem:$0x1FDB0];
	v58 =	vmul.f32 v15, v49;
	v0 =	vadd.f32 v7, v0  }
0x199: {  	v3 =	vmul.f32 v6, v3;
	v60 =	vld [tilespmem:$0x1FDF0];
	v31 =	vadd.f32 v46, v5  }
0x19a: {  	v57 =	vld [tilespmem:s4+$0x70];
	v5 =	vadd.f32 v10, v51;
	v1 =	vmul.f32 v52, v1;
	v0 =	vadd.f32 v58, v0  }
0x19b: {  	v16 =	vmul.f32 v38, v40;
	v2 =	vmul.f32 v2, v20;
	v3 =	vadd.f32 v3, v4;
	v12 =	vld [tilespmem:s18+$0x70]  }
0x19c: {  	s15 =	sadd.s32 $0x8, s15;
	v18 =	vmul.f32 v39, v42;
	v54 =	vadd.f32 v44, v5;
	v21 =	vadd.f32 v1, v0;
	v0 =	vld [tilespmem:$0x1FE20]  }
0x19d: {  	p1 =	slt.u32 s15, $0x38;
	v3 =	vadd.f32 v16, v3;
	v5 =	vmul.f32 v56, v55;
	v2 =	vadd.f32 v2, v9;
	v1 =	vld [tilespmem:$0x1FE30]  }
.Ltmp0:
0x19e: {  	v8 =	vmul.f32 v37, v36;
	v14 =	vld [tilespmem:s18+$0x1F0];
	v4 =	vadd.f32 v18, v54;
	(pc) =	sbr.rel @p1 .LBB2_3-.Ltmp0, $4  }
0x19f: {  	v26 =	vld [tilespmem:s18+$0xF0];
	v3 =	vadd.f32 v13, v3;
	v9 =	vmul.f32 v60, v59;
	v2 =	vadd.f32 v5, v2  }
0x1a0: {  	v15 =	vld [tilespmem:s4+$0x170];
	v4 =	vadd.f32 v8, v4  }
0x1a1: {  	v20 =	vmul.f32 v63, v61;
	v16 =	vld [tilespmem:$0x1FDD0];
	v30 =	vadd.f32 v24, v3;
	v27 =	vadd.f32 v9, v2  }
0x1a2: {  	v17 =	vmovc v45;
	s18 =	sadd.s32 $0x400, s18;
	v28 =	vadd.f32 v28, v4;
	v29 =	vmul.f32 v57, v12;
	v12 =	vmul.f32 v1, v0;
	v0 =	vld [tilespmem:s4+$0x1F0]  }
0x1a3: {  	v6 =	vld [tilespmem:$0x1FE40]  }
0x1a4: {  	v7 =	vld [tilespmem:$0x1FE50];
	_ =	sdelay $0x4  }
0x1a5: {  	v6 =	vmul.f32 v7, v6;
	v7 =	vld [tilespmem:$0x1FE60];
	_ =	sdelay $0x2  }
0x1a6: {  	v2 =	vadd.f32 v53, v30  }
0x1a7: {  	v3 =	vadd.f32 v29, v21;
	v4 =	vmul.f32 v23, v26  }
0x1a8: {  	v2 =	vadd.f32 v7, v2;
	v7 =	vld [tilespmem:$0x1FE70]  }
0x1a9: {  	v3 =	vadd.f32 v4, v3;
	v4 =	vmul.f32 v15, v22  }
0x1aa: {  	v1 =	vadd.f32 v20, v27  }
0x1ab: {  	[tilespmem:$0x10300] =	vst v34;
	v5 =	vadd.f32 v62, v28;
	v0 =	vmul.f32 v0, v14;
	v3 =	vadd.f32 v4, v3  }
0x1ac: {  	[tilespmem:$0x10310] =	vst v33;
	v1 =	vadd.f32 v12, v1  }
0x1ad: {  	[tilespmem:$0x10320] =	vst v32;
	v0 =	vadd.f32 v0, v3;
	v5 =	vadd.f32 v7, v5  }
0x1ae: {  	[tilespmem:$0x10330] =	vst v31;
	v1 =	vadd.f32 v6, v1;
	v2 =	vadd.f32 v17, v2;
	v7 =	vmul.f32 v47, v41  }
0x1af: {  	[tilespmem:$0x10370] =	vst v0;
	v4 =	vadd.f32 v16, v5  }
0x1b0: {  	[tilespmem:$0x10340] =	vst v2;
	v1 =	vadd.f32 v7, v1  }
0x1b1: {  	[tilespmem:$0x10350] =	vst v4  }
0x1b2: {  	s15 =	sor.u32 $0x2390, s29;
	[tilespmem:$0x10360] =	vst v1  }
0x1b3: {  	v25 =	vld [tilespmem:s15+$0x8300]  }
0x1b4: {  	s18 =	sor.u32 $0x23A0, s29;
	v26 =	vld [tilespmem:s15+$0x300]  }
0x1b5: {  	v27 =	vld [tilespmem:s18+$0x8300]  }
0x1b6: {  	v28 =	vld [tilespmem:s18+$0x300];
	s15 =	sor.u32 $0x23B0, s29  }
0x1b7: {  	v29 =	vld [tilespmem:s15+$0x8300]  }
0x1b8: {  	s18 =	sor.u32 $0x23C0, s29;
	v30 =	vld [tilespmem:s15+$0x300]  }
0x1b9: {  	v31 =	vld [tilespmem:s18+$0x8300]  }
0x1ba: {  	v32 =	vld [tilespmem:s18+$0x300];
	s18 =	sor.u32 $0x23E0, s29  }
0x1bb: {  	s15 =	sor.u32 $0x23D0, s29;
	v3 =	vld [tilespmem:s18+$0x8300]  }
0x1bc: {  	v33 =	vld [tilespmem:s15+$0x8300]  }
0x1bd: {  	v34 =	vld [tilespmem:s15+$0x300];
	s15 =	sor.u32 $0x2300, s29  }
0x1be: {  	v55 =	vld [tilespmem:s15+$0x8300]  }
0x1bf: {  	v36 =	vld [tilespmem:s15+$0x300]  }
0x1c0: {  	s15 =	sor.u32 $0x2320, s29;
	[tilespmem:$0x1FA50] =	vst v3;
	v3 =	vld [tilespmem:s18+$0x300]  }
0x1c1: {  	v39 =	vld [tilespmem:s15+$0x8300]  }
0x1c2: {  	v40 =	vld [tilespmem:s15+$0x300];
	s15 =	sor.u32 $0x2340, s29  }
0x1c3: {  	v17 =	vld [tilespmem:s15+$0x8300]  }
0x1c4: {  	v44 =	vld [tilespmem:s15+$0x300];
	s15 =	sor.u32 $0x2360, s29  }
0x1c5: {  	[tilespmem:$0x1FA60] =	vst v3;
	v3 =	vld [tilespmem:s15+$0x8300];
	_ =	sdelay $0x1  }
0x1c6: {  	s18 =	sor.u32 $0x2310, s29  }
0x1c7: {  	v37 =	vld [tilespmem:s18+$0x8300]  }
0x1c8: {  	v38 =	vld [tilespmem:s18+$0x300]  }
0x1c9: {  	[tilespmem:$0x1FA70] =	vst v3;
	v3 =	vld [tilespmem:s15+$0x300];
	s15 =	sor.u32 $0x22A0, s29  }
0x1ca: {  	v51 =	vld [tilespmem:s15+$0x8300]  }
0x1cb: {  	v52 =	vld [tilespmem:s15+$0x300];
	s15 =	sor.u32 $0x22C0, s29  }
0x1cc: {  	v15 =	vld [tilespmem:s15+$0x8300]  }
0x1cd: {  	v45 =	vld [tilespmem:s15+$0x300];
	s15 =	sor.u32 $0x22E0, s29  }
0x1ce: {  	s18 =	sor.u32 $0x2330, s29;
	[tilespmem:$0x1FA80] =	vst v3;
	v3 =	vld [tilespmem:s15+$0x8300]  }
0x1cf: {  	v41 =	vld [tilespmem:s18+$0x8300]  }
0x1d0: {  	v16 =	vld [tilespmem:s18+$0x300];
	s18 =	sor.u32 $0x2350, s29  }
0x1d1: {  	v35 =	vld [tilespmem:s18+$0x8300]  }
0x1d2: {  	v46 =	vld [tilespmem:s18+$0x300]  }
0x1d3: {  	s18 =	sor.u32 $0x2280, s29;
	[tilespmem:$0x1FBF0] =	vst v3;
	v3 =	vld [tilespmem:s15+$0x300]  }
0x1d4: {  	v47 =	vld [tilespmem:s18+$0x8300]  }
0x1d5: {  	v48 =	vld [tilespmem:s18+$0x300];
	s18 =	sor.u32 $0x2290, s29  }
0x1d6: {  	v49 =	vld [tilespmem:s18+$0x8300]  }
0x1d7: {  	v14 =	vld [tilespmem:s18+$0x300];
	s15 =	sor.u32 $0x2220, s29  }
0x1d8: {  	s18 =	sor.u32 $0x22B0, s29;
	[tilespmem:$0x1FC00] =	vst v3;
	v3 =	vld [tilespmem:s15+$0x8300]  }
0x1d9: {  	v53 =	vld [tilespmem:s18+$0x8300]  }
0x1da: {  	v54 =	vld [tilespmem:s18+$0x300];
	s18 =	sor.u32 $0x22D0, s29  }
0x1db: {  	v57 =	vld [tilespmem:s18+$0x8300]  }
0x1dc: {  	v56 =	vld [tilespmem:s18+$0x300]  }
0x1dd: {  	s18 =	sor.u32 $0x2200, s29;
	[tilespmem:$0x1FAF0] =	vst v3;
	v3 =	vld [tilespmem:s15+$0x300]  }
0x1de: {  	v59 =	vld [tilespmem:s18+$0x8300]  }
0x1df: {  	v60 =	vld [tilespmem:s18+$0x300];
	s18 =	sor.u32 $0x2210, s29  }
0x1e0: {  	v50 =	vld [tilespmem:s18+$0x8300]  }
0x1e1: {  	v62 =	vld [tilespmem:s18+$0x300];
	s18 =	sor.u32 $0x2230, s29  }
0x1e2: {  	[tilespmem:$0x1FB00] =	vst v3;
	v3 =	vld [tilespmem:s18+$0x8300]  }
0x1e3: {  	v4 =	vld [tilespmem:s0+$0xFFFFFF90]  }
0x1e4: {  	v0 =	vld [tilespmem:s0+$0xFFFFFFC0]  }
0x1e5: {  	v5 =	vld [tilespmem:s0+$0xFFFFFFA0]  }
0x1e6: {  	v12 =	vld [tilespmem:s31+$0xFFFFFFA0]  }
0x1e7: {  	[tilespmem:$0x1FB10] =	vst v3;
	v3 =	vld [tilespmem:s18+$0x300]  }
0x1e8: {  	v61 =	vld [tilespmem:s0+$0xFFFFFFB0]  }
0x1e9: {  	[tilespmem:$0x1FA90] =	vst v0;
	v0 =	vld [tilespmem:s0+$0xFFFFFFD0]  }
0x1ea: {  	v1 =	vld [tilespmem:s31+$0xFFFFFFB0]  }
0x1eb: {  	v63 =	vld [tilespmem:s31+$0xFFFFFF90];
	s15 =	sor.u32 $0x2240, s29  }
0x1ec: {  	[tilespmem:$0x1FB20] =	vst v3;
	v3 =	vld [tilespmem:s15+$0x8300]  }
0x1ed: {  	v2 =	vld [tilespmem:s31+$0xFFFFFFC0]  }
0x1ee: {  	[tilespmem:$0x1FAA0] =	vst v0;
	v0 =	vld [tilespmem:s31+$0xFFFFFFD0]  }
0x1ef: {  	v12 =	vmul.f32 v12, v5;
	v5 =	vmul.f32 v1, v61;
	v1 =	vld [tilespmem:$0x1FA90]  }
0x1f0: {  	v58 =	vld [tilespmem:s31+$0xFFFFFFE0]  }
0x1f1: {  	[tilespmem:$0x1FB30] =	vst v3;
	v3 =	vld [tilespmem:s15+$0x300]  }
0x1f2: {  	v43 =	vld [tilespmem:s31+$0xFFFFFFF0]  }
0x1f3: {  	[tilespmem:$0x1FAB0] =	vst v0;
	v0 =	vld [tilespmem:s0+$0xFFFFFFE0]  }
0x1f4: {  	v63 =	vmul.f32 v63, v4;
	v4 =	vmul.f32 v2, v1;
	v1 =	vld [tilespmem:$0x1FAA0]  }
0x1f5: {  	v61 =	vld [tilespmem:$0x1FAB0];
	s18 =	sor.u32 $0x2250, s29  }
0x1f6: {  	[tilespmem:$0x1FB40] =	vst v3;
	v3 =	vld [tilespmem:s18+$0x8300]  }
0x1f7: {  	v42 =	vld [tilespmem:s0+$0x0]  }
0x1f8: {  	s4 =	sor.u32 $0x2380, s29;
	[tilespmem:$0x1FAC0] =	vst v0;
	v0 =	vld [tilespmem:s0+$0xFFFFFFF0]  }
0x1f9: {  	v23 =	vld [tilespmem:s4+$0x8300]  }
0x1fa: {  	v24 =	vld [tilespmem:s4+$0x300];
	v1 =	vmul.f32 v61, v1  }
0x1fb: {  	[tilespmem:$0x1FB50] =	vst v3;
	v3 =	vld [tilespmem:s18+$0x300]  }
0x1fc: {  	[tilespmem:$0x1FB70] =	vst v1;
	v1 =	vld [tilespmem:$0x1FAC0]  }
0x1fd: {  	[tilespmem:$0x1FAD0] =	vst v0;
	v0 =	vld [tilespmem:s31+$0x0]  }
0x1fe: {  	v61 =	vld [tilespmem:$0x1FAD0];
	s18 =	sor.u32 $0x2180, s29  }
0x1ff: {  	s15 =	sor.u32 $0x2260, s29;
	v9 =	vld [tilespmem:s18+$0x8300]  }
0x200: {  	[tilespmem:$0x1FB60] =	vst v3;
	v3 =	vld [tilespmem:s15+$0x8300]  }
0x201: {  	v8 =	vld [tilespmem:s18+$0x300];
	s18 =	sor.u32 $0x21A0, s29  }
0x202: {  	v13 =	vld [tilespmem:s18+$0x8300]  }
0x203: {  	v10 =	vld [tilespmem:s18+$0x300];
	s18 =	sor.u32 $0x21C0, s29  }
0x204: {  	v20 =	vld [tilespmem:s18+$0x8300]  }
0x205: {  	[tilespmem:$0x1FBD0] =	vst v3;
	v3 =	vld [tilespmem:s15+$0x300]  }
0x206: {  	v19 =	vld [tilespmem:s18+$0x300];
	s15 =	sor.u32 $0x2190, s29  }
0x207: {  	v7 =	vld [tilespmem:s15+$0x8300]  }
0x208: {  	v6 =	vld [tilespmem:s15+$0x300];
	s15 =	sor.u32 $0x21B0, s29  }
0x209: {  	s18 =	sor.u32 $0x21E0, s29;
	v18 =	vld [tilespmem:s15+$0x8300]  }
0x20a: {  	[tilespmem:$0x1FBE0] =	vst v3;
	v3 =	vld [tilespmem:s18+$0x8300]  }
0x20b: {  	v11 =	vld [tilespmem:s15+$0x300];
	s15 =	sor.u32 $0x21D0, s29  }
0x20c: {  	v1 =	vmul.f32 v58, v1;
	v22 =	vld [tilespmem:s15+$0x8300]  }
0x20d: {  	v21 =	vld [tilespmem:s15+$0x300];
	s15 =	sor.u32 $0x2100, s29  }
0x20e: {  	[tilespmem:$0x1FB80] =	vst v1;
	v0 =	vmul.f32 v0, v42;
	v2 =	vld [tilespmem:s15+$0x300]  }
0x20f: {  	v43 =	vmul.f32 v43, v61;
	[tilespmem:$0x1FBB0] =	vst v3;
	v3 =	vld [tilespmem:s18+$0x300];
	s18 =	sor.u32 $0x2110, s29  }
0x210: {  	v23 =	vmul.f32 v24, v23;
	v24 =	vmul.f32 v26, v25;
	[tilespmem:$0x1FBA0] =	vst v0;
	v1 =	vld [tilespmem:s18+$0x8300]  }
0x211: {  	v26 =	vmul.f32 v28, v27;
	[tilespmem:$0x1FB90] =	vst v43;
	v43 =	vmul.f32 v32, v31;
	v0 =	vld [tilespmem:s18+$0x300];
	s18 =	sor.u32 $0x2080, s29  }
0x212: {  	v27 =	vmul.f32 v30, v29;
	v30 =	vmul.f32 v40, v39;
	v29 =	vld [tilespmem:s18+$0x8300]  }
0x213: {  	v40 =	vmul.f32 v14, v49;
	[tilespmem:$0x1FAE0] =	vst v43;
	v43 =	vmul.f32 v34, v33;
	v34 =	vld [tilespmem:s18+$0x300];
	s18 =	sor.u32 $0x20A0, s29  }
0x214: {  	v31 =	vmul.f32 v36, v55;
	v36 =	vmul.f32 v16, v41;
	v41 =	vld [tilespmem:s18+$0x8300]  }
0x215: {  	v14 =	vmul.f32 v52, v51;
	v52 =	vmul.f32 v54, v53;
	v53 =	vld [tilespmem:s18+$0x300];
	s18 =	sor.u32 $0x2130, s29  }
0x216: {  	v6 =	vmul.f32 v6, v7;
	v7 =	vld [tilespmem:s18+$0x8300]  }
0x217: {  	[tilespmem:$0x1FBC0] =	vst v3;
	v3 =	vld [tilespmem:s15+$0x8300];
	s15 =	sor.u32 $0x2120, s29  }
0x218: {  	v25 =	vld [tilespmem:s15+$0x8300]  }
0x219: {  	v28 =	vld [tilespmem:s15+$0x300]  }
0x21a: {  	s15 =	sor.u32 $0x2090, s29;
	v0 =	vmul.f32 v0, v1;
	v1 =	vld [tilespmem:s18+$0x300]  }
0x21b: {  	v33 =	vmul.f32 v38, v37;
	v37 =	vld [tilespmem:s15+$0x8300]  }
0x21c: {  	v38 =	vld [tilespmem:s15+$0x300];
	s15 =	sor.u32 $0x20B0, s29  }
0x21d: {  	v58 =	vmul.f32 v46, v35;
	v35 =	vmul.f32 v45, v15;
	v15 =	vld [tilespmem:s15+$0x8300]  }
0x21e: {  	v54 =	vmul.f32 v60, v59;
	v42 =	vmul.f32 v56, v57;
	v56 =	vld [tilespmem:s15+$0x300]  }
0x21f: {  	v55 =	vmul.f32 v62, v50;
	v8 =	vmul.f32 v8, v9  }
0x220: {  	s15 =	sor.u32 $0x2140, s29;
	v2 =	vmul.f32 v2, v3;
	v3 =	vmul.f32 v34, v29;
	v29 =	vimm.f32 $0.0e+00  }
0x221: {  	v59 =	vmul.f32 v53, v41;
	v57 =	vld [tilespmem:s15+$0x8300];
	v60 =	vadd.f32 v63, v29;
	v12 =	vadd.f32 v12, v29  }
0x222: {  	v62 =	vld [tilespmem:s15+$0x300];
	s15 =	sor.u32 $0x2160, s29;
	v5 =	vadd.f32 v5, v29;
	v4 =	vadd.f32 v4, v29;
	v9 =	vmul.f32 v38, v37  }
0x223: {  	s18 =	sor.u32 $0x2150, s29;
	v1 =	vmul.f32 v1, v7;
	v7 =	vld [tilespmem:s15+$0x8300];
	v63 =	vmul.f32 v56, v15;
	v3 =	vadd.f32 v3, v60  }
0x224: {  	v38 =	vld [tilespmem:s18+$0x300];
	v5 =	vadd.f32 v59, v5;
	v9 =	vadd.f32 v9, v12;
	v12 =	vmul.f32 v28, v25  }
0x225: {  	v15 =	vld [tilespmem:s18+$0x8300];
	v2 =	vadd.f32 v2, v3  }
0x226: {  	v4 =	vadd.f32 v63, v4;
	v5 =	vadd.f32 v12, v5;
	v12 =	vld [tilespmem:$0x1FB40]  }
0x227: {  	v0 =	vadd.f32 v0, v9;
	v2 =	vadd.f32 v8, v2;
	v8 =	vld [tilespmem:$0x1FB00]  }
0x228: {  	v3 =	vmul.f32 v10, v13;
	v1 =	vadd.f32 v1, v4;
	v4 =	vmul.f32 v11, v18;
	v11 =	vld [tilespmem:$0x1FB30]  }
0x229: {  	v0 =	vadd.f32 v6, v0;
	v6 =	vld [tilespmem:$0x1FAF0]  }
0x22a: {  	v3 =	vadd.f32 v3, v5;
	v5 =	vld [tilespmem:$0x1FB20]  }
0x22b: {  	s18 =	sor.u32 $0x20C0, s29;
	v1 =	vadd.f32 v4, v1;
	v4 =	vld [tilespmem:$0x1FB10]  }
0x22c: {  	v10 =	vld [tilespmem:s18+$0x8300]  }
0x22d: {  	v9 =	vld [tilespmem:s15+$0x300];
	s15 =	sor.u32 $0x20D0, s29  }
0x22e: {  	v11 =	vmul.f32 v12, v11;
	v12 =	vld [tilespmem:s15+$0x300]  }
0x22f: {  	v6 =	vmul.f32 v8, v6;
	v8 =	vld [tilespmem:s18+$0x300]  }
0x230: {  	v4 =	vmul.f32 v5, v4;
	v5 =	vld [tilespmem:s15+$0x8300]  }
0x231: {  	v3 =	vadd.f32 v6, v3;
	v6 =	vld [tilespmem:$0x1FB60]  }
0x232: {  	v39 =	vmul.f32 v48, v47;
	v2 =	vadd.f32 v54, v2;
	s18 =	sor.u32 $0x20E0, s29;
	v1 =	vadd.f32 v4, v1;
	v4 =	vld [tilespmem:$0x1FB50]  }
0x233: {  	v13 =	vld [tilespmem:s18+$0x300];
	s15 =	sor.u32 $0x20F0, s29  }
0x234: {  	v2 =	vadd.f32 v39, v2;
	v47 =	vld [tilespmem:s15+$0x8300]  }
0x235: {  	v59 =	vld [tilespmem:s15+$0x300];
	s15 =	sor.u32 $0x21F0, s29  }
0x236: {  	v2 =	vadd.f32 v31, v2;
	v3 =	vadd.f32 v14, v3;
	v8 =	vmul.f32 v8, v10;
	v10 =	vld [tilespmem:s15+$0x300]  }
0x237: {  	v0 =	vadd.f32 v55, v0;
	v1 =	vadd.f32 v52, v1;
	v45 =	vmul.f32 v6, v4;
	v4 =	vld [tilespmem:s18+$0x8300]  }
0x238: {  	v54 =	vadd.f32 v23, v2;
	v3 =	vadd.f32 v30, v3;
	v2 =	vmul.f32 v12, v5;
	v5 =	vld [tilespmem:$0x1FB80]  }
0x239: {  	v12 =	vld [tilespmem:$0x1FB90];
	v1 =	vadd.f32 v36, v1  }
0x23a: {  	v0 =	vadd.f32 v40, v0;
	v52 =	vadd.f32 v26, v3;
	v3 =	vld [tilespmem:$0x1FB70]  }
0x23b: {  	v51 =	vadd.f32 v27, v1;
	v1 =	vld [tilespmem:s15+$0x8300]  }
0x23c: {  	v0 =	vadd.f32 v33, v0;
	s18 =	sor.u32 $0x2170, s29;
	v4 =	vmul.f32 v13, v4;
	v13 =	vld [tilespmem:$0x1FBA0]  }
0x23d: {  	v46 =	vmul.f32 v21, v22;
	v60 =	vld [tilespmem:s18+$0x8300];
	v5 =	vadd.f32 v5, v29  }
0x23e: {  	v57 =	vmul.f32 v62, v57;
	v25 =	vmul.f32 v38, v15;
	v53 =	vadd.f32 v24, v0;
	v0 =	vld [tilespmem:s18+$0x300];
	s18 =	sor.u32 $0x2270, s29  }
0x23f: {  	v6 =	vmul.f32 v19, v20;
	v20 =	vmul.f32 v59, v47;
	v62 =	vld [tilespmem:s18+$0x8300];
	v2 =	vadd.f32 v2, v5  }
0x240: {  	v12 =	vadd.f32 v12, v29;
	v3 =	vadd.f32 v3, v29;
	v5 =	vmul.f32 v9, v7;
	v7 =	vld [tilespmem:s18+$0x300]  }
0x241: {  	v10 =	vmul.f32 v10, v1;
	v1 =	vld [tilespmem:s31+$0x8300];
	v2 =	vadd.f32 v25, v2;
	v13 =	vadd.f32 v13, v29  }
0x242: {  	v8 =	vadd.f32 v8, v3;
	v9 =	vadd.f32 v4, v12;
	v4 =	vld [tilespmem:$0x1FBB0]  }
0x243: {  	v0 =	vmul.f32 v0, v60;
	v19 =	vadd.f32 v46, v2;
	v2 =	vld [tilespmem:$0x1FBD0];
	v12 =	vadd.f32 v20, v13  }
0x244: {  	v8 =	vadd.f32 v57, v8;
	v13 =	vld [tilespmem:$0x1FBC0]  }
0x245: {  	v9 =	vadd.f32 v5, v9;
	v5 =	vld [tilespmem:$0x1FBE0];
	v0 =	vadd.f32 v0, v12  }
0x246: {  	v12 =	vmul.f32 v7, v62;
	v7 =	vld [tilespmem:$0x1FC00]  }
0x247: {  	s15 =	sor.u32 $0x22F0, s29;
	v63 =	vadd.f32 v6, v8;
	v8 =	vadd.f32 v10, v0;
	v0 =	vld [tilespmem:$0x1FBF0]  }
0x248: {  	v3 =	vld [tilespmem:s15+$0x8300]  }
0x249: {  	v13 =	vmul.f32 v13, v4;
	v4 =	vld [tilespmem:s15+$0x300]  }
0x24a: {  	s18 =	sor.u32 $0x23F0, s29;
	v6 =	vmul.f32 v5, v2;
	v5 =	vld [tilespmem:s31+$0x300]  }
0x24b: {  	v61 =	vmul.f32 v44, v17;
	v2 =	vld [tilespmem:s18+$0x8300];
	v9 =	vadd.f32 v13, v9  }
0x24c: {  	s4 =	simm.s32 $0x0;
	s0 =	sadd.s32 $0x400, s0;
	v13 =	vadd.f32 v11, v63;
	v11 =	vadd.f32 v45, v19;
	v7 =	vmul.f32 v7, v0;
	v0 =	vld [tilespmem:s18+$0x300]  }
.LBB2_5:
0x24d: {  	_ = 	snop  }
0x24e: {  	v8 =	vadd.f32 v12, v8;
	v3 =	vmul.f32 v4, v3;
	_ =	sdelay $0x1  }
0x24f: {  	v1 =	vmul.f32 v5, v1;
	v3 =	vadd.f32 v3, v8;
	_ =	sdelay $0x1  }
0x250: {  	v0 =	vmul.f32 v0, v2;
	v1 =	vadd.f32 v1, v3;
	_ =	sdelay $0x1  }
0x251: {  	v0 =	vadd.f32 v0, v1;
	v1 =	vld [tilespmem:s0+$0xFFFFFFF0];
	_ =	sdelay $0x3  }
0x252: {  	s31 =	sadd.s32 $0x400, s31  }
0x253: {  	[tilespmem:$0x1F840] =	vst v1;
	v1 =	vld [tilespmem:s31+$0xFFFFFFF0];
	_ =	sdelay $0x4  }
0x254: {  	[tilespmem:$0x1F850] =	vst v1;
	v1 =	vld [tilespmem:s0+$0x0];
	_ =	sdelay $0x2  }
0x255: {  	s29 =	sadd.s32 $0x400, s29  }
0x256: {  	s15 =	sor.u32 $0x2380, s29  }
0x257: {  	[tilespmem:$0x1F860] =	vst v1;
	v1 =	vld [tilespmem:s15+$0x8300];
	_ =	sdelay $0x4  }
0x258: {  	[tilespmem:$0x1F870] =	vst v1;
	v1 =	vld [tilespmem:s15+$0x300];
	_ =	sdelay $0x3  }
0x259: {  	s18 =	sor.u32 $0x2390, s29  }
0x25a: {  	[tilespmem:$0x1F880] =	vst v1;
	v1 =	vld [tilespmem:s18+$0x8300];
	_ =	sdelay $0x3  }
0x25b: {  	v36 =	vld [tilespmem:s18+$0x300];
	s18 =	sor.u32 $0x23A0, s29  }
0x25c: {  	[tilespmem:$0x1F890] =	vst v1;
	v1 =	vld [tilespmem:s18+$0x8300];
	_ =	sdelay $0x3  }
0x25d: {  	v28 =	vld [tilespmem:s18+$0x300];
	s18 =	sor.u32 $0x23B0, s29  }
0x25e: {  	[tilespmem:$0x1F8A0] =	vst v1;
	v1 =	vld [tilespmem:s18+$0x8300];
	_ =	sdelay $0x3  }
0x25f: {  	v37 =	vld [tilespmem:s18+$0x300];
	s18 =	sor.u32 $0x23C0, s29  }
0x260: {  	[tilespmem:$0x1F8B0] =	vst v1;
	v1 =	vld [tilespmem:s18+$0x8300];
	_ =	sdelay $0x4  }
0x261: {  	[tilespmem:$0x1F8C0] =	vst v1;
	v1 =	vld [tilespmem:s18+$0x300];
	_ =	sdelay $0x3  }
0x262: {  	s18 =	sor.u32 $0x23D0, s29  }
0x263: {  	[tilespmem:$0x1F8D0] =	vst v1;
	v1 =	vld [tilespmem:s18+$0x8300];
	_ =	sdelay $0x4  }
0x264: {  	[tilespmem:$0x1F8E0] =	vst v1;
	v1 =	vld [tilespmem:s18+$0x300];
	_ =	sdelay $0x3  }
0x265: {  	s15 =	sor.u32 $0x23E0, s29  }
0x266: {  	[tilespmem:$0x1F8F0] =	vst v1;
	v1 =	vld [tilespmem:s15+$0x8300];
	_ =	sdelay $0x1  }
0x267: {  	v6 =	vadd.f32 v6, v9;
	_ =	sdelay $0x1  }
0x268: {  	v6 =	vadd.f32 v7, v6;
	v7 =	vld [tilespmem:$0x1FA50]  }
0x269: {  	[tilespmem:$0x1FA50] =	vst v1;
	v1 =	vld [tilespmem:s15+$0x300];
	_ =	sdelay $0x3  }
0x26a: {  	v8 =	vld [tilespmem:$0x1FA60];
	s18 =	sor.u32 $0x2300, s29  }
0x26b: {  	[tilespmem:$0x1FA60] =	vst v1;
	v1 =	vld [tilespmem:s18+$0x8300];
	_ =	sdelay $0x4  }
0x26c: {  	[tilespmem:$0x1F900] =	vst v1;
	v1 =	vld [tilespmem:s18+$0x300]  }
0x26d: {  	v10 =	vld [tilespmem:$0x1FA70]  }
0x26e: {  	v9 =	vadd.f32 v42, v11;
	v11 =	vld [tilespmem:$0x1FA80]  }
0x26f: {  	v2 =	vld [tilespmem:$0x1FAE0];
	s18 =	sor.u32 $0x2310, s29  }
0x270: {  	v57 =	vld [tilespmem:s18+$0x300]  }
0x271: {  	[tilespmem:$0x1F910] =	vst v1;
	v1 =	vld [tilespmem:s18+$0x8300];
	s18 =	sor.u32 $0x2320, s29  }
0x272: {  	v5 =	vadd.f32 v58, v9;
	v58 =	vld [tilespmem:s18+$0x8300]  }
0x273: {  	v59 =	vld [tilespmem:s18+$0x300];
	s18 =	sor.u32 $0x2330, s29  }
0x274: {  	v4 =	vadd.f32 v35, v13;
	v60 =	vld [tilespmem:s18+$0x8300]  }
0x275: {  	v62 =	vld [tilespmem:s18+$0x300];
	s18 =	sor.u32 $0x2340, s29  }
0x276: {  	v4 =	vadd.f32 v61, v4;
	v61 =	vld [tilespmem:s18+$0x8300]  }
0x277: {  	v63 =	vld [tilespmem:s18+$0x300];
	s18 =	sor.u32 $0x2350, s29  }
0x278: {  	v47 =	vld [tilespmem:s18+$0x8300]  }
0x279: {  	v2 =	vadd.f32 v2, v4;
	s15 =	sor.u32 $0x2360, s29;
	v44 =	vld [tilespmem:s18+$0x300]  }
0x27a: {  	s18 =	sor.u32 $0x2280, s29;
	[tilespmem:$0x1F920] =	vst v1;
	v1 =	vld [tilespmem:s15+$0x8300]  }
0x27b: {  	[tilespmem:$0x1F9B0] =	vst v2;
	v2 =	vadd.f32 v43, v5;
	v43 =	vld [tilespmem:s18+$0x8300]  }
0x27c: {  	v42 =	vld [tilespmem:s18+$0x300];
	s18 =	sor.u32 $0x2290, s29  }
0x27d: {  	v40 =	vld [tilespmem:s18+$0x8300]  }
0x27e: {  	v33 =	vld [tilespmem:s18+$0x300]  }
0x27f: {  	s18 =	sor.u32 $0x22A0, s29;
	[tilespmem:$0x1FA70] =	vst v1;
	v1 =	vld [tilespmem:s15+$0x300]  }
0x280: {  	v35 =	vld [tilespmem:s18+$0x8300]  }
0x281: {  	v32 =	vld [tilespmem:s18+$0x300];
	s18 =	sor.u32 $0x22B0, s29  }
0x282: {  	v31 =	vld [tilespmem:s18+$0x8300]  }
0x283: {  	v30 =	vld [tilespmem:s18+$0x300];
	s15 =	sor.u32 $0x22E0, s29  }
0x284: {  	s18 =	sor.u32 $0x22C0, s29;
	[tilespmem:$0x1FA80] =	vst v1;
	v1 =	vld [tilespmem:s15+$0x8300]  }
0x285: {  	v34 =	vld [tilespmem:s18+$0x8300]  }
0x286: {  	v25 =	vld [tilespmem:s18+$0x300];
	s18 =	sor.u32 $0x22D0, s29  }
0x287: {  	v23 =	vld [tilespmem:s18+$0x8300]  }
0x288: {  	v22 =	vld [tilespmem:s18+$0x300]  }
0x289: {  	s18 =	sor.u32 $0x2200, s29;
	[tilespmem:$0x1FA30] =	vst v1;
	v1 =	vld [tilespmem:s15+$0x300]  }
0x28a: {  	v21 =	vld [tilespmem:s18+$0x8300]  }
0x28b: {  	v20 =	vld [tilespmem:s18+$0x300];
	s18 =	sor.u32 $0x2210, s29  }
0x28c: {  	v18 =	vld [tilespmem:s18+$0x8300]  }
0x28d: {  	v15 =	vld [tilespmem:s18+$0x300];
	s18 =	sor.u32 $0x2220, s29  }
0x28e: {  	[tilespmem:$0x1FA40] =	vst v1;
	v1 =	vld [tilespmem:s18+$0x8300];
	_ =	sdelay $0x4  }
0x28f: {  	[tilespmem:$0x1F930] =	vst v1;
	v1 =	vld [tilespmem:s18+$0x300];
	_ =	sdelay $0x3  }
0x290: {  	s18 =	sor.u32 $0x2230, s29  }
0x291: {  	[tilespmem:$0x1F940] =	vst v1;
	v1 =	vld [tilespmem:s18+$0x8300];
	_ =	sdelay $0x4  }
0x292: {  	[tilespmem:$0x1F950] =	vst v1;
	v1 =	vld [tilespmem:s18+$0x300];
	_ =	sdelay $0x3  }
0x293: {  	s18 =	sor.u32 $0x2240, s29  }
0x294: {  	[tilespmem:$0x1F960] =	vst v1;
	v1 =	vld [tilespmem:s18+$0x8300];
	_ =	sdelay $0x4  }
0x295: {  	[tilespmem:$0x1F970] =	vst v1;
	v1 =	vld [tilespmem:s18+$0x300];
	_ =	sdelay $0x3  }
0x296: {  	s18 =	sor.u32 $0x2250, s29  }
0x297: {  	[tilespmem:$0x1F980] =	vst v1;
	v1 =	vld [tilespmem:s18+$0x8300];
	_ =	sdelay $0x4  }
0x298: {  	[tilespmem:$0x1F990] =	vst v1;
	v1 =	vld [tilespmem:s18+$0x300];
	_ =	sdelay $0x3  }
0x299: {  	s15 =	sor.u32 $0x2260, s29  }
0x29a: {  	[tilespmem:$0x1F9A0] =	vst v1;
	v1 =	vld [tilespmem:s15+$0x8300];
	_ =	sdelay $0x4  }
0x29b: {  	[tilespmem:$0x1FA10] =	vst v1;
	v1 =	vld [tilespmem:s15+$0x300];
	_ =	sdelay $0x3  }
0x29c: {  	s15 =	sor.u32 $0x21E0, s29  }
0x29d: {  	[tilespmem:$0x1FA20] =	vst v1;
	v1 =	vld [tilespmem:s15+$0x8300]  }
0x29e: {  	v17 =	vld [tilespmem:s0+$0xFFFFFF90]  }
0x29f: {  	v50 =	vld [tilespmem:s0+$0xFFFFFFE0]  }
0x2a0: {  	v46 =	vld [tilespmem:s31+$0xFFFFFF90]  }
0x2a1: {  	[tilespmem:$0x1F9E0] =	vst v0;
	v0 =	vld [tilespmem:s31+$0xFFFFFFE0]  }
0x2a2: {  	[tilespmem:$0x1F9F0] =	vst v1;
	v1 =	vld [tilespmem:s15+$0x300];
	_ =	sdelay $0x2  }
0x2a3: {  	v49 =	vld [tilespmem:s0+$0xFFFFFFB0];
	v7 =	vmul.f32 v8, v7  }
0x2a4: {  	v8 =	vmul.f32 v46, v17;
	v46 =	vmul.f32 v0, v50;
	v0 =	vld [tilespmem:$0x1F840]  }
0x2a5: {  	[tilespmem:$0x1FA00] =	vst v1;
	v1 =	vld [tilespmem:$0x1F850]  }
0x2a6: {  	v48 =	vld [tilespmem:s31+$0xFFFFFFA0]  }
0x2a7: {  	v26 =	vld [tilespmem:s31+$0x0]  }
0x2a8: {  	v10 =	vmul.f32 v11, v10;
	v11 =	vld [tilespmem:s0+$0xFFFFFFA0]  }
0x2a9: {  	v3 =	vld [tilespmem:s31+$0xFFFFFFB0]  }
0x2aa: {  	v50 =	vmul.f32 v1, v0;
	v0 =	vld [tilespmem:$0x1F860];
	_ =	sdelay $0x3  }
0x2ab: {  	v9 =	vmul.f32 v48, v11;
	v1 =	vld [tilespmem:$0x1F880]  }
0x2ac: {  	v11 =	vmul.f32 v3, v49;
	v49 =	vmul.f32 v26, v0;
	v0 =	vld [tilespmem:$0x1F870];
	_ =	sdelay $0x3  }
0x2ad: {  	v6 =	vadd.f32 v10, v6;
	v4 =	vld [tilespmem:s0+$0xFFFFFFC0]  }
0x2ae: {  	v26 =	vmul.f32 v1, v0;
	v0 =	vld [tilespmem:$0x1F890]  }
0x2af: {  	[tilespmem:$0x1F9C0] =	vst v2;
	v2 =	vadd.f32 v7, v6;
	v6 =	vld [tilespmem:s31+$0xFFFFFFC0]  }
0x2b0: {  	v7 =	vld [tilespmem:s31+$0xFFFFFFD0]  }
0x2b1: {  	[tilespmem:$0x1F9D0] =	vst v2;
	v2 =	vld [tilespmem:s0+$0xFFFFFFD0]  }
0x2b2: {  	v55 =	vld [tilespmem:$0x1F8D0]  }
0x2b3: {  	v36 =	vmul.f32 v36, v0;
	v0 =	vld [tilespmem:$0x1F8A0]  }
0x2b4: {  	v56 =	vld [tilespmem:$0x1F8F0];
	s18 =	sor.u32 $0x2180, s29  }
0x2b5: {  	v14 =	vld [tilespmem:s18+$0x8300]  }
0x2b6: {  	v13 =	vld [tilespmem:s18+$0x300];
	s18 =	sor.u32 $0x2190, s29  }
0x2b7: {  	v12 =	vld [tilespmem:s18+$0x8300]  }
0x2b8: {  	v28 =	vmul.f32 v28, v0;
	v0 =	vld [tilespmem:$0x1F8B0]  }
0x2b9: {  	v27 =	vld [tilespmem:s18+$0x300];
	s18 =	sor.u32 $0x21A0, s29  }
0x2ba: {  	v24 =	vld [tilespmem:s18+$0x8300]  }
0x2bb: {  	v16 =	vld [tilespmem:s18+$0x300];
	s18 =	sor.u32 $0x21B0, s29  }
0x2bc: {  	v29 =	vld [tilespmem:s18+$0x8300]  }
0x2bd: {  	v37 =	vmul.f32 v37, v0;
	v0 =	vld [tilespmem:$0x1F8C0]  }
0x2be: {  	v19 =	vld [tilespmem:s18+$0x300];
	s18 =	sor.u32 $0x21C0, s29  }
0x2bf: {  	v41 =	vld [tilespmem:s18+$0x8300]  }
0x2c0: {  	v38 =	vld [tilespmem:s18+$0x300];
	s18 =	sor.u32 $0x21D0, s29  }
0x2c1: {  	v45 =	vld [tilespmem:s18+$0x8300]  }
0x2c2: {  	v39 =	vld [tilespmem:s18+$0x300];
	s18 =	sor.u32 $0x2100, s29;
	v0 =	vmul.f32 v55, v0  }
0x2c3: {  	v5 =	vld [tilespmem:s18+$0x8300]  }
0x2c4: {  	[tilespmem:$0x1FAE0] =	vst v0;
	v0 =	vld [tilespmem:$0x1F8E0]  }
0x2c5: {  	v10 =	vmul.f32 v6, v4;
	v4 =	vld [tilespmem:s18+$0x300];
	s18 =	sor.u32 $0x2110, s29  }
0x2c6: {  	v3 =	vld [tilespmem:s18+$0x8300]  }
0x2c7: {  	v48 =	vmul.f32 v7, v2;
	v2 =	vld [tilespmem:s18+$0x300]  }
0x2c8: {  	v55 =	vld [tilespmem:$0x1F900]  }
0x2c9: {  	s18 =	sor.u32 $0x2080, s29;
	v17 =	vmul.f32 v56, v0;
	v56 =	vld [tilespmem:$0x1F910]  }
0x2ca: {  	v1 =	vld [tilespmem:s18+$0x8300]  }
0x2cb: {  	v0 =	vld [tilespmem:s18+$0x300];
	_ =	sdelay $0x2  }
0x2cc: {  	v55 =	vmul.f32 v56, v55;
	v56 =	vld [tilespmem:$0x1F920]  }
0x2cd: {  	s15 =	sor.u32 $0x2120, s29  }
0x2ce: {  	v8 =	vadd.f32 v8, v54;
	v7 =	vld [tilespmem:s15+$0x8300];
	v0 =	vmul.f32 v0, v1  }
0x2cf: {  	v6 =	vld [tilespmem:s15+$0x300];
	s18 =	sor.u32 $0x2090, s29  }
0x2d0: {  	v60 =	vmul.f32 v62, v60;
	v4 =	vmul.f32 v4, v5;
	v62 =	vld [tilespmem:s18+$0x300];
	v0 =	vadd.f32 v0, v8  }
0x2d1: {  	v59 =	vmul.f32 v59, v58;
	v57 =	vmul.f32 v57, v56;
	v56 =	vld [tilespmem:s18+$0x8300];
	s18 =	sor.u32 $0x20A0, s29  }
0x2d2: {  	v58 =	vmul.f32 v44, v47;
	v13 =	vmul.f32 v13, v14;
	v0 =	vadd.f32 v4, v0;
	v44 =	vld [tilespmem:s18+$0x8300]  }
0x2d3: {  	v47 =	vld [tilespmem:s18+$0x300]  }
0x2d4: {  	s18 =	sor.u32 $0x20B0, s29;
	v0 =	vadd.f32 v13, v0;
	v13 =	vld [tilespmem:$0x1F940]  }
0x2d5: {  	v30 =	vmul.f32 v30, v31;
	v31 =	vld [tilespmem:s18+$0x8300]  }
0x2d6: {  	v61 =	vmul.f32 v63, v61;
	v63 =	vld [tilespmem:s18+$0x300];
	s18 =	sor.u32 $0x2130, s29  }
0x2d7: {  	v32 =	vmul.f32 v32, v35;
	v35 =	vmul.f32 v25, v34;
	v25 =	vld [tilespmem:s18+$0x8300]  }
0x2d8: {  	v9 =	vadd.f32 v9, v53;
	v43 =	vmul.f32 v42, v43;
	v2 =	vmul.f32 v2, v3;
	v3 =	vld [tilespmem:s18+$0x300];
	s18 =	sor.u32 $0x2140, s29  }
0x2d9: {  	v11 =	vadd.f32 v11, v52;
	v42 =	vmul.f32 v22, v23;
	v5 =	vld [tilespmem:s18+$0x8300];
	v1 =	vmul.f32 v62, v56  }
0x2da: {  	v10 =	vadd.f32 v10, v51;
	v12 =	vmul.f32 v27, v12;
	v27 =	vld [tilespmem:s18+$0x300];
	s18 =	sor.u32 $0x2150, s29;
	v14 =	vmul.f32 v47, v44  }
0x2db: {  	v6 =	vmul.f32 v6, v7;
	v7 =	vld [tilespmem:s18+$0x300];
	v22 =	vmul.f32 v63, v31;
	v1 =	vadd.f32 v1, v9  }
0x2dc: {  	v31 =	vld [tilespmem:s18+$0x8300];
	s18 =	sor.u32 $0x20C0, s29;
	v8 =	vadd.f32 v14, v11  }
0x2dd: {  	v3 =	vmul.f32 v3, v25;
	v11 =	vld [tilespmem:s18+$0x8300];
	v9 =	vadd.f32 v22, v10;
	v1 =	vadd.f32 v2, v1  }
0x2de: {  	v4 =	vmul.f32 v16, v24;
	v14 =	vld [tilespmem:$0x1F970];
	v6 =	vadd.f32 v6, v8  }
0x2df: {  	v8 =	vmul.f32 v19, v29;
	v3 =	vadd.f32 v3, v9;
	v1 =	vadd.f32 v12, v1;
	v12 =	vld [tilespmem:$0x1F930]  }
0x2e0: {  	v4 =	vadd.f32 v4, v6;
	v6 =	vld [tilespmem:$0x1F950]  }
0x2e1: {  	s15 =	sor.u32 $0x2160, s29;
	v3 =	vadd.f32 v8, v3;
	v8 =	vld [tilespmem:$0x1F960]  }
0x2e2: {  	v15 =	vmul.f32 v15, v18;
	v10 =	vld [tilespmem:s15+$0x8300]  }
0x2e3: {  	v20 =	vmul.f32 v20, v21;
	v9 =	vld [tilespmem:s18+$0x300]  }
0x2e4: {  	s18 =	sor.u32 $0x20D0, s29;
	v1 =	vadd.f32 v15, v1;
	v15 =	vld [tilespmem:$0x1F980];
	v12 =	vmul.f32 v13, v12  }
0x2e5: {  	v0 =	vadd.f32 v20, v0;
	v13 =	vld [tilespmem:s18+$0x8300]  }
0x2e6: {  	v6 =	vmul.f32 v8, v6;
	v8 =	vld [tilespmem:s18+$0x300];
	v4 =	vadd.f32 v12, v4  }
0x2e7: {  	v0 =	vadd.f32 v43, v0;
	v12 =	vld [tilespmem:$0x1F9A0]  }
0x2e8: {  	v3 =	vadd.f32 v6, v3;
	v6 =	vld [tilespmem:$0x1F990];
	v4 =	vadd.f32 v32, v4  }
0x2e9: {  	v0 =	vadd.f32 v55, v0;
	v2 =	vld [tilespmem:s15+$0x300];
	s18 =	sor.u32 $0x20E0, s29  }
0x2ea: {  	v14 =	vmul.f32 v15, v14;
	v15 =	vld [tilespmem:s18+$0x8300];
	v4 =	vadd.f32 v59, v4  }
0x2eb: {  	v54 =	vadd.f32 v26, v0;
	v0 =	vmul.f32 v8, v13;
	v13 =	vld [tilespmem:$0x1F9D0]  }
0x2ec: {  	v3 =	vadd.f32 v30, v3;
	v52 =	vadd.f32 v28, v4;
	v4 =	vld [tilespmem:$0x1F9C0]  }
0x2ed: {  	v34 =	vmul.f32 v12, v6;
	v6 =	vld [tilespmem:s18+$0x300];
	s18 =	sor.u32 $0x20F0, s29  }
0x2ee: {  	v33 =	vmul.f32 v33, v40;
	v3 =	vadd.f32 v60, v3;
	v44 =	vld [tilespmem:s18+$0x8300]  }
0x2ef: {  	v47 =	vld [tilespmem:s18+$0x300]  }
0x2f0: {  	v1 =	vadd.f32 v33, v1;
	s18 =	sor.u32 $0x2170, s29;
	v51 =	vadd.f32 v37, v3;
	v3 =	vld [tilespmem:$0x1F9B0]  }
0x2f1: {  	v62 =	vld [tilespmem:s18+$0x8300]  }
0x2f2: {  	v9 =	vmul.f32 v9, v11;
	v1 =	vadd.f32 v57, v1;
	v11 =	vld [tilespmem:s18+$0x300];
	v4 =	vadd.f32 v46, v4  }
0x2f3: {  	s18 =	sor.u32 $0x21F0, s29;
	v6 =	vmul.f32 v6, v15;
	v15 =	vld [tilespmem:$0x1F9E0]  }
0x2f4: {  	v7 =	vmul.f32 v7, v31;
	v53 =	vadd.f32 v36, v1;
	v1 =	vld [tilespmem:s18+$0x8300];
	v0 =	vadd.f32 v0, v4  }
0x2f5: {  	v4 =	vld [tilespmem:$0x1F9F0]  }
0x2f6: {  	v3 =	vadd.f32 v48, v3;
	v0 =	vadd.f32 v7, v0;
	v7 =	vld [tilespmem:$0x1FA00]  }
0x2f7: {  	v45 =	vmul.f32 v39, v45;
	v5 =	vmul.f32 v27, v5;
	v8 =	vld [tilespmem:s18+$0x300];
	s18 =	sor.u32 $0x2270, s29;
	v13 =	vadd.f32 v50, v13  }
0x2f8: {  	v43 =	vmovc v17;
	v63 =	vld [tilespmem:s18+$0x8300];
	v17 =	vmul.f32 v47, v44;
	v9 =	vadd.f32 v9, v3;
	v15 =	vadd.f32 v49, v15  }
0x2f9: {  	v2 =	vmul.f32 v2, v10;
	v12 =	vmul.f32 v38, v41;
	v10 =	vld [tilespmem:s18+$0x300];
	s18 =	sor.u32 $0x22F0, s29;
	v6 =	vadd.f32 v6, v13  }
0x2fa: {  	v11 =	vmul.f32 v11, v62;
	v3 =	vld [tilespmem:s18+$0x8300];
	v5 =	vadd.f32 v5, v9;
	v13 =	vadd.f32 v17, v15  }
0x2fb: {  	v2 =	vadd.f32 v2, v6;
	v6 =	vld [tilespmem:$0x1FA20];
	v0 =	vadd.f32 v45, v0;
	v7 =	vmul.f32 v7, v4  }
0x2fc: {  	v8 =	vmul.f32 v8, v1;
	v11 =	vadd.f32 v11, v13;
	v13 =	vadd.f32 v12, v5;
	v5 =	vld [tilespmem:$0x1FA10]  }
0x2fd: {  	s4 =	sadd.s32 $0x8, s4;
	v9 =	vadd.f32 v7, v2;
	v7 =	vld [tilespmem:$0x1FA40]  }
0x2fe: {  	p1 =	slt.u32 s4, $0x38;
	v8 =	vadd.f32 v8, v11;
	v11 =	vadd.f32 v34, v0;
	v0 =	vld [tilespmem:$0x1FA30]  }
.Ltmp1:
0x2ff: {  	v4 =	vld [tilespmem:s18+$0x300];
	s18 =	sor.u32 $0x2370, s29;
	(pc) =	sbr.rel @p1 .LBB2_5-.Ltmp1, $4  }
0x300: {  	v1 =	vld [tilespmem:s18+$0x8300]  }
0x301: {  	v6 =	vmul.f32 v6, v5;
	v5 =	vld [tilespmem:s18+$0x300];
	s18 =	sor.u32 $0x23F0, s29  }
0x302: {  	v2 =	vld [tilespmem:s18+$0x8300]  }
0x303: {  	s0 =	sadd.s32 $0x400, s0;
	v12 =	vmul.f32 v10, v63;
	v13 =	vadd.f32 v14, v13;
	v7 =	vmul.f32 v7, v0;
	v0 =	vld [tilespmem:s18+$0x300]  }
0x304: {  	v10 =	vld [tilespmem:$0x1FA70]  }
0x305: {  	v56 =	vld [tilespmem:$0x1FA80]  }
0x306: {  	v3 =	vmul.f32 v4, v3;
	v59 =	vld [tilespmem:$0x1FA50];
	v50 =	vadd.f32 v35, v13;
	v8 =	vadd.f32 v12, v8  }
0x307: {  	v6 =	vadd.f32 v6, v9;
	v55 =	vadd.f32 v42, v11;
	v60 =	vld [tilespmem:$0x1FA60]  }
0x308: {  	v1 =	vmul.f32 v5, v1;
	v57 =	vadd.f32 v61, v50;
	v3 =	vadd.f32 v3, v8;
	v61 =	vld [tilespmem:$0x1FAE0]  }
0x309: {  	[tilespmem:$0x10380] =	vst v54;
	v6 =	vadd.f32 v7, v6;
	v4 =	vadd.f32 v58, v55  }
0x30a: {  	[tilespmem:$0x10390] =	vst v53;
	v0 =	vmul.f32 v0, v2;
	v10 =	vmul.f32 v56, v10;
	v1 =	vadd.f32 v1, v3  }
0x30b: {  	[tilespmem:$0x103A0] =	vst v52;
	v62 =	vadd.f32 v43, v4  }
0x30c: {  	[tilespmem:$0x103B0] =	vst v51;
	v5 =	vmul.f32 v60, v59;
	v6 =	vadd.f32 v10, v6;
	v0 =	vadd.f32 v0, v1  }
0x30d: {  	[tilespmem:$0x103D0] =	vst v62;
	v7 =	vadd.f32 v61, v57  }
0x30e: {  	v63 =	vadd.f32 v5, v6;
	[tilespmem:$0x103F0] =	vst v0  }
0x30f: {  	s0 =	sshll.u32 s28, $0x5;
	[tilespmem:$0x103C0] =	vst v7  }
0x310: {  	s29 =	sshll.u32 s28, $0x4;
	s0 =	sadd.s32 s0, s10;
	[tilespmem:$0x103E0] =	vst v63  }
0x311: {  	[hbm4b:s0+s6] =	stream.linear.scatter [tilespmem:s23], [sflag:$0x3], $0x100, $0x38;
	[tilespmem:$0x10400] =	vst v63  }
0x312: {  	s0 =	sadd.s32 $0x20, s29  }
0x313: {  	p1 =	sne.s32 s26, $0x3F;
	_ =	swait.ge [sflag:s24], $0x100;
	s0 =	sand.u32 $0x3F0, s0  }
.Ltmp2:
0x314: {  	[sflag:s24] =	ssyncset.done $0x0;
	s0 =	sor.u32 s7, s0;
	(pc) =	sbr.rel @p1 .LBB2_2-.Ltmp2, $4  }
0x315: {  	s31 =	sor.u32 $0x200, s30;
	[sflag:s24] =	ssyncadd.s32 $0xFFFFFF00;
	s4 =	sadd.s32 s2, s0  }
0x316: {  	[tilespmem:s30], [sflag:$0x1] =	stream.linear.gather [hbm4b:s4+s6], $0x80, $0x38;
	[tilespmem:$0x10400] =	vst v63  }
0x317: {  	p0 =	por !p0, !p0;
	s28 =	smov.u32 s26;
	s0 =	sadd.s32 s3, s0  }
0x318: {  	[tilespmem:s31], [sflag:$0x1] =	stream.linear.gather [hbm4b:s0+s6], $0x80, $0x38;
	[tilespmem:$0x10400] =	vst v63  }
0x319: {  	_ =	swait.ge [sflag:s22], $0x4000  }
0x31a: {  	[sflag:s22] =	ssyncset.done $0x0  }
0x31b: {  	[sflag:s22] =	ssyncadd.s32 $0xFFFFC000  }
0x31c: {  	_ =	swait.ge [sflag:s22], $0x4000  }
0x31d: {  	[sflag:s22] =	ssyncset.done $0x0  }
0x31e: {  	s0 =	simm.s32 $0x0;
	[sflag:s22] =	ssyncadd.s32 $0xFFFFC000  }
0x31f: {  	v56 =	vld [tilespmem:s0+$0xC680]  }
0x320: {  	v62 =	vld [tilespmem:s0+$0x4680]  }
0x321: {  	v0 =	vld [tilespmem:s0+$0xC690]  }
0x322: {  	v6 =	vld [tilespmem:s0+$0x4690]  }
0x323: {  	v7 =	vld [tilespmem:s0+$0x46A0]  }
0x324: {  	v11 =	vld [tilespmem:s0+$0xC6C0]  }
0x325: {  	v43 =	vld [tilespmem:s0+$0x46C0]  }
0x326: {  	v20 =	vld [tilespmem:s0+$0xC6D0]  }
0x327: {  	v21 =	vld [tilespmem:s0+$0x46D0]  }
0x328: {  	v41 =	vld [tilespmem:s0+$0xC6E0]  }
0x329: {  	v35 =	vld [tilespmem:s0+$0x46E0]  }
0x32a: {  	v12 =	vld [tilespmem:s0+$0xC600]  }
0x32b: {  	v13 =	vld [tilespmem:s0+$0x4600]  }
0x32c: {  	v18 =	vld [tilespmem:s0+$0xC610]  }
0x32d: {  	v9 =	vld [tilespmem:s0+$0x4610]  }
0x32e: {  	v28 =	vld [tilespmem:s0+$0xC620]  }
0x32f: {  	v2 =	vld [tilespmem:s0+$0x4620]  }
0x330: {  	v1 =	vld [tilespmem:s0+$0xC630]  }
0x331: {  	v8 =	vld [tilespmem:s0+$0xC560]  }
0x332: {  	v4 =	vld [tilespmem:s0+$0x4630]  }
0x333: {  	v32 =	vld [tilespmem:s0+$0xC640]  }
0x334: {  	v33 =	vld [tilespmem:s0+$0x4640]  }
0x335: {  	v34 =	vld [tilespmem:s0+$0xC650]  }
0x336: {  	[tilespmem:$0x1F820] =	vst v8;
	v8 =	vld [tilespmem:s0+$0xC4A0]  }
0x337: {  	v40 =	vld [tilespmem:s0+$0x4650]  }
0x338: {  	v47 =	vld [tilespmem:s0+$0xC660]  }
0x339: {  	v53 =	vld [tilespmem:s0+$0x4660]  }
0x33a: {  	v3 =	vld [tilespmem:s0+$0xC580]  }
0x33b: {  	[tilespmem:$0x1F6C0] =	vst v8;
	v8 =	vld [tilespmem:s0+$0x44A0]  }
0x33c: {  	v37 =	vld [tilespmem:s0+$0x4580]  }
0x33d: {  	v38 =	vld [tilespmem:s0+$0xC590]  }
0x33e: {  	v30 =	vld [tilespmem:s0+$0x4590]  }
0x33f: {  	v31 =	vld [tilespmem:s0+$0xC5A0]  }
0x340: {  	[tilespmem:$0x1F6D0] =	vst v8;
	v8 =	vld [tilespmem:s0+$0xC4B0]  }
0x341: {  	v36 =	vld [tilespmem:s0+$0x45A0]  }
0x342: {  	v42 =	vld [tilespmem:s0+$0xC5B0]  }
0x343: {  	v29 =	vld [tilespmem:s0+$0x45B0]  }
0x344: {  	v44 =	vld [tilespmem:s0+$0xC5C0]  }
0x345: {  	[tilespmem:$0x1F6E0] =	vst v8;
	v8 =	vld [tilespmem:s0+$0x44B0]  }
0x346: {  	v45 =	vld [tilespmem:s0+$0x45C0]  }
0x347: {  	v46 =	vld [tilespmem:s0+$0xC5D0]  }
0x348: {  	v39 =	vld [tilespmem:s0+$0x45D0]  }
0x349: {  	v5 =	vld [tilespmem:s0+$0xC5E0]  }
0x34a: {  	[tilespmem:$0x1F6F0] =	vst v8;
	v8 =	vld [tilespmem:s0+$0xC4C0]  }
0x34b: {  	v60 =	vld [tilespmem:s0+$0x45E0]  }
0x34c: {  	v48 =	vld [tilespmem:s0+$0xC500]  }
0x34d: {  	v49 =	vld [tilespmem:s0+$0x4500]  }
0x34e: {  	v50 =	vld [tilespmem:s0+$0xC510]  }
0x34f: {  	[tilespmem:$0x1F700] =	vst v8;
	v8 =	vld [tilespmem:s0+$0x44C0]  }
0x350: {  	v51 =	vld [tilespmem:s0+$0x4510]  }
0x351: {  	v52 =	vld [tilespmem:s0+$0xC520]  }
0x352: {  	v54 =	vld [tilespmem:s0+$0xC530]  }
0x353: {  	v55 =	vld [tilespmem:s0+$0x4530]  }
0x354: {  	[tilespmem:$0x1F710] =	vst v8;
	v8 =	vld [tilespmem:s0+$0xC4D0]  }
0x355: {  	v15 =	vld [tilespmem:s0+$0xC540]  }
0x356: {  	v57 =	vld [tilespmem:s0+$0x4540]  }
0x357: {  	v58 =	vld [tilespmem:s0+$0xC550]  }
0x358: {  	v59 =	vld [tilespmem:s0+$0x4550]  }
0x359: {  	[tilespmem:$0x1F720] =	vst v8;
	v8 =	vld [tilespmem:s0+$0x44D0]  }
0x35a: {  	v61 =	vld [tilespmem:s0+$0x4560]  }
0x35b: {  	v19 =	vld [tilespmem:s0+$0xC490]  }
0x35c: {  	v63 =	vld [tilespmem:s0+$0x4490]  }
0x35d: {  	v23 =	vld [tilespmem:s0+$0xC400]  }
0x35e: {  	[tilespmem:$0x1F730] =	vst v8;
	v8 =	vld [tilespmem:s0+$0xC4E0]  }
0x35f: {  	v22 =	vld [tilespmem:s0+$0x4400]  }
0x360: {  	v17 =	vld [tilespmem:s0+$0xC410]  }
0x361: {  	v16 =	vld [tilespmem:s0+$0x4410]  }
0x362: {  	v25 =	vld [tilespmem:s0+$0xC420]  }
0x363: {  	[tilespmem:$0x1F800] =	vst v8;
	v8 =	vld [tilespmem:s0+$0x44E0]  }
0x364: {  	v24 =	vld [tilespmem:s0+$0x4420]  }
0x365: {  	v27 =	vld [tilespmem:s0+$0xC430]  }
0x366: {  	v26 =	vld [tilespmem:s0+$0x4430]  }
0x367: {  	v14 =	vld [tilespmem:s0+$0xC380]  }
0x368: {  	[tilespmem:$0x1F810] =	vst v8;
	v8 =	vld [tilespmem:s0+$0xC440]  }
0x369: {  	v10 =	vld [tilespmem:s0+$0x4380]  }
0x36a: {  	[tilespmem:$0x1F680] =	vst v0;
	v0 =	vld [tilespmem:s0+$0xC6A0]  }
0x36b: {  	[tilespmem:$0x1F660] =	vst v5;
	v5 =	vld [tilespmem:s0+$0x4520]  }
0x36c: {  	[tilespmem:$0x1F670] =	vst v60;
	v60 =	vld [tilespmem:s0+$0xC480]  }
0x36d: {  	[tilespmem:$0x1F740] =	vst v8;
	v8 =	vld [tilespmem:s0+$0x4440]  }
0x36e: {  	[tilespmem:$0x1F830] =	vst v61;
	v61 =	vld [tilespmem:s0+$0x4480]  }
0x36f: {  	v43 =	vmul.f32 v43, v11;
	v11 =	vld [tilespmem:s0+$0xC3A0]  }
0x370: {  	v28 =	vmul.f32 v2, v28;
	v2 =	vmul.f32 v4, v1;
	v1 =	vld [tilespmem:s0+$0xC300]  }
0x371: {  	v40 =	vmul.f32 v40, v34;
	v34 =	vld [tilespmem:s0+$0xC310]  }
0x372: {  	[tilespmem:$0x1F750] =	vst v8;
	v8 =	vld [tilespmem:s0+$0xC450]  }
0x373: {  	v33 =	vmul.f32 v33, v32;
	v32 =	vmul.f32 v37, v3;
	v37 =	vld [tilespmem:s0+$0x4310]  }
0x374: {  	v9 =	vmul.f32 v9, v18;
	v18 =	vld [tilespmem:s0+$0x4320]  }
0x375: {  	v3 =	vmul.f32 v36, v31;
	v36 =	vld [tilespmem:s0+$0xC330]  }
0x376: {  	v16 =	vmul.f32 v16, v17;
	v17 =	vld [tilespmem:s0+$0x43B0]  }
0x377: {  	[tilespmem:$0x1F760] =	vst v8;
	v8 =	vld [tilespmem:s0+$0x4450]  }
0x378: {  	[tilespmem:$0x1F690] =	vst v0;
	v0 =	vld [tilespmem:s0+$0xC6B0]  }
0x379: {  	v62 =	vmul.f32 v62, v56;
	v56 =	vld [tilespmem:$0x1F680]  }
0x37a: {  	v20 =	vmul.f32 v21, v20;
	v21 =	vmul.f32 v59, v58;
	v58 =	vld [tilespmem:s0+$0xC3D0]  }
0x37b: {  	[tilespmem:$0x1F7A0] =	vst v62;
	v62 =	vld [tilespmem:$0x1F690]  }
0x37c: {  	[tilespmem:$0x1F770] =	vst v8;
	v8 =	vld [tilespmem:s0+$0xC460]  }
0x37d: {  	[tilespmem:$0x1F6A0] =	vst v0;
	v0 =	vld [tilespmem:s0+$0x46B0]  }
0x37e: {  	v6 =	vmul.f32 v6, v56;
	v56 =	vld [tilespmem:$0x1F6A0]  }
0x37f: {  	v31 =	vmul.f32 v57, v15;
	v15 =	vld [tilespmem:s0+$0xC3E0]  }
0x380: {  	[tilespmem:$0x1F790] =	vst v9;
	v9 =	vld [tilespmem:s0+$0x43A0]  }
0x381: {  	v4 =	vmul.f32 v29, v42;
	[tilespmem:$0x1F7E0] =	vst v8;
	v8 =	vld [tilespmem:s0+$0x4460]  }
0x382: {  	v42 =	vmul.f32 v5, v52;
	v52 =	vld [tilespmem:s0+$0xC3B0];
	[tilespmem:$0x1F7B0] =	vst v6;
	v6 =	vmul.f32 v7, v62  }
0x383: {  	[tilespmem:$0x1F6B0] =	vst v33;
	v33 =	vmul.f32 v30, v38;
	v38 =	vld [tilespmem:s0+$0xC320];
	v0 =	vmul.f32 v0, v56  }
0x384: {  	[tilespmem:$0x1F7C0] =	vst v6;
	v6 =	vld [tilespmem:s0+$0x4300]  }
0x385: {  	v19 =	vmul.f32 v63, v19;
	v22 =	vmul.f32 v22, v23;
	[tilespmem:$0x1F7D0] =	vst v0;
	v0 =	vld [tilespmem:s0+$0x4390]  }
0x386: {  	v10 =	vmul.f32 v10, v14;
	v23 =	vmul.f32 v37, v34;
	[tilespmem:$0x1F7F0] =	vst v8;
	v8 =	vld [tilespmem:s0+$0xC390]  }
0x387: {  	v17 =	vmul.f32 v17, v52;
	v52 =	vld [tilespmem:s0+$0xC370];
	v62 =	vmul.f32 v13, v12  }
0x388: {  	v7 =	vmul.f32 v55, v54;
	v55 =	vmul.f32 v18, v38;
	v63 =	vld [tilespmem:$0x1F6D0]  }
0x389: {  	v37 =	vimm.f32 $0.0e+00;
	[tilespmem:$0x1F780] =	vst v62;
	v62 =	vmul.f32 v39, v46;
	v39 =	vld [tilespmem:s0+$0x4330];
	v14 =	vmul.f32 v6, v1  }
0x38a: {  	v9 =	vmul.f32 v9, v11;
	v46 =	vmul.f32 v61, v60;
	v5 =	vadd.f32 v55, v37;
	v61 =	vld [tilespmem:$0x1F6C0]  }
0x38b: {  	v54 =	vld [tilespmem:s0+$0xC3C0];
	v59 =	vadd.f32 v14, v37;
	v14 =	vadd.f32 v23, v37;
	v0 =	vmul.f32 v0, v8  }
0x38c: {  	v13 =	vmul.f32 v51, v50;
	v50 =	vld [tilespmem:s0+$0x4360];
	v60 =	vmul.f32 v24, v25;
	v9 =	vadd.f32 v9, v5  }
0x38d: {  	v25 =	vld [tilespmem:s0+$0xC340];
	v0 =	vadd.f32 v0, v14  }
0x38e: {  	v24 =	vmul.f32 v26, v27;
	v26 =	vld [tilespmem:s0+$0x4350];
	v9 =	vadd.f32 v60, v9  }
0x38f: {  	v57 =	vmul.f32 v39, v36;
	v36 =	vld [tilespmem:$0x1F6E0];
	v0 =	vadd.f32 v16, v0;
	v16 =	vmul.f32 v63, v61  }
0x390: {  	v39 =	vld [tilespmem:$0x1F6F0];
	v10 =	vadd.f32 v10, v59  }
0x391: {  	v55 =	vld [tilespmem:s0+$0x4370];
	v34 =	vadd.f32 v57, v37;
	v9 =	vadd.f32 v16, v9  }
0x392: {  	v60 =	vld [tilespmem:s0+$0x44F0];
	v10 =	vadd.f32 v22, v10  }
0x393: {  	v1 =	vld [tilespmem:s0+$0x43C0];
	v17 =	vadd.f32 v17, v34;
	v9 =	vadd.f32 v42, v9  }
0x394: {  	v12 =	vmul.f32 v49, v48;
	v23 =	vld [tilespmem:s0+$0x43D0];
	v10 =	vadd.f32 v46, v10  }
0x395: {  	v34 =	vadd.f32 v24, v17;
	v17 =	vmul.f32 v39, v36;
	v9 =	vadd.f32 v3, v9;
	v3 =	vld [tilespmem:$0x1F780]  }
0x396: {  	v59 =	vld [tilespmem:s0+$0xC4F0];
	v10 =	vadd.f32 v12, v10  }
0x397: {  	v22 =	vld [tilespmem:s0+$0x4340];
	v11 =	vadd.f32 v17, v34  }
0x398: {  	v1 =	vmul.f32 v1, v54;
	v24 =	vld [tilespmem:s0+$0xC350];
	v54 =	vadd.f32 v32, v10  }
0x399: {  	v23 =	vmul.f32 v23, v58;
	v58 =	vld [tilespmem:s0+$0xC3F0];
	v11 =	vadd.f32 v7, v11;
	v0 =	vadd.f32 v19, v0  }
0x39a: {  	v8 =	vadd.f32 v3, v54;
	v3 =	vld [tilespmem:$0x1F790]  }
0x39b: {  	v56 =	vmul.f32 v45, v44;
	v44 =	vld [tilespmem:$0x1F700];
	v57 =	vadd.f32 v4, v11;
	v0 =	vadd.f32 v13, v0  }
0x39c: {  	v22 =	vmul.f32 v22, v25;
	v25 =	vld [tilespmem:s0+$0x43F0]  }
0x39d: {  	v24 =	vmul.f32 v26, v24;
	v26 =	vadd.f32 v2, v57;
	v2 =	vld [tilespmem:$0x1F7A0];
	v0 =	vadd.f32 v33, v0  }
0x39e: {  	v46 =	vld [tilespmem:$0x1F720]  }
0x39f: {  	v0 =	vadd.f32 v3, v0;
	v3 =	vld [tilespmem:$0x1F7C0]  }
0x3a0: {  	v48 =	vld [tilespmem:$0x1F730]  }
0x3a1: {  	v49 =	vld [tilespmem:$0x1F740]  }
0x3a2: {  	v17 =	vld [tilespmem:$0x1F750];
	v9 =	vadd.f32 v28, v9  }
0x3a3: {  	v51 =	vld [tilespmem:$0x1F760]  }
0x3a4: {  	v22 =	vadd.f32 v22, v37;
	v29 =	vadd.f32 v3, v9;
	v3 =	vld [tilespmem:$0x1F7D0]  }
0x3a5: {  	v12 =	vld [tilespmem:$0x1F770]  }
0x3a6: {  	v22 =	vadd.f32 v1, v22;
	v1 =	vld [tilespmem:$0x1F7E0]  }
0x3a7: {  	v16 =	vld [tilespmem:s0+$0xC360]  }
0x3a8: {  	v36 =	vadd.f32 v2, v8;
	v2 =	vld [tilespmem:$0x1F7B0]  }
0x3a9: {  	v5 =	vmul.f32 v48, v46;
	v46 =	vadd.f32 v3, v26;
	v3 =	vld [tilespmem:$0x1F7F0]  }
0x3aa: {  	v14 =	vld [tilespmem:s0+$0x43E0]  }
0x3ab: {  	v61 =	vld [tilespmem:$0x1F810]  }
0x3ac: {  	v24 =	vadd.f32 v24, v37;
	v28 =	vld [tilespmem:s0+$0xC470]  }
0x3ad: {  	v30 =	vadd.f32 v2, v0;
	v0 =	vld [tilespmem:s0+$0x4470]  }
0x3ae: {  	v23 =	vadd.f32 v23, v24;
	v16 =	vmul.f32 v50, v16;
	v24 =	vmul.f32 v3, v1;
	v3 =	vld [tilespmem:$0x1F800]  }
0x3af: {  	v45 =	vld [tilespmem:$0x1F710];
	v2 =	vmul.f32 v55, v52  }
0x3b0: {  	v63 =	vld [tilespmem:$0x1F830];
	v14 =	vmul.f32 v14, v15;
	v16 =	vadd.f32 v16, v37  }
0x3b1: {  	v25 =	vmul.f32 v25, v58;
	v26 =	vadd.f32 v2, v37;
	v2 =	vld [tilespmem:s0+$0xC570]  }
0x3b2: {  	v17 =	vmul.f32 v17, v49;
	v6 =	vmul.f32 v12, v51;
	v14 =	vadd.f32 v14, v16;
	v1 =	vld [tilespmem:s0+$0x4570]  }
0x3b3: {  	v0 =	vmul.f32 v0, v28;
	v16 =	vadd.f32 v25, v26;
	v28 =	vmul.f32 v61, v3;
	v3 =	vld [tilespmem:$0x1F820]  }
0x3b4: {  	v27 =	vmul.f32 v45, v44;
	v22 =	vadd.f32 v17, v22;
	v17 =	vld [tilespmem:s0+$0x45F0]  }
0x3b5: {  	v32 =	vmul.f32 v60, v59;
	v23 =	vadd.f32 v6, v23;
	v26 =	vld [tilespmem:s0+$0xC5F0];
	v0 =	vadd.f32 v0, v16  }
0x3b6: {  	v25 =	vadd.f32 v27, v22;
	v16 =	vld [tilespmem:s0+$0xC670];
	v24 =	vadd.f32 v24, v14  }
0x3b7: {  	v27 =	vadd.f32 v5, v23;
	v23 =	vadd.f32 v32, v0;
	v0 =	vld [tilespmem:s0+$0xC6F0]  }
0x3b8: {  	s4 =	simm.s32 $0x0;
	s15 =	simm.s32 $0x1000;
	v14 =	vld [tilespmem:s0+$0x4670];
	v24 =	vadd.f32 v28, v24;
	v28 =	vmul.f32 v1, v2;
	v22 =	vmul.f32 v63, v3  }
.LBB2_8:
0x3b9: {  	v1 =	vld [tilespmem:$0x1F660]  }
0x3ba: {  	v2 =	vld [tilespmem:$0x1F670];
	_ =	sdelay $0x3  }
0x3bb: {  	v5 =	vld [tilespmem:s0+$0x46F0];
	v22 =	vadd.f32 v22, v24  }
0x3bc: {  	v23 =	vadd.f32 v28, v23;
	v17 =	vmul.f32 v17, v26;
	v4 =	vmul.f32 v2, v1  }
0x3bd: {  	v14 =	vmul.f32 v14, v16  }
0x3be: {  	v2 =	vmul.f32 v53, v47;
	v37 =	vadd.f32 v17, v23;
	v3 =	vadd.f32 v4, v22;
	_ =	sdelay $0x1  }
0x3bf: {  	v0 =	vmul.f32 v5, v0;
	v2 =	vadd.f32 v2, v3;
	v3 =	vadd.f32 v14, v37;
	_ =	sdelay $0x1  }
0x3c0: {  	v0 =	vadd.f32 v0, v3  }
0x3c1: {  	s0 =	sshra.s32 s15, $0x2  }
0x3c2: {  	[tilespmem:$0x1F5F0] =	vst v0;
	v0 =	vld [tilespmem:s0+$0xC6E0];
	_ =	sdelay $0x4  }
0x3c3: {  	[tilespmem:$0x1F510] =	vst v0;
	v0 =	vld [tilespmem:s0+$0x46E0];
	_ =	sdelay $0x4  }
0x3c4: {  	[tilespmem:$0x1F5A0] =	vst v0;
	v0 =	vld [tilespmem:s0+$0xC600];
	_ =	sdelay $0x4  }
0x3c5: {  	[tilespmem:$0x1F440] =	vst v0;
	v0 =	vld [tilespmem:s0+$0x4600];
	_ =	sdelay $0x4  }
0x3c6: {  	[tilespmem:$0x1F450] =	vst v0;
	v0 =	vld [tilespmem:s0+$0xC610];
	_ =	sdelay $0x4  }
0x3c7: {  	[tilespmem:$0x1F460] =	vst v0;
	v0 =	vld [tilespmem:s0+$0x4610];
	_ =	sdelay $0x4  }
0x3c8: {  	[tilespmem:$0x1F470] =	vst v0;
	v0 =	vld [tilespmem:s0+$0xC620];
	_ =	sdelay $0x4  }
0x3c9: {  	[tilespmem:$0x1F480] =	vst v0;
	v0 =	vld [tilespmem:s0+$0x4620];
	_ =	sdelay $0x4  }
0x3ca: {  	[tilespmem:$0x1F490] =	vst v0;
	v0 =	vld [tilespmem:s0+$0xC630];
	_ =	sdelay $0x4  }
0x3cb: {  	[tilespmem:$0x1F4A0] =	vst v0;
	v0 =	vld [tilespmem:s0+$0x4630];
	_ =	sdelay $0x4  }
0x3cc: {  	[tilespmem:$0x1F4B0] =	vst v0;
	v0 =	vld [tilespmem:s0+$0xC640];
	_ =	sdelay $0x4  }
0x3cd: {  	[tilespmem:$0x1F4C0] =	vst v0;
	v0 =	vld [tilespmem:s0+$0x4640];
	_ =	sdelay $0x4  }
0x3ce: {  	[tilespmem:$0x1F4D0] =	vst v0;
	v0 =	vld [tilespmem:s0+$0xC650];
	_ =	sdelay $0x4  }
0x3cf: {  	[tilespmem:$0x1F4E0] =	vst v0;
	v0 =	vld [tilespmem:s0+$0x4650];
	_ =	sdelay $0x4  }
0x3d0: {  	[tilespmem:$0x1F4F0] =	vst v0;
	v0 =	vld [tilespmem:s0+$0xC660];
	_ =	sdelay $0x4  }
0x3d1: {  	[tilespmem:$0x1F500] =	vst v0;
	v0 =	vld [tilespmem:s0+$0x4660];
	_ =	sdelay $0x4  }
0x3d2: {  	[tilespmem:$0x1F590] =	vst v0;
	v0 =	vld [tilespmem:s0+$0xC5E0];
	_ =	sdelay $0x4  }
0x3d3: {  	[tilespmem:$0x1F660] =	vst v0;
	v0 =	vld [tilespmem:s0+$0x45E0]  }
0x3d4: {  	v7 =	vld [tilespmem:s0+$0xC680]  }
0x3d5: {  	v54 =	vld [tilespmem:s0+$0x4680]  }
0x3d6: {  	v55 =	vld [tilespmem:s0+$0x4690]  }
0x3d7: {  	v28 =	vld [tilespmem:s0+$0xC6A0]  }
0x3d8: {  	[tilespmem:$0x1F670] =	vst v0;
	v0 =	vld [tilespmem:s0+$0xC560]  }
0x3d9: {  	v51 =	vld [tilespmem:s0+$0x46A0]  }
0x3da: {  	v32 =	vld [tilespmem:s0+$0x46B0]  }
0x3db: {  	v48 =	vld [tilespmem:s0+$0x46D0]  }
0x3dc: {  	v57 =	vld [tilespmem:s0+$0xC590]  }
0x3dd: {  	[tilespmem:$0x1F640] =	vst v0;
	v0 =	vld [tilespmem:s0+$0x4560]  }
0x3de: {  	v59 =	vld [tilespmem:s0+$0x4590]  }
0x3df: {  	v58 =	vld [tilespmem:s0+$0xC5A0]  }
0x3e0: {  	v60 =	vld [tilespmem:s0+$0x45A0]  }
0x3e1: {  	v61 =	vld [tilespmem:s0+$0xC5B0]  }
0x3e2: {  	[tilespmem:$0x1F650] =	vst v0;
	v0 =	vld [tilespmem:s0+$0xC4A0]  }
0x3e3: {  	v63 =	vld [tilespmem:s0+$0x45B0]  }
0x3e4: {  	v45 =	vld [tilespmem:s0+$0x45C0]  }
0x3e5: {  	v44 =	vld [tilespmem:s0+$0xC5D0]  }
0x3e6: {  	v34 =	vld [tilespmem:s0+$0x4500]  }
0x3e7: {  	[tilespmem:$0x1F530] =	vst v0;
	v0 =	vld [tilespmem:s0+$0xC4B0]  }
0x3e8: {  	v33 =	vld [tilespmem:s0+$0xC510]  }
0x3e9: {  	v25 =	vadd.f32 v31, v25;
	v31 =	vld [tilespmem:s0+$0x4510]  }
0x3ea: {  	[tilespmem:$0x1F520] =	vst v36;
	v36 =	vld [tilespmem:s0+$0xC520]  }
0x3eb: {  	v27 =	vadd.f32 v21, v27;
	v21 =	vld [tilespmem:s0+$0xC550]  }
0x3ec: {  	[tilespmem:$0x1F540] =	vst v0;
	v0 =	vld [tilespmem:s0+$0xC4C0]  }
0x3ed: {  	v19 =	vld [tilespmem:s0+$0xC480]  }
0x3ee: {  	v18 =	vld [tilespmem:s0+$0x4480]  }
0x3ef: {  	v13 =	vld [tilespmem:s0+$0x4490]  }
0x3f0: {  	v52 =	vld [tilespmem:s0+$0x44A0]  }
0x3f1: {  	[tilespmem:$0x1F550] =	vst v0;
	v0 =	vld [tilespmem:s0+$0x44C0]  }
0x3f2: {  	v50 =	vld [tilespmem:s0+$0x44B0]  }
0x3f3: {  	v11 =	vld [tilespmem:s0+$0xC400]  }
0x3f4: {  	v10 =	vld [tilespmem:s0+$0x4400]  }
0x3f5: {  	v9 =	vld [tilespmem:s0+$0xC410]  }
0x3f6: {  	[tilespmem:$0x1F560] =	vst v0;
	v0 =	vld [tilespmem:s0+$0xC4D0]  }
0x3f7: {  	v8 =	vld [tilespmem:s0+$0x4410]  }
0x3f8: {  	v15 =	vld [tilespmem:s0+$0xC420]  }
0x3f9: {  	v12 =	vld [tilespmem:s0+$0x4420]  }
0x3fa: {  	v42 =	vld [tilespmem:s0+$0xC440]  }
0x3fb: {  	[tilespmem:$0x1F570] =	vst v0;
	v0 =	vld [tilespmem:s0+$0x44D0]  }
0x3fc: {  	v6 =	vld [tilespmem:s0+$0xC380]  }
0x3fd: {  	v24 =	vadd.f32 v56, v25;
	v56 =	vld [tilespmem:s0+$0x4580]  }
0x3fe: {  	v25 =	vadd.f32 v62, v27;
	v62 =	vld [tilespmem:s0+$0xC5C0]  }
0x3ff: {  	v27 =	vld [tilespmem:s0+$0x4520]  }
0x400: {  	[tilespmem:$0x1F580] =	vst v0;
	v0 =	vld [tilespmem:s0+$0xC4E0]  }
0x401: {  	v26 =	vld [tilespmem:s0+$0xC690]  }
0x402: {  	v1 =	vld [tilespmem:$0x1F6B0]  }
0x403: {  	v5 =	vld [tilespmem:s0+$0xC6B0]  }
0x404: {  	v53 =	vld [tilespmem:s0+$0xC580]  }
0x405: {  	[tilespmem:$0x1F620] =	vst v0;
	v0 =	vld [tilespmem:s0+$0x44E0]  }
0x406: {  	v17 =	vadd.f32 v40, v25;
	v40 =	vld [tilespmem:s0+$0xC6D0]  }
0x407: {  	v25 =	vld [tilespmem:s0+$0xC530]  }
0x408: {  	v23 =	vld [tilespmem:s0+$0x4530]  }
0x409: {  	v54 =	vmul.f32 v54, v7;
	v7 =	vld [tilespmem:s0+$0xC3A0]  }
0x40a: {  	v16 =	vadd.f32 v1, v24;
	v1 =	vmul.f32 v35, v41;
	[tilespmem:$0x1F630] =	vst v0;
	v0 =	vld [tilespmem:s0+$0xC460]  }
0x40b: {  	v57 =	vmul.f32 v59, v57;
	v59 =	vld [tilespmem:s0+$0x4310]  }
0x40c: {  	v58 =	vmul.f32 v60, v58;
	v60 =	vmul.f32 v63, v61;
	v61 =	vld [tilespmem:s0+$0xC320];
	v1 =	vadd.f32 v1, v2  }
0x40d: {  	v35 =	vld [tilespmem:s0+$0x46C0]  }
0x40e: {  	[tilespmem:$0x1F5E0] =	vst v1;
	v1 =	vld [tilespmem:s0+$0xC6C0]  }
0x40f: {  	[tilespmem:$0x1F600] =	vst v0;
	v0 =	vld [tilespmem:s0+$0x4460]  }
0x410: {  	v63 =	vld [tilespmem:s0+$0xC330]  }
0x411: {  	v18 =	vmul.f32 v18, v19;
	v19 =	vld [tilespmem:s0+$0xC3D0]  }
0x412: {  	v22 =	vld [tilespmem:s0+$0x4540]  }
0x413: {  	v4 =	vld [tilespmem:s0+$0x4380]  }
0x414: {  	v39 =	vadd.f32 v20, v17;
	v20 =	vld [tilespmem:s0+$0x4550];
	[tilespmem:$0x1F610] =	vst v0;
	v0 =	vmul.f32 v35, v1  }
0x415: {  	v1 =	vld [tilespmem:$0x1F450]  }
0x416: {  	[tilespmem:$0x1F5D0] =	vst v0;
	v0 =	vld [tilespmem:$0x1F440]  }
0x417: {  	v17 =	vld [tilespmem:s0+$0xC490]  }
0x418: {  	v37 =	vld [tilespmem:s0+$0xC500]  }
0x419: {  	v14 =	vld [tilespmem:s0+$0x4430]  }
0x41a: {  	v41 =	vld [tilespmem:s0+$0x45D0]  }
0x41b: {  	v51 =	vmul.f32 v51, v28;
	v28 =	vmul.f32 v1, v0;
	v0 =	vld [tilespmem:$0x1F460]  }
0x41c: {  	v1 =	vld [tilespmem:$0x1F470]  }
0x41d: {  	v24 =	vld [tilespmem:s0+$0xC540]  }
0x41e: {  	[tilespmem:$0x1F5C0] =	vst v39;
	v39 =	vld [tilespmem:s0+$0x4450]  }
0x41f: {  	v49 =	vmul.f32 v32, v5;
	v5 =	vld [tilespmem:s0+$0x43A0]  }
0x420: {  	v55 =	vmul.f32 v55, v26;
	v48 =	vmul.f32 v48, v40;
	v40 =	vld [tilespmem:$0x1F490]  }
0x421: {  	v53 =	vmul.f32 v56, v53;
	v26 =	vmul.f32 v1, v0;
	v0 =	vld [tilespmem:$0x1F480]  }
0x422: {  	v56 =	vmul.f32 v45, v62;
	v45 =	vmul.f32 v12, v15;
	v12 =	vld [tilespmem:s0+$0xC340]  }
0x423: {  	v3 =	vld [tilespmem:s0+$0xC390]  }
0x424: {  	v23 =	vmul.f32 v23, v25;
	v25 =	vld [tilespmem:s0+$0x4330]  }
0x425: {  	v47 =	vld [tilespmem:$0x1F4B0]  }
0x426: {  	v32 =	vmul.f32 v40, v0;
	v0 =	vld [tilespmem:$0x1F4A0]  }
0x427: {  	v38 =	vadd.f32 v43, v16;
	v16 =	vld [tilespmem:s0+$0xC430]  }
0x428: {  	v43 =	vld [tilespmem:s0+$0xC450]  }
0x429: {  	v2 =	vld [tilespmem:s0+$0x4390]  }
0x42a: {  	v40 =	vld [tilespmem:$0x1F4C0]  }
0x42b: {  	v35 =	vmul.f32 v47, v0;
	v47 =	vld [tilespmem:$0x1F4D0]  }
0x42c: {  	v4 =	vmul.f32 v4, v6;
	v6 =	vld [tilespmem:s0+$0x43C0]  }
0x42d: {  	v21 =	vmul.f32 v20, v21;
	v20 =	vld [tilespmem:s0+$0xC3B0]  }
0x42e: {  	v13 =	vmul.f32 v13, v17;
	v17 =	vld [tilespmem:s0+$0x43B0]  }
0x42f: {  	[tilespmem:$0x1F5B0] =	vst v38;
	v38 =	vld [tilespmem:s0+$0x4440]  }
0x430: {  	v62 =	vmul.f32 v41, v44;
	v41 =	vld [tilespmem:s0+$0x4320];
	v40 =	vmul.f32 v47, v40  }
0x431: {  	v47 =	vld [tilespmem:$0x1F4F0]  }
0x432: {  	[tilespmem:$0x1F6B0] =	vst v40;
	v40 =	vld [tilespmem:$0x1F4E0]  }
0x433: {  	v33 =	vmul.f32 v31, v33;
	v31 =	vmul.f32 v22, v24;
	v22 =	vld [tilespmem:$0x1F520]  }
0x434: {  	v5 =	vmul.f32 v5, v7;
	v7 =	vld [tilespmem:s0+$0x43D0]  }
0x435: {  	v1 =	vld [tilespmem:s0+$0xC300]  }
0x436: {  	v0 =	vld [tilespmem:s0+$0x4300]  }
0x437: {  	v40 =	vmul.f32 v47, v40;
	v47 =	vld [tilespmem:s0+$0xC310]  }
0x438: {  	v44 =	vmul.f32 v25, v63;
	v63 =	vld [tilespmem:s0+$0xC350]  }
0x439: {  	v10 =	vmul.f32 v10, v11;
	v2 =	vmul.f32 v2, v3;
	v3 =	vld [tilespmem:s0+$0xC3C0]  }
0x43a: {  	v27 =	vmul.f32 v27, v36;
	v17 =	vmul.f32 v17, v20;
	v20 =	vld [tilespmem:s0+$0xC3E0]  }
0x43b: {  	v34 =	vmul.f32 v34, v37;
	v36 =	vmul.f32 v41, v61;
	v37 =	vld [tilespmem:$0x1F540]  }
0x43c: {  	v11 =	vadd.f32 v44, v46;
	v44 =	vld [tilespmem:s0+$0x4350];
	v0 =	vmul.f32 v0, v1;
	v1 =	vmul.f32 v59, v47  }
0x43d: {  	v8 =	vmul.f32 v8, v9;
	v41 =	vld [tilespmem:$0x1F510];
	v9 =	vadd.f32 v36, v29  }
0x43e: {  	v46 =	vadd.f32 v17, v11;
	v17 =	vld [tilespmem:s0+$0xC370];
	v1 =	vadd.f32 v1, v30  }
0x43f: {  	v5 =	vadd.f32 v5, v9;
	v61 =	vld [tilespmem:$0x1F530]  }
0x440: {  	v9 =	vmul.f32 v50, v37;
	v50 =	vld [tilespmem:s0+$0x4360];
	v0 =	vadd.f32 v0, v22;
	v1 =	vadd.f32 v2, v1  }
0x441: {  	v15 =	vld [tilespmem:$0x1F560]  }
0x442: {  	v22 =	vld [tilespmem:s0+$0x4370];
	v0 =	vadd.f32 v4, v0;
	v1 =	vadd.f32 v8, v1  }
0x443: {  	v4 =	vadd.f32 v45, v5;
	v45 =	vld [tilespmem:$0x1F570]  }
0x444: {  	v0 =	vadd.f32 v10, v0;
	v1 =	vadd.f32 v13, v1;
	v13 =	vld [tilespmem:$0x1F550]  }
0x445: {  	v10 =	vmul.f32 v44, v63;
	v63 =	vld [tilespmem:s0+$0xC470]  }
0x446: {  	v0 =	vadd.f32 v18, v0;
	v18 =	vmul.f32 v39, v43;
	v43 =	vld [tilespmem:$0x1F5D0]  }
0x447: {  	v47 =	vld [tilespmem:$0x1F500]  }
0x448: {  	v0 =	vadd.f32 v34, v0;
	v59 =	vmul.f32 v14, v16;
	v14 =	vld [tilespmem:s0+$0x4340]  }
0x449: {  	v8 =	vmul.f32 v52, v61;
	v13 =	vmul.f32 v15, v13;
	v15 =	vld [tilespmem:s0+$0xC360]  }
0x44a: {  	v0 =	vadd.f32 v53, v0;
	v53 =	vld [tilespmem:$0x1F590]  }
0x44b: {  	v36 =	vadd.f32 v59, v46;
	v46 =	vld [tilespmem:$0x1F580];
	v4 =	vadd.f32 v8, v4  }
0x44c: {  	v2 =	vld [tilespmem:s0+$0x43E0]  }
0x44d: {  	v12 =	vmul.f32 v14, v12;
	v14 =	vld [tilespmem:s0+$0x43F0];
	v4 =	vadd.f32 v27, v4  }
0x44e: {  	v0 =	vadd.f32 v28, v0;
	v5 =	vadd.f32 v9, v36;
	v9 =	vmul.f32 v50, v15;
	v50 =	vld [tilespmem:$0x1F5B0]  }
0x44f: {  	v61 =	vld [tilespmem:s0+$0xC3F0];
	v4 =	vadd.f32 v58, v4  }
0x450: {  	v36 =	vadd.f32 v54, v0;
	v0 =	vmul.f32 v22, v17;
	v17 =	vld [tilespmem:s0+$0x45F0];
	v5 =	vadd.f32 v23, v5  }
0x451: {  	v52 =	vld [tilespmem:s0+$0x44F0];
	v4 =	vadd.f32 v32, v4  }
0x452: {  	v5 =	vadd.f32 v60, v5;
	v60 =	vld [tilespmem:$0x1F620]  }
0x453: {  	v29 =	vadd.f32 v51, v4;
	v4 =	vadd.f32 v12, v50;
	v12 =	vld [tilespmem:$0x1F5E0]  }
0x454: {  	v59 =	vmul.f32 v7, v19;
	v1 =	vadd.f32 v33, v1;
	v7 =	vmul.f32 v14, v61;
	v61 =	vld [tilespmem:$0x1F630]  }
0x455: {  	v51 =	vld [tilespmem:$0x1F5C0]  }
0x456: {  	v1 =	vadd.f32 v57, v1;
	v57 =	vld [tilespmem:$0x1F610]  }
0x457: {  	v3 =	vmul.f32 v6, v3;
	v5 =	vadd.f32 v35, v5;
	v15 =	vld [tilespmem:s0+$0x4470]  }
0x458: {  	v16 =	vmul.f32 v38, v42;
	v1 =	vadd.f32 v26, v1;
	v9 =	vadd.f32 v9, v12;
	v12 =	vld [tilespmem:$0x1F5F0]  }
0x459: {  	v8 =	vmul.f32 v46, v45;
	v46 =	vadd.f32 v49, v5;
	v58 =	vld [tilespmem:s0+$0x4570];
	v3 =	vadd.f32 v3, v4  }
0x45a: {  	v30 =	vadd.f32 v55, v1;
	v55 =	vld [tilespmem:$0x1F600];
	v5 =	vadd.f32 v10, v51  }
0x45b: {  	v1 =	vld [tilespmem:s0+$0xC4F0];
	v3 =	vadd.f32 v16, v3  }
0x45c: {  	v54 =	vadd.f32 v59, v5;
	v59 =	vmul.f32 v15, v63;
	v63 =	vld [tilespmem:$0x1F650]  }
0x45d: {  	s4 =	sadd.s32 $0x8, s4;
	v2 =	vmul.f32 v2, v20;
	v25 =	vadd.f32 v13, v3;
	v3 =	vld [tilespmem:$0x1F640];
	v0 =	vadd.f32 v0, v12  }
0x45e: {  	p0 =	slt.u32 s4, $0x38;
	v12 =	vld [tilespmem:s0+$0xC570]  }
.Ltmp3:
0x45f: {  	v35 =	vld [tilespmem:$0x1F5A0];
	v5 =	vmul.f32 v57, v55;
	v2 =	vadd.f32 v2, v9;
	v0 =	vadd.f32 v7, v0;
	(pc) =	sbr.rel @p0 .LBB2_8-.Ltmp3, $4  }
0x460: {  	v14 =	vld [tilespmem:s0+$0x4670];
	v1 =	vmul.f32 v52, v1;
	v4 =	vadd.f32 v18, v54  }
0x461: {  	v26 =	vld [tilespmem:s0+$0xC5F0];
	v9 =	vmul.f32 v61, v60;
	v2 =	vadd.f32 v5, v2;
	v0 =	vadd.f32 v59, v0  }
0x462: {  	v16 =	vld [tilespmem:s0+$0xC670];
	v27 =	vadd.f32 v8, v4;
	v22 =	vmul.f32 v63, v3  }
0x463: {  	s15 =	sadd.s32 $0x1000, s15;
	v20 =	vmovc v48;
	v24 =	vadd.f32 v9, v2;
	v28 =	vmul.f32 v58, v12;
	v23 =	vadd.f32 v1, v0;
	v0 =	vld [tilespmem:s0+$0xC6F0]  }
0x464: {  	v3 =	vld [tilespmem:$0x1F660]  }
0x465: {  	v4 =	vld [tilespmem:$0x1F670];
	_ =	sdelay $0x1  }
0x466: {  	v2 =	vadd.f32 v21, v27;
	v54 =	vld [tilespmem:$0x1F6B0]  }
0x467: {  	v1 =	vadd.f32 v31, v25;
	v52 =	vld [tilespmem:s0+$0x46F0]  }
0x468: {  	v6 =	vadd.f32 v28, v23;
	v7 =	vmul.f32 v17, v26;
	v2 =	vadd.f32 v62, v2  }
0x469: {  	v5 =	vadd.f32 v22, v24;
	v1 =	vadd.f32 v56, v1;
	v3 =	vmul.f32 v4, v3  }
0x46a: {  	[tilespmem:$0x10300] =	vst v36;
	v56 =	vmul.f32 v14, v16;
	v55 =	vadd.f32 v7, v6;
	v2 =	vadd.f32 v40, v2  }
0x46b: {  	v8 =	vmul.f32 v53, v47;
	[tilespmem:$0x10310] =	vst v30;
	v1 =	vadd.f32 v54, v1;
	v3 =	vadd.f32 v3, v5  }
0x46c: {  	[tilespmem:$0x10320] =	vst v29;
	v0 =	vmul.f32 v52, v0;
	v2 =	vadd.f32 v20, v2;
	v5 =	vadd.f32 v56, v55  }
0x46d: {  	v57 =	vmul.f32 v35, v41;
	[tilespmem:$0x10330] =	vst v46;
	v1 =	vadd.f32 v43, v1;
	v3 =	vadd.f32 v8, v3  }
0x46e: {  	[tilespmem:$0x10350] =	vst v2;
	v0 =	vadd.f32 v0, v5  }
0x46f: {  	[tilespmem:$0x10340] =	vst v1;
	v3 =	vadd.f32 v57, v3  }
0x470: {  	[tilespmem:$0x10370] =	vst v0  }
0x471: {  	s0 =	simm.s32 $0x0;
	[tilespmem:$0x10360] =	vst v3  }
0x472: {  	v56 =	vld [tilespmem:s0+$0xE680]  }
0x473: {  	v62 =	vld [tilespmem:s0+$0x6680]  }
0x474: {  	v0 =	vld [tilespmem:s0+$0xE690]  }
0x475: {  	v6 =	vld [tilespmem:s0+$0x6690]  }
0x476: {  	v7 =	vld [tilespmem:s0+$0x66A0]  }
0x477: {  	v11 =	vld [tilespmem:s0+$0xE6C0]  }
0x478: {  	v43 =	vld [tilespmem:s0+$0x66C0]  }
0x479: {  	v20 =	vld [tilespmem:s0+$0xE6D0]  }
0x47a: {  	v21 =	vld [tilespmem:s0+$0x66D0]  }
0x47b: {  	v41 =	vld [tilespmem:s0+$0xE6E0]  }
0x47c: {  	v35 =	vld [tilespmem:s0+$0x66E0]  }
0x47d: {  	v12 =	vld [tilespmem:s0+$0xE600]  }
0x47e: {  	v13 =	vld [tilespmem:s0+$0x6600]  }
0x47f: {  	v18 =	vld [tilespmem:s0+$0xE610]  }
0x480: {  	v9 =	vld [tilespmem:s0+$0x6610]  }
0x481: {  	v28 =	vld [tilespmem:s0+$0xE620]  }
0x482: {  	v2 =	vld [tilespmem:s0+$0x6620]  }
0x483: {  	v1 =	vld [tilespmem:s0+$0xE630]  }
0x484: {  	v4 =	vld [tilespmem:s0+$0x6630]  }
0x485: {  	v32 =	vld [tilespmem:s0+$0xE640]  }
0x486: {  	v33 =	vld [tilespmem:s0+$0x6640]  }
0x487: {  	v34 =	vld [tilespmem:s0+$0xE650]  }
0x488: {  	v40 =	vld [tilespmem:s0+$0x6650]  }
0x489: {  	v8 =	vld [tilespmem:s0+$0xE4A0]  }
0x48a: {  	v47 =	vld [tilespmem:s0+$0xE660]  }
0x48b: {  	v53 =	vld [tilespmem:s0+$0x6660]  }
0x48c: {  	v3 =	vld [tilespmem:s0+$0xE580]  }
0x48d: {  	v37 =	vld [tilespmem:s0+$0x6580]  }
0x48e: {  	[tilespmem:$0x1F2C0] =	vst v8;
	v8 =	vld [tilespmem:s0+$0x64A0]  }
0x48f: {  	v38 =	vld [tilespmem:s0+$0xE590]  }
0x490: {  	v30 =	vld [tilespmem:s0+$0x6590]  }
0x491: {  	v31 =	vld [tilespmem:s0+$0xE5A0]  }
0x492: {  	v36 =	vld [tilespmem:s0+$0x65A0]  }
0x493: {  	[tilespmem:$0x1F2D0] =	vst v8;
	v8 =	vld [tilespmem:s0+$0xE4B0]  }
0x494: {  	v42 =	vld [tilespmem:s0+$0xE5B0]  }
0x495: {  	v29 =	vld [tilespmem:s0+$0x65B0]  }
0x496: {  	v44 =	vld [tilespmem:s0+$0xE5C0]  }
0x497: {  	v45 =	vld [tilespmem:s0+$0x65C0]  }
0x498: {  	[tilespmem:$0x1F2E0] =	vst v8;
	v8 =	vld [tilespmem:s0+$0x64B0]  }
0x499: {  	v46 =	vld [tilespmem:s0+$0xE5D0]  }
0x49a: {  	v39 =	vld [tilespmem:s0+$0x65D0]  }
0x49b: {  	v58 =	vld [tilespmem:s0+$0xE5E0]  }
0x49c: {  	v59 =	vld [tilespmem:s0+$0x65E0]  }
0x49d: {  	[tilespmem:$0x1F2F0] =	vst v8;
	v8 =	vld [tilespmem:s0+$0xE4C0]  }
0x49e: {  	v48 =	vld [tilespmem:s0+$0xE500]  }
0x49f: {  	v49 =	vld [tilespmem:s0+$0x6500]  }
0x4a0: {  	v50 =	vld [tilespmem:s0+$0xE510]  }
0x4a1: {  	v51 =	vld [tilespmem:s0+$0x6510]  }
0x4a2: {  	[tilespmem:$0x1F300] =	vst v8;
	v8 =	vld [tilespmem:s0+$0x64C0]  }
0x4a3: {  	v52 =	vld [tilespmem:s0+$0xE520]  }
0x4a4: {  	v5 =	vld [tilespmem:s0+$0x6520]  }
0x4a5: {  	v54 =	vld [tilespmem:s0+$0xE530]  }
0x4a6: {  	v55 =	vld [tilespmem:s0+$0x6530]  }
0x4a7: {  	[tilespmem:$0x1F310] =	vst v8;
	v8 =	vld [tilespmem:s0+$0xE4D0]  }
0x4a8: {  	v15 =	vld [tilespmem:s0+$0xE540]  }
0x4a9: {  	v57 =	vld [tilespmem:s0+$0x6540]  }
0x4aa: {  	v60 =	vld [tilespmem:s0+$0xE560]  }
0x4ab: {  	v61 =	vld [tilespmem:s0+$0x6560]  }
0x4ac: {  	[tilespmem:$0x1F320] =	vst v8;
	v8 =	vld [tilespmem:s0+$0x64D0]  }
0x4ad: {  	v19 =	vld [tilespmem:s0+$0xE490]  }
0x4ae: {  	v63 =	vld [tilespmem:s0+$0x6490]  }
0x4af: {  	v23 =	vld [tilespmem:s0+$0xE400]  }
0x4b0: {  	v22 =	vld [tilespmem:s0+$0x6400]  }
0x4b1: {  	[tilespmem:$0x1F330] =	vst v8;
	v8 =	vld [tilespmem:s0+$0xE4E0]  }
0x4b2: {  	v17 =	vld [tilespmem:s0+$0xE410]  }
0x4b3: {  	v16 =	vld [tilespmem:s0+$0x6410]  }
0x4b4: {  	v25 =	vld [tilespmem:s0+$0xE420]  }
0x4b5: {  	v24 =	vld [tilespmem:s0+$0x6420]  }
0x4b6: {  	[tilespmem:$0x1F400] =	vst v8;
	v8 =	vld [tilespmem:s0+$0x64E0]  }
0x4b7: {  	v27 =	vld [tilespmem:s0+$0xE430]  }
0x4b8: {  	v26 =	vld [tilespmem:s0+$0x6430]  }
0x4b9: {  	v14 =	vld [tilespmem:s0+$0xE380]  }
0x4ba: {  	v10 =	vld [tilespmem:s0+$0x6380]  }
0x4bb: {  	[tilespmem:$0x1F410] =	vst v8;
	v8 =	vld [tilespmem:s0+$0xE440]  }
0x4bc: {  	[tilespmem:$0x1F280] =	vst v0;
	v0 =	vld [tilespmem:s0+$0xE6A0]  }
0x4bd: {  	[tilespmem:$0x1F260] =	vst v58;
	v58 =	vld [tilespmem:s0+$0xE550]  }
0x4be: {  	[tilespmem:$0x1F270] =	vst v59;
	v59 =	vld [tilespmem:s0+$0x6550]  }
0x4bf: {  	[tilespmem:$0x1F420] =	vst v60;
	v60 =	vld [tilespmem:s0+$0xE480]  }
0x4c0: {  	[tilespmem:$0x1F340] =	vst v8;
	v8 =	vld [tilespmem:s0+$0x6440]  }
0x4c1: {  	[tilespmem:$0x1F430] =	vst v61;
	v61 =	vld [tilespmem:s0+$0x6480]  }
0x4c2: {  	v43 =	vmul.f32 v43, v11;
	v11 =	vld [tilespmem:s0+$0xE3A0]  }
0x4c3: {  	v28 =	vmul.f32 v2, v28;
	v2 =	vmul.f32 v4, v1;
	v1 =	vld [tilespmem:s0+$0xE300]  }
0x4c4: {  	v40 =	vmul.f32 v40, v34;
	v34 =	vld [tilespmem:s0+$0xE310]  }
0x4c5: {  	[tilespmem:$0x1F350] =	vst v8;
	v8 =	vld [tilespmem:s0+$0xE450]  }
0x4c6: {  	v33 =	vmul.f32 v33, v32;
	v32 =	vmul.f32 v37, v3;
	v37 =	vld [tilespmem:s0+$0x6310]  }
0x4c7: {  	v9 =	vmul.f32 v9, v18;
	v18 =	vld [tilespmem:s0+$0x6320]  }
0x4c8: {  	v3 =	vmul.f32 v36, v31;
	v36 =	vld [tilespmem:s0+$0xE330]  }
0x4c9: {  	v4 =	vmul.f32 v29, v42;
	v42 =	vmul.f32 v5, v52;
	v52 =	vld [tilespmem:s0+$0xE3B0]  }
0x4ca: {  	[tilespmem:$0x1F360] =	vst v8;
	v8 =	vld [tilespmem:s0+$0x6450]  }
0x4cb: {  	[tilespmem:$0x1F290] =	vst v0;
	v0 =	vld [tilespmem:s0+$0xE6B0]  }
0x4cc: {  	v62 =	vmul.f32 v62, v56;
	v56 =	vld [tilespmem:$0x1F280]  }
0x4cd: {  	v16 =	vmul.f32 v16, v17;
	v17 =	vld [tilespmem:s0+$0x63B0]  }
0x4ce: {  	[tilespmem:$0x1F3A0] =	vst v62;
	v62 =	vld [tilespmem:$0x1F290]  }
0x4cf: {  	[tilespmem:$0x1F370] =	vst v8;
	v8 =	vld [tilespmem:s0+$0xE460]  }
0x4d0: {  	[tilespmem:$0x1F2A0] =	vst v0;
	v0 =	vld [tilespmem:s0+$0x66B0]  }
0x4d1: {  	v6 =	vmul.f32 v6, v56;
	v56 =	vld [tilespmem:$0x1F2A0]  }
0x4d2: {  	v31 =	vmul.f32 v57, v15;
	v15 =	vld [tilespmem:s0+$0xE3E0];
	[tilespmem:$0x1F390] =	vst v9  }
0x4d3: {  	v9 =	vld [tilespmem:s0+$0x63A0];
	[tilespmem:$0x1F2B0] =	vst v33  }
0x4d4: {  	v20 =	vmul.f32 v21, v20;
	[tilespmem:$0x1F3E0] =	vst v8;
	v8 =	vld [tilespmem:s0+$0x6460]  }
0x4d5: {  	v33 =	vmul.f32 v30, v38;
	v38 =	vld [tilespmem:s0+$0xE320];
	[tilespmem:$0x1F3B0] =	vst v6;
	v6 =	vmul.f32 v7, v62  }
0x4d6: {  	v21 =	vmul.f32 v59, v58;
	v58 =	vld [tilespmem:s0+$0xE3D0];
	v0 =	vmul.f32 v0, v56  }
0x4d7: {  	[tilespmem:$0x1F3C0] =	vst v6;
	v6 =	vld [tilespmem:s0+$0x6300]  }
0x4d8: {  	v19 =	vmul.f32 v63, v19;
	v22 =	vmul.f32 v22, v23;
	[tilespmem:$0x1F3D0] =	vst v0;
	v0 =	vld [tilespmem:s0+$0x6390]  }
0x4d9: {  	v10 =	vmul.f32 v10, v14;
	v23 =	vmul.f32 v37, v34;
	[tilespmem:$0x1F3F0] =	vst v8;
	v8 =	vld [tilespmem:s0+$0xE390]  }
0x4da: {  	v17 =	vmul.f32 v17, v52;
	v52 =	vld [tilespmem:s0+$0xE370];
	v62 =	vmul.f32 v13, v12  }
0x4db: {  	v63 =	vld [tilespmem:$0x1F2D0];
	v7 =	vmul.f32 v55, v54;
	v55 =	vmul.f32 v18, v38  }
0x4dc: {  	v37 =	vimm.f32 $0.0e+00;
	v9 =	vmul.f32 v9, v11;
	v54 =	vld [tilespmem:s0+$0xE3C0];
	v14 =	vmul.f32 v6, v1  }
0x4dd: {  	[tilespmem:$0x1F380] =	vst v62;
	v62 =	vmul.f32 v39, v46;
	v46 =	vmul.f32 v61, v60;
	v5 =	vadd.f32 v55, v37;
	v61 =	vld [tilespmem:$0x1F2C0]  }
0x4de: {  	v39 =	vld [tilespmem:s0+$0x6330];
	v59 =	vadd.f32 v14, v37;
	v14 =	vadd.f32 v23, v37;
	v0 =	vmul.f32 v0, v8  }
0x4df: {  	v13 =	vmul.f32 v51, v50;
	v50 =	vld [tilespmem:s0+$0x6360]  }
0x4e0: {  	v60 =	vmul.f32 v24, v25;
	v25 =	vld [tilespmem:s0+$0xE340];
	v9 =	vadd.f32 v9, v5;
	v0 =	vadd.f32 v0, v14  }
0x4e1: {  	v24 =	vmul.f32 v26, v27;
	v26 =	vld [tilespmem:s0+$0x6350]  }
0x4e2: {  	v55 =	vld [tilespmem:s0+$0x6370];
	v9 =	vadd.f32 v60, v9;
	v0 =	vadd.f32 v16, v0;
	v16 =	vmul.f32 v63, v61  }
0x4e3: {  	v57 =	vmul.f32 v39, v36;
	v36 =	vld [tilespmem:$0x1F2E0];
	v10 =	vadd.f32 v10, v59  }
0x4e4: {  	v39 =	vld [tilespmem:$0x1F2F0];
	v9 =	vadd.f32 v16, v9  }
0x4e5: {  	v60 =	vld [tilespmem:s0+$0x64F0];
	v34 =	vadd.f32 v57, v37;
	v10 =	vadd.f32 v22, v10  }
0x4e6: {  	v1 =	vld [tilespmem:s0+$0x63C0];
	v9 =	vadd.f32 v42, v9  }
0x4e7: {  	v12 =	vmul.f32 v49, v48;
	v23 =	vld [tilespmem:s0+$0x63D0];
	v17 =	vadd.f32 v17, v34;
	v10 =	vadd.f32 v46, v10  }
0x4e8: {  	v56 =	vmul.f32 v45, v44;
	v9 =	vadd.f32 v3, v9;
	v3 =	vld [tilespmem:$0x1F380]  }
0x4e9: {  	v44 =	vld [tilespmem:$0x1F300];
	v34 =	vadd.f32 v24, v17;
	v17 =	vmul.f32 v39, v36;
	v10 =	vadd.f32 v12, v10  }
0x4ea: {  	v22 =	vld [tilespmem:s0+$0x6340]  }
0x4eb: {  	v59 =	vld [tilespmem:s0+$0xE4F0];
	v1 =	vmul.f32 v1, v54;
	v11 =	vadd.f32 v17, v34;
	v54 =	vadd.f32 v32, v10  }
0x4ec: {  	v24 =	vld [tilespmem:s0+$0xE350];
	v0 =	vadd.f32 v19, v0  }
0x4ed: {  	v11 =	vadd.f32 v7, v11;
	v8 =	vadd.f32 v3, v54;
	v3 =	vld [tilespmem:$0x1F390]  }
0x4ee: {  	v23 =	vmul.f32 v23, v58;
	v58 =	vld [tilespmem:s0+$0xE3F0];
	v0 =	vadd.f32 v13, v0  }
0x4ef: {  	v22 =	vmul.f32 v22, v25;
	v25 =	vld [tilespmem:s0+$0x63F0];
	v57 =	vadd.f32 v4, v11  }
0x4f0: {  	v46 =	vld [tilespmem:$0x1F320];
	v0 =	vadd.f32 v33, v0  }
0x4f1: {  	v24 =	vmul.f32 v26, v24;
	v26 =	vadd.f32 v2, v57;
	v2 =	vld [tilespmem:$0x1F3A0]  }
0x4f2: {  	v0 =	vadd.f32 v3, v0;
	v3 =	vld [tilespmem:$0x1F3C0]  }
0x4f3: {  	v48 =	vld [tilespmem:$0x1F330]  }
0x4f4: {  	v49 =	vld [tilespmem:$0x1F340]  }
0x4f5: {  	v17 =	vld [tilespmem:$0x1F350];
	v9 =	vadd.f32 v28, v9  }
0x4f6: {  	v51 =	vld [tilespmem:$0x1F360]  }
0x4f7: {  	v22 =	vadd.f32 v22, v37;
	v29 =	vadd.f32 v3, v9;
	v3 =	vld [tilespmem:$0x1F3D0]  }
0x4f8: {  	v12 =	vld [tilespmem:$0x1F370]  }
0x4f9: {  	v22 =	vadd.f32 v1, v22;
	v1 =	vld [tilespmem:$0x1F3E0]  }
0x4fa: {  	v16 =	vld [tilespmem:s0+$0xE360]  }
0x4fb: {  	v36 =	vadd.f32 v2, v8;
	v2 =	vld [tilespmem:$0x1F3B0]  }
0x4fc: {  	v5 =	vmul.f32 v48, v46;
	v46 =	vadd.f32 v3, v26;
	v3 =	vld [tilespmem:$0x1F3F0]  }
0x4fd: {  	v14 =	vld [tilespmem:s0+$0x63E0]  }
0x4fe: {  	v61 =	vld [tilespmem:$0x1F410]  }
0x4ff: {  	v24 =	vadd.f32 v24, v37;
	v28 =	vld [tilespmem:s0+$0xE470]  }
0x500: {  	v30 =	vadd.f32 v2, v0;
	v0 =	vld [tilespmem:s0+$0x6470]  }
0x501: {  	v23 =	vadd.f32 v23, v24;
	v16 =	vmul.f32 v50, v16;
	v24 =	vmul.f32 v3, v1;
	v3 =	vld [tilespmem:$0x1F400]  }
0x502: {  	v45 =	vld [tilespmem:$0x1F310];
	v2 =	vmul.f32 v55, v52  }
0x503: {  	v63 =	vld [tilespmem:$0x1F430];
	v14 =	vmul.f32 v14, v15;
	v16 =	vadd.f32 v16, v37  }
0x504: {  	v25 =	vmul.f32 v25, v58;
	v26 =	vadd.f32 v2, v37;
	v2 =	vld [tilespmem:s0+$0xE570]  }
0x505: {  	v17 =	vmul.f32 v17, v49;
	v6 =	vmul.f32 v12, v51;
	v14 =	vadd.f32 v14, v16;
	v1 =	vld [tilespmem:s0+$0x6570]  }
0x506: {  	v0 =	vmul.f32 v0, v28;
	v16 =	vadd.f32 v25, v26;
	v28 =	vmul.f32 v61, v3;
	v3 =	vld [tilespmem:$0x1F420]  }
0x507: {  	v27 =	vmul.f32 v45, v44;
	v22 =	vadd.f32 v17, v22;
	v17 =	vld [tilespmem:s0+$0x65F0]  }
0x508: {  	v32 =	vmul.f32 v60, v59;
	v23 =	vadd.f32 v6, v23;
	v26 =	vld [tilespmem:s0+$0xE5F0];
	v0 =	vadd.f32 v0, v16  }
0x509: {  	v25 =	vadd.f32 v27, v22;
	v16 =	vld [tilespmem:s0+$0xE670];
	v24 =	vadd.f32 v24, v14  }
0x50a: {  	v27 =	vadd.f32 v5, v23;
	v23 =	vadd.f32 v32, v0;
	v0 =	vld [tilespmem:s0+$0xE6F0]  }
0x50b: {  	s4 =	simm.s32 $0x0;
	s15 =	simm.s32 $0x1000;
	v14 =	vld [tilespmem:s0+$0x6670];
	v24 =	vadd.f32 v28, v24;
	v28 =	vmul.f32 v1, v2;
	v22 =	vmul.f32 v63, v3  }
.LBB2_10:
0x50c: {  	v1 =	vld [tilespmem:$0x1F260]  }
0x50d: {  	v2 =	vld [tilespmem:$0x1F270];
	_ =	sdelay $0x3  }
0x50e: {  	v5 =	vld [tilespmem:s0+$0x66F0];
	v22 =	vadd.f32 v22, v24  }
0x50f: {  	v23 =	vadd.f32 v28, v23;
	v17 =	vmul.f32 v17, v26;
	v4 =	vmul.f32 v2, v1  }
0x510: {  	v14 =	vmul.f32 v14, v16  }
0x511: {  	v2 =	vmul.f32 v53, v47;
	v37 =	vadd.f32 v17, v23;
	v3 =	vadd.f32 v4, v22;
	_ =	sdelay $0x1  }
0x512: {  	v0 =	vmul.f32 v5, v0;
	v2 =	vadd.f32 v2, v3;
	v3 =	vadd.f32 v14, v37;
	_ =	sdelay $0x1  }
0x513: {  	v0 =	vadd.f32 v0, v3  }
0x514: {  	s0 =	sshra.s32 s15, $0x2  }
0x515: {  	[tilespmem:$0x1F1F0] =	vst v0;
	v0 =	vld [tilespmem:s0+$0xE6E0];
	_ =	sdelay $0x4  }
0x516: {  	[tilespmem:$0x1F110] =	vst v0;
	v0 =	vld [tilespmem:s0+$0x66E0];
	_ =	sdelay $0x4  }
0x517: {  	[tilespmem:$0x1F1A0] =	vst v0;
	v0 =	vld [tilespmem:s0+$0xE600];
	_ =	sdelay $0x4  }
0x518: {  	[tilespmem:$0x1F040] =	vst v0;
	v0 =	vld [tilespmem:s0+$0x6600];
	_ =	sdelay $0x4  }
0x519: {  	[tilespmem:$0x1F050] =	vst v0;
	v0 =	vld [tilespmem:s0+$0xE610];
	_ =	sdelay $0x4  }
0x51a: {  	[tilespmem:$0x1F060] =	vst v0;
	v0 =	vld [tilespmem:s0+$0x6610];
	_ =	sdelay $0x4  }
0x51b: {  	[tilespmem:$0x1F070] =	vst v0;
	v0 =	vld [tilespmem:s0+$0xE620];
	_ =	sdelay $0x4  }
0x51c: {  	[tilespmem:$0x1F080] =	vst v0;
	v0 =	vld [tilespmem:s0+$0x6620];
	_ =	sdelay $0x4  }
0x51d: {  	[tilespmem:$0x1F090] =	vst v0;
	v0 =	vld [tilespmem:s0+$0xE630];
	_ =	sdelay $0x4  }
0x51e: {  	[tilespmem:$0x1F0A0] =	vst v0;
	v0 =	vld [tilespmem:s0+$0x6630];
	_ =	sdelay $0x4  }
0x51f: {  	[tilespmem:$0x1F0B0] =	vst v0;
	v0 =	vld [tilespmem:s0+$0xE640];
	_ =	sdelay $0x4  }
0x520: {  	[tilespmem:$0x1F0C0] =	vst v0;
	v0 =	vld [tilespmem:s0+$0x6640];
	_ =	sdelay $0x4  }
0x521: {  	[tilespmem:$0x1F0D0] =	vst v0;
	v0 =	vld [tilespmem:s0+$0xE650];
	_ =	sdelay $0x4  }
0x522: {  	[tilespmem:$0x1F0E0] =	vst v0;
	v0 =	vld [tilespmem:s0+$0x6650];
	_ =	sdelay $0x4  }
0x523: {  	[tilespmem:$0x1F0F0] =	vst v0;
	v0 =	vld [tilespmem:s0+$0xE660];
	_ =	sdelay $0x4  }
0x524: {  	[tilespmem:$0x1F100] =	vst v0;
	v0 =	vld [tilespmem:s0+$0x6660];
	_ =	sdelay $0x4  }
0x525: {  	[tilespmem:$0x1F190] =	vst v0;
	v0 =	vld [tilespmem:s0+$0xE5E0];
	_ =	sdelay $0x4  }
0x526: {  	[tilespmem:$0x1F260] =	vst v0;
	v0 =	vld [tilespmem:s0+$0x65E0]  }
0x527: {  	v7 =	vld [tilespmem:s0+$0xE680]  }
0x528: {  	v54 =	vld [tilespmem:s0+$0x6680]  }
0x529: {  	v55 =	vld [tilespmem:s0+$0x6690]  }
0x52a: {  	v28 =	vld [tilespmem:s0+$0xE6A0]  }
0x52b: {  	[tilespmem:$0x1F270] =	vst v0;
	v0 =	vld [tilespmem:s0+$0xE560]  }
0x52c: {  	v51 =	vld [tilespmem:s0+$0x66A0]  }
0x52d: {  	v32 =	vld [tilespmem:s0+$0x66B0]  }
0x52e: {  	v48 =	vld [tilespmem:s0+$0x66D0]  }
0x52f: {  	v57 =	vld [tilespmem:s0+$0xE590]  }
0x530: {  	[tilespmem:$0x1F240] =	vst v0;
	v0 =	vld [tilespmem:s0+$0x6560]  }
0x531: {  	v59 =	vld [tilespmem:s0+$0x6590]  }
0x532: {  	v58 =	vld [tilespmem:s0+$0xE5A0]  }
0x533: {  	v60 =	vld [tilespmem:s0+$0x65A0]  }
0x534: {  	v61 =	vld [tilespmem:s0+$0xE5B0]  }
0x535: {  	[tilespmem:$0x1F250] =	vst v0;
	v0 =	vld [tilespmem:s0+$0xE4A0]  }
0x536: {  	v63 =	vld [tilespmem:s0+$0x65B0]  }
0x537: {  	v45 =	vld [tilespmem:s0+$0x65C0]  }
0x538: {  	v44 =	vld [tilespmem:s0+$0xE5D0]  }
0x539: {  	v34 =	vld [tilespmem:s0+$0x6500]  }
0x53a: {  	[tilespmem:$0x1F130] =	vst v0;
	v0 =	vld [tilespmem:s0+$0xE4B0]  }
0x53b: {  	v33 =	vld [tilespmem:s0+$0xE510]  }
0x53c: {  	v25 =	vadd.f32 v31, v25;
	v31 =	vld [tilespmem:s0+$0x6510]  }
0x53d: {  	[tilespmem:$0x1F120] =	vst v36;
	v36 =	vld [tilespmem:s0+$0xE520]  }
0x53e: {  	v27 =	vadd.f32 v21, v27;
	v21 =	vld [tilespmem:s0+$0xE550]  }
0x53f: {  	[tilespmem:$0x1F140] =	vst v0;
	v0 =	vld [tilespmem:s0+$0xE4C0]  }
0x540: {  	v19 =	vld [tilespmem:s0+$0xE480]  }
0x541: {  	v18 =	vld [tilespmem:s0+$0x6480]  }
0x542: {  	v13 =	vld [tilespmem:s0+$0x6490]  }
0x543: {  	v52 =	vld [tilespmem:s0+$0x64A0]  }
0x544: {  	[tilespmem:$0x1F150] =	vst v0;
	v0 =	vld [tilespmem:s0+$0x64C0]  }
0x545: {  	v50 =	vld [tilespmem:s0+$0x64B0]  }
0x546: {  	v11 =	vld [tilespmem:s0+$0xE400]  }
0x547: {  	v10 =	vld [tilespmem:s0+$0x6400]  }
0x548: {  	v9 =	vld [tilespmem:s0+$0xE410]  }
0x549: {  	[tilespmem:$0x1F160] =	vst v0;
	v0 =	vld [tilespmem:s0+$0xE4D0]  }
0x54a: {  	v8 =	vld [tilespmem:s0+$0x6410]  }
0x54b: {  	v15 =	vld [tilespmem:s0+$0xE420]  }
0x54c: {  	v12 =	vld [tilespmem:s0+$0x6420]  }
0x54d: {  	v42 =	vld [tilespmem:s0+$0xE440]  }
0x54e: {  	[tilespmem:$0x1F170] =	vst v0;
	v0 =	vld [tilespmem:s0+$0x64D0]  }
0x54f: {  	v6 =	vld [tilespmem:s0+$0xE380]  }
0x550: {  	v24 =	vadd.f32 v56, v25;
	v56 =	vld [tilespmem:s0+$0x6580]  }
0x551: {  	v25 =	vadd.f32 v62, v27;
	v62 =	vld [tilespmem:s0+$0xE5C0]  }
0x552: {  	v27 =	vld [tilespmem:s0+$0x6520]  }
0x553: {  	[tilespmem:$0x1F180] =	vst v0;
	v0 =	vld [tilespmem:s0+$0xE4E0]  }
0x554: {  	v26 =	vld [tilespmem:s0+$0xE690]  }
0x555: {  	v1 =	vld [tilespmem:$0x1F2B0]  }
0x556: {  	v5 =	vld [tilespmem:s0+$0xE6B0]  }
0x557: {  	v53 =	vld [tilespmem:s0+$0xE580]  }
0x558: {  	[tilespmem:$0x1F220] =	vst v0;
	v0 =	vld [tilespmem:s0+$0x64E0]  }
0x559: {  	v17 =	vadd.f32 v40, v25;
	v40 =	vld [tilespmem:s0+$0xE6D0]  }
0x55a: {  	v25 =	vld [tilespmem:s0+$0xE530]  }
0x55b: {  	v23 =	vld [tilespmem:s0+$0x6530]  }
0x55c: {  	v54 =	vmul.f32 v54, v7;
	v7 =	vld [tilespmem:s0+$0xE3A0]  }
0x55d: {  	v16 =	vadd.f32 v1, v24;
	v1 =	vmul.f32 v35, v41;
	[tilespmem:$0x1F230] =	vst v0;
	v0 =	vld [tilespmem:s0+$0xE460]  }
0x55e: {  	v57 =	vmul.f32 v59, v57;
	v59 =	vld [tilespmem:s0+$0x6310]  }
0x55f: {  	v58 =	vmul.f32 v60, v58;
	v60 =	vmul.f32 v63, v61;
	v61 =	vld [tilespmem:s0+$0xE320];
	v1 =	vadd.f32 v1, v2  }
0x560: {  	v35 =	vld [tilespmem:s0+$0x66C0]  }
0x561: {  	[tilespmem:$0x1F1E0] =	vst v1;
	v1 =	vld [tilespmem:s0+$0xE6C0]  }
0x562: {  	[tilespmem:$0x1F200] =	vst v0;
	v0 =	vld [tilespmem:s0+$0x6460]  }
0x563: {  	v63 =	vld [tilespmem:s0+$0xE330]  }
0x564: {  	v18 =	vmul.f32 v18, v19;
	v19 =	vld [tilespmem:s0+$0xE3D0]  }
0x565: {  	v22 =	vld [tilespmem:s0+$0x6540]  }
0x566: {  	v4 =	vld [tilespmem:s0+$0x6380]  }
0x567: {  	v39 =	vadd.f32 v20, v17;
	v20 =	vld [tilespmem:s0+$0x6550];
	[tilespmem:$0x1F210] =	vst v0;
	v0 =	vmul.f32 v35, v1  }
0x568: {  	v1 =	vld [tilespmem:$0x1F050]  }
0x569: {  	[tilespmem:$0x1F1D0] =	vst v0;
	v0 =	vld [tilespmem:$0x1F040]  }
0x56a: {  	v17 =	vld [tilespmem:s0+$0xE490]  }
0x56b: {  	v37 =	vld [tilespmem:s0+$0xE500]  }
0x56c: {  	v14 =	vld [tilespmem:s0+$0x6430]  }
0x56d: {  	v41 =	vld [tilespmem:s0+$0x65D0]  }
0x56e: {  	v51 =	vmul.f32 v51, v28;
	v28 =	vmul.f32 v1, v0;
	v0 =	vld [tilespmem:$0x1F060]  }
0x56f: {  	v1 =	vld [tilespmem:$0x1F070]  }
0x570: {  	v24 =	vld [tilespmem:s0+$0xE540]  }
0x571: {  	[tilespmem:$0x1F1C0] =	vst v39;
	v39 =	vld [tilespmem:s0+$0x6450]  }
0x572: {  	v49 =	vmul.f32 v32, v5;
	v5 =	vld [tilespmem:s0+$0x63A0]  }
0x573: {  	v55 =	vmul.f32 v55, v26;
	v48 =	vmul.f32 v48, v40;
	v40 =	vld [tilespmem:$0x1F090]  }
0x574: {  	v53 =	vmul.f32 v56, v53;
	v26 =	vmul.f32 v1, v0;
	v0 =	vld [tilespmem:$0x1F080]  }
0x575: {  	v56 =	vmul.f32 v45, v62;
	v45 =	vmul.f32 v12, v15;
	v12 =	vld [tilespmem:s0+$0xE340]  }
0x576: {  	v3 =	vld [tilespmem:s0+$0xE390]  }
0x577: {  	v23 =	vmul.f32 v23, v25;
	v25 =	vld [tilespmem:s0+$0x6330]  }
0x578: {  	v47 =	vld [tilespmem:$0x1F0B0]  }
0x579: {  	v32 =	vmul.f32 v40, v0;
	v0 =	vld [tilespmem:$0x1F0A0]  }
0x57a: {  	v38 =	vadd.f32 v43, v16;
	v16 =	vld [tilespmem:s0+$0xE430]  }
0x57b: {  	v43 =	vld [tilespmem:s0+$0xE450]  }
0x57c: {  	v2 =	vld [tilespmem:s0+$0x6390]  }
0x57d: {  	v40 =	vld [tilespmem:$0x1F0C0]  }
0x57e: {  	v35 =	vmul.f32 v47, v0;
	v47 =	vld [tilespmem:$0x1F0D0]  }
0x57f: {  	v4 =	vmul.f32 v4, v6;
	v6 =	vld [tilespmem:s0+$0x63C0]  }
0x580: {  	v21 =	vmul.f32 v20, v21;
	v20 =	vld [tilespmem:s0+$0xE3B0]  }
0x581: {  	v13 =	vmul.f32 v13, v17;
	v17 =	vld [tilespmem:s0+$0x63B0]  }
0x582: {  	[tilespmem:$0x1F1B0] =	vst v38;
	v38 =	vld [tilespmem:s0+$0x6440]  }
0x583: {  	v62 =	vmul.f32 v41, v44;
	v41 =	vld [tilespmem:s0+$0x6320];
	v40 =	vmul.f32 v47, v40  }
0x584: {  	v47 =	vld [tilespmem:$0x1F0F0]  }
0x585: {  	[tilespmem:$0x1F2B0] =	vst v40;
	v40 =	vld [tilespmem:$0x1F0E0]  }
0x586: {  	v33 =	vmul.f32 v31, v33;
	v31 =	vmul.f32 v22, v24;
	v22 =	vld [tilespmem:$0x1F120]  }
0x587: {  	v5 =	vmul.f32 v5, v7;
	v7 =	vld [tilespmem:s0+$0x63D0]  }
0x588: {  	v1 =	vld [tilespmem:s0+$0xE300]  }
0x589: {  	v0 =	vld [tilespmem:s0+$0x6300]  }
0x58a: {  	v40 =	vmul.f32 v47, v40;
	v47 =	vld [tilespmem:s0+$0xE310]  }
0x58b: {  	v44 =	vmul.f32 v25, v63;
	v63 =	vld [tilespmem:s0+$0xE350]  }
0x58c: {  	v10 =	vmul.f32 v10, v11;
	v2 =	vmul.f32 v2, v3;
	v3 =	vld [tilespmem:s0+$0xE3C0]  }
0x58d: {  	v27 =	vmul.f32 v27, v36;
	v17 =	vmul.f32 v17, v20;
	v20 =	vld [tilespmem:s0+$0xE3E0]  }
0x58e: {  	v34 =	vmul.f32 v34, v37;
	v36 =	vmul.f32 v41, v61;
	v37 =	vld [tilespmem:$0x1F140]  }
0x58f: {  	v11 =	vadd.f32 v44, v46;
	v44 =	vld [tilespmem:s0+$0x6350];
	v0 =	vmul.f32 v0, v1;
	v1 =	vmul.f32 v59, v47  }
0x590: {  	v8 =	vmul.f32 v8, v9;
	v41 =	vld [tilespmem:$0x1F110];
	v9 =	vadd.f32 v36, v29  }
0x591: {  	v46 =	vadd.f32 v17, v11;
	v17 =	vld [tilespmem:s0+$0xE370];
	v1 =	vadd.f32 v1, v30  }
0x592: {  	v5 =	vadd.f32 v5, v9;
	v61 =	vld [tilespmem:$0x1F130]  }
0x593: {  	v9 =	vmul.f32 v50, v37;
	v50 =	vld [tilespmem:s0+$0x6360];
	v0 =	vadd.f32 v0, v22;
	v1 =	vadd.f32 v2, v1  }
0x594: {  	v15 =	vld [tilespmem:$0x1F160]  }
0x595: {  	v22 =	vld [tilespmem:s0+$0x6370];
	v0 =	vadd.f32 v4, v0;
	v1 =	vadd.f32 v8, v1  }
0x596: {  	v4 =	vadd.f32 v45, v5;
	v45 =	vld [tilespmem:$0x1F170]  }
0x597: {  	v0 =	vadd.f32 v10, v0;
	v1 =	vadd.f32 v13, v1;
	v13 =	vld [tilespmem:$0x1F150]  }
0x598: {  	v10 =	vmul.f32 v44, v63;
	v63 =	vld [tilespmem:s0+$0xE470]  }
0x599: {  	v0 =	vadd.f32 v18, v0;
	v18 =	vmul.f32 v39, v43;
	v43 =	vld [tilespmem:$0x1F1D0]  }
0x59a: {  	v47 =	vld [tilespmem:$0x1F100]  }
0x59b: {  	v0 =	vadd.f32 v34, v0;
	v59 =	vmul.f32 v14, v16;
	v14 =	vld [tilespmem:s0+$0x6340]  }
0x59c: {  	v8 =	vmul.f32 v52, v61;
	v13 =	vmul.f32 v15, v13;
	v15 =	vld [tilespmem:s0+$0xE360]  }
0x59d: {  	v0 =	vadd.f32 v53, v0;
	v53 =	vld [tilespmem:$0x1F190]  }
0x59e: {  	v36 =	vadd.f32 v59, v46;
	v46 =	vld [tilespmem:$0x1F180];
	v4 =	vadd.f32 v8, v4  }
0x59f: {  	v2 =	vld [tilespmem:s0+$0x63E0]  }
0x5a0: {  	v12 =	vmul.f32 v14, v12;
	v14 =	vld [tilespmem:s0+$0x63F0];
	v4 =	vadd.f32 v27, v4  }
0x5a1: {  	v0 =	vadd.f32 v28, v0;
	v5 =	vadd.f32 v9, v36;
	v9 =	vmul.f32 v50, v15;
	v50 =	vld [tilespmem:$0x1F1B0]  }
0x5a2: {  	v61 =	vld [tilespmem:s0+$0xE3F0];
	v4 =	vadd.f32 v58, v4  }
0x5a3: {  	v36 =	vadd.f32 v54, v0;
	v0 =	vmul.f32 v22, v17;
	v17 =	vld [tilespmem:s0+$0x65F0];
	v5 =	vadd.f32 v23, v5  }
0x5a4: {  	v52 =	vld [tilespmem:s0+$0x64F0];
	v4 =	vadd.f32 v32, v4  }
0x5a5: {  	v5 =	vadd.f32 v60, v5;
	v60 =	vld [tilespmem:$0x1F220]  }
0x5a6: {  	v29 =	vadd.f32 v51, v4;
	v4 =	vadd.f32 v12, v50;
	v12 =	vld [tilespmem:$0x1F1E0]  }
0x5a7: {  	v59 =	vmul.f32 v7, v19;
	v1 =	vadd.f32 v33, v1;
	v7 =	vmul.f32 v14, v61;
	v61 =	vld [tilespmem:$0x1F230]  }
0x5a8: {  	v51 =	vld [tilespmem:$0x1F1C0]  }
0x5a9: {  	v1 =	vadd.f32 v57, v1;
	v57 =	vld [tilespmem:$0x1F210]  }
0x5aa: {  	v3 =	vmul.f32 v6, v3;
	v5 =	vadd.f32 v35, v5;
	v15 =	vld [tilespmem:s0+$0x6470]  }
0x5ab: {  	v16 =	vmul.f32 v38, v42;
	v1 =	vadd.f32 v26, v1;
	v9 =	vadd.f32 v9, v12;
	v12 =	vld [tilespmem:$0x1F1F0]  }
0x5ac: {  	v8 =	vmul.f32 v46, v45;
	v46 =	vadd.f32 v49, v5;
	v58 =	vld [tilespmem:s0+$0x6570];
	v3 =	vadd.f32 v3, v4  }
0x5ad: {  	v30 =	vadd.f32 v55, v1;
	v55 =	vld [tilespmem:$0x1F200];
	v5 =	vadd.f32 v10, v51  }
0x5ae: {  	v1 =	vld [tilespmem:s0+$0xE4F0];
	v3 =	vadd.f32 v16, v3  }
0x5af: {  	v54 =	vadd.f32 v59, v5;
	v59 =	vmul.f32 v15, v63;
	v63 =	vld [tilespmem:$0x1F250]  }
0x5b0: {  	s4 =	sadd.s32 $0x8, s4;
	v2 =	vmul.f32 v2, v20;
	v25 =	vadd.f32 v13, v3;
	v3 =	vld [tilespmem:$0x1F240];
	v0 =	vadd.f32 v0, v12  }
0x5b1: {  	p0 =	slt.u32 s4, $0x38;
	v12 =	vld [tilespmem:s0+$0xE570]  }
.Ltmp4:
0x5b2: {  	v35 =	vld [tilespmem:$0x1F1A0];
	v5 =	vmul.f32 v57, v55;
	v2 =	vadd.f32 v2, v9;
	v0 =	vadd.f32 v7, v0;
	(pc) =	sbr.rel @p0 .LBB2_10-.Ltmp4, $4  }
0x5b3: {  	v14 =	vld [tilespmem:s0+$0x6670];
	v1 =	vmul.f32 v52, v1;
	v4 =	vadd.f32 v18, v54  }
0x5b4: {  	v26 =	vld [tilespmem:s0+$0xE5F0];
	v9 =	vmul.f32 v61, v60;
	v2 =	vadd.f32 v5, v2;
	v0 =	vadd.f32 v59, v0  }
0x5b5: {  	v16 =	vld [tilespmem:s0+$0xE670];
	v27 =	vadd.f32 v8, v4;
	v22 =	vmul.f32 v63, v3  }
0x5b6: {  	s15 =	sadd.s32 $0x1000, s15;
	v20 =	vmovc v48;
	v24 =	vadd.f32 v9, v2;
	v28 =	vmul.f32 v58, v12;
	v23 =	vadd.f32 v1, v0;
	v0 =	vld [tilespmem:s0+$0xE6F0]  }
0x5b7: {  	v3 =	vld [tilespmem:$0x1F260]  }
0x5b8: {  	v4 =	vld [tilespmem:$0x1F270];
	_ =	sdelay $0x1  }
0x5b9: {  	v2 =	vadd.f32 v21, v27;
	v60 =	vld [tilespmem:$0x1F2B0]  }
0x5ba: {  	v1 =	vadd.f32 v31, v25;
	v59 =	vld [tilespmem:s0+$0x66F0]  }
0x5bb: {  	v6 =	vadd.f32 v28, v23;
	v7 =	vmul.f32 v17, v26;
	v2 =	vadd.f32 v62, v2  }
0x5bc: {  	v5 =	vadd.f32 v22, v24;
	v1 =	vadd.f32 v56, v1;
	v3 =	vmul.f32 v4, v3  }
0x5bd: {  	[tilespmem:$0x10380] =	vst v36;
	v62 =	vmul.f32 v14, v16;
	v61 =	vadd.f32 v7, v6;
	v2 =	vadd.f32 v40, v2  }
0x5be: {  	v8 =	vmul.f32 v53, v47;
	[tilespmem:$0x10390] =	vst v30;
	v1 =	vadd.f32 v60, v1;
	v3 =	vadd.f32 v3, v5  }
0x5bf: {  	[tilespmem:$0x103A0] =	vst v29;
	v0 =	vmul.f32 v59, v0;
	v2 =	vadd.f32 v20, v2;
	v5 =	vadd.f32 v62, v61  }
0x5c0: {  	v63 =	vmul.f32 v35, v41;
	[tilespmem:$0x103B0] =	vst v46;
	v1 =	vadd.f32 v43, v1;
	v3 =	vadd.f32 v8, v3  }
0x5c1: {  	[tilespmem:$0x103D0] =	vst v2;
	v0 =	vadd.f32 v0, v5  }
0x5c2: {  	[tilespmem:$0x103C0] =	vst v1;
	v3 =	vadd.f32 v63, v3  }
0x5c3: {  	[tilespmem:$0x103F0] =	vst v0  }
0x5c4: {  	[tilespmem:$0x103E0] =	vst v3  }
0x5c5: {  	[hbm4b:s13+s6] =	stream.linear.scatter [tilespmem:s23], [sflag:$0x3], $0x100, $0x38;
	[tilespmem:$0x10400] =	vst v63  }
0x5c6: {  	_ =	swait.ge [sflag:s24], $0x100  }
0x5c7: {  	[sflag:s24] =	ssyncset.done $0x0  }
0x5c8: {  	s25 =	sadd.s32 $0x1, s25;
	[sflag:s24] =	ssyncadd.s32 $0xFFFFFF00  }
0x5c9: {  	p0 =	sne.s32 s25, s14;
	_ =	swait.ge [sflag:s16], $0x80  }
.Ltmp5:
0x5ca: {  	[sflag:s16] =	ssyncset.done $0x0;
	(pc) =	sbr.rel @p0 .LBB2_1-.Ltmp5, $4  }
0x5cb: {  	[sflag:s16] =	ssyncadd.s32 $0xFFFFFF80  }
0x5cc: {  	_ =	swait.ge [sflag:s16], $0x80  }
0x5cd: {  	[sflag:s16] =	ssyncset.done $0x0  }
0x5ce: {  	[sflag:s16] =	ssyncadd.s32 $0xFFFFFF80  }
0x5cf: {  	_ =	sfence.sel $0x180000  }
0x5d0: {  	[bflag:$0x0] =	sbarrier.arrive $0xFFFF  }
0x5d1: {  	_ =	strace $0x90000047  }
0x5d2: {  	s0 =	stileid.u32;
	[bflag:$0x2] =	sbarrier.arrive $0xFFFF  }
0x5d3: {  	p0 =	sne.s32 s0, $0x0;
	s0 =	rddreg [dreg:$0x5]  }
0x5d4: {  	s0 =	sadd.s32 @!p0 $0x100000, s0  }
0x5d5: {  	[sflag:s0] =	ssyncadd.tile.s32 @!p0 $0x1;
	_ =	shalt  }
.Lfunc_end2:
_tile_overlayer_lowered:
.L_overlay_start_2:
0x5d6: {  	(tag) =	ssettag $0x2  }
0x5d7: {  	s0 =	rddreg [dreg:$0x0];
	s2 =	stileid.u32  }
0x5d8: {  	s1 =	rddreg [dreg:$0x1];
	p0 =	sne.s32 s2, $0x0  }
0x5d9: {  	s3 =	rddreg [dreg:$0x2];
	[bflag:$0x3] =	sbarrier.arrive $0xFFFF;
	s2 =	simm.s32 @!p0 $0x1C03  }
0x5da: {  	[timem:s3], [sflag:s2] =	dma.local @!p0 [hbm:s0], s1  }
0x5db: {  	s0 =	simm.s32 @!p0 $0x3  }
0x5dc: {  	_ =	swait.ge @!p0 [sflag:s0], s1  }
0x5dd: {  	s1 =	ssub.s32 @!p0 $0x0, s1;
	[sflag:s0] =	ssyncset.done @!p0 $0x0  }
0x5de: {  	[sflag:s0] =	ssyncadd.s32 @!p0 s1  }
0x5df: {  	[bflag:$0x3] =	sbarrier.arrive $0xFFFF  }
0x5e0: {  	_ =	shalt  }

</sc_bundles>
